<compile_context>
chip_gen: v7x
topology: tpu7x:2x2x1
jax: 0.10.2.dev20260603
libtpu: 0.0.44.dev20260713+nightly
codegen_flags: <defaults>
</compile_context>

<pallas_src>
import functools

import jax
import jax.numpy as jnp
from jax import lax
from jax.experimental import pallas as pl
from jax.experimental.pallas import tpu as pltpu
from jax.experimental.pallas import tpu_sc as plsc

N = 10000
E = 320000
D = 128
BN_EPS = 1e-5

NC = 2
NS = 16
NW = NC * NS

CHUNK = 128
NCHUNK = E // CHUNK
TPT = (NCHUNK + NW - 1) // NW
RPT = 624
RPT_LAST = N - 15 * RPT


def _seg_sum_body(h_hbm, src_hbm, dst_hbm, zeros_hbm, out_hbm,
                  sA0, dA0, sB0, dB0, rows0,
                  sA1, dA1, sB1, dB1, rows1,
                  sA2, dA2, sB2, dB2, rows2,
                  acc, sg0, sg1, sg2, sx0, sx1, sx2):
    cid = lax.axis_index("c")
    sid = lax.axis_index("s")
    wid = cid * NS + sid
    rows = [rows0, rows1, rows2]
    sg = [sg0, sg1, sg2]
    sx = [sx0, sx1, sx2]
    pairA = [(sA0, dA0), (sA1, dA1), (sA2, dA2)]
    pairB = [(sB0, dB0), (sB1, dB1), (sB2, dB2)]

    for pair, g0 in ((pairA, 0), (pairB, 1)):
        for b in range(3):
            si, di = pair[b]
            c = (3 * g0 + b) * NW + wid
            off = pl.multiple_of(c * CHUNK, CHUNK)
            pltpu.async_copy(src_hbm.at[pl.ds(off, CHUNK)], si, sx[b])
            pltpu.async_copy(dst_hbm.at[pl.ds(off, CHUNK)], di, sx[b])

    base = sid * RPT

    @pl.when(sid < NS - 1)
    def _():
        pltpu.sync_copy(zeros_hbm.at[pl.ds(base, RPT)],
                        acc.at[pl.ds(base, RPT)])

    @pl.when(sid == NS - 1)
    def _():
        pltpu.sync_copy(zeros_hbm.at[pl.ds(base, RPT_LAST)],
                        acc.at[pl.ds(base, RPT_LAST)])

    for b in range(3):
        si, di = pairA[b]
        pltpu.make_async_copy(src_hbm.at[pl.ds(0, CHUNK)], si, sx[b]).wait()
        pltpu.make_async_copy(src_hbm.at[pl.ds(0, CHUNK)], di, sx[b]).wait()
        pltpu.async_copy(h_hbm.at[si], rows[b], sg[b])

    plsc.subcore_barrier()

    def half(g, cur, nxt):
        for b in range(3):
            si, di = cur[b]
            sn, dn = nxt[b]
            c = (3 * g + b) * NW + wid
            c1 = (3 * (g + 1) + b) * NW + wid
            c2 = (3 * (g + 2) + b) * NW + wid

            @pl.when(c < NCHUNK)
            def _(si=si, di=di, b=b, c=c):
                pltpu.make_async_copy(h_hbm.at[si], rows[b], sg[b]).wait()
                pltpu.sync_copy(rows[b], acc.at[di], add=True)

            @pl.when(c2 < NCHUNK)
            def _(si=si, di=di, b=b, c2=c2):
                off = pl.multiple_of(c2 * CHUNK, CHUNK)
                pltpu.async_copy(src_hbm.at[pl.ds(off, CHUNK)], si, sx[b])
                pltpu.async_copy(dst_hbm.at[pl.ds(off, CHUNK)], di, sx[b])

            @pl.when(c1 < NCHUNK)
            def _(sn=sn, dn=dn, b=b):
                pltpu.make_async_copy(src_hbm.at[pl.ds(0, CHUNK)], sn,
                                      sx[b]).wait()
                pltpu.make_async_copy(src_hbm.at[pl.ds(0, CHUNK)], dn,
                                      sx[b]).wait()
                pltpu.async_copy(h_hbm.at[sn], rows[b], sg[b])

    def step(gg, carry):
        half(2 * gg, pairA, pairB)
        half(2 * gg + 1, pairB, pairA)
        return carry

    lax.fori_loop(0, 14, step, 0)
    plsc.subcore_barrier()

    @pl.when(sid < NS - 1)
    def _():
        pltpu.sync_copy(acc.at[pl.ds(base, RPT)],
                        out_hbm.at[pl.ds(cid * N + base, RPT)])

    @pl.when(sid == NS - 1)
    def _():
        pltpu.sync_copy(acc.at[pl.ds(base, RPT_LAST)],
                        out_hbm.at[pl.ds(cid * N + base, RPT_LAST)])


_seg_sum = pl.kernel(
    _seg_sum_body,
    out_type=jax.ShapeDtypeStruct((NC * N, D), jnp.float32),
    mesh=plsc.VectorSubcoreMesh(core_axis_name="c", subcore_axis_name="s"),
    scratch_types=(
        ([pltpu.VMEM((CHUNK,), jnp.int32)] * 4
         + [pltpu.VMEM((CHUNK, D), jnp.float32)]) * 3
        + [pltpu.VMEM_SHARED((N, D), jnp.float32)]
        + [pltpu.SemaphoreType.DMA] * 6
    ),
)


def _bn(a, g, b):
    m = jnp.mean(a, axis=0)
    v = jnp.mean(a * a, axis=0) - m * m
    return (a - m) * lax.rsqrt(v + BN_EPS) * g + b


def _dense_body(h_ref, part_ref, w1_ref, b1_ref, gi_ref, bi_ref,
                w2_ref, b2_ref, go_ref, bo_ref, o_ref, *, relu_out):
    s = h_ref[...] + part_ref[:N] + part_ref[N:]
    a = jnp.dot(s, w1_ref[...], preferred_element_type=jnp.float32)
    a = a + b1_ref[...]
    a = jnp.maximum(_bn(a, gi_ref[...], bi_ref[...]), 0.0)
    o = jnp.dot(a, w2_ref[...], preferred_element_type=jnp.float32)
    o = o + b2_ref[...]
    o = _bn(o, go_ref[...], bo_ref[...])
    if relu_out:
        o = jnp.maximum(o, 0.0)
    o_ref[...] = o


def _dense(h, part, w1, b1, gi, bi, w2, b2, go, bo, relu_out):
    return pl.pallas_call(
        functools.partial(_dense_body, relu_out=relu_out),
        out_shape=jax.ShapeDtypeStruct((N, D), jnp.float32),
    )(h, part, w1, b1, gi, bi, w2, b2, go, bo)


def kernel(x, edge_index, batch,
           w1_0, b1_0, gi_0, bi_0, w2_0, b2_0, go_0, bo_0,
           w1_1, b1_1, gi_1, bi_1, w2_1, b2_1, go_1, bo_1,
           w1_2, b1_2, gi_2, bi_2, w2_2, b2_2, go_2, bo_2):
    src = edge_index[0]
    dst = edge_index[1]
    zeros = jnp.zeros((N, D), jnp.float32)

    params = [
        (w1_0, b1_0, gi_0, bi_0, w2_0, b2_0, go_0, bo_0),
        (w1_1, b1_1, gi_1, bi_1, w2_1, b2_1, go_1, bo_1),
        (w1_2, b1_2, gi_2, bi_2, w2_2, b2_2, go_2, bo_2),
    ]

    h = x
    for l in range(3):
        part = _seg_sum(h, src, dst, zeros)
        h = _dense(h, part, *params[l], relu_out=(l < 2))
    return h

# --- scband reference (transcript-rebuilt; emitter-appended) ---
"""Pipeline reference for scband-ginencoder-9251359555640 (READ-ONLY COPY).

The authoritative reference and input builder live on the scoring server;
editing this copy changes nothing except your own understanding.
"""

import jax, jax.numpy as jnp
import numpy as np

N = 10000
E = 320000
IN_DIM = 128
EMB = 128
NUM_LAYER = 3
BN_EPS = 1e-5


def _bn(x, g, b):
    m = jnp.mean(x, axis=0)
    v = jnp.var(x, axis=0)
    return (x - m) * jax.lax.rsqrt(v + BN_EPS) * g + b


def _gin_conv(x, src, dst, w1, b1, gi, bi, w2, b2):
    # GINConv (eps=0): MLP(x + sum_{j in N(i)} x_j)
    agg = jax.ops.segment_sum(jnp.take(x, src, axis=0), dst, num_segments=N)
    h = x + agg
    h = h @ w1 + b1
    h = _bn(h, gi, bi)
    h = jax.nn.relu(h)
    return h @ w2 + b2


def setup_inputs(seed: int = 0) -> dict:
    key = jax.random.key(seed)
    inp = {}
    inp["x"] = jax.random.normal(jax.random.fold_in(key, 0), (N, IN_DIM), dtype=jnp.float32)
    inp["edge_index"] = jax.random.randint(jax.random.fold_in(key, 1), (2, E), 0, N, dtype=jnp.int32)
    inp["batch"] = jnp.zeros((N,), dtype=jnp.int32)
    k = 10
    for l in range(NUM_LAYER):
        d_in = IN_DIM if l == 0 else EMB
        s1 = 1.0 / np.sqrt(d_in)
        s2 = 1.0 / np.sqrt(2 * EMB)
        inp["w1_%d" % l] = jax.random.uniform(jax.random.fold_in(key, k), (d_in, 2 * EMB), jnp.float32, -s1, s1); k += 1
        inp["b1_%d" % l] = jax.random.uniform(jax.random.fold_in(key, k), (2 * EMB,), jnp.float32, -s1, s1); k += 1
        inp["gi_%d" % l] = jnp.ones((2 * EMB,), jnp.float32)
        inp["bi_%d" % l] = jnp.zeros((2 * EMB,), jnp.float32)
        inp["w2_%d" % l] = jax.random.uniform(jax.random.fold_in(key, k), (2 * EMB, EMB), jnp.float32, -s2, s2); k += 1
        inp["b2_%d" % l] = jax.random.uniform(jax.random.fold_in(key, k), (EMB,), jnp.float32, -s2, s2); k += 1
        inp["go_%d" % l] = jnp.ones((EMB,), jnp.float32)
        inp["bo_%d" % l] = jnp.zeros((EMB,), jnp.float32)
    return inp


def reference(x, edge_index, batch,
              w1_0, b1_0, gi_0, bi_0, w2_0, b2_0, go_0, bo_0,
              w1_1, b1_1, gi_1, bi_1, w2_1, b2_1, go_1, bo_1,
              w1_2, b1_2, gi_2, bi_2, w2_2, b2_2, go_2, bo_2):
    src = edge_index[0]
    dst = edge_index[1]
    # conv1 -> bn1 -> relu -> dropout(eval=identity)
    h = _gin_conv(x, src, dst, w1_0, b1_0, gi_0, bi_0, w2_0, b2_0)
    h = jax.nn.relu(_bn(h, go_0, bo_0))
    # convs[0]: bn -> relu (i != last) -> dropout
    h = _gin_conv(h, src, dst, w1_1, b1_1, gi_1, bi_1, w2_1, b2_1)
    h = jax.nn.relu(_bn(h, go_1, bo_1))
    # convs[1]: bn only (i == last), no relu -> dropout
    h = _gin_conv(h, src, dst, w1_2, b1_2, gi_2, bi_2, w2_2, b2_2)
    h = _bn(h, go_2, bo_2)
    return h

if __name__ == "__main__":
    import jax
    _d = setup_inputs()
    print(jax.jit(kernel)(*tuple(_d.values())))

</pallas_src>

<mosaic_0001>
#map = affine_map<(d0, d1) -> (0, 0)>
#map1 = affine_map<(d0, d1) -> (0)>
module attributes {stable_mosaic.version = 14 : i64} {
  func.func @_seg_sum_body(%arg0: i32, %arg1: i32, %arg2: memref<10000x128xf32, #tpu.memory_space<hbm>>, %arg3: memref<320000xi32, #tpu.memory_space<hbm>>, %arg4: memref<320000xi32, #tpu.memory_space<hbm>>, %arg5: memref<10000x128xf32, #tpu.memory_space<hbm>>, %arg6: memref<20000x128xf32, #tpu.memory_space<hbm>>, %arg7: memref<128xi32, #tpu.memory_space<vmem>>, %arg8: memref<128xi32, #tpu.memory_space<vmem>>, %arg9: memref<128xi32, #tpu.memory_space<vmem>>, %arg10: memref<128xi32, #tpu.memory_space<vmem>>, %arg11: memref<128x128xf32, #tpu.memory_space<vmem>>, %arg12: memref<128xi32, #tpu.memory_space<vmem>>, %arg13: memref<128xi32, #tpu.memory_space<vmem>>, %arg14: memref<128xi32, #tpu.memory_space<vmem>>, %arg15: memref<128xi32, #tpu.memory_space<vmem>>, %arg16: memref<128x128xf32, #tpu.memory_space<vmem>>, %arg17: memref<128xi32, #tpu.memory_space<vmem>>, %arg18: memref<128xi32, #tpu.memory_space<vmem>>, %arg19: memref<128xi32, #tpu.memory_space<vmem>>, %arg20: memref<128xi32, #tpu.memory_space<vmem>>, %arg21: memref<128x128xf32, #tpu.memory_space<vmem>>, %arg22: memref<10000x128xf32, #tpu.memory_space<vmem_shared>>, %arg23: memref<!tpu.dma_semaphore, #tpu.memory_space<semaphore_mem>>, %arg24: memref<!tpu.dma_semaphore, #tpu.memory_space<semaphore_mem>>, %arg25: memref<!tpu.dma_semaphore, #tpu.memory_space<semaphore_mem>>, %arg26: memref<!tpu.dma_semaphore, #tpu.memory_space<semaphore_mem>>, %arg27: memref<!tpu.dma_semaphore, #tpu.memory_space<semaphore_mem>>, %arg28: memref<!tpu.dma_semaphore, #tpu.memory_space<semaphore_mem>>) attributes {dimension_semantics = [#tpu.dimension_semantics<core_parallel>, #tpu.dimension_semantics<subcore_parallel>], iteration_bounds = array<i64: 2, 16>, scalar_prefetch = 0 : i64, scratch_operands = 22 : i64, tpu.core_type = #tpu.core_type<sc_vector_subcore>, window_params = [{transform_indices = #map}, {transform_indices = #map1}, {transform_indices = #map1}, {transform_indices = #map}, {transform_indices = #map}]} {
    %mul3A = arith.constant 16 : i32
    %mul3A_0 = arith.muli %arg0, %mul3A : i32
    %add3A = arith.addi %mul3A_0, %arg1 : i32
    %add3A_1 = arith.constant 0 : i32
    %add3A_2 = arith.addi %add3A_1, %add3A : i32
    %mul3A_3 = arith.constant 128 : i32
    %mul3A_4 = arith.muli %add3A_2, %mul3A_3 : i32
    %multiple_of3A = tpu.assume_multiple %mul3A_4, 128 : i32
    %dma_start3A = tpu.memref_slice %arg3[%multiple_of3A] : memref<320000xi32, #tpu.memory_space<hbm>> -> memref<128xi32, #tpu.memory_space<hbm>>
    %dma_start3A_5 = tpu.memref_slice %arg3[%multiple_of3A] : memref<320000xi32, #tpu.memory_space<hbm>> -> memref<128xi32, #tpu.memory_space<hbm>>
    tpu.enqueue_dma source(%dma_start3A_5 : memref<128xi32, #tpu.memory_space<hbm>>) target(%arg7 : memref<128xi32, #tpu.memory_space<vmem>>) target_semaphore(%arg26 : memref<!tpu.dma_semaphore, #tpu.memory_space<semaphore_mem>>)
    %dma_start3A_6 = tpu.memref_slice %arg4[%multiple_of3A] : memref<320000xi32, #tpu.memory_space<hbm>> -> memref<128xi32, #tpu.memory_space<hbm>>
    %dma_start3A_7 = tpu.memref_slice %arg4[%multiple_of3A] : memref<320000xi32, #tpu.memory_space<hbm>> -> memref<128xi32, #tpu.memory_space<hbm>>
    tpu.enqueue_dma source(%dma_start3A_7 : memref<128xi32, #tpu.memory_space<hbm>>) target(%arg8 : memref<128xi32, #tpu.memory_space<vmem>>) target_semaphore(%arg26 : memref<!tpu.dma_semaphore, #tpu.memory_space<semaphore_mem>>)
    %add3A_8 = arith.constant 32 : i32
    %add3A_9 = arith.addi %add3A_8, %add3A : i32
    %mul3A_10 = arith.constant 128 : i32
    %mul3A_11 = arith.muli %add3A_9, %mul3A_10 : i32
    %multiple_of3A_12 = tpu.assume_multiple %mul3A_11, 128 : i32
    %dma_start3A_13 = tpu.memref_slice %arg3[%multiple_of3A_12] : memref<320000xi32, #tpu.memory_space<hbm>> -> memref<128xi32, #tpu.memory_space<hbm>>
    %dma_start3A_14 = tpu.memref_slice %arg3[%multiple_of3A_12] : memref<320000xi32, #tpu.memory_space<hbm>> -> memref<128xi32, #tpu.memory_space<hbm>>
    tpu.enqueue_dma source(%dma_start3A_14 : memref<128xi32, #tpu.memory_space<hbm>>) target(%arg12 : memref<128xi32, #tpu.memory_space<vmem>>) target_semaphore(%arg27 : memref<!tpu.dma_semaphore, #tpu.memory_space<semaphore_mem>>)
    %dma_start3A_15 = tpu.memref_slice %arg4[%multiple_of3A_12] : memref<320000xi32, #tpu.memory_space<hbm>> -> memref<128xi32, #tpu.memory_space<hbm>>
    %dma_start3A_16 = tpu.memref_slice %arg4[%multiple_of3A_12] : memref<320000xi32, #tpu.memory_space<hbm>> -> memref<128xi32, #tpu.memory_space<hbm>>
    tpu.enqueue_dma source(%dma_start3A_16 : memref<128xi32, #tpu.memory_space<hbm>>) target(%arg13 : memref<128xi32, #tpu.memory_space<vmem>>) target_semaphore(%arg27 : memref<!tpu.dma_semaphore, #tpu.memory_space<semaphore_mem>>)
    %add3A_17 = arith.constant 64 : i32
    %add3A_18 = arith.addi %add3A_17, %add3A : i32
    %mul3A_19 = arith.constant 128 : i32
    %mul3A_20 = arith.muli %add3A_18, %mul3A_19 : i32
    %multiple_of3A_21 = tpu.assume_multiple %mul3A_20, 128 : i32
    %dma_start3A_22 = tpu.memref_slice %arg3[%multiple_of3A_21] : memref<320000xi32, #tpu.memory_space<hbm>> -> memref<128xi32, #tpu.memory_space<hbm>>
    %dma_start3A_23 = tpu.memref_slice %arg3[%multiple_of3A_21] : memref<320000xi32, #tpu.memory_space<hbm>> -> memref<128xi32, #tpu.memory_space<hbm>>
    tpu.enqueue_dma source(%dma_start3A_23 : memref<128xi32, #tpu.memory_space<hbm>>) target(%arg17 : memref<128xi32, #tpu.memory_space<vmem>>) target_semaphore(%arg28 : memref<!tpu.dma_semaphore, #tpu.memory_space<semaphore_mem>>)
    %dma_start3A_24 = tpu.memref_slice %arg4[%multiple_of3A_21] : memref<320000xi32, #tpu.memory_space<hbm>> -> memref<128xi32, #tpu.memory_space<hbm>>
    %dma_start3A_25 = tpu.memref_slice %arg4[%multiple_of3A_21] : memref<320000xi32, #tpu.memory_space<hbm>> -> memref<128xi32, #tpu.memory_space<hbm>>
    tpu.enqueue_dma source(%dma_start3A_25 : memref<128xi32, #tpu.memory_space<hbm>>) target(%arg18 : memref<128xi32, #tpu.memory_space<vmem>>) target_semaphore(%arg28 : memref<!tpu.dma_semaphore, #tpu.memory_space<semaphore_mem>>)
    %add3A_26 = arith.constant 96 : i32
    %add3A_27 = arith.addi %add3A_26, %add3A : i32
    %mul3A_28 = arith.constant 128 : i32
    %mul3A_29 = arith.muli %add3A_27, %mul3A_28 : i32
    %multiple_of3A_30 = tpu.assume_multiple %mul3A_29, 128 : i32
    %dma_start3A_31 = tpu.memref_slice %arg3[%multiple_of3A_30] : memref<320000xi32, #tpu.memory_space<hbm>> -> memref<128xi32, #tpu.memory_space<hbm>>
    %dma_start3A_32 = tpu.memref_slice %arg3[%multiple_of3A_30] : memref<320000xi32, #tpu.memory_space<hbm>> -> memref<128xi32, #tpu.memory_space<hbm>>
    tpu.enqueue_dma source(%dma_start3A_32 : memref<128xi32, #tpu.memory_space<hbm>>) target(%arg9 : memref<128xi32, #tpu.memory_space<vmem>>) target_semaphore(%arg26 : memref<!tpu.dma_semaphore, #tpu.memory_space<semaphore_mem>>)
    %dma_start3A_33 = tpu.memref_slice %arg4[%multiple_of3A_30] : memref<320000xi32, #tpu.memory_space<hbm>> -> memref<128xi32, #tpu.memory_space<hbm>>
    %dma_start3A_34 = tpu.memref_slice %arg4[%multiple_of3A_30] : memref<320000xi32, #tpu.memory_space<hbm>> -> memref<128xi32, #tpu.memory_space<hbm>>
    tpu.enqueue_dma source(%dma_start3A_34 : memref<128xi32, #tpu.memory_space<hbm>>) target(%arg10 : memref<128xi32, #tpu.memory_space<vmem>>) target_semaphore(%arg26 : memref<!tpu.dma_semaphore, #tpu.memory_space<semaphore_mem>>)
    %add3A_35 = arith.constant 128 : i32
    %add3A_36 = arith.addi %add3A_35, %add3A : i32
    %mul3A_37 = arith.constant 128 : i32
    %mul3A_38 = arith.muli %add3A_36, %mul3A_37 : i32
    %multiple_of3A_39 = tpu.assume_multiple %mul3A_38, 128 : i32
    %dma_start3A_40 = tpu.memref_slice %arg3[%multiple_of3A_39] : memref<320000xi32, #tpu.memory_space<hbm>> -> memref<128xi32, #tpu.memory_space<hbm>>
    %dma_start3A_41 = tpu.memref_slice %arg3[%multiple_of3A_39] : memref<320000xi32, #tpu.memory_space<hbm>> -> memref<128xi32, #tpu.memory_space<hbm>>
    tpu.enqueue_dma source(%dma_start3A_41 : memref<128xi32, #tpu.memory_space<hbm>>) target(%arg14 : memref<128xi32, #tpu.memory_space<vmem>>) target_semaphore(%arg27 : memref<!tpu.dma_semaphore, #tpu.memory_space<semaphore_mem>>)
    %dma_start3A_42 = tpu.memref_slice %arg4[%multiple_of3A_39] : memref<320000xi32, #tpu.memory_space<hbm>> -> memref<128xi32, #tpu.memory_space<hbm>>
    %dma_start3A_43 = tpu.memref_slice %arg4[%multiple_of3A_39] : memref<320000xi32, #tpu.memory_space<hbm>> -> memref<128xi32, #tpu.memory_space<hbm>>
    tpu.enqueue_dma source(%dma_start3A_43 : memref<128xi32, #tpu.memory_space<hbm>>) target(%arg15 : memref<128xi32, #tpu.memory_space<vmem>>) target_semaphore(%arg27 : memref<!tpu.dma_semaphore, #tpu.memory_space<semaphore_mem>>)
    %add3A_44 = arith.constant 160 : i32
    %add3A_45 = arith.addi %add3A_44, %add3A : i32
    %mul3A_46 = arith.constant 128 : i32
    %mul3A_47 = arith.muli %add3A_45, %mul3A_46 : i32
    %multiple_of3A_48 = tpu.assume_multiple %mul3A_47, 128 : i32
    %dma_start3A_49 = tpu.memref_slice %arg3[%multiple_of3A_48] : memref<320000xi32, #tpu.memory_space<hbm>> -> memref<128xi32, #tpu.memory_space<hbm>>
    %dma_start3A_50 = tpu.memref_slice %arg3[%multiple_of3A_48] : memref<320000xi32, #tpu.memory_space<hbm>> -> memref<128xi32, #tpu.memory_space<hbm>>
    tpu.enqueue_dma source(%dma_start3A_50 : memref<128xi32, #tpu.memory_space<hbm>>) target(%arg19 : memref<128xi32, #tpu.memory_space<vmem>>) target_semaphore(%arg28 : memref<!tpu.dma_semaphore, #tpu.memory_space<semaphore_mem>>)
    %dma_start3A_51 = tpu.memref_slice %arg4[%multiple_of3A_48] : memref<320000xi32, #tpu.memory_space<hbm>> -> memref<128xi32, #tpu.memory_space<hbm>>
    %dma_start3A_52 = tpu.memref_slice %arg4[%multiple_of3A_48] : memref<320000xi32, #tpu.memory_space<hbm>> -> memref<128xi32, #tpu.memory_space<hbm>>
    tpu.enqueue_dma source(%dma_start3A_52 : memref<128xi32, #tpu.memory_space<hbm>>) target(%arg20 : memref<128xi32, #tpu.memory_space<vmem>>) target_semaphore(%arg28 : memref<!tpu.dma_semaphore, #tpu.memory_space<semaphore_mem>>)
    %mul3A_53 = arith.constant 624 : i32
    %mul3A_54 = arith.muli %arg1, %mul3A_53 : i32
    %lt3A = arith.constant 15 : i32
    %lt3A_55 = arith.cmpi slt, %arg1, %lt3A : i32
    %convert_element_type3A = arith.extui %lt3A_55 : i1 to i32
    %cond3A = arith.constant 0 : i32
    %cond3A_56 = arith.cmpi ne, %convert_element_type3A, %cond3A : i32
    scf.if %cond3A_56 {
      "tpu.region"() ({
        %run_scoped3A = tpu.sem_alloc : memref<!tpu.dma_semaphore, #tpu.memory_space<semaphore_mem>>
        %dma_start3A_109 = arith.constant 0 : i32
        %dma_start3A_110 = tpu.memref_slice %arg22[%mul3A_54, %dma_start3A_109] : memref<10000x128xf32, #tpu.memory_space<vmem_shared>> -> memref<624x128xf32, #tpu.memory_space<vmem_shared>>
        %dma_start3A_111 = arith.constant 0 : i32
        %dma_start3A_112 = tpu.memref_slice %arg5[%mul3A_54, %dma_start3A_111] : memref<10000x128xf32, #tpu.memory_space<hbm>> -> memref<624x128xf32, #tpu.memory_space<hbm>>
        tpu.enqueue_dma source(%dma_start3A_112 : memref<624x128xf32, #tpu.memory_space<hbm>>) target(%dma_start3A_110 : memref<624x128xf32, #tpu.memory_space<vmem_shared>>) target_semaphore(%run_scoped3A : memref<!tpu.dma_semaphore, #tpu.memory_space<semaphore_mem>>)
        %dma_wait3A_113 = arith.constant 0 : i32
        %dma_wait3A_114 = tpu.memref_slice %arg22[%mul3A_54, %dma_wait3A_113] : memref<10000x128xf32, #tpu.memory_space<vmem_shared>> -> memref<624x128xf32, #tpu.memory_space<vmem_shared>>
        %dma_wait3A_115 = arith.constant 0 : i32
        %dma_wait3A_116 = tpu.memref_slice %arg5[%mul3A_54, %dma_wait3A_115] : memref<10000x128xf32, #tpu.memory_space<hbm>> -> memref<624x128xf32, #tpu.memory_space<hbm>>
        tpu.wait_dma2 semaphore(%run_scoped3A : memref<!tpu.dma_semaphore, #tpu.memory_space<semaphore_mem>>) src(%dma_wait3A_116 : memref<624x128xf32, #tpu.memory_space<hbm>>) dst(%dma_wait3A_114 : memref<624x128xf32, #tpu.memory_space<vmem_shared>>)
        tpu.yield
      }) : () -> ()
    } else {
    }
    %eq3A = arith.constant 15 : i32
    %eq3A_57 = arith.cmpi eq, %arg1, %eq3A : i32
    %convert_element_type3A_58 = arith.extui %eq3A_57 : i1 to i32
    %cond3A_59 = arith.constant 0 : i32
    %cond3A_60 = arith.cmpi ne, %convert_element_type3A_58, %cond3A_59 : i32
    scf.if %cond3A_60 {
      "tpu.region"() ({
        %run_scoped3A = tpu.sem_alloc : memref<!tpu.dma_semaphore, #tpu.memory_space<semaphore_mem>>
        %dma_start3A_109 = arith.constant 0 : i32
        %dma_start3A_110 = tpu.memref_slice %arg22[%mul3A_54, %dma_start3A_109] : memref<10000x128xf32, #tpu.memory_space<vmem_shared>> -> memref<640x128xf32, #tpu.memory_space<vmem_shared>>
        %dma_start3A_111 = arith.constant 0 : i32
        %dma_start3A_112 = tpu.memref_slice %arg5[%mul3A_54, %dma_start3A_111] : memref<10000x128xf32, #tpu.memory_space<hbm>> -> memref<640x128xf32, #tpu.memory_space<hbm>>
        tpu.enqueue_dma source(%dma_start3A_112 : memref<640x128xf32, #tpu.memory_space<hbm>>) target(%dma_start3A_110 : memref<640x128xf32, #tpu.memory_space<vmem_shared>>) target_semaphore(%run_scoped3A : memref<!tpu.dma_semaphore, #tpu.memory_space<semaphore_mem>>)
        %dma_wait3A_113 = arith.constant 0 : i32
        %dma_wait3A_114 = tpu.memref_slice %arg22[%mul3A_54, %dma_wait3A_113] : memref<10000x128xf32, #tpu.memory_space<vmem_shared>> -> memref<640x128xf32, #tpu.memory_space<vmem_shared>>
        %dma_wait3A_115 = arith.constant 0 : i32
        %dma_wait3A_116 = tpu.memref_slice %arg5[%mul3A_54, %dma_wait3A_115] : memref<10000x128xf32, #tpu.memory_space<hbm>> -> memref<640x128xf32, #tpu.memory_space<hbm>>
        tpu.wait_dma2 semaphore(%run_scoped3A : memref<!tpu.dma_semaphore, #tpu.memory_space<semaphore_mem>>) src(%dma_wait3A_116 : memref<640x128xf32, #tpu.memory_space<hbm>>) dst(%dma_wait3A_114 : memref<640x128xf32, #tpu.memory_space<vmem_shared>>)
        tpu.yield
      }) : () -> ()
    } else {
    }
    %dma_wait3A = arith.constant 0 : i32
    %dma_wait3A_61 = tpu.memref_slice %arg3[%dma_wait3A] : memref<320000xi32, #tpu.memory_space<hbm>> -> memref<128xi32, #tpu.memory_space<hbm>>
    %dma_wait3A_62 = arith.constant 0 : i32
    %dma_wait3A_63 = tpu.memref_slice %arg3[%dma_wait3A_62] : memref<320000xi32, #tpu.memory_space<hbm>> -> memref<128xi32, #tpu.memory_space<hbm>>
    tpu.wait_dma2 semaphore(%arg26 : memref<!tpu.dma_semaphore, #tpu.memory_space<semaphore_mem>>) src(%dma_wait3A_63 : memref<128xi32, #tpu.memory_space<hbm>>) dst(%arg7 : memref<128xi32, #tpu.memory_space<vmem>>)
    %dma_wait3A_64 = arith.constant 0 : i32
    %dma_wait3A_65 = tpu.memref_slice %arg3[%dma_wait3A_64] : memref<320000xi32, #tpu.memory_space<hbm>> -> memref<128xi32, #tpu.memory_space<hbm>>
    %dma_wait3A_66 = arith.constant 0 : i32
    %dma_wait3A_67 = tpu.memref_slice %arg3[%dma_wait3A_66] : memref<320000xi32, #tpu.memory_space<hbm>> -> memref<128xi32, #tpu.memory_space<hbm>>
    tpu.wait_dma2 semaphore(%arg26 : memref<!tpu.dma_semaphore, #tpu.memory_space<semaphore_mem>>) src(%dma_wait3A_67 : memref<128xi32, #tpu.memory_space<hbm>>) dst(%arg8 : memref<128xi32, #tpu.memory_space<vmem>>)
    %dma_start3A_68 = arith.constant 0 : i32
    %dma_start3A_69 = arith.constant 0 : i32
    %dma_start3A_70 = tpu.memref_slice %arg2[%dma_start3A_68, %dma_start3A_69] : memref<10000x128xf32, #tpu.memory_space<hbm>> -> memref<10000x128xf32, #tpu.memory_space<hbm>>
    tpu.enqueue_indirect_dma source(%dma_start3A_70 : memref<10000x128xf32, #tpu.memory_space<hbm>>) target(%arg11 : memref<128x128xf32, #tpu.memory_space<vmem>>) offsets(%arg7 : memref<128xi32, #tpu.memory_space<vmem>>) semaphore(%arg23 : memref<!tpu.dma_semaphore, #tpu.memory_space<semaphore_mem>>)
    %dma_wait3A_71 = arith.constant 0 : i32
    %dma_wait3A_72 = tpu.memref_slice %arg3[%dma_wait3A_71] : memref<320000xi32, #tpu.memory_space<hbm>> -> memref<128xi32, #tpu.memory_space<hbm>>
    %dma_wait3A_73 = arith.constant 0 : i32
    %dma_wait3A_74 = tpu.memref_slice %arg3[%dma_wait3A_73] : memref<320000xi32, #tpu.memory_space<hbm>> -> memref<128xi32, #tpu.memory_space<hbm>>
    tpu.wait_dma2 semaphore(%arg27 : memref<!tpu.dma_semaphore, #tpu.memory_space<semaphore_mem>>) src(%dma_wait3A_74 : memref<128xi32, #tpu.memory_space<hbm>>) dst(%arg12 : memref<128xi32, #tpu.memory_space<vmem>>)
    %dma_wait3A_75 = arith.constant 0 : i32
    %dma_wait3A_76 = tpu.memref_slice %arg3[%dma_wait3A_75] : memref<320000xi32, #tpu.memory_space<hbm>> -> memref<128xi32, #tpu.memory_space<hbm>>
    %dma_wait3A_77 = arith.constant 0 : i32
    %dma_wait3A_78 = tpu.memref_slice %arg3[%dma_wait3A_77] : memref<320000xi32, #tpu.memory_space<hbm>> -> memref<128xi32, #tpu.memory_space<hbm>>
    tpu.wait_dma2 semaphore(%arg27 : memref<!tpu.dma_semaphore, #tpu.memory_space<semaphore_mem>>) src(%dma_wait3A_78 : memref<128xi32, #tpu.memory_space<hbm>>) dst(%arg13 : memref<128xi32, #tpu.memory_space<vmem>>)
    %dma_start3A_79 = arith.constant 0 : i32
    %dma_start3A_80 = arith.constant 0 : i32
    %dma_start3A_81 = tpu.memref_slice %arg2[%dma_start3A_79, %dma_start3A_80] : memref<10000x128xf32, #tpu.memory_space<hbm>> -> memref<10000x128xf32, #tpu.memory_space<hbm>>
    tpu.enqueue_indirect_dma source(%dma_start3A_81 : memref<10000x128xf32, #tpu.memory_space<hbm>>) target(%arg16 : memref<128x128xf32, #tpu.memory_space<vmem>>) offsets(%arg12 : memref<128xi32, #tpu.memory_space<vmem>>) semaphore(%arg24 : memref<!tpu.dma_semaphore, #tpu.memory_space<semaphore_mem>>)
    %dma_wait3A_82 = arith.constant 0 : i32
    %dma_wait3A_83 = tpu.memref_slice %arg3[%dma_wait3A_82] : memref<320000xi32, #tpu.memory_space<hbm>> -> memref<128xi32, #tpu.memory_space<hbm>>
    %dma_wait3A_84 = arith.constant 0 : i32
    %dma_wait3A_85 = tpu.memref_slice %arg3[%dma_wait3A_84] : memref<320000xi32, #tpu.memory_space<hbm>> -> memref<128xi32, #tpu.memory_space<hbm>>
    tpu.wait_dma2 semaphore(%arg28 : memref<!tpu.dma_semaphore, #tpu.memory_space<semaphore_mem>>) src(%dma_wait3A_85 : memref<128xi32, #tpu.memory_space<hbm>>) dst(%arg17 : memref<128xi32, #tpu.memory_space<vmem>>)
    %dma_wait3A_86 = arith.constant 0 : i32
    %dma_wait3A_87 = tpu.memref_slice %arg3[%dma_wait3A_86] : memref<320000xi32, #tpu.memory_space<hbm>> -> memref<128xi32, #tpu.memory_space<hbm>>
    %dma_wait3A_88 = arith.constant 0 : i32
    %dma_wait3A_89 = tpu.memref_slice %arg3[%dma_wait3A_88] : memref<320000xi32, #tpu.memory_space<hbm>> -> memref<128xi32, #tpu.memory_space<hbm>>
    tpu.wait_dma2 semaphore(%arg28 : memref<!tpu.dma_semaphore, #tpu.memory_space<semaphore_mem>>) src(%dma_wait3A_89 : memref<128xi32, #tpu.memory_space<hbm>>) dst(%arg18 : memref<128xi32, #tpu.memory_space<vmem>>)
    %dma_start3A_90 = arith.constant 0 : i32
    %dma_start3A_91 = arith.constant 0 : i32
    %dma_start3A_92 = tpu.memref_slice %arg2[%dma_start3A_90, %dma_start3A_91] : memref<10000x128xf32, #tpu.memory_space<hbm>> -> memref<10000x128xf32, #tpu.memory_space<hbm>>
    tpu.enqueue_indirect_dma source(%dma_start3A_92 : memref<10000x128xf32, #tpu.memory_space<hbm>>) target(%arg21 : memref<128x128xf32, #tpu.memory_space<vmem>>) offsets(%arg17 : memref<128xi32, #tpu.memory_space<vmem>>) semaphore(%arg25 : memref<!tpu.dma_semaphore, #tpu.memory_space<semaphore_mem>>)
    %barrier3A = arith.constant 0 : index
    tpu.barrier barrier_id(%barrier3A)
    %scan3A = arith.constant 0 : i32
    %scan3A_93 = arith.constant 0 : i32
    %scan3A_94 = arith.constant 14 : i32
    %scan3A_95 = arith.addi %scan3A_93, %scan3A_94 : i32
    %scan3A_96 = arith.constant 1 : i32
    scf.for %scan3A_109 = %scan3A_93 to %scan3A_95 step %scan3A_96  : i32 {
      %mul3A_110 = arith.constant 2 : i32
      %mul3A_111 = arith.muli %mul3A_110, %scan3A_109 : i32
      %mul3A_112 = arith.constant 3 : i32
      %mul3A_113 = arith.muli %mul3A_112, %mul3A_111 : i32
      %add3A_114 = arith.constant 0 : i32
      %add3A_115 = arith.addi %mul3A_113, %add3A_114 : i32
      %mul3A_116 = arith.constant 32 : i32
      %mul3A_117 = arith.muli %add3A_115, %mul3A_116 : i32
      %add3A_118 = arith.addi %mul3A_117, %add3A : i32
      %add3A_119 = arith.constant 1 : i32
      %add3A_120 = arith.addi %mul3A_111, %add3A_119 : i32
      %mul3A_121 = arith.constant 3 : i32
      %mul3A_122 = arith.muli %mul3A_121, %add3A_120 : i32
      %add3A_123 = arith.constant 0 : i32
      %add3A_124 = arith.addi %mul3A_122, %add3A_123 : i32
      %mul3A_125 = arith.constant 32 : i32
      %mul3A_126 = arith.muli %add3A_124, %mul3A_125 : i32
      %add3A_127 = arith.addi %mul3A_126, %add3A : i32
      %add3A_128 = arith.constant 2 : i32
      %add3A_129 = arith.addi %mul3A_111, %add3A_128 : i32
      %mul3A_130 = arith.constant 3 : i32
      %mul3A_131 = arith.muli %mul3A_130, %add3A_129 : i32
      %add3A_132 = arith.constant 0 : i32
      %add3A_133 = arith.addi %mul3A_131, %add3A_132 : i32
      %mul3A_134 = arith.constant 32 : i32
      %mul3A_135 = arith.muli %add3A_133, %mul3A_134 : i32
      %add3A_136 = arith.addi %mul3A_135, %add3A : i32
      %lt3A_137 = arith.constant 2500 : i32
      %lt3A_138 = arith.cmpi slt, %add3A_118, %lt3A_137 : i32
      %convert_element_type3A_139 = arith.extui %lt3A_138 : i1 to i32
      %cond3A_140 = arith.constant 0 : i32
      %cond3A_141 = arith.cmpi ne, %convert_element_type3A_139, %cond3A_140 : i32
      scf.if %cond3A_141 {
        %dma_wait3A_356 = arith.constant 0 : i32
        %dma_wait3A_357 = arith.constant 0 : i32
        %dma_wait3A_358 = tpu.memref_slice %arg2[%dma_wait3A_356, %dma_wait3A_357] : memref<10000x128xf32, #tpu.memory_space<hbm>> -> memref<10000x128xf32, #tpu.memory_space<hbm>>
        tpu.wait_indirect_dma semaphore(%arg23 : memref<!tpu.dma_semaphore, #tpu.memory_space<semaphore_mem>>) src(%dma_wait3A_358 : memref<10000x128xf32, #tpu.memory_space<hbm>>) dst(%arg11 : memref<128x128xf32, #tpu.memory_space<vmem>>)
        "tpu.region"() ({
          %run_scoped3A = tpu.sem_alloc : memref<!tpu.dma_semaphore, #tpu.memory_space<semaphore_mem>>
          %dma_start3A_359 = arith.constant 0 : i32
          %dma_start3A_360 = arith.constant 0 : i32
          %dma_start3A_361 = tpu.memref_slice %arg22[%dma_start3A_359, %dma_start3A_360] : memref<10000x128xf32, #tpu.memory_space<vmem_shared>> -> memref<10000x128xf32, #tpu.memory_space<vmem_shared>>
          tpu.enqueue_indirect_dma source(%arg11 : memref<128x128xf32, #tpu.memory_space<vmem>>) target(%dma_start3A_361 : memref<10000x128xf32, #tpu.memory_space<vmem_shared>>) offsets(%arg8 : memref<128xi32, #tpu.memory_space<vmem>>) semaphore(%run_scoped3A : memref<!tpu.dma_semaphore, #tpu.memory_space<semaphore_mem>>) {add = true}
          %dma_wait3A_362 = arith.constant 0 : i32
          %dma_wait3A_363 = arith.constant 0 : i32
          %dma_wait3A_364 = tpu.memref_slice %arg22[%dma_wait3A_362, %dma_wait3A_363] : memref<10000x128xf32, #tpu.memory_space<vmem_shared>> -> memref<10000x128xf32, #tpu.memory_space<vmem_shared>>
          tpu.wait_indirect_dma semaphore(%run_scoped3A : memref<!tpu.dma_semaphore, #tpu.memory_space<semaphore_mem>>) src(%arg11 : memref<128x128xf32, #tpu.memory_space<vmem>>) dst(%dma_wait3A_364 : memref<10000x128xf32, #tpu.memory_space<vmem_shared>>)
          tpu.yield
        }) : () -> ()
      } else {
      }
      %lt3A_142 = arith.constant 2500 : i32
      %lt3A_143 = arith.cmpi slt, %add3A_136, %lt3A_142 : i32
      %convert_element_type3A_144 = arith.extui %lt3A_143 : i1 to i32
      %cond3A_145 = arith.constant 0 : i32
      %cond3A_146 = arith.cmpi ne, %convert_element_type3A_144, %cond3A_145 : i32
      scf.if %cond3A_146 {
        %mul3A_356 = arith.constant 128 : i32
        %mul3A_357 = arith.muli %add3A_136, %mul3A_356 : i32
        %multiple_of3A_358 = tpu.assume_multiple %mul3A_357, 128 : i32
        %dma_start3A_359 = tpu.memref_slice %arg3[%multiple_of3A_358] : memref<320000xi32, #tpu.memory_space<hbm>> -> memref<128xi32, #tpu.memory_space<hbm>>
        %dma_start3A_360 = tpu.memref_slice %arg3[%multiple_of3A_358] : memref<320000xi32, #tpu.memory_space<hbm>> -> memref<128xi32, #tpu.memory_space<hbm>>
        tpu.enqueue_dma source(%dma_start3A_360 : memref<128xi32, #tpu.memory_space<hbm>>) target(%arg7 : memref<128xi32, #tpu.memory_space<vmem>>) target_semaphore(%arg26 : memref<!tpu.dma_semaphore, #tpu.memory_space<semaphore_mem>>)
        %dma_start3A_361 = tpu.memref_slice %arg4[%multiple_of3A_358] : memref<320000xi32, #tpu.memory_space<hbm>> -> memref<128xi32, #tpu.memory_space<hbm>>
        %dma_start3A_362 = tpu.memref_slice %arg4[%multiple_of3A_358] : memref<320000xi32, #tpu.memory_space<hbm>> -> memref<128xi32, #tpu.memory_space<hbm>>
        tpu.enqueue_dma source(%dma_start3A_362 : memref<128xi32, #tpu.memory_space<hbm>>) target(%arg8 : memref<128xi32, #tpu.memory_space<vmem>>) target_semaphore(%arg26 : memref<!tpu.dma_semaphore, #tpu.memory_space<semaphore_mem>>)
      } else {
      }
      %lt3A_147 = arith.constant 2500 : i32
      %lt3A_148 = arith.cmpi slt, %add3A_127, %lt3A_147 : i32
      %convert_element_type3A_149 = arith.extui %lt3A_148 : i1 to i32
      %cond3A_150 = arith.constant 0 : i32
      %cond3A_151 = arith.cmpi ne, %convert_element_type3A_149, %cond3A_150 : i32
      scf.if %cond3A_151 {
        %dma_wait3A_356 = arith.constant 0 : i32
        %dma_wait3A_357 = tpu.memref_slice %arg3[%dma_wait3A_356] : memref<320000xi32, #tpu.memory_space<hbm>> -> memref<128xi32, #tpu.memory_space<hbm>>
        %dma_wait3A_358 = arith.constant 0 : i32
        %dma_wait3A_359 = tpu.memref_slice %arg3[%dma_wait3A_358] : memref<320000xi32, #tpu.memory_space<hbm>> -> memref<128xi32, #tpu.memory_space<hbm>>
        tpu.wait_dma2 semaphore(%arg26 : memref<!tpu.dma_semaphore, #tpu.memory_space<semaphore_mem>>) src(%dma_wait3A_359 : memref<128xi32, #tpu.memory_space<hbm>>) dst(%arg9 : memref<128xi32, #tpu.memory_space<vmem>>)
        %dma_wait3A_360 = arith.constant 0 : i32
        %dma_wait3A_361 = tpu.memref_slice %arg3[%dma_wait3A_360] : memref<320000xi32, #tpu.memory_space<hbm>> -> memref<128xi32, #tpu.memory_space<hbm>>
        %dma_wait3A_362 = arith.constant 0 : i32
        %dma_wait3A_363 = tpu.memref_slice %arg3[%dma_wait3A_362] : memref<320000xi32, #tpu.memory_space<hbm>> -> memref<128xi32, #tpu.memory_space<hbm>>
        tpu.wait_dma2 semaphore(%arg26 : memref<!tpu.dma_semaphore, #tpu.memory_space<semaphore_mem>>) src(%dma_wait3A_363 : memref<128xi32, #tpu.memory_space<hbm>>) dst(%arg10 : memref<128xi32, #tpu.memory_space<vmem>>)
        %dma_start3A_364 = arith.constant 0 : i32
        %dma_start3A_365 = arith.constant 0 : i32
        %dma_start3A_366 = tpu.memref_slice %arg2[%dma_start3A_364, %dma_start3A_365] : memref<10000x128xf32, #tpu.memory_space<hbm>> -> memref<10000x128xf32, #tpu.memory_space<hbm>>
        tpu.enqueue_indirect_dma source(%dma_start3A_366 : memref<10000x128xf32, #tpu.memory_space<hbm>>) target(%arg11 : memref<128x128xf32, #tpu.memory_space<vmem>>) offsets(%arg9 : memref<128xi32, #tpu.memory_space<vmem>>) semaphore(%arg23 : memref<!tpu.dma_semaphore, #tpu.memory_space<semaphore_mem>>)
      } else {
      }
      %mul3A_152 = arith.constant 3 : i32
      %mul3A_153 = arith.muli %mul3A_152, %mul3A_111 : i32
      %add3A_154 = arith.constant 1 : i32
      %add3A_155 = arith.addi %mul3A_153, %add3A_154 : i32
      %mul3A_156 = arith.constant 32 : i32
      %mul3A_157 = arith.muli %add3A_155, %mul3A_156 : i32
      %add3A_158 = arith.addi %mul3A_157, %add3A : i32
      %add3A_159 = arith.constant 1 : i32
      %add3A_160 = arith.addi %mul3A_111, %add3A_159 : i32
      %mul3A_161 = arith.constant 3 : i32
      %mul3A_162 = arith.muli %mul3A_161, %add3A_160 : i32
      %add3A_163 = arith.constant 1 : i32
      %add3A_164 = arith.addi %mul3A_162, %add3A_163 : i32
      %mul3A_165 = arith.constant 32 : i32
      %mul3A_166 = arith.muli %add3A_164, %mul3A_165 : i32
      %add3A_167 = arith.addi %mul3A_166, %add3A : i32
      %add3A_168 = arith.constant 2 : i32
      %add3A_169 = arith.addi %mul3A_111, %add3A_168 : i32
      %mul3A_170 = arith.constant 3 : i32
      %mul3A_171 = arith.muli %mul3A_170, %add3A_169 : i32
      %add3A_172 = arith.constant 1 : i32
      %add3A_173 = arith.addi %mul3A_171, %add3A_172 : i32
      %mul3A_174 = arith.constant 32 : i32
      %mul3A_175 = arith.muli %add3A_173, %mul3A_174 : i32
      %add3A_176 = arith.addi %mul3A_175, %add3A : i32
      %lt3A_177 = arith.constant 2500 : i32
      %lt3A_178 = arith.cmpi slt, %add3A_158, %lt3A_177 : i32
      %convert_element_type3A_179 = arith.extui %lt3A_178 : i1 to i32
      %cond3A_180 = arith.constant 0 : i32
      %cond3A_181 = arith.cmpi ne, %convert_element_type3A_179, %cond3A_180 : i32
      scf.if %cond3A_181 {
        %dma_wait3A_356 = arith.constant 0 : i32
        %dma_wait3A_357 = arith.constant 0 : i32
        %dma_wait3A_358 = tpu.memref_slice %arg2[%dma_wait3A_356, %dma_wait3A_357] : memref<10000x128xf32, #tpu.memory_space<hbm>> -> memref<10000x128xf32, #tpu.memory_space<hbm>>
        tpu.wait_indirect_dma semaphore(%arg24 : memref<!tpu.dma_semaphore, #tpu.memory_space<semaphore_mem>>) src(%dma_wait3A_358 : memref<10000x128xf32, #tpu.memory_space<hbm>>) dst(%arg16 : memref<128x128xf32, #tpu.memory_space<vmem>>)
        "tpu.region"() ({
          %run_scoped3A = tpu.sem_alloc : memref<!tpu.dma_semaphore, #tpu.memory_space<semaphore_mem>>
          %dma_start3A_359 = arith.constant 0 : i32
          %dma_start3A_360 = arith.constant 0 : i32
          %dma_start3A_361 = tpu.memref_slice %arg22[%dma_start3A_359, %dma_start3A_360] : memref<10000x128xf32, #tpu.memory_space<vmem_shared>> -> memref<10000x128xf32, #tpu.memory_space<vmem_shared>>
          tpu.enqueue_indirect_dma source(%arg16 : memref<128x128xf32, #tpu.memory_space<vmem>>) target(%dma_start3A_361 : memref<10000x128xf32, #tpu.memory_space<vmem_shared>>) offsets(%arg13 : memref<128xi32, #tpu.memory_space<vmem>>) semaphore(%run_scoped3A : memref<!tpu.dma_semaphore, #tpu.memory_space<semaphore_mem>>) {add = true}
          %dma_wait3A_362 = arith.constant 0 : i32
          %dma_wait3A_363 = arith.constant 0 : i32
          %dma_wait3A_364 = tpu.memref_slice %arg22[%dma_wait3A_362, %dma_wait3A_363] : memref<10000x128xf32, #tpu.memory_space<vmem_shared>> -> memref<10000x128xf32, #tpu.memory_space<vmem_shared>>
          tpu.wait_indirect_dma semaphore(%run_scoped3A : memref<!tpu.dma_semaphore, #tpu.memory_space<semaphore_mem>>) src(%arg16 : memref<128x128xf32, #tpu.memory_space<vmem>>) dst(%dma_wait3A_364 : memref<10000x128xf32, #tpu.memory_space<vmem_shared>>)
          tpu.yield
        }) : () -> ()
      } else {
      }
      %lt3A_182 = arith.constant 2500 : i32
      %lt3A_183 = arith.cmpi slt, %add3A_176, %lt3A_182 : i32
      %convert_element_type3A_184 = arith.extui %lt3A_183 : i1 to i32
      %cond3A_185 = arith.constant 0 : i32
      %cond3A_186 = arith.cmpi ne, %convert_element_type3A_184, %cond3A_185 : i32
      scf.if %cond3A_186 {
        %mul3A_356 = arith.constant 128 : i32
        %mul3A_357 = arith.muli %add3A_176, %mul3A_356 : i32
        %multiple_of3A_358 = tpu.assume_multiple %mul3A_357, 128 : i32
        %dma_start3A_359 = tpu.memref_slice %arg3[%multiple_of3A_358] : memref<320000xi32, #tpu.memory_space<hbm>> -> memref<128xi32, #tpu.memory_space<hbm>>
        %dma_start3A_360 = tpu.memref_slice %arg3[%multiple_of3A_358] : memref<320000xi32, #tpu.memory_space<hbm>> -> memref<128xi32, #tpu.memory_space<hbm>>
        tpu.enqueue_dma source(%dma_start3A_360 : memref<128xi32, #tpu.memory_space<hbm>>) target(%arg12 : memref<128xi32, #tpu.memory_space<vmem>>) target_semaphore(%arg27 : memref<!tpu.dma_semaphore, #tpu.memory_space<semaphore_mem>>)
        %dma_start3A_361 = tpu.memref_slice %arg4[%multiple_of3A_358] : memref<320000xi32, #tpu.memory_space<hbm>> -> memref<128xi32, #tpu.memory_space<hbm>>
        %dma_start3A_362 = tpu.memref_slice %arg4[%multiple_of3A_358] : memref<320000xi32, #tpu.memory_space<hbm>> -> memref<128xi32, #tpu.memory_space<hbm>>
        tpu.enqueue_dma source(%dma_start3A_362 : memref<128xi32, #tpu.memory_space<hbm>>) target(%arg13 : memref<128xi32, #tpu.memory_space<vmem>>) target_semaphore(%arg27 : memref<!tpu.dma_semaphore, #tpu.memory_space<semaphore_mem>>)
      } else {
      }
      %lt3A_187 = arith.constant 2500 : i32
      %lt3A_188 = arith.cmpi slt, %add3A_167, %lt3A_187 : i32
      %convert_element_type3A_189 = arith.extui %lt3A_188 : i1 to i32
      %cond3A_190 = arith.constant 0 : i32
      %cond3A_191 = arith.cmpi ne, %convert_element_type3A_189, %cond3A_190 : i32
      scf.if %cond3A_191 {
        %dma_wait3A_356 = arith.constant 0 : i32
        %dma_wait3A_357 = tpu.memref_slice %arg3[%dma_wait3A_356] : memref<320000xi32, #tpu.memory_space<hbm>> -> memref<128xi32, #tpu.memory_space<hbm>>
        %dma_wait3A_358 = arith.constant 0 : i32
        %dma_wait3A_359 = tpu.memref_slice %arg3[%dma_wait3A_358] : memref<320000xi32, #tpu.memory_space<hbm>> -> memref<128xi32, #tpu.memory_space<hbm>>
        tpu.wait_dma2 semaphore(%arg27 : memref<!tpu.dma_semaphore, #tpu.memory_space<semaphore_mem>>) src(%dma_wait3A_359 : memref<128xi32, #tpu.memory_space<hbm>>) dst(%arg14 : memref<128xi32, #tpu.memory_space<vmem>>)
        %dma_wait3A_360 = arith.constant 0 : i32
        %dma_wait3A_361 = tpu.memref_slice %arg3[%dma_wait3A_360] : memref<320000xi32, #tpu.memory_space<hbm>> -> memref<128xi32, #tpu.memory_space<hbm>>
        %dma_wait3A_362 = arith.constant 0 : i32
        %dma_wait3A_363 = tpu.memref_slice %arg3[%dma_wait3A_362] : memref<320000xi32, #tpu.memory_space<hbm>> -> memref<128xi32, #tpu.memory_space<hbm>>
        tpu.wait_dma2 semaphore(%arg27 : memref<!tpu.dma_semaphore, #tpu.memory_space<semaphore_mem>>) src(%dma_wait3A_363 : memref<128xi32, #tpu.memory_space<hbm>>) dst(%arg15 : memref<128xi32, #tpu.memory_space<vmem>>)
        %dma_start3A_364 = arith.constant 0 : i32
        %dma_start3A_365 = arith.constant 0 : i32
        %dma_start3A_366 = tpu.memref_slice %arg2[%dma_start3A_364, %dma_start3A_365] : memref<10000x128xf32, #tpu.memory_space<hbm>> -> memref<10000x128xf32, #tpu.memory_space<hbm>>
        tpu.enqueue_indirect_dma source(%dma_start3A_366 : memref<10000x128xf32, #tpu.memory_space<hbm>>) target(%arg16 : memref<128x128xf32, #tpu.memory_space<vmem>>) offsets(%arg14 : memref<128xi32, #tpu.memory_space<vmem>>) semaphore(%arg24 : memref<!tpu.dma_semaphore, #tpu.memory_space<semaphore_mem>>)
      } else {
      }
      %mul3A_192 = arith.constant 3 : i32
      %mul3A_193 = arith.muli %mul3A_192, %mul3A_111 : i32
      %add3A_194 = arith.constant 2 : i32
      %add3A_195 = arith.addi %mul3A_193, %add3A_194 : i32
      %mul3A_196 = arith.constant 32 : i32
      %mul3A_197 = arith.muli %add3A_195, %mul3A_196 : i32
      %add3A_198 = arith.addi %mul3A_197, %add3A : i32
      %add3A_199 = arith.constant 1 : i32
      %add3A_200 = arith.addi %mul3A_111, %add3A_199 : i32
      %mul3A_201 = arith.constant 3 : i32
      %mul3A_202 = arith.muli %mul3A_201, %add3A_200 : i32
      %add3A_203 = arith.constant 2 : i32
      %add3A_204 = arith.addi %mul3A_202, %add3A_203 : i32
      %mul3A_205 = arith.constant 32 : i32
      %mul3A_206 = arith.muli %add3A_204, %mul3A_205 : i32
      %add3A_207 = arith.addi %mul3A_206, %add3A : i32
      %add3A_208 = arith.constant 2 : i32
      %add3A_209 = arith.addi %mul3A_111, %add3A_208 : i32
      %mul3A_210 = arith.constant 3 : i32
      %mul3A_211 = arith.muli %mul3A_210, %add3A_209 : i32
      %add3A_212 = arith.constant 2 : i32
      %add3A_213 = arith.addi %mul3A_211, %add3A_212 : i32
      %mul3A_214 = arith.constant 32 : i32
      %mul3A_215 = arith.muli %add3A_213, %mul3A_214 : i32
      %add3A_216 = arith.addi %mul3A_215, %add3A : i32
      %lt3A_217 = arith.constant 2500 : i32
      %lt3A_218 = arith.cmpi slt, %add3A_198, %lt3A_217 : i32
      %convert_element_type3A_219 = arith.extui %lt3A_218 : i1 to i32
      %cond3A_220 = arith.constant 0 : i32
      %cond3A_221 = arith.cmpi ne, %convert_element_type3A_219, %cond3A_220 : i32
      scf.if %cond3A_221 {
        %dma_wait3A_356 = arith.constant 0 : i32
        %dma_wait3A_357 = arith.constant 0 : i32
        %dma_wait3A_358 = tpu.memref_slice %arg2[%dma_wait3A_356, %dma_wait3A_357] : memref<10000x128xf32, #tpu.memory_space<hbm>> -> memref<10000x128xf32, #tpu.memory_space<hbm>>
        tpu.wait_indirect_dma semaphore(%arg25 : memref<!tpu.dma_semaphore, #tpu.memory_space<semaphore_mem>>) src(%dma_wait3A_358 : memref<10000x128xf32, #tpu.memory_space<hbm>>) dst(%arg21 : memref<128x128xf32, #tpu.memory_space<vmem>>)
        "tpu.region"() ({
          %run_scoped3A = tpu.sem_alloc : memref<!tpu.dma_semaphore, #tpu.memory_space<semaphore_mem>>
          %dma_start3A_359 = arith.constant 0 : i32
          %dma_start3A_360 = arith.constant 0 : i32
          %dma_start3A_361 = tpu.memref_slice %arg22[%dma_start3A_359, %dma_start3A_360] : memref<10000x128xf32, #tpu.memory_space<vmem_shared>> -> memref<10000x128xf32, #tpu.memory_space<vmem_shared>>
          tpu.enqueue_indirect_dma source(%arg21 : memref<128x128xf32, #tpu.memory_space<vmem>>) target(%dma_start3A_361 : memref<10000x128xf32, #tpu.memory_space<vmem_shared>>) offsets(%arg18 : memref<128xi32, #tpu.memory_space<vmem>>) semaphore(%run_scoped3A : memref<!tpu.dma_semaphore, #tpu.memory_space<semaphore_mem>>) {add = true}
          %dma_wait3A_362 = arith.constant 0 : i32
          %dma_wait3A_363 = arith.constant 0 : i32
          %dma_wait3A_364 = tpu.memref_slice %arg22[%dma_wait3A_362, %dma_wait3A_363] : memref<10000x128xf32, #tpu.memory_space<vmem_shared>> -> memref<10000x128xf32, #tpu.memory_space<vmem_shared>>
          tpu.wait_indirect_dma semaphore(%run_scoped3A : memref<!tpu.dma_semaphore, #tpu.memory_space<semaphore_mem>>) src(%arg21 : memref<128x128xf32, #tpu.memory_space<vmem>>) dst(%dma_wait3A_364 : memref<10000x128xf32, #tpu.memory_space<vmem_shared>>)
          tpu.yield
        }) : () -> ()
      } else {
      }
      %lt3A_222 = arith.constant 2500 : i32
      %lt3A_223 = arith.cmpi slt, %add3A_216, %lt3A_222 : i32
      %convert_element_type3A_224 = arith.extui %lt3A_223 : i1 to i32
      %cond3A_225 = arith.constant 0 : i32
      %cond3A_226 = arith.cmpi ne, %convert_element_type3A_224, %cond3A_225 : i32
      scf.if %cond3A_226 {
        %mul3A_356 = arith.constant 128 : i32
        %mul3A_357 = arith.muli %add3A_216, %mul3A_356 : i32
        %multiple_of3A_358 = tpu.assume_multiple %mul3A_357, 128 : i32
        %dma_start3A_359 = tpu.memref_slice %arg3[%multiple_of3A_358] : memref<320000xi32, #tpu.memory_space<hbm>> -> memref<128xi32, #tpu.memory_space<hbm>>
        %dma_start3A_360 = tpu.memref_slice %arg3[%multiple_of3A_358] : memref<320000xi32, #tpu.memory_space<hbm>> -> memref<128xi32, #tpu.memory_space<hbm>>
        tpu.enqueue_dma source(%dma_start3A_360 : memref<128xi32, #tpu.memory_space<hbm>>) target(%arg17 : memref<128xi32, #tpu.memory_space<vmem>>) target_semaphore(%arg28 : memref<!tpu.dma_semaphore, #tpu.memory_space<semaphore_mem>>)
        %dma_start3A_361 = tpu.memref_slice %arg4[%multiple_of3A_358] : memref<320000xi32, #tpu.memory_space<hbm>> -> memref<128xi32, #tpu.memory_space<hbm>>
        %dma_start3A_362 = tpu.memref_slice %arg4[%multiple_of3A_358] : memref<320000xi32, #tpu.memory_space<hbm>> -> memref<128xi32, #tpu.memory_space<hbm>>
        tpu.enqueue_dma source(%dma_start3A_362 : memref<128xi32, #tpu.memory_space<hbm>>) target(%arg18 : memref<128xi32, #tpu.memory_space<vmem>>) target_semaphore(%arg28 : memref<!tpu.dma_semaphore, #tpu.memory_space<semaphore_mem>>)
      } else {
      }
      %lt3A_227 = arith.constant 2500 : i32
      %lt3A_228 = arith.cmpi slt, %add3A_207, %lt3A_227 : i32
      %convert_element_type3A_229 = arith.extui %lt3A_228 : i1 to i32
      %cond3A_230 = arith.constant 0 : i32
      %cond3A_231 = arith.cmpi ne, %convert_element_type3A_229, %cond3A_230 : i32
      scf.if %cond3A_231 {
        %dma_wait3A_356 = arith.constant 0 : i32
        %dma_wait3A_357 = tpu.memref_slice %arg3[%dma_wait3A_356] : memref<320000xi32, #tpu.memory_space<hbm>> -> memref<128xi32, #tpu.memory_space<hbm>>
        %dma_wait3A_358 = arith.constant 0 : i32
        %dma_wait3A_359 = tpu.memref_slice %arg3[%dma_wait3A_358] : memref<320000xi32, #tpu.memory_space<hbm>> -> memref<128xi32, #tpu.memory_space<hbm>>
        tpu.wait_dma2 semaphore(%arg28 : memref<!tpu.dma_semaphore, #tpu.memory_space<semaphore_mem>>) src(%dma_wait3A_359 : memref<128xi32, #tpu.memory_space<hbm>>) dst(%arg19 : memref<128xi32, #tpu.memory_space<vmem>>)
        %dma_wait3A_360 = arith.constant 0 : i32
        %dma_wait3A_361 = tpu.memref_slice %arg3[%dma_wait3A_360] : memref<320000xi32, #tpu.memory_space<hbm>> -> memref<128xi32, #tpu.memory_space<hbm>>
        %dma_wait3A_362 = arith.constant 0 : i32
        %dma_wait3A_363 = tpu.memref_slice %arg3[%dma_wait3A_362] : memref<320000xi32, #tpu.memory_space<hbm>> -> memref<128xi32, #tpu.memory_space<hbm>>
        tpu.wait_dma2 semaphore(%arg28 : memref<!tpu.dma_semaphore, #tpu.memory_space<semaphore_mem>>) src(%dma_wait3A_363 : memref<128xi32, #tpu.memory_space<hbm>>) dst(%arg20 : memref<128xi32, #tpu.memory_space<vmem>>)
        %dma_start3A_364 = arith.constant 0 : i32
        %dma_start3A_365 = arith.constant 0 : i32
        %dma_start3A_366 = tpu.memref_slice %arg2[%dma_start3A_364, %dma_start3A_365] : memref<10000x128xf32, #tpu.memory_space<hbm>> -> memref<10000x128xf32, #tpu.memory_space<hbm>>
        tpu.enqueue_indirect_dma source(%dma_start3A_366 : memref<10000x128xf32, #tpu.memory_space<hbm>>) target(%arg21 : memref<128x128xf32, #tpu.memory_space<vmem>>) offsets(%arg19 : memref<128xi32, #tpu.memory_space<vmem>>) semaphore(%arg25 : memref<!tpu.dma_semaphore, #tpu.memory_space<semaphore_mem>>)
      } else {
      }
      %mul3A_232 = arith.constant 2 : i32
      %mul3A_233 = arith.muli %mul3A_232, %scan3A_109 : i32
      %add3A_234 = arith.constant 1 : i32
      %add3A_235 = arith.addi %mul3A_233, %add3A_234 : i32
      %mul3A_236 = arith.constant 3 : i32
      %mul3A_237 = arith.muli %mul3A_236, %add3A_235 : i32
      %add3A_238 = arith.constant 0 : i32
      %add3A_239 = arith.addi %mul3A_237, %add3A_238 : i32
      %mul3A_240 = arith.constant 32 : i32
      %mul3A_241 = arith.muli %add3A_239, %mul3A_240 : i32
      %add3A_242 = arith.addi %mul3A_241, %add3A : i32
      %add3A_243 = arith.constant 1 : i32
      %add3A_244 = arith.addi %add3A_235, %add3A_243 : i32
      %mul3A_245 = arith.constant 3 : i32
      %mul3A_246 = arith.muli %mul3A_245, %add3A_244 : i32
      %add3A_247 = arith.constant 0 : i32
      %add3A_248 = arith.addi %mul3A_246, %add3A_247 : i32
      %mul3A_249 = arith.constant 32 : i32
      %mul3A_250 = arith.muli %add3A_248, %mul3A_249 : i32
      %add3A_251 = arith.addi %mul3A_250, %add3A : i32
      %add3A_252 = arith.constant 2 : i32
      %add3A_253 = arith.addi %add3A_235, %add3A_252 : i32
      %mul3A_254 = arith.constant 3 : i32
      %mul3A_255 = arith.muli %mul3A_254, %add3A_253 : i32
      %add3A_256 = arith.constant 0 : i32
      %add3A_257 = arith.addi %mul3A_255, %add3A_256 : i32
      %mul3A_258 = arith.constant 32 : i32
      %mul3A_259 = arith.muli %add3A_257, %mul3A_258 : i32
      %add3A_260 = arith.addi %mul3A_259, %add3A : i32
      %lt3A_261 = arith.constant 2500 : i32
      %lt3A_262 = arith.cmpi slt, %add3A_242, %lt3A_261 : i32
      %convert_element_type3A_263 = arith.extui %lt3A_262 : i1 to i32
      %cond3A_264 = arith.constant 0 : i32
      %cond3A_265 = arith.cmpi ne, %convert_element_type3A_263, %cond3A_264 : i32
      scf.if %cond3A_265 {
        %dma_wait3A_356 = arith.constant 0 : i32
        %dma_wait3A_357 = arith.constant 0 : i32
        %dma_wait3A_358 = tpu.memref_slice %arg2[%dma_wait3A_356, %dma_wait3A_357] : memref<10000x128xf32, #tpu.memory_space<hbm>> -> memref<10000x128xf32, #tpu.memory_space<hbm>>
        tpu.wait_indirect_dma semaphore(%arg23 : memref<!tpu.dma_semaphore, #tpu.memory_space<semaphore_mem>>) src(%dma_wait3A_358 : memref<10000x128xf32, #tpu.memory_space<hbm>>) dst(%arg11 : memref<128x128xf32, #tpu.memory_space<vmem>>)
        "tpu.region"() ({
          %run_scoped3A = tpu.sem_alloc : memref<!tpu.dma_semaphore, #tpu.memory_space<semaphore_mem>>
          %dma_start3A_359 = arith.constant 0 : i32
          %dma_start3A_360 = arith.constant 0 : i32
          %dma_start3A_361 = tpu.memref_slice %arg22[%dma_start3A_359, %dma_start3A_360] : memref<10000x128xf32, #tpu.memory_space<vmem_shared>> -> memref<10000x128xf32, #tpu.memory_space<vmem_shared>>
          tpu.enqueue_indirect_dma source(%arg11 : memref<128x128xf32, #tpu.memory_space<vmem>>) target(%dma_start3A_361 : memref<10000x128xf32, #tpu.memory_space<vmem_shared>>) offsets(%arg10 : memref<128xi32, #tpu.memory_space<vmem>>) semaphore(%run_scoped3A : memref<!tpu.dma_semaphore, #tpu.memory_space<semaphore_mem>>) {add = true}
          %dma_wait3A_362 = arith.constant 0 : i32
          %dma_wait3A_363 = arith.constant 0 : i32
          %dma_wait3A_364 = tpu.memref_slice %arg22[%dma_wait3A_362, %dma_wait3A_363] : memref<10000x128xf32, #tpu.memory_space<vmem_shared>> -> memref<10000x128xf32, #tpu.memory_space<vmem_shared>>
          tpu.wait_indirect_dma semaphore(%run_scoped3A : memref<!tpu.dma_semaphore, #tpu.memory_space<semaphore_mem>>) src(%arg11 : memref<128x128xf32, #tpu.memory_space<vmem>>) dst(%dma_wait3A_364 : memref<10000x128xf32, #tpu.memory_space<vmem_shared>>)
          tpu.yield
        }) : () -> ()
      } else {
      }
      %lt3A_266 = arith.constant 2500 : i32
      %lt3A_267 = arith.cmpi slt, %add3A_260, %lt3A_266 : i32
      %convert_element_type3A_268 = arith.extui %lt3A_267 : i1 to i32
      %cond3A_269 = arith.constant 0 : i32
      %cond3A_270 = arith.cmpi ne, %convert_element_type3A_268, %cond3A_269 : i32
      scf.if %cond3A_270 {
        %mul3A_356 = arith.constant 128 : i32
        %mul3A_357 = arith.muli %add3A_260, %mul3A_356 : i32
        %multiple_of3A_358 = tpu.assume_multiple %mul3A_357, 128 : i32
        %dma_start3A_359 = tpu.memref_slice %arg3[%multiple_of3A_358] : memref<320000xi32, #tpu.memory_space<hbm>> -> memref<128xi32, #tpu.memory_space<hbm>>
        %dma_start3A_360 = tpu.memref_slice %arg3[%multiple_of3A_358] : memref<320000xi32, #tpu.memory_space<hbm>> -> memref<128xi32, #tpu.memory_space<hbm>>
        tpu.enqueue_dma source(%dma_start3A_360 : memref<128xi32, #tpu.memory_space<hbm>>) target(%arg9 : memref<128xi32, #tpu.memory_space<vmem>>) target_semaphore(%arg26 : memref<!tpu.dma_semaphore, #tpu.memory_space<semaphore_mem>>)
        %dma_start3A_361 = tpu.memref_slice %arg4[%multiple_of3A_358] : memref<320000xi32, #tpu.memory_space<hbm>> -> memref<128xi32, #tpu.memory_space<hbm>>
        %dma_start3A_362 = tpu.memref_slice %arg4[%multiple_of3A_358] : memref<320000xi32, #tpu.memory_space<hbm>> -> memref<128xi32, #tpu.memory_space<hbm>>
        tpu.enqueue_dma source(%dma_start3A_362 : memref<128xi32, #tpu.memory_space<hbm>>) target(%arg10 : memref<128xi32, #tpu.memory_space<vmem>>) target_semaphore(%arg26 : memref<!tpu.dma_semaphore, #tpu.memory_space<semaphore_mem>>)
      } else {
      }
      %lt3A_271 = arith.constant 2500 : i32
      %lt3A_272 = arith.cmpi slt, %add3A_251, %lt3A_271 : i32
      %convert_element_type3A_273 = arith.extui %lt3A_272 : i1 to i32
      %cond3A_274 = arith.constant 0 : i32
      %cond3A_275 = arith.cmpi ne, %convert_element_type3A_273, %cond3A_274 : i32
      scf.if %cond3A_275 {
        %dma_wait3A_356 = arith.constant 0 : i32
        %dma_wait3A_357 = tpu.memref_slice %arg3[%dma_wait3A_356] : memref<320000xi32, #tpu.memory_space<hbm>> -> memref<128xi32, #tpu.memory_space<hbm>>
        %dma_wait3A_358 = arith.constant 0 : i32
        %dma_wait3A_359 = tpu.memref_slice %arg3[%dma_wait3A_358] : memref<320000xi32, #tpu.memory_space<hbm>> -> memref<128xi32, #tpu.memory_space<hbm>>
        tpu.wait_dma2 semaphore(%arg26 : memref<!tpu.dma_semaphore, #tpu.memory_space<semaphore_mem>>) src(%dma_wait3A_359 : memref<128xi32, #tpu.memory_space<hbm>>) dst(%arg7 : memref<128xi32, #tpu.memory_space<vmem>>)
        %dma_wait3A_360 = arith.constant 0 : i32
        %dma_wait3A_361 = tpu.memref_slice %arg3[%dma_wait3A_360] : memref<320000xi32, #tpu.memory_space<hbm>> -> memref<128xi32, #tpu.memory_space<hbm>>
        %dma_wait3A_362 = arith.constant 0 : i32
        %dma_wait3A_363 = tpu.memref_slice %arg3[%dma_wait3A_362] : memref<320000xi32, #tpu.memory_space<hbm>> -> memref<128xi32, #tpu.memory_space<hbm>>
        tpu.wait_dma2 semaphore(%arg26 : memref<!tpu.dma_semaphore, #tpu.memory_space<semaphore_mem>>) src(%dma_wait3A_363 : memref<128xi32, #tpu.memory_space<hbm>>) dst(%arg8 : memref<128xi32, #tpu.memory_space<vmem>>)
        %dma_start3A_364 = arith.constant 0 : i32
        %dma_start3A_365 = arith.constant 0 : i32
        %dma_start3A_366 = tpu.memref_slice %arg2[%dma_start3A_364, %dma_start3A_365] : memref<10000x128xf32, #tpu.memory_space<hbm>> -> memref<10000x128xf32, #tpu.memory_space<hbm>>
        tpu.enqueue_indirect_dma source(%dma_start3A_366 : memref<10000x128xf32, #tpu.memory_space<hbm>>) target(%arg11 : memref<128x128xf32, #tpu.memory_space<vmem>>) offsets(%arg7 : memref<128xi32, #tpu.memory_space<vmem>>) semaphore(%arg23 : memref<!tpu.dma_semaphore, #tpu.memory_space<semaphore_mem>>)
      } else {
      }
      %mul3A_276 = arith.constant 3 : i32
      %mul3A_277 = arith.muli %mul3A_276, %add3A_235 : i32
      %add3A_278 = arith.constant 1 : i32
      %add3A_279 = arith.addi %mul3A_277, %add3A_278 : i32
      %mul3A_280 = arith.constant 32 : i32
      %mul3A_281 = arith.muli %add3A_279, %mul3A_280 : i32
      %add3A_282 = arith.addi %mul3A_281, %add3A : i32
      %add3A_283 = arith.constant 1 : i32
      %add3A_284 = arith.addi %add3A_235, %add3A_283 : i32
      %mul3A_285 = arith.constant 3 : i32
      %mul3A_286 = arith.muli %mul3A_285, %add3A_284 : i32
      %add3A_287 = arith.constant 1 : i32
      %add3A_288 = arith.addi %mul3A_286, %add3A_287 : i32
      %mul3A_289 = arith.constant 32 : i32
      %mul3A_290 = arith.muli %add3A_288, %mul3A_289 : i32
      %add3A_291 = arith.addi %mul3A_290, %add3A : i32
      %add3A_292 = arith.constant 2 : i32
      %add3A_293 = arith.addi %add3A_235, %add3A_292 : i32
      %mul3A_294 = arith.constant 3 : i32
      %mul3A_295 = arith.muli %mul3A_294, %add3A_293 : i32
      %add3A_296 = arith.constant 1 : i32
      %add3A_297 = arith.addi %mul3A_295, %add3A_296 : i32
      %mul3A_298 = arith.constant 32 : i32
      %mul3A_299 = arith.muli %add3A_297, %mul3A_298 : i32
      %add3A_300 = arith.addi %mul3A_299, %add3A : i32
      %lt3A_301 = arith.constant 2500 : i32
      %lt3A_302 = arith.cmpi slt, %add3A_282, %lt3A_301 : i32
      %convert_element_type3A_303 = arith.extui %lt3A_302 : i1 to i32
      %cond3A_304 = arith.constant 0 : i32
      %cond3A_305 = arith.cmpi ne, %convert_element_type3A_303, %cond3A_304 : i32
      scf.if %cond3A_305 {
        %dma_wait3A_356 = arith.constant 0 : i32
        %dma_wait3A_357 = arith.constant 0 : i32
        %dma_wait3A_358 = tpu.memref_slice %arg2[%dma_wait3A_356, %dma_wait3A_357] : memref<10000x128xf32, #tpu.memory_space<hbm>> -> memref<10000x128xf32, #tpu.memory_space<hbm>>
        tpu.wait_indirect_dma semaphore(%arg24 : memref<!tpu.dma_semaphore, #tpu.memory_space<semaphore_mem>>) src(%dma_wait3A_358 : memref<10000x128xf32, #tpu.memory_space<hbm>>) dst(%arg16 : memref<128x128xf32, #tpu.memory_space<vmem>>)
        "tpu.region"() ({
          %run_scoped3A = tpu.sem_alloc : memref<!tpu.dma_semaphore, #tpu.memory_space<semaphore_mem>>
          %dma_start3A_359 = arith.constant 0 : i32
          %dma_start3A_360 = arith.constant 0 : i32
          %dma_start3A_361 = tpu.memref_slice %arg22[%dma_start3A_359, %dma_start3A_360] : memref<10000x128xf32, #tpu.memory_space<vmem_shared>> -> memref<10000x128xf32, #tpu.memory_space<vmem_shared>>
          tpu.enqueue_indirect_dma source(%arg16 : memref<128x128xf32, #tpu.memory_space<vmem>>) target(%dma_start3A_361 : memref<10000x128xf32, #tpu.memory_space<vmem_shared>>) offsets(%arg15 : memref<128xi32, #tpu.memory_space<vmem>>) semaphore(%run_scoped3A : memref<!tpu.dma_semaphore, #tpu.memory_space<semaphore_mem>>) {add = true}
          %dma_wait3A_362 = arith.constant 0 : i32
          %dma_wait3A_363 = arith.constant 0 : i32
          %dma_wait3A_364 = tpu.memref_slice %arg22[%dma_wait3A_362, %dma_wait3A_363] : memref<10000x128xf32, #tpu.memory_space<vmem_shared>> -> memref<10000x128xf32, #tpu.memory_space<vmem_shared>>
          tpu.wait_indirect_dma semaphore(%run_scoped3A : memref<!tpu.dma_semaphore, #tpu.memory_space<semaphore_mem>>) src(%arg16 : memref<128x128xf32, #tpu.memory_space<vmem>>) dst(%dma_wait3A_364 : memref<10000x128xf32, #tpu.memory_space<vmem_shared>>)
          tpu.yield
        }) : () -> ()
      } else {
      }
      %lt3A_306 = arith.constant 2500 : i32
      %lt3A_307 = arith.cmpi slt, %add3A_300, %lt3A_306 : i32
      %convert_element_type3A_308 = arith.extui %lt3A_307 : i1 to i32
      %cond3A_309 = arith.constant 0 : i32
      %cond3A_310 = arith.cmpi ne, %convert_element_type3A_308, %cond3A_309 : i32
      scf.if %cond3A_310 {
        %mul3A_356 = arith.constant 128 : i32
        %mul3A_357 = arith.muli %add3A_300, %mul3A_356 : i32
        %multiple_of3A_358 = tpu.assume_multiple %mul3A_357, 128 : i32
        %dma_start3A_359 = tpu.memref_slice %arg3[%multiple_of3A_358] : memref<320000xi32, #tpu.memory_space<hbm>> -> memref<128xi32, #tpu.memory_space<hbm>>
        %dma_start3A_360 = tpu.memref_slice %arg3[%multiple_of3A_358] : memref<320000xi32, #tpu.memory_space<hbm>> -> memref<128xi32, #tpu.memory_space<hbm>>
        tpu.enqueue_dma source(%dma_start3A_360 : memref<128xi32, #tpu.memory_space<hbm>>) target(%arg14 : memref<128xi32, #tpu.memory_space<vmem>>) target_semaphore(%arg27 : memref<!tpu.dma_semaphore, #tpu.memory_space<semaphore_mem>>)
        %dma_start3A_361 = tpu.memref_slice %arg4[%multiple_of3A_358] : memref<320000xi32, #tpu.memory_space<hbm>> -> memref<128xi32, #tpu.memory_space<hbm>>
        %dma_start3A_362 = tpu.memref_slice %arg4[%multiple_of3A_358] : memref<320000xi32, #tpu.memory_space<hbm>> -> memref<128xi32, #tpu.memory_space<hbm>>
        tpu.enqueue_dma source(%dma_start3A_362 : memref<128xi32, #tpu.memory_space<hbm>>) target(%arg15 : memref<128xi32, #tpu.memory_space<vmem>>) target_semaphore(%arg27 : memref<!tpu.dma_semaphore, #tpu.memory_space<semaphore_mem>>)
      } else {
      }
      %lt3A_311 = arith.constant 2500 : i32
      %lt3A_312 = arith.cmpi slt, %add3A_291, %lt3A_311 : i32
      %convert_element_type3A_313 = arith.extui %lt3A_312 : i1 to i32
      %cond3A_314 = arith.constant 0 : i32
      %cond3A_315 = arith.cmpi ne, %convert_element_type3A_313, %cond3A_314 : i32
      scf.if %cond3A_315 {
        %dma_wait3A_356 = arith.constant 0 : i32
        %dma_wait3A_357 = tpu.memref_slice %arg3[%dma_wait3A_356] : memref<320000xi32, #tpu.memory_space<hbm>> -> memref<128xi32, #tpu.memory_space<hbm>>
        %dma_wait3A_358 = arith.constant 0 : i32
        %dma_wait3A_359 = tpu.memref_slice %arg3[%dma_wait3A_358] : memref<320000xi32, #tpu.memory_space<hbm>> -> memref<128xi32, #tpu.memory_space<hbm>>
        tpu.wait_dma2 semaphore(%arg27 : memref<!tpu.dma_semaphore, #tpu.memory_space<semaphore_mem>>) src(%dma_wait3A_359 : memref<128xi32, #tpu.memory_space<hbm>>) dst(%arg12 : memref<128xi32, #tpu.memory_space<vmem>>)
        %dma_wait3A_360 = arith.constant 0 : i32
        %dma_wait3A_361 = tpu.memref_slice %arg3[%dma_wait3A_360] : memref<320000xi32, #tpu.memory_space<hbm>> -> memref<128xi32, #tpu.memory_space<hbm>>
        %dma_wait3A_362 = arith.constant 0 : i32
        %dma_wait3A_363 = tpu.memref_slice %arg3[%dma_wait3A_362] : memref<320000xi32, #tpu.memory_space<hbm>> -> memref<128xi32, #tpu.memory_space<hbm>>
        tpu.wait_dma2 semaphore(%arg27 : memref<!tpu.dma_semaphore, #tpu.memory_space<semaphore_mem>>) src(%dma_wait3A_363 : memref<128xi32, #tpu.memory_space<hbm>>) dst(%arg13 : memref<128xi32, #tpu.memory_space<vmem>>)
        %dma_start3A_364 = arith.constant 0 : i32
        %dma_start3A_365 = arith.constant 0 : i32
        %dma_start3A_366 = tpu.memref_slice %arg2[%dma_start3A_364, %dma_start3A_365] : memref<10000x128xf32, #tpu.memory_space<hbm>> -> memref<10000x128xf32, #tpu.memory_space<hbm>>
        tpu.enqueue_indirect_dma source(%dma_start3A_366 : memref<10000x128xf32, #tpu.memory_space<hbm>>) target(%arg16 : memref<128x128xf32, #tpu.memory_space<vmem>>) offsets(%arg12 : memref<128xi32, #tpu.memory_space<vmem>>) semaphore(%arg24 : memref<!tpu.dma_semaphore, #tpu.memory_space<semaphore_mem>>)
      } else {
      }
      %mul3A_316 = arith.constant 3 : i32
      %mul3A_317 = arith.muli %mul3A_316, %add3A_235 : i32
      %add3A_318 = arith.constant 2 : i32
      %add3A_319 = arith.addi %mul3A_317, %add3A_318 : i32
      %mul3A_320 = arith.constant 32 : i32
      %mul3A_321 = arith.muli %add3A_319, %mul3A_320 : i32
      %add3A_322 = arith.addi %mul3A_321, %add3A : i32
      %add3A_323 = arith.constant 1 : i32
      %add3A_324 = arith.addi %add3A_235, %add3A_323 : i32
      %mul3A_325 = arith.constant 3 : i32
      %mul3A_326 = arith.muli %mul3A_325, %add3A_324 : i32
      %add3A_327 = arith.constant 2 : i32
      %add3A_328 = arith.addi %mul3A_326, %add3A_327 : i32
      %mul3A_329 = arith.constant 32 : i32
      %mul3A_330 = arith.muli %add3A_328, %mul3A_329 : i32
      %add3A_331 = arith.addi %mul3A_330, %add3A : i32
      %add3A_332 = arith.constant 2 : i32
      %add3A_333 = arith.addi %add3A_235, %add3A_332 : i32
      %mul3A_334 = arith.constant 3 : i32
      %mul3A_335 = arith.muli %mul3A_334, %add3A_333 : i32
      %add3A_336 = arith.constant 2 : i32
      %add3A_337 = arith.addi %mul3A_335, %add3A_336 : i32
      %mul3A_338 = arith.constant 32 : i32
      %mul3A_339 = arith.muli %add3A_337, %mul3A_338 : i32
      %add3A_340 = arith.addi %mul3A_339, %add3A : i32
      %lt3A_341 = arith.constant 2500 : i32
      %lt3A_342 = arith.cmpi slt, %add3A_322, %lt3A_341 : i32
      %convert_element_type3A_343 = arith.extui %lt3A_342 : i1 to i32
      %cond3A_344 = arith.constant 0 : i32
      %cond3A_345 = arith.cmpi ne, %convert_element_type3A_343, %cond3A_344 : i32
      scf.if %cond3A_345 {
        %dma_wait3A_356 = arith.constant 0 : i32
        %dma_wait3A_357 = arith.constant 0 : i32
        %dma_wait3A_358 = tpu.memref_slice %arg2[%dma_wait3A_356, %dma_wait3A_357] : memref<10000x128xf32, #tpu.memory_space<hbm>> -> memref<10000x128xf32, #tpu.memory_space<hbm>>
        tpu.wait_indirect_dma semaphore(%arg25 : memref<!tpu.dma_semaphore, #tpu.memory_space<semaphore_mem>>) src(%dma_wait3A_358 : memref<10000x128xf32, #tpu.memory_space<hbm>>) dst(%arg21 : memref<128x128xf32, #tpu.memory_space<vmem>>)
        "tpu.region"() ({
          %run_scoped3A = tpu.sem_alloc : memref<!tpu.dma_semaphore, #tpu.memory_space<semaphore_mem>>
          %dma_start3A_359 = arith.constant 0 : i32
          %dma_start3A_360 = arith.constant 0 : i32
          %dma_start3A_361 = tpu.memref_slice %arg22[%dma_start3A_359, %dma_start3A_360] : memref<10000x128xf32, #tpu.memory_space<vmem_shared>> -> memref<10000x128xf32, #tpu.memory_space<vmem_shared>>
          tpu.enqueue_indirect_dma source(%arg21 : memref<128x128xf32, #tpu.memory_space<vmem>>) target(%dma_start3A_361 : memref<10000x128xf32, #tpu.memory_space<vmem_shared>>) offsets(%arg20 : memref<128xi32, #tpu.memory_space<vmem>>) semaphore(%run_scoped3A : memref<!tpu.dma_semaphore, #tpu.memory_space<semaphore_mem>>) {add = true}
          %dma_wait3A_362 = arith.constant 0 : i32
          %dma_wait3A_363 = arith.constant 0 : i32
          %dma_wait3A_364 = tpu.memref_slice %arg22[%dma_wait3A_362, %dma_wait3A_363] : memref<10000x128xf32, #tpu.memory_space<vmem_shared>> -> memref<10000x128xf32, #tpu.memory_space<vmem_shared>>
          tpu.wait_indirect_dma semaphore(%run_scoped3A : memref<!tpu.dma_semaphore, #tpu.memory_space<semaphore_mem>>) src(%arg21 : memref<128x128xf32, #tpu.memory_space<vmem>>) dst(%dma_wait3A_364 : memref<10000x128xf32, #tpu.memory_space<vmem_shared>>)
          tpu.yield
        }) : () -> ()
      } else {
      }
      %lt3A_346 = arith.constant 2500 : i32
      %lt3A_347 = arith.cmpi slt, %add3A_340, %lt3A_346 : i32
      %convert_element_type3A_348 = arith.extui %lt3A_347 : i1 to i32
      %cond3A_349 = arith.constant 0 : i32
      %cond3A_350 = arith.cmpi ne, %convert_element_type3A_348, %cond3A_349 : i32
      scf.if %cond3A_350 {
        %mul3A_356 = arith.constant 128 : i32
        %mul3A_357 = arith.muli %add3A_340, %mul3A_356 : i32
        %multiple_of3A_358 = tpu.assume_multiple %mul3A_357, 128 : i32
        %dma_start3A_359 = tpu.memref_slice %arg3[%multiple_of3A_358] : memref<320000xi32, #tpu.memory_space<hbm>> -> memref<128xi32, #tpu.memory_space<hbm>>
        %dma_start3A_360 = tpu.memref_slice %arg3[%multiple_of3A_358] : memref<320000xi32, #tpu.memory_space<hbm>> -> memref<128xi32, #tpu.memory_space<hbm>>
        tpu.enqueue_dma source(%dma_start3A_360 : memref<128xi32, #tpu.memory_space<hbm>>) target(%arg19 : memref<128xi32, #tpu.memory_space<vmem>>) target_semaphore(%arg28 : memref<!tpu.dma_semaphore, #tpu.memory_space<semaphore_mem>>)
        %dma_start3A_361 = tpu.memref_slice %arg4[%multiple_of3A_358] : memref<320000xi32, #tpu.memory_space<hbm>> -> memref<128xi32, #tpu.memory_space<hbm>>
        %dma_start3A_362 = tpu.memref_slice %arg4[%multiple_of3A_358] : memref<320000xi32, #tpu.memory_space<hbm>> -> memref<128xi32, #tpu.memory_space<hbm>>
        tpu.enqueue_dma source(%dma_start3A_362 : memref<128xi32, #tpu.memory_space<hbm>>) target(%arg20 : memref<128xi32, #tpu.memory_space<vmem>>) target_semaphore(%arg28 : memref<!tpu.dma_semaphore, #tpu.memory_space<semaphore_mem>>)
      } else {
      }
      %lt3A_351 = arith.constant 2500 : i32
      %lt3A_352 = arith.cmpi slt, %add3A_331, %lt3A_351 : i32
      %convert_element_type3A_353 = arith.extui %lt3A_352 : i1 to i32
      %cond3A_354 = arith.constant 0 : i32
      %cond3A_355 = arith.cmpi ne, %convert_element_type3A_353, %cond3A_354 : i32
      scf.if %cond3A_355 {
        %dma_wait3A_356 = arith.constant 0 : i32
        %dma_wait3A_357 = tpu.memref_slice %arg3[%dma_wait3A_356] : memref<320000xi32, #tpu.memory_space<hbm>> -> memref<128xi32, #tpu.memory_space<hbm>>
        %dma_wait3A_358 = arith.constant 0 : i32
        %dma_wait3A_359 = tpu.memref_slice %arg3[%dma_wait3A_358] : memref<320000xi32, #tpu.memory_space<hbm>> -> memref<128xi32, #tpu.memory_space<hbm>>
        tpu.wait_dma2 semaphore(%arg28 : memref<!tpu.dma_semaphore, #tpu.memory_space<semaphore_mem>>) src(%dma_wait3A_359 : memref<128xi32, #tpu.memory_space<hbm>>) dst(%arg17 : memref<128xi32, #tpu.memory_space<vmem>>)
        %dma_wait3A_360 = arith.constant 0 : i32
        %dma_wait3A_361 = tpu.memref_slice %arg3[%dma_wait3A_360] : memref<320000xi32, #tpu.memory_space<hbm>> -> memref<128xi32, #tpu.memory_space<hbm>>
        %dma_wait3A_362 = arith.constant 0 : i32
        %dma_wait3A_363 = tpu.memref_slice %arg3[%dma_wait3A_362] : memref<320000xi32, #tpu.memory_space<hbm>> -> memref<128xi32, #tpu.memory_space<hbm>>
        tpu.wait_dma2 semaphore(%arg28 : memref<!tpu.dma_semaphore, #tpu.memory_space<semaphore_mem>>) src(%dma_wait3A_363 : memref<128xi32, #tpu.memory_space<hbm>>) dst(%arg18 : memref<128xi32, #tpu.memory_space<vmem>>)
        %dma_start3A_364 = arith.constant 0 : i32
        %dma_start3A_365 = arith.constant 0 : i32
        %dma_start3A_366 = tpu.memref_slice %arg2[%dma_start3A_364, %dma_start3A_365] : memref<10000x128xf32, #tpu.memory_space<hbm>> -> memref<10000x128xf32, #tpu.memory_space<hbm>>
        tpu.enqueue_indirect_dma source(%dma_start3A_366 : memref<10000x128xf32, #tpu.memory_space<hbm>>) target(%arg21 : memref<128x128xf32, #tpu.memory_space<vmem>>) offsets(%arg17 : memref<128xi32, #tpu.memory_space<vmem>>) semaphore(%arg25 : memref<!tpu.dma_semaphore, #tpu.memory_space<semaphore_mem>>)
      } else {
      }
    }
    %scan3A_97 = arith.constant 14 : i32
    %barrier3A_98 = arith.constant 0 : index
    tpu.barrier barrier_id(%barrier3A_98)
    %lt3A_99 = arith.constant 15 : i32
    %lt3A_100 = arith.cmpi slt, %arg1, %lt3A_99 : i32
    %convert_element_type3A_101 = arith.extui %lt3A_100 : i1 to i32
    %cond3A_102 = arith.constant 0 : i32
    %cond3A_103 = arith.cmpi ne, %convert_element_type3A_101, %cond3A_102 : i32
    scf.if %cond3A_103 {
      %mul3A_109 = arith.constant 10000 : i32
      %mul3A_110 = arith.muli %arg0, %mul3A_109 : i32
      %add3A_111 = arith.addi %mul3A_110, %mul3A_54 : i32
      "tpu.region"() ({
        %run_scoped3A = tpu.sem_alloc : memref<!tpu.dma_semaphore, #tpu.memory_space<semaphore_mem>>
        %dma_start3A_112 = arith.constant 0 : i32
        %dma_start3A_113 = tpu.memref_slice %arg6[%add3A_111, %dma_start3A_112] : memref<20000x128xf32, #tpu.memory_space<hbm>> -> memref<624x128xf32, #tpu.memory_space<hbm>>
        %dma_start3A_114 = arith.constant 0 : i32
        %dma_start3A_115 = tpu.memref_slice %arg22[%mul3A_54, %dma_start3A_114] : memref<10000x128xf32, #tpu.memory_space<vmem_shared>> -> memref<624x128xf32, #tpu.memory_space<vmem_shared>>
        tpu.enqueue_dma source(%dma_start3A_115 : memref<624x128xf32, #tpu.memory_space<vmem_shared>>) target(%dma_start3A_113 : memref<624x128xf32, #tpu.memory_space<hbm>>) target_semaphore(%run_scoped3A : memref<!tpu.dma_semaphore, #tpu.memory_space<semaphore_mem>>)
        %dma_wait3A_116 = arith.constant 0 : i32
        %dma_wait3A_117 = tpu.memref_slice %arg6[%add3A_111, %dma_wait3A_116] : memref<20000x128xf32, #tpu.memory_space<hbm>> -> memref<624x128xf32, #tpu.memory_space<hbm>>
        %dma_wait3A_118 = arith.constant 0 : i32
        %dma_wait3A_119 = tpu.memref_slice %arg22[%mul3A_54, %dma_wait3A_118] : memref<10000x128xf32, #tpu.memory_space<vmem_shared>> -> memref<624x128xf32, #tpu.memory_space<vmem_shared>>
        tpu.wait_dma2 semaphore(%run_scoped3A : memref<!tpu.dma_semaphore, #tpu.memory_space<semaphore_mem>>) src(%dma_wait3A_119 : memref<624x128xf32, #tpu.memory_space<vmem_shared>>) dst(%dma_wait3A_117 : memref<624x128xf32, #tpu.memory_space<hbm>>)
        tpu.yield
      }) : () -> ()
    } else {
    }
    %eq3A_104 = arith.constant 15 : i32
    %eq3A_105 = arith.cmpi eq, %arg1, %eq3A_104 : i32
    %convert_element_type3A_106 = arith.extui %eq3A_105 : i1 to i32
    %cond3A_107 = arith.constant 0 : i32
    %cond3A_108 = arith.cmpi ne, %convert_element_type3A_106, %cond3A_107 : i32
    scf.if %cond3A_108 {
      %mul3A_109 = arith.constant 10000 : i32
      %mul3A_110 = arith.muli %arg0, %mul3A_109 : i32
      %add3A_111 = arith.addi %mul3A_110, %mul3A_54 : i32
      "tpu.region"() ({
        %run_scoped3A = tpu.sem_alloc : memref<!tpu.dma_semaphore, #tpu.memory_space<semaphore_mem>>
        %dma_start3A_112 = arith.constant 0 : i32
        %dma_start3A_113 = tpu.memref_slice %arg6[%add3A_111, %dma_start3A_112] : memref<20000x128xf32, #tpu.memory_space<hbm>> -> memref<640x128xf32, #tpu.memory_space<hbm>>
        %dma_start3A_114 = arith.constant 0 : i32
        %dma_start3A_115 = tpu.memref_slice %arg22[%mul3A_54, %dma_start3A_114] : memref<10000x128xf32, #tpu.memory_space<vmem_shared>> -> memref<640x128xf32, #tpu.memory_space<vmem_shared>>
        tpu.enqueue_dma source(%dma_start3A_115 : memref<640x128xf32, #tpu.memory_space<vmem_shared>>) target(%dma_start3A_113 : memref<640x128xf32, #tpu.memory_space<hbm>>) target_semaphore(%run_scoped3A : memref<!tpu.dma_semaphore, #tpu.memory_space<semaphore_mem>>)
        %dma_wait3A_116 = arith.constant 0 : i32
        %dma_wait3A_117 = tpu.memref_slice %arg6[%add3A_111, %dma_wait3A_116] : memref<20000x128xf32, #tpu.memory_space<hbm>> -> memref<640x128xf32, #tpu.memory_space<hbm>>
        %dma_wait3A_118 = arith.constant 0 : i32
        %dma_wait3A_119 = tpu.memref_slice %arg22[%mul3A_54, %dma_wait3A_118] : memref<10000x128xf32, #tpu.memory_space<vmem_shared>> -> memref<640x128xf32, #tpu.memory_space<vmem_shared>>
        tpu.wait_dma2 semaphore(%run_scoped3A : memref<!tpu.dma_semaphore, #tpu.memory_space<semaphore_mem>>) src(%dma_wait3A_119 : memref<640x128xf32, #tpu.memory_space<vmem_shared>>) dst(%dma_wait3A_117 : memref<640x128xf32, #tpu.memory_space<hbm>>)
        tpu.yield
      }) : () -> ()
    } else {
    }
    return
  }
}

#map = affine_map<(d0, d1) -> (0, 0)>
#map1 = affine_map<(d0, d1) -> (0)>
module attributes {stable_mosaic.version = 14 : i64} {
  func.func @_seg_sum_body(%arg0: i32, %arg1: i32, %arg2: memref<10000x128xf32, #tpu.memory_space<hbm>>, %arg3: memref<320000xi32, #tpu.memory_space<hbm>>, %arg4: memref<320000xi32, #tpu.memory_space<hbm>>, %arg5: memref<10000x128xf32, #tpu.memory_space<hbm>>, %arg6: memref<20000x128xf32, #tpu.memory_space<hbm>>, %arg7: memref<128xi32, #tpu.memory_space<vmem>>, %arg8: memref<128xi32, #tpu.memory_space<vmem>>, %arg9: memref<128xi32, #tpu.memory_space<vmem>>, %arg10: memref<128xi32, #tpu.memory_space<vmem>>, %arg11: memref<128x128xf32, #tpu.memory_space<vmem>>, %arg12: memref<128xi32, #tpu.memory_space<vmem>>, %arg13: memref<128xi32, #tpu.memory_space<vmem>>, %arg14: memref<128xi32, #tpu.memory_space<vmem>>, %arg15: memref<128xi32, #tpu.memory_space<vmem>>, %arg16: memref<128x128xf32, #tpu.memory_space<vmem>>, %arg17: memref<128xi32, #tpu.memory_space<vmem>>, %arg18: memref<128xi32, #tpu.memory_space<vmem>>, %arg19: memref<128xi32, #tpu.memory_space<vmem>>, %arg20: memref<128xi32, #tpu.memory_space<vmem>>, %arg21: memref<128x128xf32, #tpu.memory_space<vmem>>, %arg22: memref<10000x128xf32, #tpu.memory_space<vmem_shared>>, %arg23: memref<!tpu.dma_semaphore, #tpu.memory_space<semaphore_mem>>, %arg24: memref<!tpu.dma_semaphore, #tpu.memory_space<semaphore_mem>>, %arg25: memref<!tpu.dma_semaphore, #tpu.memory_space<semaphore_mem>>, %arg26: memref<!tpu.dma_semaphore, #tpu.memory_space<semaphore_mem>>, %arg27: memref<!tpu.dma_semaphore, #tpu.memory_space<semaphore_mem>>, %arg28: memref<!tpu.dma_semaphore, #tpu.memory_space<semaphore_mem>>) attributes {dimension_semantics = [#tpu.dimension_semantics<core_parallel>, #tpu.dimension_semantics<subcore_parallel>], iteration_bounds = array<i64: 2, 16>, scalar_prefetch = 0 : i64, scratch_operands = 22 : i64, tpu.core_type = #tpu.core_type<sc_vector_subcore>, window_params = [{transform_indices = #map}, {transform_indices = #map1}, {transform_indices = #map1}, {transform_indices = #map}, {transform_indices = #map}]} {
    %mul3A = arith.constant 16 : i32
    %mul3A_0 = arith.muli %arg0, %mul3A : i32
    %add3A = arith.addi %mul3A_0, %arg1 : i32
    %add3A_1 = arith.constant 0 : i32
    %add3A_2 = arith.addi %add3A_1, %add3A : i32
    %mul3A_3 = arith.constant 128 : i32
    %mul3A_4 = arith.muli %add3A_2, %mul3A_3 : i32
    %multiple_of3A = tpu.assume_multiple %mul3A_4, 128 : i32
    %dma_start3A = tpu.memref_slice %arg3[%multiple_of3A] : memref<320000xi32, #tpu.memory_space<hbm>> -> memref<128xi32, #tpu.memory_space<hbm>>
    %dma_start3A_5 = tpu.memref_slice %arg3[%multiple_of3A] : memref<320000xi32, #tpu.memory_space<hbm>> -> memref<128xi32, #tpu.memory_space<hbm>>
    tpu.enqueue_dma source(%dma_start3A_5 : memref<128xi32, #tpu.memory_space<hbm>>) target(%arg7 : memref<128xi32, #tpu.memory_space<vmem>>) target_semaphore(%arg26 : memref<!tpu.dma_semaphore, #tpu.memory_space<semaphore_mem>>)
    %dma_start3A_6 = tpu.memref_slice %arg4[%multiple_of3A] : memref<320000xi32, #tpu.memory_space<hbm>> -> memref<128xi32, #tpu.memory_space<hbm>>
    %dma_start3A_7 = tpu.memref_slice %arg4[%multiple_of3A] : memref<320000xi32, #tpu.memory_space<hbm>> -> memref<128xi32, #tpu.memory_space<hbm>>
    tpu.enqueue_dma source(%dma_start3A_7 : memref<128xi32, #tpu.memory_space<hbm>>) target(%arg8 : memref<128xi32, #tpu.memory_space<vmem>>) target_semaphore(%arg26 : memref<!tpu.dma_semaphore, #tpu.memory_space<semaphore_mem>>)
    %add3A_8 = arith.constant 32 : i32
    %add3A_9 = arith.addi %add3A_8, %add3A : i32
    %mul3A_10 = arith.constant 128 : i32
    %mul3A_11 = arith.muli %add3A_9, %mul3A_10 : i32
    %multiple_of3A_12 = tpu.assume_multiple %mul3A_11, 128 : i32
    %dma_start3A_13 = tpu.memref_slice %arg3[%multiple_of3A_12] : memref<320000xi32, #tpu.memory_space<hbm>> -> memref<128xi32, #tpu.memory_space<hbm>>
    %dma_start3A_14 = tpu.memref_slice %arg3[%multiple_of3A_12] : memref<320000xi32, #tpu.memory_space<hbm>> -> memref<128xi32, #tpu.memory_space<hbm>>
    tpu.enqueue_dma source(%dma_start3A_14 : memref<128xi32, #tpu.memory_space<hbm>>) target(%arg12 : memref<128xi32, #tpu.memory_space<vmem>>) target_semaphore(%arg27 : memref<!tpu.dma_semaphore, #tpu.memory_space<semaphore_mem>>)
    %dma_start3A_15 = tpu.memref_slice %arg4[%multiple_of3A_12] : memref<320000xi32, #tpu.memory_space<hbm>> -> memref<128xi32, #tpu.memory_space<hbm>>
    %dma_start3A_16 = tpu.memref_slice %arg4[%multiple_of3A_12] : memref<320000xi32, #tpu.memory_space<hbm>> -> memref<128xi32, #tpu.memory_space<hbm>>
    tpu.enqueue_dma source(%dma_start3A_16 : memref<128xi32, #tpu.memory_space<hbm>>) target(%arg13 : memref<128xi32, #tpu.memory_space<vmem>>) target_semaphore(%arg27 : memref<!tpu.dma_semaphore, #tpu.memory_space<semaphore_mem>>)
    %add3A_17 = arith.constant 64 : i32
    %add3A_18 = arith.addi %add3A_17, %add3A : i32
    %mul3A_19 = arith.constant 128 : i32
    %mul3A_20 = arith.muli %add3A_18, %mul3A_19 : i32
    %multiple_of3A_21 = tpu.assume_multiple %mul3A_20, 128 : i32
    %dma_start3A_22 = tpu.memref_slice %arg3[%multiple_of3A_21] : memref<320000xi32, #tpu.memory_space<hbm>> -> memref<128xi32, #tpu.memory_space<hbm>>
    %dma_start3A_23 = tpu.memref_slice %arg3[%multiple_of3A_21] : memref<320000xi32, #tpu.memory_space<hbm>> -> memref<128xi32, #tpu.memory_space<hbm>>
    tpu.enqueue_dma source(%dma_start3A_23 : memref<128xi32, #tpu.memory_space<hbm>>) target(%arg17 : memref<128xi32, #tpu.memory_space<vmem>>) target_semaphore(%arg28 : memref<!tpu.dma_semaphore, #tpu.memory_space<semaphore_mem>>)
    %dma_start3A_24 = tpu.memref_slice %arg4[%multiple_of3A_21] : memref<320000xi32, #tpu.memory_space<hbm>> -> memref<128xi32, #tpu.memory_space<hbm>>
    %dma_start3A_25 = tpu.memref_slice %arg4[%multiple_of3A_21] : memref<320000xi32, #tpu.memory_space<hbm>> -> memref<128xi32, #tpu.memory_space<hbm>>
    tpu.enqueue_dma source(%dma_start3A_25 : memref<128xi32, #tpu.memory_space<hbm>>) target(%arg18 : memref<128xi32, #tpu.memory_space<vmem>>) target_semaphore(%arg28 : memref<!tpu.dma_semaphore, #tpu.memory_space<semaphore_mem>>)
    %add3A_26 = arith.constant 96 : i32
    %add3A_27 = arith.addi %add3A_26, %add3A : i32
    %mul3A_28 = arith.constant 128 : i32
    %mul3A_29 = arith.muli %add3A_27, %mul3A_28 : i32
    %multiple_of3A_30 = tpu.assume_multiple %mul3A_29, 128 : i32
    %dma_start3A_31 = tpu.memref_slice %arg3[%multiple_of3A_30] : memref<320000xi32, #tpu.memory_space<hbm>> -> memref<128xi32, #tpu.memory_space<hbm>>
    %dma_start3A_32 = tpu.memref_slice %arg3[%multiple_of3A_30] : memref<320000xi32, #tpu.memory_space<hbm>> -> memref<128xi32, #tpu.memory_space<hbm>>
    tpu.enqueue_dma source(%dma_start3A_32 : memref<128xi32, #tpu.memory_space<hbm>>) target(%arg9 : memref<128xi32, #tpu.memory_space<vmem>>) target_semaphore(%arg26 : memref<!tpu.dma_semaphore, #tpu.memory_space<semaphore_mem>>)
    %dma_start3A_33 = tpu.memref_slice %arg4[%multiple_of3A_30] : memref<320000xi32, #tpu.memory_space<hbm>> -> memref<128xi32, #tpu.memory_space<hbm>>
    %dma_start3A_34 = tpu.memref_slice %arg4[%multiple_of3A_30] : memref<320000xi32, #tpu.memory_space<hbm>> -> memref<128xi32, #tpu.memory_space<hbm>>
    tpu.enqueue_dma source(%dma_start3A_34 : memref<128xi32, #tpu.memory_space<hbm>>) target(%arg10 : memref<128xi32, #tpu.memory_space<vmem>>) target_semaphore(%arg26 : memref<!tpu.dma_semaphore, #tpu.memory_space<semaphore_mem>>)
    %add3A_35 = arith.constant 128 : i32
    %add3A_36 = arith.addi %add3A_35, %add3A : i32
    %mul3A_37 = arith.constant 128 : i32
    %mul3A_38 = arith.muli %add3A_36, %mul3A_37 : i32
    %multiple_of3A_39 = tpu.assume_multiple %mul3A_38, 128 : i32
    %dma_start3A_40 = tpu.memref_slice %arg3[%multiple_of3A_39] : memref<320000xi32, #tpu.memory_space<hbm>> -> memref<128xi32, #tpu.memory_space<hbm>>
    %dma_start3A_41 = tpu.memref_slice %arg3[%multiple_of3A_39] : memref<320000xi32, #tpu.memory_space<hbm>> -> memref<128xi32, #tpu.memory_space<hbm>>
    tpu.enqueue_dma source(%dma_start3A_41 : memref<128xi32, #tpu.memory_space<hbm>>) target(%arg14 : memref<128xi32, #tpu.memory_space<vmem>>) target_semaphore(%arg27 : memref<!tpu.dma_semaphore, #tpu.memory_space<semaphore_mem>>)
    %dma_start3A_42 = tpu.memref_slice %arg4[%multiple_of3A_39] : memref<320000xi32, #tpu.memory_space<hbm>> -> memref<128xi32, #tpu.memory_space<hbm>>
    %dma_start3A_43 = tpu.memref_slice %arg4[%multiple_of3A_39] : memref<320000xi32, #tpu.memory_space<hbm>> -> memref<128xi32, #tpu.memory_space<hbm>>
    tpu.enqueue_dma source(%dma_start3A_43 : memref<128xi32, #tpu.memory_space<hbm>>) target(%arg15 : memref<128xi32, #tpu.memory_space<vmem>>) target_semaphore(%arg27 : memref<!tpu.dma_semaphore, #tpu.memory_space<semaphore_mem>>)
    %add3A_44 = arith.constant 160 : i32
    %add3A_45 = arith.addi %add3A_44, %add3A : i32
    %mul3A_46 = arith.constant 128 : i32
    %mul3A_47 = arith.muli %add3A_45, %mul3A_46 : i32
    %multiple_of3A_48 = tpu.assume_multiple %mul3A_47, 128 : i32
    %dma_start3A_49 = tpu.memref_slice %arg3[%multiple_of3A_48] : memref<320000xi32, #tpu.memory_space<hbm>> -> memref<128xi32, #tpu.memory_space<hbm>>
    %dma_start3A_50 = tpu.memref_slice %arg3[%multiple_of3A_48] : memref<320000xi32, #tpu.memory_space<hbm>> -> memref<128xi32, #tpu.memory_space<hbm>>
    tpu.enqueue_dma source(%dma_start3A_50 : memref<128xi32, #tpu.memory_space<hbm>>) target(%arg19 : memref<128xi32, #tpu.memory_space<vmem>>) target_semaphore(%arg28 : memref<!tpu.dma_semaphore, #tpu.memory_space<semaphore_mem>>)
    %dma_start3A_51 = tpu.memref_slice %arg4[%multiple_of3A_48] : memref<320000xi32, #tpu.memory_space<hbm>> -> memref<128xi32, #tpu.memory_space<hbm>>
    %dma_start3A_52 = tpu.memref_slice %arg4[%multiple_of3A_48] : memref<320000xi32, #tpu.memory_space<hbm>> -> memref<128xi32, #tpu.memory_space<hbm>>
    tpu.enqueue_dma source(%dma_start3A_52 : memref<128xi32, #tpu.memory_space<hbm>>) target(%arg20 : memref<128xi32, #tpu.memory_space<vmem>>) target_semaphore(%arg28 : memref<!tpu.dma_semaphore, #tpu.memory_space<semaphore_mem>>)
    %mul3A_53 = arith.constant 624 : i32
    %mul3A_54 = arith.muli %arg1, %mul3A_53 : i32
    %lt3A = arith.constant 15 : i32
    %lt3A_55 = arith.cmpi slt, %arg1, %lt3A : i32
    %convert_element_type3A = arith.extui %lt3A_55 : i1 to i32
    %cond3A = arith.constant 0 : i32
    %cond3A_56 = arith.cmpi ne, %convert_element_type3A, %cond3A : i32
    scf.if %cond3A_56 {
      "tpu.region"() ({
        %run_scoped3A = tpu.sem_alloc : memref<!tpu.dma_semaphore, #tpu.memory_space<semaphore_mem>>
        %dma_start3A_109 = arith.constant 0 : i32
        %dma_start3A_110 = tpu.memref_slice %arg22[%mul3A_54, %dma_start3A_109] : memref<10000x128xf32, #tpu.memory_space<vmem_shared>> -> memref<624x128xf32, #tpu.memory_space<vmem_shared>>
        %dma_start3A_111 = arith.constant 0 : i32
        %dma_start3A_112 = tpu.memref_slice %arg5[%mul3A_54, %dma_start3A_111] : memref<10000x128xf32, #tpu.memory_space<hbm>> -> memref<624x128xf32, #tpu.memory_space<hbm>>
        tpu.enqueue_dma source(%dma_start3A_112 : memref<624x128xf32, #tpu.memory_space<hbm>>) target(%dma_start3A_110 : memref<624x128xf32, #tpu.memory_space<vmem_shared>>) target_semaphore(%run_scoped3A : memref<!tpu.dma_semaphore, #tpu.memory_space<semaphore_mem>>)
        %dma_wait3A_113 = arith.constant 0 : i32
        %dma_wait3A_114 = tpu.memref_slice %arg22[%mul3A_54, %dma_wait3A_113] : memref<10000x128xf32, #tpu.memory_space<vmem_shared>> -> memref<624x128xf32, #tpu.memory_space<vmem_shared>>
        %dma_wait3A_115 = arith.constant 0 : i32
        %dma_wait3A_116 = tpu.memref_slice %arg5[%mul3A_54, %dma_wait3A_115] : memref<10000x128xf32, #tpu.memory_space<hbm>> -> memref<624x128xf32, #tpu.memory_space<hbm>>
        tpu.wait_dma2 semaphore(%run_scoped3A : memref<!tpu.dma_semaphore, #tpu.memory_space<semaphore_mem>>) src(%dma_wait3A_116 : memref<624x128xf32, #tpu.memory_space<hbm>>) dst(%dma_wait3A_114 : memref<624x128xf32, #tpu.memory_space<vmem_shared>>)
        tpu.yield
      }) : () -> ()
    } else {
    }
    %eq3A = arith.constant 15 : i32
    %eq3A_57 = arith.cmpi eq, %arg1, %eq3A : i32
    %convert_element_type3A_58 = arith.extui %eq3A_57 : i1 to i32
    %cond3A_59 = arith.constant 0 : i32
    %cond3A_60 = arith.cmpi ne, %convert_element_type3A_58, %cond3A_59 : i32
    scf.if %cond3A_60 {
      "tpu.region"() ({
        %run_scoped3A = tpu.sem_alloc : memref<!tpu.dma_semaphore, #tpu.memory_space<semaphore_mem>>
        %dma_start3A_109 = arith.constant 0 : i32
        %dma_start3A_110 = tpu.memref_slice %arg22[%mul3A_54, %dma_start3A_109] : memref<10000x128xf32, #tpu.memory_space<vmem_shared>> -> memref<640x128xf32, #tpu.memory_space<vmem_shared>>
        %dma_start3A_111 = arith.constant 0 : i32
        %dma_start3A_112 = tpu.memref_slice %arg5[%mul3A_54, %dma_start3A_111] : memref<10000x128xf32, #tpu.memory_space<hbm>> -> memref<640x128xf32, #tpu.memory_space<hbm>>
        tpu.enqueue_dma source(%dma_start3A_112 : memref<640x128xf32, #tpu.memory_space<hbm>>) target(%dma_start3A_110 : memref<640x128xf32, #tpu.memory_space<vmem_shared>>) target_semaphore(%run_scoped3A : memref<!tpu.dma_semaphore, #tpu.memory_space<semaphore_mem>>)
        %dma_wait3A_113 = arith.constant 0 : i32
        %dma_wait3A_114 = tpu.memref_slice %arg22[%mul3A_54, %dma_wait3A_113] : memref<10000x128xf32, #tpu.memory_space<vmem_shared>> -> memref<640x128xf32, #tpu.memory_space<vmem_shared>>
        %dma_wait3A_115 = arith.constant 0 : i32
        %dma_wait3A_116 = tpu.memref_slice %arg5[%mul3A_54, %dma_wait3A_115] : memref<10000x128xf32, #tpu.memory_space<hbm>> -> memref<640x128xf32, #tpu.memory_space<hbm>>
        tpu.wait_dma2 semaphore(%run_scoped3A : memref<!tpu.dma_semaphore, #tpu.memory_space<semaphore_mem>>) src(%dma_wait3A_116 : memref<640x128xf32, #tpu.memory_space<hbm>>) dst(%dma_wait3A_114 : memref<640x128xf32, #tpu.memory_space<vmem_shared>>)
        tpu.yield
      }) : () -> ()
    } else {
    }
    %dma_wait3A = arith.constant 0 : i32
    %dma_wait3A_61 = tpu.memref_slice %arg3[%dma_wait3A] : memref<320000xi32, #tpu.memory_space<hbm>> -> memref<128xi32, #tpu.memory_space<hbm>>
    %dma_wait3A_62 = arith.constant 0 : i32
    %dma_wait3A_63 = tpu.memref_slice %arg3[%dma_wait3A_62] : memref<320000xi32, #tpu.memory_space<hbm>> -> memref<128xi32, #tpu.memory_space<hbm>>
    tpu.wait_dma2 semaphore(%arg26 : memref<!tpu.dma_semaphore, #tpu.memory_space<semaphore_mem>>) src(%dma_wait3A_63 : memref<128xi32, #tpu.memory_space<hbm>>) dst(%arg7 : memref<128xi32, #tpu.memory_space<vmem>>)
    %dma_wait3A_64 = arith.constant 0 : i32
    %dma_wait3A_65 = tpu.memref_slice %arg3[%dma_wait3A_64] : memref<320000xi32, #tpu.memory_space<hbm>> -> memref<128xi32, #tpu.memory_space<hbm>>
    %dma_wait3A_66 = arith.constant 0 : i32
    %dma_wait3A_67 = tpu.memref_slice %arg3[%dma_wait3A_66] : memref<320000xi32, #tpu.memory_space<hbm>> -> memref<128xi32, #tpu.memory_space<hbm>>
    tpu.wait_dma2 semaphore(%arg26 : memref<!tpu.dma_semaphore, #tpu.memory_space<semaphore_mem>>) src(%dma_wait3A_67 : memref<128xi32, #tpu.memory_space<hbm>>) dst(%arg8 : memref<128xi32, #tpu.memory_space<vmem>>)
    %dma_start3A_68 = arith.constant 0 : i32
    %dma_start3A_69 = arith.constant 0 : i32
    %dma_start3A_70 = tpu.memref_slice %arg2[%dma_start3A_68, %dma_start3A_69] : memref<10000x128xf32, #tpu.memory_space<hbm>> -> memref<10000x128xf32, #tpu.memory_space<hbm>>
    tpu.enqueue_indirect_dma source(%dma_start3A_70 : memref<10000x128xf32, #tpu.memory_space<hbm>>) target(%arg11 : memref<128x128xf32, #tpu.memory_space<vmem>>) offsets(%arg7 : memref<128xi32, #tpu.memory_space<vmem>>) semaphore(%arg23 : memref<!tpu.dma_semaphore, #tpu.memory_space<semaphore_mem>>)
    %dma_wait3A_71 = arith.constant 0 : i32
    %dma_wait3A_72 = tpu.memref_slice %arg3[%dma_wait3A_71] : memref<320000xi32, #tpu.memory_space<hbm>> -> memref<128xi32, #tpu.memory_space<hbm>>
    %dma_wait3A_73 = arith.constant 0 : i32
    %dma_wait3A_74 = tpu.memref_slice %arg3[%dma_wait3A_73] : memref<320000xi32, #tpu.memory_space<hbm>> -> memref<128xi32, #tpu.memory_space<hbm>>
    tpu.wait_dma2 semaphore(%arg27 : memref<!tpu.dma_semaphore, #tpu.memory_space<semaphore_mem>>) src(%dma_wait3A_74 : memref<128xi32, #tpu.memory_space<hbm>>) dst(%arg12 : memref<128xi32, #tpu.memory_space<vmem>>)
    %dma_wait3A_75 = arith.constant 0 : i32
    %dma_wait3A_76 = tpu.memref_slice %arg3[%dma_wait3A_75] : memref<320000xi32, #tpu.memory_space<hbm>> -> memref<128xi32, #tpu.memory_space<hbm>>
    %dma_wait3A_77 = arith.constant 0 : i32
    %dma_wait3A_78 = tpu.memref_slice %arg3[%dma_wait3A_77] : memref<320000xi32, #tpu.memory_space<hbm>> -> memref<128xi32, #tpu.memory_space<hbm>>
    tpu.wait_dma2 semaphore(%arg27 : memref<!tpu.dma_semaphore, #tpu.memory_space<semaphore_mem>>) src(%dma_wait3A_78 : memref<128xi32, #tpu.memory_space<hbm>>) dst(%arg13 : memref<128xi32, #tpu.memory_space<vmem>>)
    %dma_start3A_79 = arith.constant 0 : i32
    %dma_start3A_80 = arith.constant 0 : i32
    %dma_start3A_81 = tpu.memref_slice %arg2[%dma_start3A_79, %dma_start3A_80] : memref<10000x128xf32, #tpu.memory_space<hbm>> -> memref<10000x128xf32, #tpu.memory_space<hbm>>
    tpu.enqueue_indirect_dma source(%dma_start3A_81 : memref<10000x128xf32, #tpu.memory_space<hbm>>) target(%arg16 : memref<128x128xf32, #tpu.memory_space<vmem>>) offsets(%arg12 : memref<128xi32, #tpu.memory_space<vmem>>) semaphore(%arg24 : memref<!tpu.dma_semaphore, #tpu.memory_space<semaphore_mem>>)
    %dma_wait3A_82 = arith.constant 0 : i32
    %dma_wait3A_83 = tpu.memref_slice %arg3[%dma_wait3A_82] : memref<320000xi32, #tpu.memory_space<hbm>> -> memref<128xi32, #tpu.memory_space<hbm>>
    %dma_wait3A_84 = arith.constant 0 : i32
    %dma_wait3A_85 = tpu.memref_slice %arg3[%dma_wait3A_84] : memref<320000xi32, #tpu.memory_space<hbm>> -> memref<128xi32, #tpu.memory_space<hbm>>
    tpu.wait_dma2 semaphore(%arg28 : memref<!tpu.dma_semaphore, #tpu.memory_space<semaphore_mem>>) src(%dma_wait3A_85 : memref<128xi32, #tpu.memory_space<hbm>>) dst(%arg17 : memref<128xi32, #tpu.memory_space<vmem>>)
    %dma_wait3A_86 = arith.constant 0 : i32
    %dma_wait3A_87 = tpu.memref_slice %arg3[%dma_wait3A_86] : memref<320000xi32, #tpu.memory_space<hbm>> -> memref<128xi32, #tpu.memory_space<hbm>>
    %dma_wait3A_88 = arith.constant 0 : i32
    %dma_wait3A_89 = tpu.memref_slice %arg3[%dma_wait3A_88] : memref<320000xi32, #tpu.memory_space<hbm>> -> memref<128xi32, #tpu.memory_space<hbm>>
    tpu.wait_dma2 semaphore(%arg28 : memref<!tpu.dma_semaphore, #tpu.memory_space<semaphore_mem>>) src(%dma_wait3A_89 : memref<128xi32, #tpu.memory_space<hbm>>) dst(%arg18 : memref<128xi32, #tpu.memory_space<vmem>>)
    %dma_start3A_90 = arith.constant 0 : i32
    %dma_start3A_91 = arith.constant 0 : i32
    %dma_start3A_92 = tpu.memref_slice %arg2[%dma_start3A_90, %dma_start3A_91] : memref<10000x128xf32, #tpu.memory_space<hbm>> -> memref<10000x128xf32, #tpu.memory_space<hbm>>
    tpu.enqueue_indirect_dma source(%dma_start3A_92 : memref<10000x128xf32, #tpu.memory_space<hbm>>) target(%arg21 : memref<128x128xf32, #tpu.memory_space<vmem>>) offsets(%arg17 : memref<128xi32, #tpu.memory_space<vmem>>) semaphore(%arg25 : memref<!tpu.dma_semaphore, #tpu.memory_space<semaphore_mem>>)
    %barrier3A = arith.constant 0 : index
    tpu.barrier barrier_id(%barrier3A)
    %scan3A = arith.constant 0 : i32
    %scan3A_93 = arith.constant 0 : i32
    %scan3A_94 = arith.constant 14 : i32
    %scan3A_95 = arith.addi %scan3A_93, %scan3A_94 : i32
    %scan3A_96 = arith.constant 1 : i32
    scf.for %scan3A_109 = %scan3A_93 to %scan3A_95 step %scan3A_96  : i32 {
      %mul3A_110 = arith.constant 2 : i32
      %mul3A_111 = arith.muli %mul3A_110, %scan3A_109 : i32
      %mul3A_112 = arith.constant 3 : i32
      %mul3A_113 = arith.muli %mul3A_112, %mul3A_111 : i32
      %add3A_114 = arith.constant 0 : i32
      %add3A_115 = arith.addi %mul3A_113, %add3A_114 : i32
      %mul3A_116 = arith.constant 32 : i32
      %mul3A_117 = arith.muli %add3A_115, %mul3A_116 : i32
      %add3A_118 = arith.addi %mul3A_117, %add3A : i32
      %add3A_119 = arith.constant 1 : i32
      %add3A_120 = arith.addi %mul3A_111, %add3A_119 : i32
      %mul3A_121 = arith.constant 3 : i32
      %mul3A_122 = arith.muli %mul3A_121, %add3A_120 : i32
      %add3A_123 = arith.constant 0 : i32
      %add3A_124 = arith.addi %mul3A_122, %add3A_123 : i32
      %mul3A_125 = arith.constant 32 : i32
      %mul3A_126 = arith.muli %add3A_124, %mul3A_125 : i32
      %add3A_127 = arith.addi %mul3A_126, %add3A : i32
      %add3A_128 = arith.constant 2 : i32
      %add3A_129 = arith.addi %mul3A_111, %add3A_128 : i32
      %mul3A_130 = arith.constant 3 : i32
      %mul3A_131 = arith.muli %mul3A_130, %add3A_129 : i32
      %add3A_132 = arith.constant 0 : i32
      %add3A_133 = arith.addi %mul3A_131, %add3A_132 : i32
      %mul3A_134 = arith.constant 32 : i32
      %mul3A_135 = arith.muli %add3A_133, %mul3A_134 : i32
      %add3A_136 = arith.addi %mul3A_135, %add3A : i32
      %lt3A_137 = arith.constant 2500 : i32
      %lt3A_138 = arith.cmpi slt, %add3A_118, %lt3A_137 : i32
      %convert_element_type3A_139 = arith.extui %lt3A_138 : i1 to i32
      %cond3A_140 = arith.constant 0 : i32
      %cond3A_141 = arith.cmpi ne, %convert_element_type3A_139, %cond3A_140 : i32
      scf.if %cond3A_141 {
        %dma_wait3A_356 = arith.constant 0 : i32
        %dma_wait3A_357 = arith.constant 0 : i32
        %dma_wait3A_358 = tpu.memref_slice %arg2[%dma_wait3A_356, %dma_wait3A_357] : memref<10000x128xf32, #tpu.memory_space<hbm>> -> memref<10000x128xf32, #tpu.memory_space<hbm>>
        tpu.wait_indirect_dma semaphore(%arg23 : memref<!tpu.dma_semaphore, #tpu.memory_space<semaphore_mem>>) src(%dma_wait3A_358 : memref<10000x128xf32, #tpu.memory_space<hbm>>) dst(%arg11 : memref<128x128xf32, #tpu.memory_space<vmem>>)
        "tpu.region"() ({
          %run_scoped3A = tpu.sem_alloc : memref<!tpu.dma_semaphore, #tpu.memory_space<semaphore_mem>>
          %dma_start3A_359 = arith.constant 0 : i32
          %dma_start3A_360 = arith.constant 0 : i32
          %dma_start3A_361 = tpu.memref_slice %arg22[%dma_start3A_359, %dma_start3A_360] : memref<10000x128xf32, #tpu.memory_space<vmem_shared>> -> memref<10000x128xf32, #tpu.memory_space<vmem_shared>>
          tpu.enqueue_indirect_dma source(%arg11 : memref<128x128xf32, #tpu.memory_space<vmem>>) target(%dma_start3A_361 : memref<10000x128xf32, #tpu.memory_space<vmem_shared>>) offsets(%arg8 : memref<128xi32, #tpu.memory_space<vmem>>) semaphore(%run_scoped3A : memref<!tpu.dma_semaphore, #tpu.memory_space<semaphore_mem>>) {add = true}
          %dma_wait3A_362 = arith.constant 0 : i32
          %dma_wait3A_363 = arith.constant 0 : i32
          %dma_wait3A_364 = tpu.memref_slice %arg22[%dma_wait3A_362, %dma_wait3A_363] : memref<10000x128xf32, #tpu.memory_space<vmem_shared>> -> memref<10000x128xf32, #tpu.memory_space<vmem_shared>>
          tpu.wait_indirect_dma semaphore(%run_scoped3A : memref<!tpu.dma_semaphore, #tpu.memory_space<semaphore_mem>>) src(%arg11 : memref<128x128xf32, #tpu.memory_space<vmem>>) dst(%dma_wait3A_364 : memref<10000x128xf32, #tpu.memory_space<vmem_shared>>)
          tpu.yield
        }) : () -> ()
      } else {
      }
      %lt3A_142 = arith.constant 2500 : i32
      %lt3A_143 = arith.cmpi slt, %add3A_136, %lt3A_142 : i32
      %convert_element_type3A_144 = arith.extui %lt3A_143 : i1 to i32
      %cond3A_145 = arith.constant 0 : i32
      %cond3A_146 = arith.cmpi ne, %convert_element_type3A_144, %cond3A_145 : i32
      scf.if %cond3A_146 {
        %mul3A_356 = arith.constant 128 : i32
        %mul3A_357 = arith.muli %add3A_136, %mul3A_356 : i32
        %multiple_of3A_358 = tpu.assume_multiple %mul3A_357, 128 : i32
        %dma_start3A_359 = tpu.memref_slice %arg3[%multiple_of3A_358] : memref<320000xi32, #tpu.memory_space<hbm>> -> memref<128xi32, #tpu.memory_space<hbm>>
        %dma_start3A_360 = tpu.memref_slice %arg3[%multiple_of3A_358] : memref<320000xi32, #tpu.memory_space<hbm>> -> memref<128xi32, #tpu.memory_space<hbm>>
        tpu.enqueue_dma source(%dma_start3A_360 : memref<128xi32, #tpu.memory_space<hbm>>) target(%arg7 : memref<128xi32, #tpu.memory_space<vmem>>) target_semaphore(%arg26 : memref<!tpu.dma_semaphore, #tpu.memory_space<semaphore_mem>>)
        %dma_start3A_361 = tpu.memref_slice %arg4[%multiple_of3A_358] : memref<320000xi32, #tpu.memory_space<hbm>> -> memref<128xi32, #tpu.memory_space<hbm>>
        %dma_start3A_362 = tpu.memref_slice %arg4[%multiple_of3A_358] : memref<320000xi32, #tpu.memory_space<hbm>> -> memref<128xi32, #tpu.memory_space<hbm>>
        tpu.enqueue_dma source(%dma_start3A_362 : memref<128xi32, #tpu.memory_space<hbm>>) target(%arg8 : memref<128xi32, #tpu.memory_space<vmem>>) target_semaphore(%arg26 : memref<!tpu.dma_semaphore, #tpu.memory_space<semaphore_mem>>)
      } else {
      }
      %lt3A_147 = arith.constant 2500 : i32
      %lt3A_148 = arith.cmpi slt, %add3A_127, %lt3A_147 : i32
      %convert_element_type3A_149 = arith.extui %lt3A_148 : i1 to i32
      %cond3A_150 = arith.constant 0 : i32
      %cond3A_151 = arith.cmpi ne, %convert_element_type3A_149, %cond3A_150 : i32
      scf.if %cond3A_151 {
        %dma_wait3A_356 = arith.constant 0 : i32
        %dma_wait3A_357 = tpu.memref_slice %arg3[%dma_wait3A_356] : memref<320000xi32, #tpu.memory_space<hbm>> -> memref<128xi32, #tpu.memory_space<hbm>>
        %dma_wait3A_358 = arith.constant 0 : i32
        %dma_wait3A_359 = tpu.memref_slice %arg3[%dma_wait3A_358] : memref<320000xi32, #tpu.memory_space<hbm>> -> memref<128xi32, #tpu.memory_space<hbm>>
        tpu.wait_dma2 semaphore(%arg26 : memref<!tpu.dma_semaphore, #tpu.memory_space<semaphore_mem>>) src(%dma_wait3A_359 : memref<128xi32, #tpu.memory_space<hbm>>) dst(%arg9 : memref<128xi32, #tpu.memory_space<vmem>>)
        %dma_wait3A_360 = arith.constant 0 : i32
        %dma_wait3A_361 = tpu.memref_slice %arg3[%dma_wait3A_360] : memref<320000xi32, #tpu.memory_space<hbm>> -> memref<128xi32, #tpu.memory_space<hbm>>
        %dma_wait3A_362 = arith.constant 0 : i32
        %dma_wait3A_363 = tpu.memref_slice %arg3[%dma_wait3A_362] : memref<320000xi32, #tpu.memory_space<hbm>> -> memref<128xi32, #tpu.memory_space<hbm>>
        tpu.wait_dma2 semaphore(%arg26 : memref<!tpu.dma_semaphore, #tpu.memory_space<semaphore_mem>>) src(%dma_wait3A_363 : memref<128xi32, #tpu.memory_space<hbm>>) dst(%arg10 : memref<128xi32, #tpu.memory_space<vmem>>)
        %dma_start3A_364 = arith.constant 0 : i32
        %dma_start3A_365 = arith.constant 0 : i32
        %dma_start3A_366 = tpu.memref_slice %arg2[%dma_start3A_364, %dma_start3A_365] : memref<10000x128xf32, #tpu.memory_space<hbm>> -> memref<10000x128xf32, #tpu.memory_space<hbm>>
        tpu.enqueue_indirect_dma source(%dma_start3A_366 : memref<10000x128xf32, #tpu.memory_space<hbm>>) target(%arg11 : memref<128x128xf32, #tpu.memory_space<vmem>>) offsets(%arg9 : memref<128xi32, #tpu.memory_space<vmem>>) semaphore(%arg23 : memref<!tpu.dma_semaphore, #tpu.memory_space<semaphore_mem>>)
      } else {
      }
      %mul3A_152 = arith.constant 3 : i32
      %mul3A_153 = arith.muli %mul3A_152, %mul3A_111 : i32
      %add3A_154 = arith.constant 1 : i32
      %add3A_155 = arith.addi %mul3A_153, %add3A_154 : i32
      %mul3A_156 = arith.constant 32 : i32
      %mul3A_157 = arith.muli %add3A_155, %mul3A_156 : i32
      %add3A_158 = arith.addi %mul3A_157, %add3A : i32
      %add3A_159 = arith.constant 1 : i32
      %add3A_160 = arith.addi %mul3A_111, %add3A_159 : i32
      %mul3A_161 = arith.constant 3 : i32
      %mul3A_162 = arith.muli %mul3A_161, %add3A_160 : i32
      %add3A_163 = arith.constant 1 : i32
      %add3A_164 = arith.addi %mul3A_162, %add3A_163 : i32
      %mul3A_165 = arith.constant 32 : i32
      %mul3A_166 = arith.muli %add3A_164, %mul3A_165 : i32
      %add3A_167 = arith.addi %mul3A_166, %add3A : i32
      %add3A_168 = arith.constant 2 : i32
      %add3A_169 = arith.addi %mul3A_111, %add3A_168 : i32
      %mul3A_170 = arith.constant 3 : i32
      %mul3A_171 = arith.muli %mul3A_170, %add3A_169 : i32
      %add3A_172 = arith.constant 1 : i32
      %add3A_173 = arith.addi %mul3A_171, %add3A_172 : i32
      %mul3A_174 = arith.constant 32 : i32
      %mul3A_175 = arith.muli %add3A_173, %mul3A_174 : i32
      %add3A_176 = arith.addi %mul3A_175, %add3A : i32
      %lt3A_177 = arith.constant 2500 : i32
      %lt3A_178 = arith.cmpi slt, %add3A_158, %lt3A_177 : i32
      %convert_element_type3A_179 = arith.extui %lt3A_178 : i1 to i32
      %cond3A_180 = arith.constant 0 : i32
      %cond3A_181 = arith.cmpi ne, %convert_element_type3A_179, %cond3A_180 : i32
      scf.if %cond3A_181 {
        %dma_wait3A_356 = arith.constant 0 : i32
        %dma_wait3A_357 = arith.constant 0 : i32
        %dma_wait3A_358 = tpu.memref_slice %arg2[%dma_wait3A_356, %dma_wait3A_357] : memref<10000x128xf32, #tpu.memory_space<hbm>> -> memref<10000x128xf32, #tpu.memory_space<hbm>>
        tpu.wait_indirect_dma semaphore(%arg24 : memref<!tpu.dma_semaphore, #tpu.memory_space<semaphore_mem>>) src(%dma_wait3A_358 : memref<10000x128xf32, #tpu.memory_space<hbm>>) dst(%arg16 : memref<128x128xf32, #tpu.memory_space<vmem>>)
        "tpu.region"() ({
          %run_scoped3A = tpu.sem_alloc : memref<!tpu.dma_semaphore, #tpu.memory_space<semaphore_mem>>
          %dma_start3A_359 = arith.constant 0 : i32
          %dma_start3A_360 = arith.constant 0 : i32
          %dma_start3A_361 = tpu.memref_slice %arg22[%dma_start3A_359, %dma_start3A_360] : memref<10000x128xf32, #tpu.memory_space<vmem_shared>> -> memref<10000x128xf32, #tpu.memory_space<vmem_shared>>
          tpu.enqueue_indirect_dma source(%arg16 : memref<128x128xf32, #tpu.memory_space<vmem>>) target(%dma_start3A_361 : memref<10000x128xf32, #tpu.memory_space<vmem_shared>>) offsets(%arg13 : memref<128xi32, #tpu.memory_space<vmem>>) semaphore(%run_scoped3A : memref<!tpu.dma_semaphore, #tpu.memory_space<semaphore_mem>>) {add = true}
          %dma_wait3A_362 = arith.constant 0 : i32
          %dma_wait3A_363 = arith.constant 0 : i32
          %dma_wait3A_364 = tpu.memref_slice %arg22[%dma_wait3A_362, %dma_wait3A_363] : memref<10000x128xf32, #tpu.memory_space<vmem_shared>> -> memref<10000x128xf32, #tpu.memory_space<vmem_shared>>
          tpu.wait_indirect_dma semaphore(%run_scoped3A : memref<!tpu.dma_semaphore, #tpu.memory_space<semaphore_mem>>) src(%arg16 : memref<128x128xf32, #tpu.memory_space<vmem>>) dst(%dma_wait3A_364 : memref<10000x128xf32, #tpu.memory_space<vmem_shared>>)
          tpu.yield
        }) : () -> ()
      } else {
      }
      %lt3A_182 = arith.constant 2500 : i32
      %lt3A_183 = arith.cmpi slt, %add3A_176, %lt3A_182 : i32
      %convert_element_type3A_184 = arith.extui %lt3A_183 : i1 to i32
      %cond3A_185 = arith.constant 0 : i32
      %cond3A_186 = arith.cmpi ne, %convert_element_type3A_184, %cond3A_185 : i32
      scf.if %cond3A_186 {
        %mul3A_356 = arith.constant 128 : i32
        %mul3A_357 = arith.muli %add3A_176, %mul3A_356 : i32
        %multiple_of3A_358 = tpu.assume_multiple %mul3A_357, 128 : i32
        %dma_start3A_359 = tpu.memref_slice %arg3[%multiple_of3A_358] : memref<320000xi32, #tpu.memory_space<hbm>> -> memref<128xi32, #tpu.memory_space<hbm>>
        %dma_start3A_360 = tpu.memref_slice %arg3[%multiple_of3A_358] : memref<320000xi32, #tpu.memory_space<hbm>> -> memref<128xi32, #tpu.memory_space<hbm>>
        tpu.enqueue_dma source(%dma_start3A_360 : memref<128xi32, #tpu.memory_space<hbm>>) target(%arg12 : memref<128xi32, #tpu.memory_space<vmem>>) target_semaphore(%arg27 : memref<!tpu.dma_semaphore, #tpu.memory_space<semaphore_mem>>)
        %dma_start3A_361 = tpu.memref_slice %arg4[%multiple_of3A_358] : memref<320000xi32, #tpu.memory_space<hbm>> -> memref<128xi32, #tpu.memory_space<hbm>>
        %dma_start3A_362 = tpu.memref_slice %arg4[%multiple_of3A_358] : memref<320000xi32, #tpu.memory_space<hbm>> -> memref<128xi32, #tpu.memory_space<hbm>>
        tpu.enqueue_dma source(%dma_start3A_362 : memref<128xi32, #tpu.memory_space<hbm>>) target(%arg13 : memref<128xi32, #tpu.memory_space<vmem>>) target_semaphore(%arg27 : memref<!tpu.dma_semaphore, #tpu.memory_space<semaphore_mem>>)
      } else {
      }
      %lt3A_187 = arith.constant 2500 : i32
      %lt3A_188 = arith.cmpi slt, %add3A_167, %lt3A_187 : i32
      %convert_element_type3A_189 = arith.extui %lt3A_188 : i1 to i32
      %cond3A_190 = arith.constant 0 : i32
      %cond3A_191 = arith.cmpi ne, %convert_element_type3A_189, %cond3A_190 : i32
      scf.if %cond3A_191 {
        %dma_wait3A_356 = arith.constant 0 : i32
        %dma_wait3A_357 = tpu.memref_slice %arg3[%dma_wait3A_356] : memref<320000xi32, #tpu.memory_space<hbm>> -> memref<128xi32, #tpu.memory_space<hbm>>
        %dma_wait3A_358 = arith.constant 0 : i32
        %dma_wait3A_359 = tpu.memref_slice %arg3[%dma_wait3A_358] : memref<320000xi32, #tpu.memory_space<hbm>> -> memref<128xi32, #tpu.memory_space<hbm>>
        tpu.wait_dma2 semaphore(%arg27 : memref<!tpu.dma_semaphore, #tpu.memory_space<semaphore_mem>>) src(%dma_wait3A_359 : memref<128xi32, #tpu.memory_space<hbm>>) dst(%arg14 : memref<128xi32, #tpu.memory_space<vmem>>)
        %dma_wait3A_360 = arith.constant 0 : i32
        %dma_wait3A_361 = tpu.memref_slice %arg3[%dma_wait3A_360] : memref<320000xi32, #tpu.memory_space<hbm>> -> memref<128xi32, #tpu.memory_space<hbm>>
        %dma_wait3A_362 = arith.constant 0 : i32
        %dma_wait3A_363 = tpu.memref_slice %arg3[%dma_wait3A_362] : memref<320000xi32, #tpu.memory_space<hbm>> -> memref<128xi32, #tpu.memory_space<hbm>>
        tpu.wait_dma2 semaphore(%arg27 : memref<!tpu.dma_semaphore, #tpu.memory_space<semaphore_mem>>) src(%dma_wait3A_363 : memref<128xi32, #tpu.memory_space<hbm>>) dst(%arg15 : memref<128xi32, #tpu.memory_space<vmem>>)
        %dma_start3A_364 = arith.constant 0 : i32
        %dma_start3A_365 = arith.constant 0 : i32
        %dma_start3A_366 = tpu.memref_slice %arg2[%dma_start3A_364, %dma_start3A_365] : memref<10000x128xf32, #tpu.memory_space<hbm>> -> memref<10000x128xf32, #tpu.memory_space<hbm>>
        tpu.enqueue_indirect_dma source(%dma_start3A_366 : memref<10000x128xf32, #tpu.memory_space<hbm>>) target(%arg16 : memref<128x128xf32, #tpu.memory_space<vmem>>) offsets(%arg14 : memref<128xi32, #tpu.memory_space<vmem>>) semaphore(%arg24 : memref<!tpu.dma_semaphore, #tpu.memory_space<semaphore_mem>>)
      } else {
      }
      %mul3A_192 = arith.constant 3 : i32
      %mul3A_193 = arith.muli %mul3A_192, %mul3A_111 : i32
      %add3A_194 = arith.constant 2 : i32
      %add3A_195 = arith.addi %mul3A_193, %add3A_194 : i32
      %mul3A_196 = arith.constant 32 : i32
      %mul3A_197 = arith.muli %add3A_195, %mul3A_196 : i32
      %add3A_198 = arith.addi %mul3A_197, %add3A : i32
      %add3A_199 = arith.constant 1 : i32
      %add3A_200 = arith.addi %mul3A_111, %add3A_199 : i32
      %mul3A_201 = arith.constant 3 : i32
      %mul3A_202 = arith.muli %mul3A_201, %add3A_200 : i32
      %add3A_203 = arith.constant 2 : i32
      %add3A_204 = arith.addi %mul3A_202, %add3A_203 : i32
      %mul3A_205 = arith.constant 32 : i32
      %mul3A_206 = arith.muli %add3A_204, %mul3A_205 : i32
      %add3A_207 = arith.addi %mul3A_206, %add3A : i32
      %add3A_208 = arith.constant 2 : i32
      %add3A_209 = arith.addi %mul3A_111, %add3A_208 : i32
      %mul3A_210 = arith.constant 3 : i32
      %mul3A_211 = arith.muli %mul3A_210, %add3A_209 : i32
      %add3A_212 = arith.constant 2 : i32
      %add3A_213 = arith.addi %mul3A_211, %add3A_212 : i32
      %mul3A_214 = arith.constant 32 : i32
      %mul3A_215 = arith.muli %add3A_213, %mul3A_214 : i32
      %add3A_216 = arith.addi %mul3A_215, %add3A : i32
      %lt3A_217 = arith.constant 2500 : i32
      %lt3A_218 = arith.cmpi slt, %add3A_198, %lt3A_217 : i32
      %convert_element_type3A_219 = arith.extui %lt3A_218 : i1 to i32
      %cond3A_220 = arith.constant 0 : i32
      %cond3A_221 = arith.cmpi ne, %convert_element_type3A_219, %cond3A_220 : i32
      scf.if %cond3A_221 {
        %dma_wait3A_356 = arith.constant 0 : i32
        %dma_wait3A_357 = arith.constant 0 : i32
        %dma_wait3A_358 = tpu.memref_slice %arg2[%dma_wait3A_356, %dma_wait3A_357] : memref<10000x128xf32, #tpu.memory_space<hbm>> -> memref<10000x128xf32, #tpu.memory_space<hbm>>
        tpu.wait_indirect_dma semaphore(%arg25 : memref<!tpu.dma_semaphore, #tpu.memory_space<semaphore_mem>>) src(%dma_wait3A_358 : memref<10000x128xf32, #tpu.memory_space<hbm>>) dst(%arg21 : memref<128x128xf32, #tpu.memory_space<vmem>>)
        "tpu.region"() ({
          %run_scoped3A = tpu.sem_alloc : memref<!tpu.dma_semaphore, #tpu.memory_space<semaphore_mem>>
          %dma_start3A_359 = arith.constant 0 : i32
          %dma_start3A_360 = arith.constant 0 : i32
          %dma_start3A_361 = tpu.memref_slice %arg22[%dma_start3A_359, %dma_start3A_360] : memref<10000x128xf32, #tpu.memory_space<vmem_shared>> -> memref<10000x128xf32, #tpu.memory_space<vmem_shared>>
          tpu.enqueue_indirect_dma source(%arg21 : memref<128x128xf32, #tpu.memory_space<vmem>>) target(%dma_start3A_361 : memref<10000x128xf32, #tpu.memory_space<vmem_shared>>) offsets(%arg18 : memref<128xi32, #tpu.memory_space<vmem>>) semaphore(%run_scoped3A : memref<!tpu.dma_semaphore, #tpu.memory_space<semaphore_mem>>) {add = true}
          %dma_wait3A_362 = arith.constant 0 : i32
          %dma_wait3A_363 = arith.constant 0 : i32
          %dma_wait3A_364 = tpu.memref_slice %arg22[%dma_wait3A_362, %dma_wait3A_363] : memref<10000x128xf32, #tpu.memory_space<vmem_shared>> -> memref<10000x128xf32, #tpu.memory_space<vmem_shared>>
          tpu.wait_indirect_dma semaphore(%run_scoped3A : memref<!tpu.dma_semaphore, #tpu.memory_space<semaphore_mem>>) src(%arg21 : memref<128x128xf32, #tpu.memory_space<vmem>>) dst(%dma_wait3A_364 : memref<10000x128xf32, #tpu.memory_space<vmem_shared>>)
          tpu.yield
        }) : () -> ()
      } else {
      }
      %lt3A_222 = arith.constant 2500 : i32
      %lt3A_223 = arith.cmpi slt, %add3A_216, %lt3A_222 : i32
      %convert_element_type3A_224 = arith.extui %lt3A_223 : i1 to i32
      %cond3A_225 = arith.constant 0 : i32
      %cond3A_226 = arith.cmpi ne, %convert_element_type3A_224, %cond3A_225 : i32
      scf.if %cond3A_226 {
        %mul3A_356 = arith.constant 128 : i32
        %mul3A_357 = arith.muli %add3A_216, %mul3A_356 : i32
        %multiple_of3A_358 = tpu.assume_multiple %mul3A_357, 128 : i32
        %dma_start3A_359 = tpu.memref_slice %arg3[%multiple_of3A_358] : memref<320000xi32, #tpu.memory_space<hbm>> -> memref<128xi32, #tpu.memory_space<hbm>>
        %dma_start3A_360 = tpu.memref_slice %arg3[%multiple_of3A_358] : memref<320000xi32, #tpu.memory_space<hbm>> -> memref<128xi32, #tpu.memory_space<hbm>>
        tpu.enqueue_dma source(%dma_start3A_360 : memref<128xi32, #tpu.memory_space<hbm>>) target(%arg17 : memref<128xi32, #tpu.memory_space<vmem>>) target_semaphore(%arg28 : memref<!tpu.dma_semaphore, #tpu.memory_space<semaphore_mem>>)
        %dma_start3A_361 = tpu.memref_slice %arg4[%multiple_of3A_358] : memref<320000xi32, #tpu.memory_space<hbm>> -> memref<128xi32, #tpu.memory_space<hbm>>
        %dma_start3A_362 = tpu.memref_slice %arg4[%multiple_of3A_358] : memref<320000xi32, #tpu.memory_space<hbm>> -> memref<128xi32, #tpu.memory_space<hbm>>
        tpu.enqueue_dma source(%dma_start3A_362 : memref<128xi32, #tpu.memory_space<hbm>>) target(%arg18 : memref<128xi32, #tpu.memory_space<vmem>>) target_semaphore(%arg28 : memref<!tpu.dma_semaphore, #tpu.memory_space<semaphore_mem>>)
      } else {
      }
      %lt3A_227 = arith.constant 2500 : i32
      %lt3A_228 = arith.cmpi slt, %add3A_207, %lt3A_227 : i32
      %convert_element_type3A_229 = arith.extui %lt3A_228 : i1 to i32
      %cond3A_230 = arith.constant 0 : i32
      %cond3A_231 = arith.cmpi ne, %convert_element_type3A_229, %cond3A_230 : i32
      scf.if %cond3A_231 {
        %dma_wait3A_356 = arith.constant 0 : i32
        %dma_wait3A_357 = tpu.memref_slice %arg3[%dma_wait3A_356] : memref<320000xi32, #tpu.memory_space<hbm>> -> memref<128xi32, #tpu.memory_space<hbm>>
        %dma_wait3A_358 = arith.constant 0 : i32
        %dma_wait3A_359 = tpu.memref_slice %arg3[%dma_wait3A_358] : memref<320000xi32, #tpu.memory_space<hbm>> -> memref<128xi32, #tpu.memory_space<hbm>>
        tpu.wait_dma2 semaphore(%arg28 : memref<!tpu.dma_semaphore, #tpu.memory_space<semaphore_mem>>) src(%dma_wait3A_359 : memref<128xi32, #tpu.memory_space<hbm>>) dst(%arg19 : memref<128xi32, #tpu.memory_space<vmem>>)
        %dma_wait3A_360 = arith.constant 0 : i32
        %dma_wait3A_361 = tpu.memref_slice %arg3[%dma_wait3A_360] : memref<320000xi32, #tpu.memory_space<hbm>> -> memref<128xi32, #tpu.memory_space<hbm>>
        %dma_wait3A_362 = arith.constant 0 : i32
        %dma_wait3A_363 = tpu.memref_slice %arg3[%dma_wait3A_362] : memref<320000xi32, #tpu.memory_space<hbm>> -> memref<128xi32, #tpu.memory_space<hbm>>
        tpu.wait_dma2 semaphore(%arg28 : memref<!tpu.dma_semaphore, #tpu.memory_space<semaphore_mem>>) src(%dma_wait3A_363 : memref<128xi32, #tpu.memory_space<hbm>>) dst(%arg20 : memref<128xi32, #tpu.memory_space<vmem>>)
        %dma_start3A_364 = arith.constant 0 : i32
        %dma_start3A_365 = arith.constant 0 : i32
        %dma_start3A_366 = tpu.memref_slice %arg2[%dma_start3A_364, %dma_start3A_365] : memref<10000x128xf32, #tpu.memory_space<hbm>> -> memref<10000x128xf32, #tpu.memory_space<hbm>>
        tpu.enqueue_indirect_dma source(%dma_start3A_366 : memref<10000x128xf32, #tpu.memory_space<hbm>>) target(%arg21 : memref<128x128xf32, #tpu.memory_space<vmem>>) offsets(%arg19 : memref<128xi32, #tpu.memory_space<vmem>>) semaphore(%arg25 : memref<!tpu.dma_semaphore, #tpu.memory_space<semaphore_mem>>)
      } else {
      }
      %mul3A_232 = arith.constant 2 : i32
      %mul3A_233 = arith.muli %mul3A_232, %scan3A_109 : i32
      %add3A_234 = arith.constant 1 : i32
      %add3A_235 = arith.addi %mul3A_233, %add3A_234 : i32
      %mul3A_236 = arith.constant 3 : i32
      %mul3A_237 = arith.muli %mul3A_236, %add3A_235 : i32
      %add3A_238 = arith.constant 0 : i32
      %add3A_239 = arith.addi %mul3A_237, %add3A_238 : i32
      %mul3A_240 = arith.constant 32 : i32
      %mul3A_241 = arith.muli %add3A_239, %mul3A_240 : i32
      %add3A_242 = arith.addi %mul3A_241, %add3A : i32
      %add3A_243 = arith.constant 1 : i32
      %add3A_244 = arith.addi %add3A_235, %add3A_243 : i32
      %mul3A_245 = arith.constant 3 : i32
      %mul3A_246 = arith.muli %mul3A_245, %add3A_244 : i32
      %add3A_247 = arith.constant 0 : i32
      %add3A_248 = arith.addi %mul3A_246, %add3A_247 : i32
      %mul3A_249 = arith.constant 32 : i32
      %mul3A_250 = arith.muli %add3A_248, %mul3A_249 : i32
      %add3A_251 = arith.addi %mul3A_250, %add3A : i32
      %add3A_252 = arith.constant 2 : i32
      %add3A_253 = arith.addi %add3A_235, %add3A_252 : i32
      %mul3A_254 = arith.constant 3 : i32
      %mul3A_255 = arith.muli %mul3A_254, %add3A_253 : i32
      %add3A_256 = arith.constant 0 : i32
      %add3A_257 = arith.addi %mul3A_255, %add3A_256 : i32
      %mul3A_258 = arith.constant 32 : i32
      %mul3A_259 = arith.muli %add3A_257, %mul3A_258 : i32
      %add3A_260 = arith.addi %mul3A_259, %add3A : i32
      %lt3A_261 = arith.constant 2500 : i32
      %lt3A_262 = arith.cmpi slt, %add3A_242, %lt3A_261 : i32
      %convert_element_type3A_263 = arith.extui %lt3A_262 : i1 to i32
      %cond3A_264 = arith.constant 0 : i32
      %cond3A_265 = arith.cmpi ne, %convert_element_type3A_263, %cond3A_264 : i32
      scf.if %cond3A_265 {
        %dma_wait3A_356 = arith.constant 0 : i32
        %dma_wait3A_357 = arith.constant 0 : i32
        %dma_wait3A_358 = tpu.memref_slice %arg2[%dma_wait3A_356, %dma_wait3A_357] : memref<10000x128xf32, #tpu.memory_space<hbm>> -> memref<10000x128xf32, #tpu.memory_space<hbm>>
        tpu.wait_indirect_dma semaphore(%arg23 : memref<!tpu.dma_semaphore, #tpu.memory_space<semaphore_mem>>) src(%dma_wait3A_358 : memref<10000x128xf32, #tpu.memory_space<hbm>>) dst(%arg11 : memref<128x128xf32, #tpu.memory_space<vmem>>)
        "tpu.region"() ({
          %run_scoped3A = tpu.sem_alloc : memref<!tpu.dma_semaphore, #tpu.memory_space<semaphore_mem>>
          %dma_start3A_359 = arith.constant 0 : i32
          %dma_start3A_360 = arith.constant 0 : i32
          %dma_start3A_361 = tpu.memref_slice %arg22[%dma_start3A_359, %dma_start3A_360] : memref<10000x128xf32, #tpu.memory_space<vmem_shared>> -> memref<10000x128xf32, #tpu.memory_space<vmem_shared>>
          tpu.enqueue_indirect_dma source(%arg11 : memref<128x128xf32, #tpu.memory_space<vmem>>) target(%dma_start3A_361 : memref<10000x128xf32, #tpu.memory_space<vmem_shared>>) offsets(%arg10 : memref<128xi32, #tpu.memory_space<vmem>>) semaphore(%run_scoped3A : memref<!tpu.dma_semaphore, #tpu.memory_space<semaphore_mem>>) {add = true}
          %dma_wait3A_362 = arith.constant 0 : i32
          %dma_wait3A_363 = arith.constant 0 : i32
          %dma_wait3A_364 = tpu.memref_slice %arg22[%dma_wait3A_362, %dma_wait3A_363] : memref<10000x128xf32, #tpu.memory_space<vmem_shared>> -> memref<10000x128xf32, #tpu.memory_space<vmem_shared>>
          tpu.wait_indirect_dma semaphore(%run_scoped3A : memref<!tpu.dma_semaphore, #tpu.memory_space<semaphore_mem>>) src(%arg11 : memref<128x128xf32, #tpu.memory_space<vmem>>) dst(%dma_wait3A_364 : memref<10000x128xf32, #tpu.memory_space<vmem_shared>>)
          tpu.yield
        }) : () -> ()
      } else {
      }
      %lt3A_266 = arith.constant 2500 : i32
      %lt3A_267 = arith.cmpi slt, %add3A_260, %lt3A_266 : i32
      %convert_element_type3A_268 = arith.extui %lt3A_267 : i1 to i32
      %cond3A_269 = arith.constant 0 : i32
      %cond3A_270 = arith.cmpi ne, %convert_element_type3A_268, %cond3A_269 : i32
      scf.if %cond3A_270 {
        %mul3A_356 = arith.constant 128 : i32
        %mul3A_357 = arith.muli %add3A_260, %mul3A_356 : i32
        %multiple_of3A_358 = tpu.assume_multiple %mul3A_357, 128 : i32
        %dma_start3A_359 = tpu.memref_slice %arg3[%multiple_of3A_358] : memref<320000xi32, #tpu.memory_space<hbm>> -> memref<128xi32, #tpu.memory_space<hbm>>
        %dma_start3A_360 = tpu.memref_slice %arg3[%multiple_of3A_358] : memref<320000xi32, #tpu.memory_space<hbm>> -> memref<128xi32, #tpu.memory_space<hbm>>
        tpu.enqueue_dma source(%dma_start3A_360 : memref<128xi32, #tpu.memory_space<hbm>>) target(%arg9 : memref<128xi32, #tpu.memory_space<vmem>>) target_semaphore(%arg26 : memref<!tpu.dma_semaphore, #tpu.memory_space<semaphore_mem>>)
        %dma_start3A_361 = tpu.memref_slice %arg4[%multiple_of3A_358] : memref<320000xi32, #tpu.memory_space<hbm>> -> memref<128xi32, #tpu.memory_space<hbm>>
        %dma_start3A_362 = tpu.memref_slice %arg4[%multiple_of3A_358] : memref<320000xi32, #tpu.memory_space<hbm>> -> memref<128xi32, #tpu.memory_space<hbm>>
        tpu.enqueue_dma source(%dma_start3A_362 : memref<128xi32, #tpu.memory_space<hbm>>) target(%arg10 : memref<128xi32, #tpu.memory_space<vmem>>) target_semaphore(%arg26 : memref<!tpu.dma_semaphore, #tpu.memory_space<semaphore_mem>>)
      } else {
      }
      %lt3A_271 = arith.constant 2500 : i32
      %lt3A_272 = arith.cmpi slt, %add3A_251, %lt3A_271 : i32
      %convert_element_type3A_273 = arith.extui %lt3A_272 : i1 to i32
      %cond3A_274 = arith.constant 0 : i32
      %cond3A_275 = arith.cmpi ne, %convert_element_type3A_273, %cond3A_274 : i32
      scf.if %cond3A_275 {
        %dma_wait3A_356 = arith.constant 0 : i32
        %dma_wait3A_357 = tpu.memref_slice %arg3[%dma_wait3A_356] : memref<320000xi32, #tpu.memory_space<hbm>> -> memref<128xi32, #tpu.memory_space<hbm>>
        %dma_wait3A_358 = arith.constant 0 : i32
        %dma_wait3A_359 = tpu.memref_slice %arg3[%dma_wait3A_358] : memref<320000xi32, #tpu.memory_space<hbm>> -> memref<128xi32, #tpu.memory_space<hbm>>
        tpu.wait_dma2 semaphore(%arg26 : memref<!tpu.dma_semaphore, #tpu.memory_space<semaphore_mem>>) src(%dma_wait3A_359 : memref<128xi32, #tpu.memory_space<hbm>>) dst(%arg7 : memref<128xi32, #tpu.memory_space<vmem>>)
        %dma_wait3A_360 = arith.constant 0 : i32
        %dma_wait3A_361 = tpu.memref_slice %arg3[%dma_wait3A_360] : memref<320000xi32, #tpu.memory_space<hbm>> -> memref<128xi32, #tpu.memory_space<hbm>>
        %dma_wait3A_362 = arith.constant 0 : i32
        %dma_wait3A_363 = tpu.memref_slice %arg3[%dma_wait3A_362] : memref<320000xi32, #tpu.memory_space<hbm>> -> memref<128xi32, #tpu.memory_space<hbm>>
        tpu.wait_dma2 semaphore(%arg26 : memref<!tpu.dma_semaphore, #tpu.memory_space<semaphore_mem>>) src(%dma_wait3A_363 : memref<128xi32, #tpu.memory_space<hbm>>) dst(%arg8 : memref<128xi32, #tpu.memory_space<vmem>>)
        %dma_start3A_364 = arith.constant 0 : i32
        %dma_start3A_365 = arith.constant 0 : i32
        %dma_start3A_366 = tpu.memref_slice %arg2[%dma_start3A_364, %dma_start3A_365] : memref<10000x128xf32, #tpu.memory_space<hbm>> -> memref<10000x128xf32, #tpu.memory_space<hbm>>
        tpu.enqueue_indirect_dma source(%dma_start3A_366 : memref<10000x128xf32, #tpu.memory_space<hbm>>) target(%arg11 : memref<128x128xf32, #tpu.memory_space<vmem>>) offsets(%arg7 : memref<128xi32, #tpu.memory_space<vmem>>) semaphore(%arg23 : memref<!tpu.dma_semaphore, #tpu.memory_space<semaphore_mem>>)
      } else {
      }
      %mul3A_276 = arith.constant 3 : i32
      %mul3A_277 = arith.muli %mul3A_276, %add3A_235 : i32
      %add3A_278 = arith.constant 1 : i32
      %add3A_279 = arith.addi %mul3A_277, %add3A_278 : i32
      %mul3A_280 = arith.constant 32 : i32
      %mul3A_281 = arith.muli %add3A_279, %mul3A_280 : i32
      %add3A_282 = arith.addi %mul3A_281, %add3A : i32
      %add3A_283 = arith.constant 1 : i32
      %add3A_284 = arith.addi %add3A_235, %add3A_283 : i32
      %mul3A_285 = arith.constant 3 : i32
      %mul3A_286 = arith.muli %mul3A_285, %add3A_284 : i32
      %add3A_287 = arith.constant 1 : i32
      %add3A_288 = arith.addi %mul3A_286, %add3A_287 : i32
      %mul3A_289 = arith.constant 32 : i32
      %mul3A_290 = arith.muli %add3A_288, %mul3A_289 : i32
      %add3A_291 = arith.addi %mul3A_290, %add3A : i32
      %add3A_292 = arith.constant 2 : i32
      %add3A_293 = arith.addi %add3A_235, %add3A_292 : i32
      %mul3A_294 = arith.constant 3 : i32
      %mul3A_295 = arith.muli %mul3A_294, %add3A_293 : i32
      %add3A_296 = arith.constant 1 : i32
      %add3A_297 = arith.addi %mul3A_295, %add3A_296 : i32
      %mul3A_298 = arith.constant 32 : i32
      %mul3A_299 = arith.muli %add3A_297, %mul3A_298 : i32
      %add3A_300 = arith.addi %mul3A_299, %add3A : i32
      %lt3A_301 = arith.constant 2500 : i32
      %lt3A_302 = arith.cmpi slt, %add3A_282, %lt3A_301 : i32
      %convert_element_type3A_303 = arith.extui %lt3A_302 : i1 to i32
      %cond3A_304 = arith.constant 0 : i32
      %cond3A_305 = arith.cmpi ne, %convert_element_type3A_303, %cond3A_304 : i32
      scf.if %cond3A_305 {
        %dma_wait3A_356 = arith.constant 0 : i32
        %dma_wait3A_357 = arith.constant 0 : i32
        %dma_wait3A_358 = tpu.memref_slice %arg2[%dma_wait3A_356, %dma_wait3A_357] : memref<10000x128xf32, #tpu.memory_space<hbm>> -> memref<10000x128xf32, #tpu.memory_space<hbm>>
        tpu.wait_indirect_dma semaphore(%arg24 : memref<!tpu.dma_semaphore, #tpu.memory_space<semaphore_mem>>) src(%dma_wait3A_358 : memref<10000x128xf32, #tpu.memory_space<hbm>>) dst(%arg16 : memref<128x128xf32, #tpu.memory_space<vmem>>)
        "tpu.region"() ({
          %run_scoped3A = tpu.sem_alloc : memref<!tpu.dma_semaphore, #tpu.memory_space<semaphore_mem>>
          %dma_start3A_359 = arith.constant 0 : i32
          %dma_start3A_360 = arith.constant 0 : i32
          %dma_start3A_361 = tpu.memref_slice %arg22[%dma_start3A_359, %dma_start3A_360] : memref<10000x128xf32, #tpu.memory_space<vmem_shared>> -> memref<10000x128xf32, #tpu.memory_space<vmem_shared>>
          tpu.enqueue_indirect_dma source(%arg16 : memref<128x128xf32, #tpu.memory_space<vmem>>) target(%dma_start3A_361 : memref<10000x128xf32, #tpu.memory_space<vmem_shared>>) offsets(%arg15 : memref<128xi32, #tpu.memory_space<vmem>>) semaphore(%run_scoped3A : memref<!tpu.dma_semaphore, #tpu.memory_space<semaphore_mem>>) {add = true}
          %dma_wait3A_362 = arith.constant 0 : i32
          %dma_wait3A_363 = arith.constant 0 : i32
          %dma_wait3A_364 = tpu.memref_slice %arg22[%dma_wait3A_362, %dma_wait3A_363] : memref<10000x128xf32, #tpu.memory_space<vmem_shared>> -> memref<10000x128xf32, #tpu.memory_space<vmem_shared>>
          tpu.wait_indirect_dma semaphore(%run_scoped3A : memref<!tpu.dma_semaphore, #tpu.memory_space<semaphore_mem>>) src(%arg16 : memref<128x128xf32, #tpu.memory_space<vmem>>) dst(%dma_wait3A_364 : memref<10000x128xf32, #tpu.memory_space<vmem_shared>>)
          tpu.yield
        }) : () -> ()
      } else {
      }
      %lt3A_306 = arith.constant 2500 : i32
      %lt3A_307 = arith.cmpi slt, %add3A_300, %lt3A_306 : i32
      %convert_element_type3A_308 = arith.extui %lt3A_307 : i1 to i32
      %cond3A_309 = arith.constant 0 : i32
      %cond3A_310 = arith.cmpi ne, %convert_element_type3A_308, %cond3A_309 : i32
      scf.if %cond3A_310 {
        %mul3A_356 = arith.constant 128 : i32
        %mul3A_357 = arith.muli %add3A_300, %mul3A_356 : i32
        %multiple_of3A_358 = tpu.assume_multiple %mul3A_357, 128 : i32
        %dma_start3A_359 = tpu.memref_slice %arg3[%multiple_of3A_358] : memref<320000xi32, #tpu.memory_space<hbm>> -> memref<128xi32, #tpu.memory_space<hbm>>
        %dma_start3A_360 = tpu.memref_slice %arg3[%multiple_of3A_358] : memref<320000xi32, #tpu.memory_space<hbm>> -> memref<128xi32, #tpu.memory_space<hbm>>
        tpu.enqueue_dma source(%dma_start3A_360 : memref<128xi32, #tpu.memory_space<hbm>>) target(%arg14 : memref<128xi32, #tpu.memory_space<vmem>>) target_semaphore(%arg27 : memref<!tpu.dma_semaphore, #tpu.memory_space<semaphore_mem>>)
        %dma_start3A_361 = tpu.memref_slice %arg4[%multiple_of3A_358] : memref<320000xi32, #tpu.memory_space<hbm>> -> memref<128xi32, #tpu.memory_space<hbm>>
        %dma_start3A_362 = tpu.memref_slice %arg4[%multiple_of3A_358] : memref<320000xi32, #tpu.memory_space<hbm>> -> memref<128xi32, #tpu.memory_space<hbm>>
        tpu.enqueue_dma source(%dma_start3A_362 : memref<128xi32, #tpu.memory_space<hbm>>) target(%arg15 : memref<128xi32, #tpu.memory_space<vmem>>) target_semaphore(%arg27 : memref<!tpu.dma_semaphore, #tpu.memory_space<semaphore_mem>>)
      } else {
      }
      %lt3A_311 = arith.constant 2500 : i32
      %lt3A_312 = arith.cmpi slt, %add3A_291, %lt3A_311 : i32
      %convert_element_type3A_313 = arith.extui %lt3A_312 : i1 to i32
      %cond3A_314 = arith.constant 0 : i32
      %cond3A_315 = arith.cmpi ne, %convert_element_type3A_313, %cond3A_314 : i32
      scf.if %cond3A_315 {
        %dma_wait3A_356 = arith.constant 0 : i32
        %dma_wait3A_357 = tpu.memref_slice %arg3[%dma_wait3A_356] : memref<320000xi32, #tpu.memory_space<hbm>> -> memref<128xi32, #tpu.memory_space<hbm>>
        %dma_wait3A_358 = arith.constant 0 : i32
        %dma_wait3A_359 = tpu.memref_slice %arg3[%dma_wait3A_358] : memref<320000xi32, #tpu.memory_space<hbm>> -> memref<128xi32, #tpu.memory_space<hbm>>
        tpu.wait_dma2 semaphore(%arg27 : memref<!tpu.dma_semaphore, #tpu.memory_space<semaphore_mem>>) src(%dma_wait3A_359 : memref<128xi32, #tpu.memory_space<hbm>>) dst(%arg12 : memref<128xi32, #tpu.memory_space<vmem>>)
        %dma_wait3A_360 = arith.constant 0 : i32
        %dma_wait3A_361 = tpu.memref_slice %arg3[%dma_wait3A_360] : memref<320000xi32, #tpu.memory_space<hbm>> -> memref<128xi32, #tpu.memory_space<hbm>>
        %dma_wait3A_362 = arith.constant 0 : i32
        %dma_wait3A_363 = tpu.memref_slice %arg3[%dma_wait3A_362] : memref<320000xi32, #tpu.memory_space<hbm>> -> memref<128xi32, #tpu.memory_space<hbm>>
        tpu.wait_dma2 semaphore(%arg27 : memref<!tpu.dma_semaphore, #tpu.memory_space<semaphore_mem>>) src(%dma_wait3A_363 : memref<128xi32, #tpu.memory_space<hbm>>) dst(%arg13 : memref<128xi32, #tpu.memory_space<vmem>>)
        %dma_start3A_364 = arith.constant 0 : i32
        %dma_start3A_365 = arith.constant 0 : i32
        %dma_start3A_366 = tpu.memref_slice %arg2[%dma_start3A_364, %dma_start3A_365] : memref<10000x128xf32, #tpu.memory_space<hbm>> -> memref<10000x128xf32, #tpu.memory_space<hbm>>
        tpu.enqueue_indirect_dma source(%dma_start3A_366 : memref<10000x128xf32, #tpu.memory_space<hbm>>) target(%arg16 : memref<128x128xf32, #tpu.memory_space<vmem>>) offsets(%arg12 : memref<128xi32, #tpu.memory_space<vmem>>) semaphore(%arg24 : memref<!tpu.dma_semaphore, #tpu.memory_space<semaphore_mem>>)
      } else {
      }
      %mul3A_316 = arith.constant 3 : i32
      %mul3A_317 = arith.muli %mul3A_316, %add3A_235 : i32
      %add3A_318 = arith.constant 2 : i32
      %add3A_319 = arith.addi %mul3A_317, %add3A_318 : i32
      %mul3A_320 = arith.constant 32 : i32
      %mul3A_321 = arith.muli %add3A_319, %mul3A_320 : i32
      %add3A_322 = arith.addi %mul3A_321, %add3A : i32
      %add3A_323 = arith.constant 1 : i32
      %add3A_324 = arith.addi %add3A_235, %add3A_323 : i32
      %mul3A_325 = arith.constant 3 : i32
      %mul3A_326 = arith.muli %mul3A_325, %add3A_324 : i32
      %add3A_327 = arith.constant 2 : i32
      %add3A_328 = arith.addi %mul3A_326, %add3A_327 : i32
      %mul3A_329 = arith.constant 32 : i32
      %mul3A_330 = arith.muli %add3A_328, %mul3A_329 : i32
      %add3A_331 = arith.addi %mul3A_330, %add3A : i32
      %add3A_332 = arith.constant 2 : i32
      %add3A_333 = arith.addi %add3A_235, %add3A_332 : i32
      %mul3A_334 = arith.constant 3 : i32
      %mul3A_335 = arith.muli %mul3A_334, %add3A_333 : i32
      %add3A_336 = arith.constant 2 : i32
      %add3A_337 = arith.addi %mul3A_335, %add3A_336 : i32
      %mul3A_338 = arith.constant 32 : i32
      %mul3A_339 = arith.muli %add3A_337, %mul3A_338 : i32
      %add3A_340 = arith.addi %mul3A_339, %add3A : i32
      %lt3A_341 = arith.constant 2500 : i32
      %lt3A_342 = arith.cmpi slt, %add3A_322, %lt3A_341 : i32
      %convert_element_type3A_343 = arith.extui %lt3A_342 : i1 to i32
      %cond3A_344 = arith.constant 0 : i32
      %cond3A_345 = arith.cmpi ne, %convert_element_type3A_343, %cond3A_344 : i32
      scf.if %cond3A_345 {
        %dma_wait3A_356 = arith.constant 0 : i32
        %dma_wait3A_357 = arith.constant 0 : i32
        %dma_wait3A_358 = tpu.memref_slice %arg2[%dma_wait3A_356, %dma_wait3A_357] : memref<10000x128xf32, #tpu.memory_space<hbm>> -> memref<10000x128xf32, #tpu.memory_space<hbm>>
        tpu.wait_indirect_dma semaphore(%arg25 : memref<!tpu.dma_semaphore, #tpu.memory_space<semaphore_mem>>) src(%dma_wait3A_358 : memref<10000x128xf32, #tpu.memory_space<hbm>>) dst(%arg21 : memref<128x128xf32, #tpu.memory_space<vmem>>)
        "tpu.region"() ({
          %run_scoped3A = tpu.sem_alloc : memref<!tpu.dma_semaphore, #tpu.memory_space<semaphore_mem>>
          %dma_start3A_359 = arith.constant 0 : i32
          %dma_start3A_360 = arith.constant 0 : i32
          %dma_start3A_361 = tpu.memref_slice %arg22[%dma_start3A_359, %dma_start3A_360] : memref<10000x128xf32, #tpu.memory_space<vmem_shared>> -> memref<10000x128xf32, #tpu.memory_space<vmem_shared>>
          tpu.enqueue_indirect_dma source(%arg21 : memref<128x128xf32, #tpu.memory_space<vmem>>) target(%dma_start3A_361 : memref<10000x128xf32, #tpu.memory_space<vmem_shared>>) offsets(%arg20 : memref<128xi32, #tpu.memory_space<vmem>>) semaphore(%run_scoped3A : memref<!tpu.dma_semaphore, #tpu.memory_space<semaphore_mem>>) {add = true}
          %dma_wait3A_362 = arith.constant 0 : i32
          %dma_wait3A_363 = arith.constant 0 : i32
          %dma_wait3A_364 = tpu.memref_slice %arg22[%dma_wait3A_362, %dma_wait3A_363] : memref<10000x128xf32, #tpu.memory_space<vmem_shared>> -> memref<10000x128xf32, #tpu.memory_space<vmem_shared>>
          tpu.wait_indirect_dma semaphore(%run_scoped3A : memref<!tpu.dma_semaphore, #tpu.memory_space<semaphore_mem>>) src(%arg21 : memref<128x128xf32, #tpu.memory_space<vmem>>) dst(%dma_wait3A_364 : memref<10000x128xf32, #tpu.memory_space<vmem_shared>>)
          tpu.yield
        }) : () -> ()
      } else {
      }
      %lt3A_346 = arith.constant 2500 : i32
      %lt3A_347 = arith.cmpi slt, %add3A_340, %lt3A_346 : i32
      %convert_element_type3A_348 = arith.extui %lt3A_347 : i1 to i32
      %cond3A_349 = arith.constant 0 : i32
      %cond3A_350 = arith.cmpi ne, %convert_element_type3A_348, %cond3A_349 : i32
      scf.if %cond3A_350 {
        %mul3A_356 = arith.constant 128 : i32
        %mul3A_357 = arith.muli %add3A_340, %mul3A_356 : i32
        %multiple_of3A_358 = tpu.assume_multiple %mul3A_357, 128 : i32
        %dma_start3A_359 = tpu.memref_slice %arg3[%multiple_of3A_358] : memref<320000xi32, #tpu.memory_space<hbm>> -> memref<128xi32, #tpu.memory_space<hbm>>
        %dma_start3A_360 = tpu.memref_slice %arg3[%multiple_of3A_358] : memref<320000xi32, #tpu.memory_space<hbm>> -> memref<128xi32, #tpu.memory_space<hbm>>
        tpu.enqueue_dma source(%dma_start3A_360 : memref<128xi32, #tpu.memory_space<hbm>>) target(%arg19 : memref<128xi32, #tpu.memory_space<vmem>>) target_semaphore(%arg28 : memref<!tpu.dma_semaphore, #tpu.memory_space<semaphore_mem>>)
        %dma_start3A_361 = tpu.memref_slice %arg4[%multiple_of3A_358] : memref<320000xi32, #tpu.memory_space<hbm>> -> memref<128xi32, #tpu.memory_space<hbm>>
        %dma_start3A_362 = tpu.memref_slice %arg4[%multiple_of3A_358] : memref<320000xi32, #tpu.memory_space<hbm>> -> memref<128xi32, #tpu.memory_space<hbm>>
        tpu.enqueue_dma source(%dma_start3A_362 : memref<128xi32, #tpu.memory_space<hbm>>) target(%arg20 : memref<128xi32, #tpu.memory_space<vmem>>) target_semaphore(%arg28 : memref<!tpu.dma_semaphore, #tpu.memory_space<semaphore_mem>>)
      } else {
      }
      %lt3A_351 = arith.constant 2500 : i32
      %lt3A_352 = arith.cmpi slt, %add3A_331, %lt3A_351 : i32
      %convert_element_type3A_353 = arith.extui %lt3A_352 : i1 to i32
      %cond3A_354 = arith.constant 0 : i32
      %cond3A_355 = arith.cmpi ne, %convert_element_type3A_353, %cond3A_354 : i32
      scf.if %cond3A_355 {
        %dma_wait3A_356 = arith.constant 0 : i32
        %dma_wait3A_357 = tpu.memref_slice %arg3[%dma_wait3A_356] : memref<320000xi32, #tpu.memory_space<hbm>> -> memref<128xi32, #tpu.memory_space<hbm>>
        %dma_wait3A_358 = arith.constant 0 : i32
        %dma_wait3A_359 = tpu.memref_slice %arg3[%dma_wait3A_358] : memref<320000xi32, #tpu.memory_space<hbm>> -> memref<128xi32, #tpu.memory_space<hbm>>
        tpu.wait_dma2 semaphore(%arg28 : memref<!tpu.dma_semaphore, #tpu.memory_space<semaphore_mem>>) src(%dma_wait3A_359 : memref<128xi32, #tpu.memory_space<hbm>>) dst(%arg17 : memref<128xi32, #tpu.memory_space<vmem>>)
        %dma_wait3A_360 = arith.constant 0 : i32
        %dma_wait3A_361 = tpu.memref_slice %arg3[%dma_wait3A_360] : memref<320000xi32, #tpu.memory_space<hbm>> -> memref<128xi32, #tpu.memory_space<hbm>>
        %dma_wait3A_362 = arith.constant 0 : i32
        %dma_wait3A_363 = tpu.memref_slice %arg3[%dma_wait3A_362] : memref<320000xi32, #tpu.memory_space<hbm>> -> memref<128xi32, #tpu.memory_space<hbm>>
        tpu.wait_dma2 semaphore(%arg28 : memref<!tpu.dma_semaphore, #tpu.memory_space<semaphore_mem>>) src(%dma_wait3A_363 : memref<128xi32, #tpu.memory_space<hbm>>) dst(%arg18 : memref<128xi32, #tpu.memory_space<vmem>>)
        %dma_start3A_364 = arith.constant 0 : i32
        %dma_start3A_365 = arith.constant 0 : i32
        %dma_start3A_366 = tpu.memref_slice %arg2[%dma_start3A_364, %dma_start3A_365] : memref<10000x128xf32, #tpu.memory_space<hbm>> -> memref<10000x128xf32, #tpu.memory_space<hbm>>
        tpu.enqueue_indirect_dma source(%dma_start3A_366 : memref<10000x128xf32, #tpu.memory_space<hbm>>) target(%arg21 : memref<128x128xf32, #tpu.memory_space<vmem>>) offsets(%arg17 : memref<128xi32, #tpu.memory_space<vmem>>) semaphore(%arg25 : memref<!tpu.dma_semaphore, #tpu.memory_space<semaphore_mem>>)
      } else {
      }
    }
    %scan3A_97 = arith.constant 14 : i32
    %barrier3A_98 = arith.constant 0 : index
    tpu.barrier barrier_id(%barrier3A_98)
    %lt3A_99 = arith.constant 15 : i32
    %lt3A_100 = arith.cmpi slt, %arg1, %lt3A_99 : i32
    %convert_element_type3A_101 = arith.extui %lt3A_100 : i1 to i32
    %cond3A_102 = arith.constant 0 : i32
    %cond3A_103 = arith.cmpi ne, %convert_element_type3A_101, %cond3A_102 : i32
    scf.if %cond3A_103 {
      %mul3A_109 = arith.constant 10000 : i32
      %mul3A_110 = arith.muli %arg0, %mul3A_109 : i32
      %add3A_111 = arith.addi %mul3A_110, %mul3A_54 : i32
      "tpu.region"() ({
        %run_scoped3A = tpu.sem_alloc : memref<!tpu.dma_semaphore, #tpu.memory_space<semaphore_mem>>
        %dma_start3A_112 = arith.constant 0 : i32
        %dma_start3A_113 = tpu.memref_slice %arg6[%add3A_111, %dma_start3A_112] : memref<20000x128xf32, #tpu.memory_space<hbm>> -> memref<624x128xf32, #tpu.memory_space<hbm>>
        %dma_start3A_114 = arith.constant 0 : i32
        %dma_start3A_115 = tpu.memref_slice %arg22[%mul3A_54, %dma_start3A_114] : memref<10000x128xf32, #tpu.memory_space<vmem_shared>> -> memref<624x128xf32, #tpu.memory_space<vmem_shared>>
        tpu.enqueue_dma source(%dma_start3A_115 : memref<624x128xf32, #tpu.memory_space<vmem_shared>>) target(%dma_start3A_113 : memref<624x128xf32, #tpu.memory_space<hbm>>) target_semaphore(%run_scoped3A : memref<!tpu.dma_semaphore, #tpu.memory_space<semaphore_mem>>)
        %dma_wait3A_116 = arith.constant 0 : i32
        %dma_wait3A_117 = tpu.memref_slice %arg6[%add3A_111, %dma_wait3A_116] : memref<20000x128xf32, #tpu.memory_space<hbm>> -> memref<624x128xf32, #tpu.memory_space<hbm>>
        %dma_wait3A_118 = arith.constant 0 : i32
        %dma_wait3A_119 = tpu.memref_slice %arg22[%mul3A_54, %dma_wait3A_118] : memref<10000x128xf32, #tpu.memory_space<vmem_shared>> -> memref<624x128xf32, #tpu.memory_space<vmem_shared>>
        tpu.wait_dma2 semaphore(%run_scoped3A : memref<!tpu.dma_semaphore, #tpu.memory_space<semaphore_mem>>) src(%dma_wait3A_119 : memref<624x128xf32, #tpu.memory_space<vmem_shared>>) dst(%dma_wait3A_117 : memref<624x128xf32, #tpu.memory_space<hbm>>)
        tpu.yield
      }) : () -> ()
    } else {
    }
    %eq3A_104 = arith.constant 15 : i32
    %eq3A_105 = arith.cmpi eq, %arg1, %eq3A_104 : i32
    %convert_element_type3A_106 = arith.extui %eq3A_105 : i1 to i32
    %cond3A_107 = arith.constant 0 : i32
    %cond3A_108 = arith.cmpi ne, %convert_element_type3A_106, %cond3A_107 : i32
    scf.if %cond3A_108 {
      %mul3A_109 = arith.constant 10000 : i32
      %mul3A_110 = arith.muli %arg0, %mul3A_109 : i32
      %add3A_111 = arith.addi %mul3A_110, %mul3A_54 : i32
      "tpu.region"() ({
        %run_scoped3A = tpu.sem_alloc : memref<!tpu.dma_semaphore, #tpu.memory_space<semaphore_mem>>
        %dma_start3A_112 = arith.constant 0 : i32
        %dma_start3A_113 = tpu.memref_slice %arg6[%add3A_111, %dma_start3A_112] : memref<20000x128xf32, #tpu.memory_space<hbm>> -> memref<640x128xf32, #tpu.memory_space<hbm>>
        %dma_start3A_114 = arith.constant 0 : i32
        %dma_start3A_115 = tpu.memref_slice %arg22[%mul3A_54, %dma_start3A_114] : memref<10000x128xf32, #tpu.memory_space<vmem_shared>> -> memref<640x128xf32, #tpu.memory_space<vmem_shared>>
        tpu.enqueue_dma source(%dma_start3A_115 : memref<640x128xf32, #tpu.memory_space<vmem_shared>>) target(%dma_start3A_113 : memref<640x128xf32, #tpu.memory_space<hbm>>) target_semaphore(%run_scoped3A : memref<!tpu.dma_semaphore, #tpu.memory_space<semaphore_mem>>)
        %dma_wait3A_116 = arith.constant 0 : i32
        %dma_wait3A_117 = tpu.memref_slice %arg6[%add3A_111, %dma_wait3A_116] : memref<20000x128xf32, #tpu.memory_space<hbm>> -> memref<640x128xf32, #tpu.memory_space<hbm>>
        %dma_wait3A_118 = arith.constant 0 : i32
        %dma_wait3A_119 = tpu.memref_slice %arg22[%mul3A_54, %dma_wait3A_118] : memref<10000x128xf32, #tpu.memory_space<vmem_shared>> -> memref<640x128xf32, #tpu.memory_space<vmem_shared>>
        tpu.wait_dma2 semaphore(%run_scoped3A : memref<!tpu.dma_semaphore, #tpu.memory_space<semaphore_mem>>) src(%dma_wait3A_119 : memref<640x128xf32, #tpu.memory_space<vmem_shared>>) dst(%dma_wait3A_117 : memref<640x128xf32, #tpu.memory_space<hbm>>)
        tpu.yield
      }) : () -> ()
    } else {
    }
    return
  }
}

#map = affine_map<(d0, d1) -> (0, 0)>
#map1 = affine_map<(d0, d1) -> (0)>
module attributes {stable_mosaic.version = 14 : i64} {
  func.func @_seg_sum_body(%arg0: i32, %arg1: i32, %arg2: memref<10000x128xf32, #tpu.memory_space<hbm>>, %arg3: memref<320000xi32, #tpu.memory_space<hbm>>, %arg4: memref<320000xi32, #tpu.memory_space<hbm>>, %arg5: memref<10000x128xf32, #tpu.memory_space<hbm>>, %arg6: memref<20000x128xf32, #tpu.memory_space<hbm>>, %arg7: memref<128xi32, #tpu.memory_space<vmem>>, %arg8: memref<128xi32, #tpu.memory_space<vmem>>, %arg9: memref<128xi32, #tpu.memory_space<vmem>>, %arg10: memref<128xi32, #tpu.memory_space<vmem>>, %arg11: memref<128x128xf32, #tpu.memory_space<vmem>>, %arg12: memref<128xi32, #tpu.memory_space<vmem>>, %arg13: memref<128xi32, #tpu.memory_space<vmem>>, %arg14: memref<128xi32, #tpu.memory_space<vmem>>, %arg15: memref<128xi32, #tpu.memory_space<vmem>>, %arg16: memref<128x128xf32, #tpu.memory_space<vmem>>, %arg17: memref<128xi32, #tpu.memory_space<vmem>>, %arg18: memref<128xi32, #tpu.memory_space<vmem>>, %arg19: memref<128xi32, #tpu.memory_space<vmem>>, %arg20: memref<128xi32, #tpu.memory_space<vmem>>, %arg21: memref<128x128xf32, #tpu.memory_space<vmem>>, %arg22: memref<10000x128xf32, #tpu.memory_space<vmem_shared>>, %arg23: memref<!tpu.dma_semaphore, #tpu.memory_space<semaphore_mem>>, %arg24: memref<!tpu.dma_semaphore, #tpu.memory_space<semaphore_mem>>, %arg25: memref<!tpu.dma_semaphore, #tpu.memory_space<semaphore_mem>>, %arg26: memref<!tpu.dma_semaphore, #tpu.memory_space<semaphore_mem>>, %arg27: memref<!tpu.dma_semaphore, #tpu.memory_space<semaphore_mem>>, %arg28: memref<!tpu.dma_semaphore, #tpu.memory_space<semaphore_mem>>) attributes {dimension_semantics = [#tpu.dimension_semantics<core_parallel>, #tpu.dimension_semantics<subcore_parallel>], iteration_bounds = array<i64: 2, 16>, scalar_prefetch = 0 : i64, scratch_operands = 22 : i64, tpu.core_type = #tpu.core_type<sc_vector_subcore>, window_params = [{transform_indices = #map}, {transform_indices = #map1}, {transform_indices = #map1}, {transform_indices = #map}, {transform_indices = #map}]} {
    %mul3A = arith.constant 16 : i32
    %mul3A_0 = arith.muli %arg0, %mul3A : i32
    %add3A = arith.addi %mul3A_0, %arg1 : i32
    %add3A_1 = arith.constant 0 : i32
    %add3A_2 = arith.addi %add3A_1, %add3A : i32
    %mul3A_3 = arith.constant 128 : i32
    %mul3A_4 = arith.muli %add3A_2, %mul3A_3 : i32
    %multiple_of3A = tpu.assume_multiple %mul3A_4, 128 : i32
    %dma_start3A = tpu.memref_slice %arg3[%multiple_of3A] : memref<320000xi32, #tpu.memory_space<hbm>> -> memref<128xi32, #tpu.memory_space<hbm>>
    %dma_start3A_5 = tpu.memref_slice %arg3[%multiple_of3A] : memref<320000xi32, #tpu.memory_space<hbm>> -> memref<128xi32, #tpu.memory_space<hbm>>
    tpu.enqueue_dma source(%dma_start3A_5 : memref<128xi32, #tpu.memory_space<hbm>>) target(%arg7 : memref<128xi32, #tpu.memory_space<vmem>>) target_semaphore(%arg26 : memref<!tpu.dma_semaphore, #tpu.memory_space<semaphore_mem>>)
    %dma_start3A_6 = tpu.memref_slice %arg4[%multiple_of3A] : memref<320000xi32, #tpu.memory_space<hbm>> -> memref<128xi32, #tpu.memory_space<hbm>>
    %dma_start3A_7 = tpu.memref_slice %arg4[%multiple_of3A] : memref<320000xi32, #tpu.memory_space<hbm>> -> memref<128xi32, #tpu.memory_space<hbm>>
    tpu.enqueue_dma source(%dma_start3A_7 : memref<128xi32, #tpu.memory_space<hbm>>) target(%arg8 : memref<128xi32, #tpu.memory_space<vmem>>) target_semaphore(%arg26 : memref<!tpu.dma_semaphore, #tpu.memory_space<semaphore_mem>>)
    %add3A_8 = arith.constant 32 : i32
    %add3A_9 = arith.addi %add3A_8, %add3A : i32
    %mul3A_10 = arith.constant 128 : i32
    %mul3A_11 = arith.muli %add3A_9, %mul3A_10 : i32
    %multiple_of3A_12 = tpu.assume_multiple %mul3A_11, 128 : i32
    %dma_start3A_13 = tpu.memref_slice %arg3[%multiple_of3A_12] : memref<320000xi32, #tpu.memory_space<hbm>> -> memref<128xi32, #tpu.memory_space<hbm>>
    %dma_start3A_14 = tpu.memref_slice %arg3[%multiple_of3A_12] : memref<320000xi32, #tpu.memory_space<hbm>> -> memref<128xi32, #tpu.memory_space<hbm>>
    tpu.enqueue_dma source(%dma_start3A_14 : memref<128xi32, #tpu.memory_space<hbm>>) target(%arg12 : memref<128xi32, #tpu.memory_space<vmem>>) target_semaphore(%arg27 : memref<!tpu.dma_semaphore, #tpu.memory_space<semaphore_mem>>)
    %dma_start3A_15 = tpu.memref_slice %arg4[%multiple_of3A_12] : memref<320000xi32, #tpu.memory_space<hbm>> -> memref<128xi32, #tpu.memory_space<hbm>>
    %dma_start3A_16 = tpu.memref_slice %arg4[%multiple_of3A_12] : memref<320000xi32, #tpu.memory_space<hbm>> -> memref<128xi32, #tpu.memory_space<hbm>>
    tpu.enqueue_dma source(%dma_start3A_16 : memref<128xi32, #tpu.memory_space<hbm>>) target(%arg13 : memref<128xi32, #tpu.memory_space<vmem>>) target_semaphore(%arg27 : memref<!tpu.dma_semaphore, #tpu.memory_space<semaphore_mem>>)
    %add3A_17 = arith.constant 64 : i32
    %add3A_18 = arith.addi %add3A_17, %add3A : i32
    %mul3A_19 = arith.constant 128 : i32
    %mul3A_20 = arith.muli %add3A_18, %mul3A_19 : i32
    %multiple_of3A_21 = tpu.assume_multiple %mul3A_20, 128 : i32
    %dma_start3A_22 = tpu.memref_slice %arg3[%multiple_of3A_21] : memref<320000xi32, #tpu.memory_space<hbm>> -> memref<128xi32, #tpu.memory_space<hbm>>
    %dma_start3A_23 = tpu.memref_slice %arg3[%multiple_of3A_21] : memref<320000xi32, #tpu.memory_space<hbm>> -> memref<128xi32, #tpu.memory_space<hbm>>
    tpu.enqueue_dma source(%dma_start3A_23 : memref<128xi32, #tpu.memory_space<hbm>>) target(%arg17 : memref<128xi32, #tpu.memory_space<vmem>>) target_semaphore(%arg28 : memref<!tpu.dma_semaphore, #tpu.memory_space<semaphore_mem>>)
    %dma_start3A_24 = tpu.memref_slice %arg4[%multiple_of3A_21] : memref<320000xi32, #tpu.memory_space<hbm>> -> memref<128xi32, #tpu.memory_space<hbm>>
    %dma_start3A_25 = tpu.memref_slice %arg4[%multiple_of3A_21] : memref<320000xi32, #tpu.memory_space<hbm>> -> memref<128xi32, #tpu.memory_space<hbm>>
    tpu.enqueue_dma source(%dma_start3A_25 : memref<128xi32, #tpu.memory_space<hbm>>) target(%arg18 : memref<128xi32, #tpu.memory_space<vmem>>) target_semaphore(%arg28 : memref<!tpu.dma_semaphore, #tpu.memory_space<semaphore_mem>>)
    %add3A_26 = arith.constant 96 : i32
    %add3A_27 = arith.addi %add3A_26, %add3A : i32
    %mul3A_28 = arith.constant 128 : i32
    %mul3A_29 = arith.muli %add3A_27, %mul3A_28 : i32
    %multiple_of3A_30 = tpu.assume_multiple %mul3A_29, 128 : i32
    %dma_start3A_31 = tpu.memref_slice %arg3[%multiple_of3A_30] : memref<320000xi32, #tpu.memory_space<hbm>> -> memref<128xi32, #tpu.memory_space<hbm>>
    %dma_start3A_32 = tpu.memref_slice %arg3[%multiple_of3A_30] : memref<320000xi32, #tpu.memory_space<hbm>> -> memref<128xi32, #tpu.memory_space<hbm>>
    tpu.enqueue_dma source(%dma_start3A_32 : memref<128xi32, #tpu.memory_space<hbm>>) target(%arg9 : memref<128xi32, #tpu.memory_space<vmem>>) target_semaphore(%arg26 : memref<!tpu.dma_semaphore, #tpu.memory_space<semaphore_mem>>)
    %dma_start3A_33 = tpu.memref_slice %arg4[%multiple_of3A_30] : memref<320000xi32, #tpu.memory_space<hbm>> -> memref<128xi32, #tpu.memory_space<hbm>>
    %dma_start3A_34 = tpu.memref_slice %arg4[%multiple_of3A_30] : memref<320000xi32, #tpu.memory_space<hbm>> -> memref<128xi32, #tpu.memory_space<hbm>>
    tpu.enqueue_dma source(%dma_start3A_34 : memref<128xi32, #tpu.memory_space<hbm>>) target(%arg10 : memref<128xi32, #tpu.memory_space<vmem>>) target_semaphore(%arg26 : memref<!tpu.dma_semaphore, #tpu.memory_space<semaphore_mem>>)
    %add3A_35 = arith.constant 128 : i32
    %add3A_36 = arith.addi %add3A_35, %add3A : i32
    %mul3A_37 = arith.constant 128 : i32
    %mul3A_38 = arith.muli %add3A_36, %mul3A_37 : i32
    %multiple_of3A_39 = tpu.assume_multiple %mul3A_38, 128 : i32
    %dma_start3A_40 = tpu.memref_slice %arg3[%multiple_of3A_39] : memref<320000xi32, #tpu.memory_space<hbm>> -> memref<128xi32, #tpu.memory_space<hbm>>
    %dma_start3A_41 = tpu.memref_slice %arg3[%multiple_of3A_39] : memref<320000xi32, #tpu.memory_space<hbm>> -> memref<128xi32, #tpu.memory_space<hbm>>
    tpu.enqueue_dma source(%dma_start3A_41 : memref<128xi32, #tpu.memory_space<hbm>>) target(%arg14 : memref<128xi32, #tpu.memory_space<vmem>>) target_semaphore(%arg27 : memref<!tpu.dma_semaphore, #tpu.memory_space<semaphore_mem>>)
    %dma_start3A_42 = tpu.memref_slice %arg4[%multiple_of3A_39] : memref<320000xi32, #tpu.memory_space<hbm>> -> memref<128xi32, #tpu.memory_space<hbm>>
    %dma_start3A_43 = tpu.memref_slice %arg4[%multiple_of3A_39] : memref<320000xi32, #tpu.memory_space<hbm>> -> memref<128xi32, #tpu.memory_space<hbm>>
    tpu.enqueue_dma source(%dma_start3A_43 : memref<128xi32, #tpu.memory_space<hbm>>) target(%arg15 : memref<128xi32, #tpu.memory_space<vmem>>) target_semaphore(%arg27 : memref<!tpu.dma_semaphore, #tpu.memory_space<semaphore_mem>>)
    %add3A_44 = arith.constant 160 : i32
    %add3A_45 = arith.addi %add3A_44, %add3A : i32
    %mul3A_46 = arith.constant 128 : i32
    %mul3A_47 = arith.muli %add3A_45, %mul3A_46 : i32
    %multiple_of3A_48 = tpu.assume_multiple %mul3A_47, 128 : i32
    %dma_start3A_49 = tpu.memref_slice %arg3[%multiple_of3A_48] : memref<320000xi32, #tpu.memory_space<hbm>> -> memref<128xi32, #tpu.memory_space<hbm>>
    %dma_start3A_50 = tpu.memref_slice %arg3[%multiple_of3A_48] : memref<320000xi32, #tpu.memory_space<hbm>> -> memref<128xi32, #tpu.memory_space<hbm>>
    tpu.enqueue_dma source(%dma_start3A_50 : memref<128xi32, #tpu.memory_space<hbm>>) target(%arg19 : memref<128xi32, #tpu.memory_space<vmem>>) target_semaphore(%arg28 : memref<!tpu.dma_semaphore, #tpu.memory_space<semaphore_mem>>)
    %dma_start3A_51 = tpu.memref_slice %arg4[%multiple_of3A_48] : memref<320000xi32, #tpu.memory_space<hbm>> -> memref<128xi32, #tpu.memory_space<hbm>>
    %dma_start3A_52 = tpu.memref_slice %arg4[%multiple_of3A_48] : memref<320000xi32, #tpu.memory_space<hbm>> -> memref<128xi32, #tpu.memory_space<hbm>>
    tpu.enqueue_dma source(%dma_start3A_52 : memref<128xi32, #tpu.memory_space<hbm>>) target(%arg20 : memref<128xi32, #tpu.memory_space<vmem>>) target_semaphore(%arg28 : memref<!tpu.dma_semaphore, #tpu.memory_space<semaphore_mem>>)
    %mul3A_53 = arith.constant 624 : i32
    %mul3A_54 = arith.muli %arg1, %mul3A_53 : i32
    %lt3A = arith.constant 15 : i32
    %lt3A_55 = arith.cmpi slt, %arg1, %lt3A : i32
    %convert_element_type3A = arith.extui %lt3A_55 : i1 to i32
    %cond3A = arith.constant 0 : i32
    %cond3A_56 = arith.cmpi ne, %convert_element_type3A, %cond3A : i32
    scf.if %cond3A_56 {
      "tpu.region"() ({
        %run_scoped3A = tpu.sem_alloc : memref<!tpu.dma_semaphore, #tpu.memory_space<semaphore_mem>>
        %dma_start3A_109 = arith.constant 0 : i32
        %dma_start3A_110 = tpu.memref_slice %arg22[%mul3A_54, %dma_start3A_109] : memref<10000x128xf32, #tpu.memory_space<vmem_shared>> -> memref<624x128xf32, #tpu.memory_space<vmem_shared>>
        %dma_start3A_111 = arith.constant 0 : i32
        %dma_start3A_112 = tpu.memref_slice %arg5[%mul3A_54, %dma_start3A_111] : memref<10000x128xf32, #tpu.memory_space<hbm>> -> memref<624x128xf32, #tpu.memory_space<hbm>>
        tpu.enqueue_dma source(%dma_start3A_112 : memref<624x128xf32, #tpu.memory_space<hbm>>) target(%dma_start3A_110 : memref<624x128xf32, #tpu.memory_space<vmem_shared>>) target_semaphore(%run_scoped3A : memref<!tpu.dma_semaphore, #tpu.memory_space<semaphore_mem>>)
        %dma_wait3A_113 = arith.constant 0 : i32
        %dma_wait3A_114 = tpu.memref_slice %arg22[%mul3A_54, %dma_wait3A_113] : memref<10000x128xf32, #tpu.memory_space<vmem_shared>> -> memref<624x128xf32, #tpu.memory_space<vmem_shared>>
        %dma_wait3A_115 = arith.constant 0 : i32
        %dma_wait3A_116 = tpu.memref_slice %arg5[%mul3A_54, %dma_wait3A_115] : memref<10000x128xf32, #tpu.memory_space<hbm>> -> memref<624x128xf32, #tpu.memory_space<hbm>>
        tpu.wait_dma2 semaphore(%run_scoped3A : memref<!tpu.dma_semaphore, #tpu.memory_space<semaphore_mem>>) src(%dma_wait3A_116 : memref<624x128xf32, #tpu.memory_space<hbm>>) dst(%dma_wait3A_114 : memref<624x128xf32, #tpu.memory_space<vmem_shared>>)
        tpu.yield
      }) : () -> ()
    } else {
    }
    %eq3A = arith.constant 15 : i32
    %eq3A_57 = arith.cmpi eq, %arg1, %eq3A : i32
    %convert_element_type3A_58 = arith.extui %eq3A_57 : i1 to i32
    %cond3A_59 = arith.constant 0 : i32
    %cond3A_60 = arith.cmpi ne, %convert_element_type3A_58, %cond3A_59 : i32
    scf.if %cond3A_60 {
      "tpu.region"() ({
        %run_scoped3A = tpu.sem_alloc : memref<!tpu.dma_semaphore, #tpu.memory_space<semaphore_mem>>
        %dma_start3A_109 = arith.constant 0 : i32
        %dma_start3A_110 = tpu.memref_slice %arg22[%mul3A_54, %dma_start3A_109] : memref<10000x128xf32, #tpu.memory_space<vmem_shared>> -> memref<640x128xf32, #tpu.memory_space<vmem_shared>>
        %dma_start3A_111 = arith.constant 0 : i32
        %dma_start3A_112 = tpu.memref_slice %arg5[%mul3A_54, %dma_start3A_111] : memref<10000x128xf32, #tpu.memory_space<hbm>> -> memref<640x128xf32, #tpu.memory_space<hbm>>
        tpu.enqueue_dma source(%dma_start3A_112 : memref<640x128xf32, #tpu.memory_space<hbm>>) target(%dma_start3A_110 : memref<640x128xf32, #tpu.memory_space<vmem_shared>>) target_semaphore(%run_scoped3A : memref<!tpu.dma_semaphore, #tpu.memory_space<semaphore_mem>>)
        %dma_wait3A_113 = arith.constant 0 : i32
        %dma_wait3A_114 = tpu.memref_slice %arg22[%mul3A_54, %dma_wait3A_113] : memref<10000x128xf32, #tpu.memory_space<vmem_shared>> -> memref<640x128xf32, #tpu.memory_space<vmem_shared>>
        %dma_wait3A_115 = arith.constant 0 : i32
        %dma_wait3A_116 = tpu.memref_slice %arg5[%mul3A_54, %dma_wait3A_115] : memref<10000x128xf32, #tpu.memory_space<hbm>> -> memref<640x128xf32, #tpu.memory_space<hbm>>
        tpu.wait_dma2 semaphore(%run_scoped3A : memref<!tpu.dma_semaphore, #tpu.memory_space<semaphore_mem>>) src(%dma_wait3A_116 : memref<640x128xf32, #tpu.memory_space<hbm>>) dst(%dma_wait3A_114 : memref<640x128xf32, #tpu.memory_space<vmem_shared>>)
        tpu.yield
      }) : () -> ()
    } else {
    }
    %dma_wait3A = arith.constant 0 : i32
    %dma_wait3A_61 = tpu.memref_slice %arg3[%dma_wait3A] : memref<320000xi32, #tpu.memory_space<hbm>> -> memref<128xi32, #tpu.memory_space<hbm>>
    %dma_wait3A_62 = arith.constant 0 : i32
    %dma_wait3A_63 = tpu.memref_slice %arg3[%dma_wait3A_62] : memref<320000xi32, #tpu.memory_space<hbm>> -> memref<128xi32, #tpu.memory_space<hbm>>
    tpu.wait_dma2 semaphore(%arg26 : memref<!tpu.dma_semaphore, #tpu.memory_space<semaphore_mem>>) src(%dma_wait3A_63 : memref<128xi32, #tpu.memory_space<hbm>>) dst(%arg7 : memref<128xi32, #tpu.memory_space<vmem>>)
    %dma_wait3A_64 = arith.constant 0 : i32
    %dma_wait3A_65 = tpu.memref_slice %arg3[%dma_wait3A_64] : memref<320000xi32, #tpu.memory_space<hbm>> -> memref<128xi32, #tpu.memory_space<hbm>>
    %dma_wait3A_66 = arith.constant 0 : i32
    %dma_wait3A_67 = tpu.memref_slice %arg3[%dma_wait3A_66] : memref<320000xi32, #tpu.memory_space<hbm>> -> memref<128xi32, #tpu.memory_space<hbm>>
    tpu.wait_dma2 semaphore(%arg26 : memref<!tpu.dma_semaphore, #tpu.memory_space<semaphore_mem>>) src(%dma_wait3A_67 : memref<128xi32, #tpu.memory_space<hbm>>) dst(%arg8 : memref<128xi32, #tpu.memory_space<vmem>>)
    %dma_start3A_68 = arith.constant 0 : i32
    %dma_start3A_69 = arith.constant 0 : i32
    %dma_start3A_70 = tpu.memref_slice %arg2[%dma_start3A_68, %dma_start3A_69] : memref<10000x128xf32, #tpu.memory_space<hbm>> -> memref<10000x128xf32, #tpu.memory_space<hbm>>
    tpu.enqueue_indirect_dma source(%dma_start3A_70 : memref<10000x128xf32, #tpu.memory_space<hbm>>) target(%arg11 : memref<128x128xf32, #tpu.memory_space<vmem>>) offsets(%arg7 : memref<128xi32, #tpu.memory_space<vmem>>) semaphore(%arg23 : memref<!tpu.dma_semaphore, #tpu.memory_space<semaphore_mem>>)
    %dma_wait3A_71 = arith.constant 0 : i32
    %dma_wait3A_72 = tpu.memref_slice %arg3[%dma_wait3A_71] : memref<320000xi32, #tpu.memory_space<hbm>> -> memref<128xi32, #tpu.memory_space<hbm>>
    %dma_wait3A_73 = arith.constant 0 : i32
    %dma_wait3A_74 = tpu.memref_slice %arg3[%dma_wait3A_73] : memref<320000xi32, #tpu.memory_space<hbm>> -> memref<128xi32, #tpu.memory_space<hbm>>
    tpu.wait_dma2 semaphore(%arg27 : memref<!tpu.dma_semaphore, #tpu.memory_space<semaphore_mem>>) src(%dma_wait3A_74 : memref<128xi32, #tpu.memory_space<hbm>>) dst(%arg12 : memref<128xi32, #tpu.memory_space<vmem>>)
    %dma_wait3A_75 = arith.constant 0 : i32
    %dma_wait3A_76 = tpu.memref_slice %arg3[%dma_wait3A_75] : memref<320000xi32, #tpu.memory_space<hbm>> -> memref<128xi32, #tpu.memory_space<hbm>>
    %dma_wait3A_77 = arith.constant 0 : i32
    %dma_wait3A_78 = tpu.memref_slice %arg3[%dma_wait3A_77] : memref<320000xi32, #tpu.memory_space<hbm>> -> memref<128xi32, #tpu.memory_space<hbm>>
    tpu.wait_dma2 semaphore(%arg27 : memref<!tpu.dma_semaphore, #tpu.memory_space<semaphore_mem>>) src(%dma_wait3A_78 : memref<128xi32, #tpu.memory_space<hbm>>) dst(%arg13 : memref<128xi32, #tpu.memory_space<vmem>>)
    %dma_start3A_79 = arith.constant 0 : i32
    %dma_start3A_80 = arith.constant 0 : i32
    %dma_start3A_81 = tpu.memref_slice %arg2[%dma_start3A_79, %dma_start3A_80] : memref<10000x128xf32, #tpu.memory_space<hbm>> -> memref<10000x128xf32, #tpu.memory_space<hbm>>
    tpu.enqueue_indirect_dma source(%dma_start3A_81 : memref<10000x128xf32, #tpu.memory_space<hbm>>) target(%arg16 : memref<128x128xf32, #tpu.memory_space<vmem>>) offsets(%arg12 : memref<128xi32, #tpu.memory_space<vmem>>) semaphore(%arg24 : memref<!tpu.dma_semaphore, #tpu.memory_space<semaphore_mem>>)
    %dma_wait3A_82 = arith.constant 0 : i32
    %dma_wait3A_83 = tpu.memref_slice %arg3[%dma_wait3A_82] : memref<320000xi32, #tpu.memory_space<hbm>> -> memref<128xi32, #tpu.memory_space<hbm>>
    %dma_wait3A_84 = arith.constant 0 : i32
    %dma_wait3A_85 = tpu.memref_slice %arg3[%dma_wait3A_84] : memref<320000xi32, #tpu.memory_space<hbm>> -> memref<128xi32, #tpu.memory_space<hbm>>
    tpu.wait_dma2 semaphore(%arg28 : memref<!tpu.dma_semaphore, #tpu.memory_space<semaphore_mem>>) src(%dma_wait3A_85 : memref<128xi32, #tpu.memory_space<hbm>>) dst(%arg17 : memref<128xi32, #tpu.memory_space<vmem>>)
    %dma_wait3A_86 = arith.constant 0 : i32
    %dma_wait3A_87 = tpu.memref_slice %arg3[%dma_wait3A_86] : memref<320000xi32, #tpu.memory_space<hbm>> -> memref<128xi32, #tpu.memory_space<hbm>>
    %dma_wait3A_88 = arith.constant 0 : i32
    %dma_wait3A_89 = tpu.memref_slice %arg3[%dma_wait3A_88] : memref<320000xi32, #tpu.memory_space<hbm>> -> memref<128xi32, #tpu.memory_space<hbm>>
    tpu.wait_dma2 semaphore(%arg28 : memref<!tpu.dma_semaphore, #tpu.memory_space<semaphore_mem>>) src(%dma_wait3A_89 : memref<128xi32, #tpu.memory_space<hbm>>) dst(%arg18 : memref<128xi32, #tpu.memory_space<vmem>>)
    %dma_start3A_90 = arith.constant 0 : i32
    %dma_start3A_91 = arith.constant 0 : i32
    %dma_start3A_92 = tpu.memref_slice %arg2[%dma_start3A_90, %dma_start3A_91] : memref<10000x128xf32, #tpu.memory_space<hbm>> -> memref<10000x128xf32, #tpu.memory_space<hbm>>
    tpu.enqueue_indirect_dma source(%dma_start3A_92 : memref<10000x128xf32, #tpu.memory_space<hbm>>) target(%arg21 : memref<128x128xf32, #tpu.memory_space<vmem>>) offsets(%arg17 : memref<128xi32, #tpu.memory_space<vmem>>) semaphore(%arg25 : memref<!tpu.dma_semaphore, #tpu.memory_space<semaphore_mem>>)
    %barrier3A = arith.constant 0 : index
    tpu.barrier barrier_id(%barrier3A)
    %scan3A = arith.constant 0 : i32
    %scan3A_93 = arith.constant 0 : i32
    %scan3A_94 = arith.constant 14 : i32
    %scan3A_95 = arith.addi %scan3A_93, %scan3A_94 : i32
    %scan3A_96 = arith.constant 1 : i32
    scf.for %scan3A_109 = %scan3A_93 to %scan3A_95 step %scan3A_96  : i32 {
      %mul3A_110 = arith.constant 2 : i32
      %mul3A_111 = arith.muli %mul3A_110, %scan3A_109 : i32
      %mul3A_112 = arith.constant 3 : i32
      %mul3A_113 = arith.muli %mul3A_112, %mul3A_111 : i32
      %add3A_114 = arith.constant 0 : i32
      %add3A_115 = arith.addi %mul3A_113, %add3A_114 : i32
      %mul3A_116 = arith.constant 32 : i32
      %mul3A_117 = arith.muli %add3A_115, %mul3A_116 : i32
      %add3A_118 = arith.addi %mul3A_117, %add3A : i32
      %add3A_119 = arith.constant 1 : i32
      %add3A_120 = arith.addi %mul3A_111, %add3A_119 : i32
      %mul3A_121 = arith.constant 3 : i32
      %mul3A_122 = arith.muli %mul3A_121, %add3A_120 : i32
      %add3A_123 = arith.constant 0 : i32
      %add3A_124 = arith.addi %mul3A_122, %add3A_123 : i32
      %mul3A_125 = arith.constant 32 : i32
      %mul3A_126 = arith.muli %add3A_124, %mul3A_125 : i32
      %add3A_127 = arith.addi %mul3A_126, %add3A : i32
      %add3A_128 = arith.constant 2 : i32
      %add3A_129 = arith.addi %mul3A_111, %add3A_128 : i32
      %mul3A_130 = arith.constant 3 : i32
      %mul3A_131 = arith.muli %mul3A_130, %add3A_129 : i32
      %add3A_132 = arith.constant 0 : i32
      %add3A_133 = arith.addi %mul3A_131, %add3A_132 : i32
      %mul3A_134 = arith.constant 32 : i32
      %mul3A_135 = arith.muli %add3A_133, %mul3A_134 : i32
      %add3A_136 = arith.addi %mul3A_135, %add3A : i32
      %lt3A_137 = arith.constant 2500 : i32
      %lt3A_138 = arith.cmpi slt, %add3A_118, %lt3A_137 : i32
      %convert_element_type3A_139 = arith.extui %lt3A_138 : i1 to i32
      %cond3A_140 = arith.constant 0 : i32
      %cond3A_141 = arith.cmpi ne, %convert_element_type3A_139, %cond3A_140 : i32
      scf.if %cond3A_141 {
        %dma_wait3A_356 = arith.constant 0 : i32
        %dma_wait3A_357 = arith.constant 0 : i32
        %dma_wait3A_358 = tpu.memref_slice %arg2[%dma_wait3A_356, %dma_wait3A_357] : memref<10000x128xf32, #tpu.memory_space<hbm>> -> memref<10000x128xf32, #tpu.memory_space<hbm>>
        tpu.wait_indirect_dma semaphore(%arg23 : memref<!tpu.dma_semaphore, #tpu.memory_space<semaphore_mem>>) src(%dma_wait3A_358 : memref<10000x128xf32, #tpu.memory_space<hbm>>) dst(%arg11 : memref<128x128xf32, #tpu.memory_space<vmem>>)
        "tpu.region"() ({
          %run_scoped3A = tpu.sem_alloc : memref<!tpu.dma_semaphore, #tpu.memory_space<semaphore_mem>>
          %dma_start3A_359 = arith.constant 0 : i32
          %dma_start3A_360 = arith.constant 0 : i32
          %dma_start3A_361 = tpu.memref_slice %arg22[%dma_start3A_359, %dma_start3A_360] : memref<10000x128xf32, #tpu.memory_space<vmem_shared>> -> memref<10000x128xf32, #tpu.memory_space<vmem_shared>>
          tpu.enqueue_indirect_dma source(%arg11 : memref<128x128xf32, #tpu.memory_space<vmem>>) target(%dma_start3A_361 : memref<10000x128xf32, #tpu.memory_space<vmem_shared>>) offsets(%arg8 : memref<128xi32, #tpu.memory_space<vmem>>) semaphore(%run_scoped3A : memref<!tpu.dma_semaphore, #tpu.memory_space<semaphore_mem>>) {add = true}
          %dma_wait3A_362 = arith.constant 0 : i32
          %dma_wait3A_363 = arith.constant 0 : i32
          %dma_wait3A_364 = tpu.memref_slice %arg22[%dma_wait3A_362, %dma_wait3A_363] : memref<10000x128xf32, #tpu.memory_space<vmem_shared>> -> memref<10000x128xf32, #tpu.memory_space<vmem_shared>>
          tpu.wait_indirect_dma semaphore(%run_scoped3A : memref<!tpu.dma_semaphore, #tpu.memory_space<semaphore_mem>>) src(%arg11 : memref<128x128xf32, #tpu.memory_space<vmem>>) dst(%dma_wait3A_364 : memref<10000x128xf32, #tpu.memory_space<vmem_shared>>)
          tpu.yield
        }) : () -> ()
      } else {
      }
      %lt3A_142 = arith.constant 2500 : i32
      %lt3A_143 = arith.cmpi slt, %add3A_136, %lt3A_142 : i32
      %convert_element_type3A_144 = arith.extui %lt3A_143 : i1 to i32
      %cond3A_145 = arith.constant 0 : i32
      %cond3A_146 = arith.cmpi ne, %convert_element_type3A_144, %cond3A_145 : i32
      scf.if %cond3A_146 {
        %mul3A_356 = arith.constant 128 : i32
        %mul3A_357 = arith.muli %add3A_136, %mul3A_356 : i32
        %multiple_of3A_358 = tpu.assume_multiple %mul3A_357, 128 : i32
        %dma_start3A_359 = tpu.memref_slice %arg3[%multiple_of3A_358] : memref<320000xi32, #tpu.memory_space<hbm>> -> memref<128xi32, #tpu.memory_space<hbm>>
        %dma_start3A_360 = tpu.memref_slice %arg3[%multiple_of3A_358] : memref<320000xi32, #tpu.memory_space<hbm>> -> memref<128xi32, #tpu.memory_space<hbm>>
        tpu.enqueue_dma source(%dma_start3A_360 : memref<128xi32, #tpu.memory_space<hbm>>) target(%arg7 : memref<128xi32, #tpu.memory_space<vmem>>) target_semaphore(%arg26 : memref<!tpu.dma_semaphore, #tpu.memory_space<semaphore_mem>>)
        %dma_start3A_361 = tpu.memref_slice %arg4[%multiple_of3A_358] : memref<320000xi32, #tpu.memory_space<hbm>> -> memref<128xi32, #tpu.memory_space<hbm>>
        %dma_start3A_362 = tpu.memref_slice %arg4[%multiple_of3A_358] : memref<320000xi32, #tpu.memory_space<hbm>> -> memref<128xi32, #tpu.memory_space<hbm>>
        tpu.enqueue_dma source(%dma_start3A_362 : memref<128xi32, #tpu.memory_space<hbm>>) target(%arg8 : memref<128xi32, #tpu.memory_space<vmem>>) target_semaphore(%arg26 : memref<!tpu.dma_semaphore, #tpu.memory_space<semaphore_mem>>)
      } else {
      }
      %lt3A_147 = arith.constant 2500 : i32
      %lt3A_148 = arith.cmpi slt, %add3A_127, %lt3A_147 : i32
      %convert_element_type3A_149 = arith.extui %lt3A_148 : i1 to i32
      %cond3A_150 = arith.constant 0 : i32
      %cond3A_151 = arith.cmpi ne, %convert_element_type3A_149, %cond3A_150 : i32
      scf.if %cond3A_151 {
        %dma_wait3A_356 = arith.constant 0 : i32
        %dma_wait3A_357 = tpu.memref_slice %arg3[%dma_wait3A_356] : memref<320000xi32, #tpu.memory_space<hbm>> -> memref<128xi32, #tpu.memory_space<hbm>>
        %dma_wait3A_358 = arith.constant 0 : i32
        %dma_wait3A_359 = tpu.memref_slice %arg3[%dma_wait3A_358] : memref<320000xi32, #tpu.memory_space<hbm>> -> memref<128xi32, #tpu.memory_space<hbm>>
        tpu.wait_dma2 semaphore(%arg26 : memref<!tpu.dma_semaphore, #tpu.memory_space<semaphore_mem>>) src(%dma_wait3A_359 : memref<128xi32, #tpu.memory_space<hbm>>) dst(%arg9 : memref<128xi32, #tpu.memory_space<vmem>>)
        %dma_wait3A_360 = arith.constant 0 : i32
        %dma_wait3A_361 = tpu.memref_slice %arg3[%dma_wait3A_360] : memref<320000xi32, #tpu.memory_space<hbm>> -> memref<128xi32, #tpu.memory_space<hbm>>
        %dma_wait3A_362 = arith.constant 0 : i32
        %dma_wait3A_363 = tpu.memref_slice %arg3[%dma_wait3A_362] : memref<320000xi32, #tpu.memory_space<hbm>> -> memref<128xi32, #tpu.memory_space<hbm>>
        tpu.wait_dma2 semaphore(%arg26 : memref<!tpu.dma_semaphore, #tpu.memory_space<semaphore_mem>>) src(%dma_wait3A_363 : memref<128xi32, #tpu.memory_space<hbm>>) dst(%arg10 : memref<128xi32, #tpu.memory_space<vmem>>)
        %dma_start3A_364 = arith.constant 0 : i32
        %dma_start3A_365 = arith.constant 0 : i32
        %dma_start3A_366 = tpu.memref_slice %arg2[%dma_start3A_364, %dma_start3A_365] : memref<10000x128xf32, #tpu.memory_space<hbm>> -> memref<10000x128xf32, #tpu.memory_space<hbm>>
        tpu.enqueue_indirect_dma source(%dma_start3A_366 : memref<10000x128xf32, #tpu.memory_space<hbm>>) target(%arg11 : memref<128x128xf32, #tpu.memory_space<vmem>>) offsets(%arg9 : memref<128xi32, #tpu.memory_space<vmem>>) semaphore(%arg23 : memref<!tpu.dma_semaphore, #tpu.memory_space<semaphore_mem>>)
      } else {
      }
      %mul3A_152 = arith.constant 3 : i32
      %mul3A_153 = arith.muli %mul3A_152, %mul3A_111 : i32
      %add3A_154 = arith.constant 1 : i32
      %add3A_155 = arith.addi %mul3A_153, %add3A_154 : i32
      %mul3A_156 = arith.constant 32 : i32
      %mul3A_157 = arith.muli %add3A_155, %mul3A_156 : i32
      %add3A_158 = arith.addi %mul3A_157, %add3A : i32
      %add3A_159 = arith.constant 1 : i32
      %add3A_160 = arith.addi %mul3A_111, %add3A_159 : i32
      %mul3A_161 = arith.constant 3 : i32
      %mul3A_162 = arith.muli %mul3A_161, %add3A_160 : i32
      %add3A_163 = arith.constant 1 : i32
      %add3A_164 = arith.addi %mul3A_162, %add3A_163 : i32
      %mul3A_165 = arith.constant 32 : i32
      %mul3A_166 = arith.muli %add3A_164, %mul3A_165 : i32
      %add3A_167 = arith.addi %mul3A_166, %add3A : i32
      %add3A_168 = arith.constant 2 : i32
      %add3A_169 = arith.addi %mul3A_111, %add3A_168 : i32
      %mul3A_170 = arith.constant 3 : i32
      %mul3A_171 = arith.muli %mul3A_170, %add3A_169 : i32
      %add3A_172 = arith.constant 1 : i32
      %add3A_173 = arith.addi %mul3A_171, %add3A_172 : i32
      %mul3A_174 = arith.constant 32 : i32
      %mul3A_175 = arith.muli %add3A_173, %mul3A_174 : i32
      %add3A_176 = arith.addi %mul3A_175, %add3A : i32
      %lt3A_177 = arith.constant 2500 : i32
      %lt3A_178 = arith.cmpi slt, %add3A_158, %lt3A_177 : i32
      %convert_element_type3A_179 = arith.extui %lt3A_178 : i1 to i32
      %cond3A_180 = arith.constant 0 : i32
      %cond3A_181 = arith.cmpi ne, %convert_element_type3A_179, %cond3A_180 : i32
      scf.if %cond3A_181 {
        %dma_wait3A_356 = arith.constant 0 : i32
        %dma_wait3A_357 = arith.constant 0 : i32
        %dma_wait3A_358 = tpu.memref_slice %arg2[%dma_wait3A_356, %dma_wait3A_357] : memref<10000x128xf32, #tpu.memory_space<hbm>> -> memref<10000x128xf32, #tpu.memory_space<hbm>>
        tpu.wait_indirect_dma semaphore(%arg24 : memref<!tpu.dma_semaphore, #tpu.memory_space<semaphore_mem>>) src(%dma_wait3A_358 : memref<10000x128xf32, #tpu.memory_space<hbm>>) dst(%arg16 : memref<128x128xf32, #tpu.memory_space<vmem>>)
        "tpu.region"() ({
          %run_scoped3A = tpu.sem_alloc : memref<!tpu.dma_semaphore, #tpu.memory_space<semaphore_mem>>
          %dma_start3A_359 = arith.constant 0 : i32
          %dma_start3A_360 = arith.constant 0 : i32
          %dma_start3A_361 = tpu.memref_slice %arg22[%dma_start3A_359, %dma_start3A_360] : memref<10000x128xf32, #tpu.memory_space<vmem_shared>> -> memref<10000x128xf32, #tpu.memory_space<vmem_shared>>
          tpu.enqueue_indirect_dma source(%arg16 : memref<128x128xf32, #tpu.memory_space<vmem>>) target(%dma_start3A_361 : memref<10000x128xf32, #tpu.memory_space<vmem_shared>>) offsets(%arg13 : memref<128xi32, #tpu.memory_space<vmem>>) semaphore(%run_scoped3A : memref<!tpu.dma_semaphore, #tpu.memory_space<semaphore_mem>>) {add = true}
          %dma_wait3A_362 = arith.constant 0 : i32
          %dma_wait3A_363 = arith.constant 0 : i32
          %dma_wait3A_364 = tpu.memref_slice %arg22[%dma_wait3A_362, %dma_wait3A_363] : memref<10000x128xf32, #tpu.memory_space<vmem_shared>> -> memref<10000x128xf32, #tpu.memory_space<vmem_shared>>
          tpu.wait_indirect_dma semaphore(%run_scoped3A : memref<!tpu.dma_semaphore, #tpu.memory_space<semaphore_mem>>) src(%arg16 : memref<128x128xf32, #tpu.memory_space<vmem>>) dst(%dma_wait3A_364 : memref<10000x128xf32, #tpu.memory_space<vmem_shared>>)
          tpu.yield
        }) : () -> ()
      } else {
      }
      %lt3A_182 = arith.constant 2500 : i32
      %lt3A_183 = arith.cmpi slt, %add3A_176, %lt3A_182 : i32
      %convert_element_type3A_184 = arith.extui %lt3A_183 : i1 to i32
      %cond3A_185 = arith.constant 0 : i32
      %cond3A_186 = arith.cmpi ne, %convert_element_type3A_184, %cond3A_185 : i32
      scf.if %cond3A_186 {
        %mul3A_356 = arith.constant 128 : i32
        %mul3A_357 = arith.muli %add3A_176, %mul3A_356 : i32
        %multiple_of3A_358 = tpu.assume_multiple %mul3A_357, 128 : i32
        %dma_start3A_359 = tpu.memref_slice %arg3[%multiple_of3A_358] : memref<320000xi32, #tpu.memory_space<hbm>> -> memref<128xi32, #tpu.memory_space<hbm>>
        %dma_start3A_360 = tpu.memref_slice %arg3[%multiple_of3A_358] : memref<320000xi32, #tpu.memory_space<hbm>> -> memref<128xi32, #tpu.memory_space<hbm>>
        tpu.enqueue_dma source(%dma_start3A_360 : memref<128xi32, #tpu.memory_space<hbm>>) target(%arg12 : memref<128xi32, #tpu.memory_space<vmem>>) target_semaphore(%arg27 : memref<!tpu.dma_semaphore, #tpu.memory_space<semaphore_mem>>)
        %dma_start3A_361 = tpu.memref_slice %arg4[%multiple_of3A_358] : memref<320000xi32, #tpu.memory_space<hbm>> -> memref<128xi32, #tpu.memory_space<hbm>>
        %dma_start3A_362 = tpu.memref_slice %arg4[%multiple_of3A_358] : memref<320000xi32, #tpu.memory_space<hbm>> -> memref<128xi32, #tpu.memory_space<hbm>>
        tpu.enqueue_dma source(%dma_start3A_362 : memref<128xi32, #tpu.memory_space<hbm>>) target(%arg13 : memref<128xi32, #tpu.memory_space<vmem>>) target_semaphore(%arg27 : memref<!tpu.dma_semaphore, #tpu.memory_space<semaphore_mem>>)
      } else {
      }
      %lt3A_187 = arith.constant 2500 : i32
      %lt3A_188 = arith.cmpi slt, %add3A_167, %lt3A_187 : i32
      %convert_element_type3A_189 = arith.extui %lt3A_188 : i1 to i32
      %cond3A_190 = arith.constant 0 : i32
      %cond3A_191 = arith.cmpi ne, %convert_element_type3A_189, %cond3A_190 : i32
      scf.if %cond3A_191 {
        %dma_wait3A_356 = arith.constant 0 : i32
        %dma_wait3A_357 = tpu.memref_slice %arg3[%dma_wait3A_356] : memref<320000xi32, #tpu.memory_space<hbm>> -> memref<128xi32, #tpu.memory_space<hbm>>
        %dma_wait3A_358 = arith.constant 0 : i32
        %dma_wait3A_359 = tpu.memref_slice %arg3[%dma_wait3A_358] : memref<320000xi32, #tpu.memory_space<hbm>> -> memref<128xi32, #tpu.memory_space<hbm>>
        tpu.wait_dma2 semaphore(%arg27 : memref<!tpu.dma_semaphore, #tpu.memory_space<semaphore_mem>>) src(%dma_wait3A_359 : memref<128xi32, #tpu.memory_space<hbm>>) dst(%arg14 : memref<128xi32, #tpu.memory_space<vmem>>)
        %dma_wait3A_360 = arith.constant 0 : i32
        %dma_wait3A_361 = tpu.memref_slice %arg3[%dma_wait3A_360] : memref<320000xi32, #tpu.memory_space<hbm>> -> memref<128xi32, #tpu.memory_space<hbm>>
        %dma_wait3A_362 = arith.constant 0 : i32
        %dma_wait3A_363 = tpu.memref_slice %arg3[%dma_wait3A_362] : memref<320000xi32, #tpu.memory_space<hbm>> -> memref<128xi32, #tpu.memory_space<hbm>>
        tpu.wait_dma2 semaphore(%arg27 : memref<!tpu.dma_semaphore, #tpu.memory_space<semaphore_mem>>) src(%dma_wait3A_363 : memref<128xi32, #tpu.memory_space<hbm>>) dst(%arg15 : memref<128xi32, #tpu.memory_space<vmem>>)
        %dma_start3A_364 = arith.constant 0 : i32
        %dma_start3A_365 = arith.constant 0 : i32
        %dma_start3A_366 = tpu.memref_slice %arg2[%dma_start3A_364, %dma_start3A_365] : memref<10000x128xf32, #tpu.memory_space<hbm>> -> memref<10000x128xf32, #tpu.memory_space<hbm>>
        tpu.enqueue_indirect_dma source(%dma_start3A_366 : memref<10000x128xf32, #tpu.memory_space<hbm>>) target(%arg16 : memref<128x128xf32, #tpu.memory_space<vmem>>) offsets(%arg14 : memref<128xi32, #tpu.memory_space<vmem>>) semaphore(%arg24 : memref<!tpu.dma_semaphore, #tpu.memory_space<semaphore_mem>>)
      } else {
      }
      %mul3A_192 = arith.constant 3 : i32
      %mul3A_193 = arith.muli %mul3A_192, %mul3A_111 : i32
      %add3A_194 = arith.constant 2 : i32
      %add3A_195 = arith.addi %mul3A_193, %add3A_194 : i32
      %mul3A_196 = arith.constant 32 : i32
      %mul3A_197 = arith.muli %add3A_195, %mul3A_196 : i32
      %add3A_198 = arith.addi %mul3A_197, %add3A : i32
      %add3A_199 = arith.constant 1 : i32
      %add3A_200 = arith.addi %mul3A_111, %add3A_199 : i32
      %mul3A_201 = arith.constant 3 : i32
      %mul3A_202 = arith.muli %mul3A_201, %add3A_200 : i32
      %add3A_203 = arith.constant 2 : i32
      %add3A_204 = arith.addi %mul3A_202, %add3A_203 : i32
      %mul3A_205 = arith.constant 32 : i32
      %mul3A_206 = arith.muli %add3A_204, %mul3A_205 : i32
      %add3A_207 = arith.addi %mul3A_206, %add3A : i32
      %add3A_208 = arith.constant 2 : i32
      %add3A_209 = arith.addi %mul3A_111, %add3A_208 : i32
      %mul3A_210 = arith.constant 3 : i32
      %mul3A_211 = arith.muli %mul3A_210, %add3A_209 : i32
      %add3A_212 = arith.constant 2 : i32
      %add3A_213 = arith.addi %mul3A_211, %add3A_212 : i32
      %mul3A_214 = arith.constant 32 : i32
      %mul3A_215 = arith.muli %add3A_213, %mul3A_214 : i32
      %add3A_216 = arith.addi %mul3A_215, %add3A : i32
      %lt3A_217 = arith.constant 2500 : i32
      %lt3A_218 = arith.cmpi slt, %add3A_198, %lt3A_217 : i32
      %convert_element_type3A_219 = arith.extui %lt3A_218 : i1 to i32
      %cond3A_220 = arith.constant 0 : i32
      %cond3A_221 = arith.cmpi ne, %convert_element_type3A_219, %cond3A_220 : i32
      scf.if %cond3A_221 {
        %dma_wait3A_356 = arith.constant 0 : i32
        %dma_wait3A_357 = arith.constant 0 : i32
        %dma_wait3A_358 = tpu.memref_slice %arg2[%dma_wait3A_356, %dma_wait3A_357] : memref<10000x128xf32, #tpu.memory_space<hbm>> -> memref<10000x128xf32, #tpu.memory_space<hbm>>
        tpu.wait_indirect_dma semaphore(%arg25 : memref<!tpu.dma_semaphore, #tpu.memory_space<semaphore_mem>>) src(%dma_wait3A_358 : memref<10000x128xf32, #tpu.memory_space<hbm>>) dst(%arg21 : memref<128x128xf32, #tpu.memory_space<vmem>>)
        "tpu.region"() ({
          %run_scoped3A = tpu.sem_alloc : memref<!tpu.dma_semaphore, #tpu.memory_space<semaphore_mem>>
          %dma_start3A_359 = arith.constant 0 : i32
          %dma_start3A_360 = arith.constant 0 : i32
          %dma_start3A_361 = tpu.memref_slice %arg22[%dma_start3A_359, %dma_start3A_360] : memref<10000x128xf32, #tpu.memory_space<vmem_shared>> -> memref<10000x128xf32, #tpu.memory_space<vmem_shared>>
          tpu.enqueue_indirect_dma source(%arg21 : memref<128x128xf32, #tpu.memory_space<vmem>>) target(%dma_start3A_361 : memref<10000x128xf32, #tpu.memory_space<vmem_shared>>) offsets(%arg18 : memref<128xi32, #tpu.memory_space<vmem>>) semaphore(%run_scoped3A : memref<!tpu.dma_semaphore, #tpu.memory_space<semaphore_mem>>) {add = true}
          %dma_wait3A_362 = arith.constant 0 : i32
          %dma_wait3A_363 = arith.constant 0 : i32
          %dma_wait3A_364 = tpu.memref_slice %arg22[%dma_wait3A_362, %dma_wait3A_363] : memref<10000x128xf32, #tpu.memory_space<vmem_shared>> -> memref<10000x128xf32, #tpu.memory_space<vmem_shared>>
          tpu.wait_indirect_dma semaphore(%run_scoped3A : memref<!tpu.dma_semaphore, #tpu.memory_space<semaphore_mem>>) src(%arg21 : memref<128x128xf32, #tpu.memory_space<vmem>>) dst(%dma_wait3A_364 : memref<10000x128xf32, #tpu.memory_space<vmem_shared>>)
          tpu.yield
        }) : () -> ()
      } else {
      }
      %lt3A_222 = arith.constant 2500 : i32
      %lt3A_223 = arith.cmpi slt, %add3A_216, %lt3A_222 : i32
      %convert_element_type3A_224 = arith.extui %lt3A_223 : i1 to i32
      %cond3A_225 = arith.constant 0 : i32
      %cond3A_226 = arith.cmpi ne, %convert_element_type3A_224, %cond3A_225 : i32
      scf.if %cond3A_226 {
        %mul3A_356 = arith.constant 128 : i32
        %mul3A_357 = arith.muli %add3A_216, %mul3A_356 : i32
        %multiple_of3A_358 = tpu.assume_multiple %mul3A_357, 128 : i32
        %dma_start3A_359 = tpu.memref_slice %arg3[%multiple_of3A_358] : memref<320000xi32, #tpu.memory_space<hbm>> -> memref<128xi32, #tpu.memory_space<hbm>>
        %dma_start3A_360 = tpu.memref_slice %arg3[%multiple_of3A_358] : memref<320000xi32, #tpu.memory_space<hbm>> -> memref<128xi32, #tpu.memory_space<hbm>>
        tpu.enqueue_dma source(%dma_start3A_360 : memref<128xi32, #tpu.memory_space<hbm>>) target(%arg17 : memref<128xi32, #tpu.memory_space<vmem>>) target_semaphore(%arg28 : memref<!tpu.dma_semaphore, #tpu.memory_space<semaphore_mem>>)
        %dma_start3A_361 = tpu.memref_slice %arg4[%multiple_of3A_358] : memref<320000xi32, #tpu.memory_space<hbm>> -> memref<128xi32, #tpu.memory_space<hbm>>
        %dma_start3A_362 = tpu.memref_slice %arg4[%multiple_of3A_358] : memref<320000xi32, #tpu.memory_space<hbm>> -> memref<128xi32, #tpu.memory_space<hbm>>
        tpu.enqueue_dma source(%dma_start3A_362 : memref<128xi32, #tpu.memory_space<hbm>>) target(%arg18 : memref<128xi32, #tpu.memory_space<vmem>>) target_semaphore(%arg28 : memref<!tpu.dma_semaphore, #tpu.memory_space<semaphore_mem>>)
      } else {
      }
      %lt3A_227 = arith.constant 2500 : i32
      %lt3A_228 = arith.cmpi slt, %add3A_207, %lt3A_227 : i32
      %convert_element_type3A_229 = arith.extui %lt3A_228 : i1 to i32
      %cond3A_230 = arith.constant 0 : i32
      %cond3A_231 = arith.cmpi ne, %convert_element_type3A_229, %cond3A_230 : i32
      scf.if %cond3A_231 {
        %dma_wait3A_356 = arith.constant 0 : i32
        %dma_wait3A_357 = tpu.memref_slice %arg3[%dma_wait3A_356] : memref<320000xi32, #tpu.memory_space<hbm>> -> memref<128xi32, #tpu.memory_space<hbm>>
        %dma_wait3A_358 = arith.constant 0 : i32
        %dma_wait3A_359 = tpu.memref_slice %arg3[%dma_wait3A_358] : memref<320000xi32, #tpu.memory_space<hbm>> -> memref<128xi32, #tpu.memory_space<hbm>>
        tpu.wait_dma2 semaphore(%arg28 : memref<!tpu.dma_semaphore, #tpu.memory_space<semaphore_mem>>) src(%dma_wait3A_359 : memref<128xi32, #tpu.memory_space<hbm>>) dst(%arg19 : memref<128xi32, #tpu.memory_space<vmem>>)
        %dma_wait3A_360 = arith.constant 0 : i32
        %dma_wait3A_361 = tpu.memref_slice %arg3[%dma_wait3A_360] : memref<320000xi32, #tpu.memory_space<hbm>> -> memref<128xi32, #tpu.memory_space<hbm>>
        %dma_wait3A_362 = arith.constant 0 : i32
        %dma_wait3A_363 = tpu.memref_slice %arg3[%dma_wait3A_362] : memref<320000xi32, #tpu.memory_space<hbm>> -> memref<128xi32, #tpu.memory_space<hbm>>
        tpu.wait_dma2 semaphore(%arg28 : memref<!tpu.dma_semaphore, #tpu.memory_space<semaphore_mem>>) src(%dma_wait3A_363 : memref<128xi32, #tpu.memory_space<hbm>>) dst(%arg20 : memref<128xi32, #tpu.memory_space<vmem>>)
        %dma_start3A_364 = arith.constant 0 : i32
        %dma_start3A_365 = arith.constant 0 : i32
        %dma_start3A_366 = tpu.memref_slice %arg2[%dma_start3A_364, %dma_start3A_365] : memref<10000x128xf32, #tpu.memory_space<hbm>> -> memref<10000x128xf32, #tpu.memory_space<hbm>>
        tpu.enqueue_indirect_dma source(%dma_start3A_366 : memref<10000x128xf32, #tpu.memory_space<hbm>>) target(%arg21 : memref<128x128xf32, #tpu.memory_space<vmem>>) offsets(%arg19 : memref<128xi32, #tpu.memory_space<vmem>>) semaphore(%arg25 : memref<!tpu.dma_semaphore, #tpu.memory_space<semaphore_mem>>)
      } else {
      }
      %mul3A_232 = arith.constant 2 : i32
      %mul3A_233 = arith.muli %mul3A_232, %scan3A_109 : i32
      %add3A_234 = arith.constant 1 : i32
      %add3A_235 = arith.addi %mul3A_233, %add3A_234 : i32
      %mul3A_236 = arith.constant 3 : i32
      %mul3A_237 = arith.muli %mul3A_236, %add3A_235 : i32
      %add3A_238 = arith.constant 0 : i32
      %add3A_239 = arith.addi %mul3A_237, %add3A_238 : i32
      %mul3A_240 = arith.constant 32 : i32
      %mul3A_241 = arith.muli %add3A_239, %mul3A_240 : i32
      %add3A_242 = arith.addi %mul3A_241, %add3A : i32
      %add3A_243 = arith.constant 1 : i32
      %add3A_244 = arith.addi %add3A_235, %add3A_243 : i32
      %mul3A_245 = arith.constant 3 : i32
      %mul3A_246 = arith.muli %mul3A_245, %add3A_244 : i32
      %add3A_247 = arith.constant 0 : i32
      %add3A_248 = arith.addi %mul3A_246, %add3A_247 : i32
      %mul3A_249 = arith.constant 32 : i32
      %mul3A_250 = arith.muli %add3A_248, %mul3A_249 : i32
      %add3A_251 = arith.addi %mul3A_250, %add3A : i32
      %add3A_252 = arith.constant 2 : i32
      %add3A_253 = arith.addi %add3A_235, %add3A_252 : i32
      %mul3A_254 = arith.constant 3 : i32
      %mul3A_255 = arith.muli %mul3A_254, %add3A_253 : i32
      %add3A_256 = arith.constant 0 : i32
      %add3A_257 = arith.addi %mul3A_255, %add3A_256 : i32
      %mul3A_258 = arith.constant 32 : i32
      %mul3A_259 = arith.muli %add3A_257, %mul3A_258 : i32
      %add3A_260 = arith.addi %mul3A_259, %add3A : i32
      %lt3A_261 = arith.constant 2500 : i32
      %lt3A_262 = arith.cmpi slt, %add3A_242, %lt3A_261 : i32
      %convert_element_type3A_263 = arith.extui %lt3A_262 : i1 to i32
      %cond3A_264 = arith.constant 0 : i32
      %cond3A_265 = arith.cmpi ne, %convert_element_type3A_263, %cond3A_264 : i32
      scf.if %cond3A_265 {
        %dma_wait3A_356 = arith.constant 0 : i32
        %dma_wait3A_357 = arith.constant 0 : i32
        %dma_wait3A_358 = tpu.memref_slice %arg2[%dma_wait3A_356, %dma_wait3A_357] : memref<10000x128xf32, #tpu.memory_space<hbm>> -> memref<10000x128xf32, #tpu.memory_space<hbm>>
        tpu.wait_indirect_dma semaphore(%arg23 : memref<!tpu.dma_semaphore, #tpu.memory_space<semaphore_mem>>) src(%dma_wait3A_358 : memref<10000x128xf32, #tpu.memory_space<hbm>>) dst(%arg11 : memref<128x128xf32, #tpu.memory_space<vmem>>)
        "tpu.region"() ({
          %run_scoped3A = tpu.sem_alloc : memref<!tpu.dma_semaphore, #tpu.memory_space<semaphore_mem>>
          %dma_start3A_359 = arith.constant 0 : i32
          %dma_start3A_360 = arith.constant 0 : i32
          %dma_start3A_361 = tpu.memref_slice %arg22[%dma_start3A_359, %dma_start3A_360] : memref<10000x128xf32, #tpu.memory_space<vmem_shared>> -> memref<10000x128xf32, #tpu.memory_space<vmem_shared>>
          tpu.enqueue_indirect_dma source(%arg11 : memref<128x128xf32, #tpu.memory_space<vmem>>) target(%dma_start3A_361 : memref<10000x128xf32, #tpu.memory_space<vmem_shared>>) offsets(%arg10 : memref<128xi32, #tpu.memory_space<vmem>>) semaphore(%run_scoped3A : memref<!tpu.dma_semaphore, #tpu.memory_space<semaphore_mem>>) {add = true}
          %dma_wait3A_362 = arith.constant 0 : i32
          %dma_wait3A_363 = arith.constant 0 : i32
          %dma_wait3A_364 = tpu.memref_slice %arg22[%dma_wait3A_362, %dma_wait3A_363] : memref<10000x128xf32, #tpu.memory_space<vmem_shared>> -> memref<10000x128xf32, #tpu.memory_space<vmem_shared>>
          tpu.wait_indirect_dma semaphore(%run_scoped3A : memref<!tpu.dma_semaphore, #tpu.memory_space<semaphore_mem>>) src(%arg11 : memref<128x128xf32, #tpu.memory_space<vmem>>) dst(%dma_wait3A_364 : memref<10000x128xf32, #tpu.memory_space<vmem_shared>>)
          tpu.yield
        }) : () -> ()
      } else {
      }
      %lt3A_266 = arith.constant 2500 : i32
      %lt3A_267 = arith.cmpi slt, %add3A_260, %lt3A_266 : i32
      %convert_element_type3A_268 = arith.extui %lt3A_267 : i1 to i32
      %cond3A_269 = arith.constant 0 : i32
      %cond3A_270 = arith.cmpi ne, %convert_element_type3A_268, %cond3A_269 : i32
      scf.if %cond3A_270 {
        %mul3A_356 = arith.constant 128 : i32
        %mul3A_357 = arith.muli %add3A_260, %mul3A_356 : i32
        %multiple_of3A_358 = tpu.assume_multiple %mul3A_357, 128 : i32
        %dma_start3A_359 = tpu.memref_slice %arg3[%multiple_of3A_358] : memref<320000xi32, #tpu.memory_space<hbm>> -> memref<128xi32, #tpu.memory_space<hbm>>
        %dma_start3A_360 = tpu.memref_slice %arg3[%multiple_of3A_358] : memref<320000xi32, #tpu.memory_space<hbm>> -> memref<128xi32, #tpu.memory_space<hbm>>
        tpu.enqueue_dma source(%dma_start3A_360 : memref<128xi32, #tpu.memory_space<hbm>>) target(%arg9 : memref<128xi32, #tpu.memory_space<vmem>>) target_semaphore(%arg26 : memref<!tpu.dma_semaphore, #tpu.memory_space<semaphore_mem>>)
        %dma_start3A_361 = tpu.memref_slice %arg4[%multiple_of3A_358] : memref<320000xi32, #tpu.memory_space<hbm>> -> memref<128xi32, #tpu.memory_space<hbm>>
        %dma_start3A_362 = tpu.memref_slice %arg4[%multiple_of3A_358] : memref<320000xi32, #tpu.memory_space<hbm>> -> memref<128xi32, #tpu.memory_space<hbm>>
        tpu.enqueue_dma source(%dma_start3A_362 : memref<128xi32, #tpu.memory_space<hbm>>) target(%arg10 : memref<128xi32, #tpu.memory_space<vmem>>) target_semaphore(%arg26 : memref<!tpu.dma_semaphore, #tpu.memory_space<semaphore_mem>>)
      } else {
      }
      %lt3A_271 = arith.constant 2500 : i32
      %lt3A_272 = arith.cmpi slt, %add3A_251, %lt3A_271 : i32
      %convert_element_type3A_273 = arith.extui %lt3A_272 : i1 to i32
      %cond3A_274 = arith.constant 0 : i32
      %cond3A_275 = arith.cmpi ne, %convert_element_type3A_273, %cond3A_274 : i32
      scf.if %cond3A_275 {
        %dma_wait3A_356 = arith.constant 0 : i32
        %dma_wait3A_357 = tpu.memref_slice %arg3[%dma_wait3A_356] : memref<320000xi32, #tpu.memory_space<hbm>> -> memref<128xi32, #tpu.memory_space<hbm>>
        %dma_wait3A_358 = arith.constant 0 : i32
        %dma_wait3A_359 = tpu.memref_slice %arg3[%dma_wait3A_358] : memref<320000xi32, #tpu.memory_space<hbm>> -> memref<128xi32, #tpu.memory_space<hbm>>
        tpu.wait_dma2 semaphore(%arg26 : memref<!tpu.dma_semaphore, #tpu.memory_space<semaphore_mem>>) src(%dma_wait3A_359 : memref<128xi32, #tpu.memory_space<hbm>>) dst(%arg7 : memref<128xi32, #tpu.memory_space<vmem>>)
        %dma_wait3A_360 = arith.constant 0 : i32
        %dma_wait3A_361 = tpu.memref_slice %arg3[%dma_wait3A_360] : memref<320000xi32, #tpu.memory_space<hbm>> -> memref<128xi32, #tpu.memory_space<hbm>>
        %dma_wait3A_362 = arith.constant 0 : i32
        %dma_wait3A_363 = tpu.memref_slice %arg3[%dma_wait3A_362] : memref<320000xi32, #tpu.memory_space<hbm>> -> memref<128xi32, #tpu.memory_space<hbm>>
        tpu.wait_dma2 semaphore(%arg26 : memref<!tpu.dma_semaphore, #tpu.memory_space<semaphore_mem>>) src(%dma_wait3A_363 : memref<128xi32, #tpu.memory_space<hbm>>) dst(%arg8 : memref<128xi32, #tpu.memory_space<vmem>>)
        %dma_start3A_364 = arith.constant 0 : i32
        %dma_start3A_365 = arith.constant 0 : i32
        %dma_start3A_366 = tpu.memref_slice %arg2[%dma_start3A_364, %dma_start3A_365] : memref<10000x128xf32, #tpu.memory_space<hbm>> -> memref<10000x128xf32, #tpu.memory_space<hbm>>
        tpu.enqueue_indirect_dma source(%dma_start3A_366 : memref<10000x128xf32, #tpu.memory_space<hbm>>) target(%arg11 : memref<128x128xf32, #tpu.memory_space<vmem>>) offsets(%arg7 : memref<128xi32, #tpu.memory_space<vmem>>) semaphore(%arg23 : memref<!tpu.dma_semaphore, #tpu.memory_space<semaphore_mem>>)
      } else {
      }
      %mul3A_276 = arith.constant 3 : i32
      %mul3A_277 = arith.muli %mul3A_276, %add3A_235 : i32
      %add3A_278 = arith.constant 1 : i32
      %add3A_279 = arith.addi %mul3A_277, %add3A_278 : i32
      %mul3A_280 = arith.constant 32 : i32
      %mul3A_281 = arith.muli %add3A_279, %mul3A_280 : i32
      %add3A_282 = arith.addi %mul3A_281, %add3A : i32
      %add3A_283 = arith.constant 1 : i32
      %add3A_284 = arith.addi %add3A_235, %add3A_283 : i32
      %mul3A_285 = arith.constant 3 : i32
      %mul3A_286 = arith.muli %mul3A_285, %add3A_284 : i32
      %add3A_287 = arith.constant 1 : i32
      %add3A_288 = arith.addi %mul3A_286, %add3A_287 : i32
      %mul3A_289 = arith.constant 32 : i32
      %mul3A_290 = arith.muli %add3A_288, %mul3A_289 : i32
      %add3A_291 = arith.addi %mul3A_290, %add3A : i32
      %add3A_292 = arith.constant 2 : i32
      %add3A_293 = arith.addi %add3A_235, %add3A_292 : i32
      %mul3A_294 = arith.constant 3 : i32
      %mul3A_295 = arith.muli %mul3A_294, %add3A_293 : i32
      %add3A_296 = arith.constant 1 : i32
      %add3A_297 = arith.addi %mul3A_295, %add3A_296 : i32
      %mul3A_298 = arith.constant 32 : i32
      %mul3A_299 = arith.muli %add3A_297, %mul3A_298 : i32
      %add3A_300 = arith.addi %mul3A_299, %add3A : i32
      %lt3A_301 = arith.constant 2500 : i32
      %lt3A_302 = arith.cmpi slt, %add3A_282, %lt3A_301 : i32
      %convert_element_type3A_303 = arith.extui %lt3A_302 : i1 to i32
      %cond3A_304 = arith.constant 0 : i32
      %cond3A_305 = arith.cmpi ne, %convert_element_type3A_303, %cond3A_304 : i32
      scf.if %cond3A_305 {
        %dma_wait3A_356 = arith.constant 0 : i32
        %dma_wait3A_357 = arith.constant 0 : i32
        %dma_wait3A_358 = tpu.memref_slice %arg2[%dma_wait3A_356, %dma_wait3A_357] : memref<10000x128xf32, #tpu.memory_space<hbm>> -> memref<10000x128xf32, #tpu.memory_space<hbm>>
        tpu.wait_indirect_dma semaphore(%arg24 : memref<!tpu.dma_semaphore, #tpu.memory_space<semaphore_mem>>) src(%dma_wait3A_358 : memref<10000x128xf32, #tpu.memory_space<hbm>>) dst(%arg16 : memref<128x128xf32, #tpu.memory_space<vmem>>)
        "tpu.region"() ({
          %run_scoped3A = tpu.sem_alloc : memref<!tpu.dma_semaphore, #tpu.memory_space<semaphore_mem>>
          %dma_start3A_359 = arith.constant 0 : i32
          %dma_start3A_360 = arith.constant 0 : i32
          %dma_start3A_361 = tpu.memref_slice %arg22[%dma_start3A_359, %dma_start3A_360] : memref<10000x128xf32, #tpu.memory_space<vmem_shared>> -> memref<10000x128xf32, #tpu.memory_space<vmem_shared>>
          tpu.enqueue_indirect_dma source(%arg16 : memref<128x128xf32, #tpu.memory_space<vmem>>) target(%dma_start3A_361 : memref<10000x128xf32, #tpu.memory_space<vmem_shared>>) offsets(%arg15 : memref<128xi32, #tpu.memory_space<vmem>>) semaphore(%run_scoped3A : memref<!tpu.dma_semaphore, #tpu.memory_space<semaphore_mem>>) {add = true}
          %dma_wait3A_362 = arith.constant 0 : i32
          %dma_wait3A_363 = arith.constant 0 : i32
          %dma_wait3A_364 = tpu.memref_slice %arg22[%dma_wait3A_362, %dma_wait3A_363] : memref<10000x128xf32, #tpu.memory_space<vmem_shared>> -> memref<10000x128xf32, #tpu.memory_space<vmem_shared>>
          tpu.wait_indirect_dma semaphore(%run_scoped3A : memref<!tpu.dma_semaphore, #tpu.memory_space<semaphore_mem>>) src(%arg16 : memref<128x128xf32, #tpu.memory_space<vmem>>) dst(%dma_wait3A_364 : memref<10000x128xf32, #tpu.memory_space<vmem_shared>>)
          tpu.yield
        }) : () -> ()
      } else {
      }
      %lt3A_306 = arith.constant 2500 : i32
      %lt3A_307 = arith.cmpi slt, %add3A_300, %lt3A_306 : i32
      %convert_element_type3A_308 = arith.extui %lt3A_307 : i1 to i32
      %cond3A_309 = arith.constant 0 : i32
      %cond3A_310 = arith.cmpi ne, %convert_element_type3A_308, %cond3A_309 : i32
      scf.if %cond3A_310 {
        %mul3A_356 = arith.constant 128 : i32
        %mul3A_357 = arith.muli %add3A_300, %mul3A_356 : i32
        %multiple_of3A_358 = tpu.assume_multiple %mul3A_357, 128 : i32
        %dma_start3A_359 = tpu.memref_slice %arg3[%multiple_of3A_358] : memref<320000xi32, #tpu.memory_space<hbm>> -> memref<128xi32, #tpu.memory_space<hbm>>
        %dma_start3A_360 = tpu.memref_slice %arg3[%multiple_of3A_358] : memref<320000xi32, #tpu.memory_space<hbm>> -> memref<128xi32, #tpu.memory_space<hbm>>
        tpu.enqueue_dma source(%dma_start3A_360 : memref<128xi32, #tpu.memory_space<hbm>>) target(%arg14 : memref<128xi32, #tpu.memory_space<vmem>>) target_semaphore(%arg27 : memref<!tpu.dma_semaphore, #tpu.memory_space<semaphore_mem>>)
        %dma_start3A_361 = tpu.memref_slice %arg4[%multiple_of3A_358] : memref<320000xi32, #tpu.memory_space<hbm>> -> memref<128xi32, #tpu.memory_space<hbm>>
        %dma_start3A_362 = tpu.memref_slice %arg4[%multiple_of3A_358] : memref<320000xi32, #tpu.memory_space<hbm>> -> memref<128xi32, #tpu.memory_space<hbm>>
        tpu.enqueue_dma source(%dma_start3A_362 : memref<128xi32, #tpu.memory_space<hbm>>) target(%arg15 : memref<128xi32, #tpu.memory_space<vmem>>) target_semaphore(%arg27 : memref<!tpu.dma_semaphore, #tpu.memory_space<semaphore_mem>>)
      } else {
      }
      %lt3A_311 = arith.constant 2500 : i32
      %lt3A_312 = arith.cmpi slt, %add3A_291, %lt3A_311 : i32
      %convert_element_type3A_313 = arith.extui %lt3A_312 : i1 to i32
      %cond3A_314 = arith.constant 0 : i32
      %cond3A_315 = arith.cmpi ne, %convert_element_type3A_313, %cond3A_314 : i32
      scf.if %cond3A_315 {
        %dma_wait3A_356 = arith.constant 0 : i32
        %dma_wait3A_357 = tpu.memref_slice %arg3[%dma_wait3A_356] : memref<320000xi32, #tpu.memory_space<hbm>> -> memref<128xi32, #tpu.memory_space<hbm>>
        %dma_wait3A_358 = arith.constant 0 : i32
        %dma_wait3A_359 = tpu.memref_slice %arg3[%dma_wait3A_358] : memref<320000xi32, #tpu.memory_space<hbm>> -> memref<128xi32, #tpu.memory_space<hbm>>
        tpu.wait_dma2 semaphore(%arg27 : memref<!tpu.dma_semaphore, #tpu.memory_space<semaphore_mem>>) src(%dma_wait3A_359 : memref<128xi32, #tpu.memory_space<hbm>>) dst(%arg12 : memref<128xi32, #tpu.memory_space<vmem>>)
        %dma_wait3A_360 = arith.constant 0 : i32
        %dma_wait3A_361 = tpu.memref_slice %arg3[%dma_wait3A_360] : memref<320000xi32, #tpu.memory_space<hbm>> -> memref<128xi32, #tpu.memory_space<hbm>>
        %dma_wait3A_362 = arith.constant 0 : i32
        %dma_wait3A_363 = tpu.memref_slice %arg3[%dma_wait3A_362] : memref<320000xi32, #tpu.memory_space<hbm>> -> memref<128xi32, #tpu.memory_space<hbm>>
        tpu.wait_dma2 semaphore(%arg27 : memref<!tpu.dma_semaphore, #tpu.memory_space<semaphore_mem>>) src(%dma_wait3A_363 : memref<128xi32, #tpu.memory_space<hbm>>) dst(%arg13 : memref<128xi32, #tpu.memory_space<vmem>>)
        %dma_start3A_364 = arith.constant 0 : i32
        %dma_start3A_365 = arith.constant 0 : i32
        %dma_start3A_366 = tpu.memref_slice %arg2[%dma_start3A_364, %dma_start3A_365] : memref<10000x128xf32, #tpu.memory_space<hbm>> -> memref<10000x128xf32, #tpu.memory_space<hbm>>
        tpu.enqueue_indirect_dma source(%dma_start3A_366 : memref<10000x128xf32, #tpu.memory_space<hbm>>) target(%arg16 : memref<128x128xf32, #tpu.memory_space<vmem>>) offsets(%arg12 : memref<128xi32, #tpu.memory_space<vmem>>) semaphore(%arg24 : memref<!tpu.dma_semaphore, #tpu.memory_space<semaphore_mem>>)
      } else {
      }
      %mul3A_316 = arith.constant 3 : i32
      %mul3A_317 = arith.muli %mul3A_316, %add3A_235 : i32
      %add3A_318 = arith.constant 2 : i32
      %add3A_319 = arith.addi %mul3A_317, %add3A_318 : i32
      %mul3A_320 = arith.constant 32 : i32
      %mul3A_321 = arith.muli %add3A_319, %mul3A_320 : i32
      %add3A_322 = arith.addi %mul3A_321, %add3A : i32
      %add3A_323 = arith.constant 1 : i32
      %add3A_324 = arith.addi %add3A_235, %add3A_323 : i32
      %mul3A_325 = arith.constant 3 : i32
      %mul3A_326 = arith.muli %mul3A_325, %add3A_324 : i32
      %add3A_327 = arith.constant 2 : i32
      %add3A_328 = arith.addi %mul3A_326, %add3A_327 : i32
      %mul3A_329 = arith.constant 32 : i32
      %mul3A_330 = arith.muli %add3A_328, %mul3A_329 : i32
      %add3A_331 = arith.addi %mul3A_330, %add3A : i32
      %add3A_332 = arith.constant 2 : i32
      %add3A_333 = arith.addi %add3A_235, %add3A_332 : i32
      %mul3A_334 = arith.constant 3 : i32
      %mul3A_335 = arith.muli %mul3A_334, %add3A_333 : i32
      %add3A_336 = arith.constant 2 : i32
      %add3A_337 = arith.addi %mul3A_335, %add3A_336 : i32
      %mul3A_338 = arith.constant 32 : i32
      %mul3A_339 = arith.muli %add3A_337, %mul3A_338 : i32
      %add3A_340 = arith.addi %mul3A_339, %add3A : i32
      %lt3A_341 = arith.constant 2500 : i32
      %lt3A_342 = arith.cmpi slt, %add3A_322, %lt3A_341 : i32
      %convert_element_type3A_343 = arith.extui %lt3A_342 : i1 to i32
      %cond3A_344 = arith.constant 0 : i32
      %cond3A_345 = arith.cmpi ne, %convert_element_type3A_343, %cond3A_344 : i32
      scf.if %cond3A_345 {
        %dma_wait3A_356 = arith.constant 0 : i32
        %dma_wait3A_357 = arith.constant 0 : i32
        %dma_wait3A_358 = tpu.memref_slice %arg2[%dma_wait3A_356, %dma_wait3A_357] : memref<10000x128xf32, #tpu.memory_space<hbm>> -> memref<10000x128xf32, #tpu.memory_space<hbm>>
        tpu.wait_indirect_dma semaphore(%arg25 : memref<!tpu.dma_semaphore, #tpu.memory_space<semaphore_mem>>) src(%dma_wait3A_358 : memref<10000x128xf32, #tpu.memory_space<hbm>>) dst(%arg21 : memref<128x128xf32, #tpu.memory_space<vmem>>)
        "tpu.region"() ({
          %run_scoped3A = tpu.sem_alloc : memref<!tpu.dma_semaphore, #tpu.memory_space<semaphore_mem>>
          %dma_start3A_359 = arith.constant 0 : i32
          %dma_start3A_360 = arith.constant 0 : i32
          %dma_start3A_361 = tpu.memref_slice %arg22[%dma_start3A_359, %dma_start3A_360] : memref<10000x128xf32, #tpu.memory_space<vmem_shared>> -> memref<10000x128xf32, #tpu.memory_space<vmem_shared>>
          tpu.enqueue_indirect_dma source(%arg21 : memref<128x128xf32, #tpu.memory_space<vmem>>) target(%dma_start3A_361 : memref<10000x128xf32, #tpu.memory_space<vmem_shared>>) offsets(%arg20 : memref<128xi32, #tpu.memory_space<vmem>>) semaphore(%run_scoped3A : memref<!tpu.dma_semaphore, #tpu.memory_space<semaphore_mem>>) {add = true}
          %dma_wait3A_362 = arith.constant 0 : i32
          %dma_wait3A_363 = arith.constant 0 : i32
          %dma_wait3A_364 = tpu.memref_slice %arg22[%dma_wait3A_362, %dma_wait3A_363] : memref<10000x128xf32, #tpu.memory_space<vmem_shared>> -> memref<10000x128xf32, #tpu.memory_space<vmem_shared>>
          tpu.wait_indirect_dma semaphore(%run_scoped3A : memref<!tpu.dma_semaphore, #tpu.memory_space<semaphore_mem>>) src(%arg21 : memref<128x128xf32, #tpu.memory_space<vmem>>) dst(%dma_wait3A_364 : memref<10000x128xf32, #tpu.memory_space<vmem_shared>>)
          tpu.yield
        }) : () -> ()
      } else {
      }
      %lt3A_346 = arith.constant 2500 : i32
      %lt3A_347 = arith.cmpi slt, %add3A_340, %lt3A_346 : i32
      %convert_element_type3A_348 = arith.extui %lt3A_347 : i1 to i32
      %cond3A_349 = arith.constant 0 : i32
      %cond3A_350 = arith.cmpi ne, %convert_element_type3A_348, %cond3A_349 : i32
      scf.if %cond3A_350 {
        %mul3A_356 = arith.constant 128 : i32
        %mul3A_357 = arith.muli %add3A_340, %mul3A_356 : i32
        %multiple_of3A_358 = tpu.assume_multiple %mul3A_357, 128 : i32
        %dma_start3A_359 = tpu.memref_slice %arg3[%multiple_of3A_358] : memref<320000xi32, #tpu.memory_space<hbm>> -> memref<128xi32, #tpu.memory_space<hbm>>
        %dma_start3A_360 = tpu.memref_slice %arg3[%multiple_of3A_358] : memref<320000xi32, #tpu.memory_space<hbm>> -> memref<128xi32, #tpu.memory_space<hbm>>
        tpu.enqueue_dma source(%dma_start3A_360 : memref<128xi32, #tpu.memory_space<hbm>>) target(%arg19 : memref<128xi32, #tpu.memory_space<vmem>>) target_semaphore(%arg28 : memref<!tpu.dma_semaphore, #tpu.memory_space<semaphore_mem>>)
        %dma_start3A_361 = tpu.memref_slice %arg4[%multiple_of3A_358] : memref<320000xi32, #tpu.memory_space<hbm>> -> memref<128xi32, #tpu.memory_space<hbm>>
        %dma_start3A_362 = tpu.memref_slice %arg4[%multiple_of3A_358] : memref<320000xi32, #tpu.memory_space<hbm>> -> memref<128xi32, #tpu.memory_space<hbm>>
        tpu.enqueue_dma source(%dma_start3A_362 : memref<128xi32, #tpu.memory_space<hbm>>) target(%arg20 : memref<128xi32, #tpu.memory_space<vmem>>) target_semaphore(%arg28 : memref<!tpu.dma_semaphore, #tpu.memory_space<semaphore_mem>>)
      } else {
      }
      %lt3A_351 = arith.constant 2500 : i32
      %lt3A_352 = arith.cmpi slt, %add3A_331, %lt3A_351 : i32
      %convert_element_type3A_353 = arith.extui %lt3A_352 : i1 to i32
      %cond3A_354 = arith.constant 0 : i32
      %cond3A_355 = arith.cmpi ne, %convert_element_type3A_353, %cond3A_354 : i32
      scf.if %cond3A_355 {
        %dma_wait3A_356 = arith.constant 0 : i32
        %dma_wait3A_357 = tpu.memref_slice %arg3[%dma_wait3A_356] : memref<320000xi32, #tpu.memory_space<hbm>> -> memref<128xi32, #tpu.memory_space<hbm>>
        %dma_wait3A_358 = arith.constant 0 : i32
        %dma_wait3A_359 = tpu.memref_slice %arg3[%dma_wait3A_358] : memref<320000xi32, #tpu.memory_space<hbm>> -> memref<128xi32, #tpu.memory_space<hbm>>
        tpu.wait_dma2 semaphore(%arg28 : memref<!tpu.dma_semaphore, #tpu.memory_space<semaphore_mem>>) src(%dma_wait3A_359 : memref<128xi32, #tpu.memory_space<hbm>>) dst(%arg17 : memref<128xi32, #tpu.memory_space<vmem>>)
        %dma_wait3A_360 = arith.constant 0 : i32
        %dma_wait3A_361 = tpu.memref_slice %arg3[%dma_wait3A_360] : memref<320000xi32, #tpu.memory_space<hbm>> -> memref<128xi32, #tpu.memory_space<hbm>>
        %dma_wait3A_362 = arith.constant 0 : i32
        %dma_wait3A_363 = tpu.memref_slice %arg3[%dma_wait3A_362] : memref<320000xi32, #tpu.memory_space<hbm>> -> memref<128xi32, #tpu.memory_space<hbm>>
        tpu.wait_dma2 semaphore(%arg28 : memref<!tpu.dma_semaphore, #tpu.memory_space<semaphore_mem>>) src(%dma_wait3A_363 : memref<128xi32, #tpu.memory_space<hbm>>) dst(%arg18 : memref<128xi32, #tpu.memory_space<vmem>>)
        %dma_start3A_364 = arith.constant 0 : i32
        %dma_start3A_365 = arith.constant 0 : i32
        %dma_start3A_366 = tpu.memref_slice %arg2[%dma_start3A_364, %dma_start3A_365] : memref<10000x128xf32, #tpu.memory_space<hbm>> -> memref<10000x128xf32, #tpu.memory_space<hbm>>
        tpu.enqueue_indirect_dma source(%dma_start3A_366 : memref<10000x128xf32, #tpu.memory_space<hbm>>) target(%arg21 : memref<128x128xf32, #tpu.memory_space<vmem>>) offsets(%arg17 : memref<128xi32, #tpu.memory_space<vmem>>) semaphore(%arg25 : memref<!tpu.dma_semaphore, #tpu.memory_space<semaphore_mem>>)
      } else {
      }
    }
    %scan3A_97 = arith.constant 14 : i32
    %barrier3A_98 = arith.constant 0 : index
    tpu.barrier barrier_id(%barrier3A_98)
    %lt3A_99 = arith.constant 15 : i32
    %lt3A_100 = arith.cmpi slt, %arg1, %lt3A_99 : i32
    %convert_element_type3A_101 = arith.extui %lt3A_100 : i1 to i32
    %cond3A_102 = arith.constant 0 : i32
    %cond3A_103 = arith.cmpi ne, %convert_element_type3A_101, %cond3A_102 : i32
    scf.if %cond3A_103 {
      %mul3A_109 = arith.constant 10000 : i32
      %mul3A_110 = arith.muli %arg0, %mul3A_109 : i32
      %add3A_111 = arith.addi %mul3A_110, %mul3A_54 : i32
      "tpu.region"() ({
        %run_scoped3A = tpu.sem_alloc : memref<!tpu.dma_semaphore, #tpu.memory_space<semaphore_mem>>
        %dma_start3A_112 = arith.constant 0 : i32
        %dma_start3A_113 = tpu.memref_slice %arg6[%add3A_111, %dma_start3A_112] : memref<20000x128xf32, #tpu.memory_space<hbm>> -> memref<624x128xf32, #tpu.memory_space<hbm>>
        %dma_start3A_114 = arith.constant 0 : i32
        %dma_start3A_115 = tpu.memref_slice %arg22[%mul3A_54, %dma_start3A_114] : memref<10000x128xf32, #tpu.memory_space<vmem_shared>> -> memref<624x128xf32, #tpu.memory_space<vmem_shared>>
        tpu.enqueue_dma source(%dma_start3A_115 : memref<624x128xf32, #tpu.memory_space<vmem_shared>>) target(%dma_start3A_113 : memref<624x128xf32, #tpu.memory_space<hbm>>) target_semaphore(%run_scoped3A : memref<!tpu.dma_semaphore, #tpu.memory_space<semaphore_mem>>)
        %dma_wait3A_116 = arith.constant 0 : i32
        %dma_wait3A_117 = tpu.memref_slice %arg6[%add3A_111, %dma_wait3A_116] : memref<20000x128xf32, #tpu.memory_space<hbm>> -> memref<624x128xf32, #tpu.memory_space<hbm>>
        %dma_wait3A_118 = arith.constant 0 : i32
        %dma_wait3A_119 = tpu.memref_slice %arg22[%mul3A_54, %dma_wait3A_118] : memref<10000x128xf32, #tpu.memory_space<vmem_shared>> -> memref<624x128xf32, #tpu.memory_space<vmem_shared>>
        tpu.wait_dma2 semaphore(%run_scoped3A : memref<!tpu.dma_semaphore, #tpu.memory_space<semaphore_mem>>) src(%dma_wait3A_119 : memref<624x128xf32, #tpu.memory_space<vmem_shared>>) dst(%dma_wait3A_117 : memref<624x128xf32, #tpu.memory_space<hbm>>)
        tpu.yield
      }) : () -> ()
    } else {
    }
    %eq3A_104 = arith.constant 15 : i32
    %eq3A_105 = arith.cmpi eq, %arg1, %eq3A_104 : i32
    %convert_element_type3A_106 = arith.extui %eq3A_105 : i1 to i32
    %cond3A_107 = arith.constant 0 : i32
    %cond3A_108 = arith.cmpi ne, %convert_element_type3A_106, %cond3A_107 : i32
    scf.if %cond3A_108 {
      %mul3A_109 = arith.constant 10000 : i32
      %mul3A_110 = arith.muli %arg0, %mul3A_109 : i32
      %add3A_111 = arith.addi %mul3A_110, %mul3A_54 : i32
      "tpu.region"() ({
        %run_scoped3A = tpu.sem_alloc : memref<!tpu.dma_semaphore, #tpu.memory_space<semaphore_mem>>
        %dma_start3A_112 = arith.constant 0 : i32
        %dma_start3A_113 = tpu.memref_slice %arg6[%add3A_111, %dma_start3A_112] : memref<20000x128xf32, #tpu.memory_space<hbm>> -> memref<640x128xf32, #tpu.memory_space<hbm>>
        %dma_start3A_114 = arith.constant 0 : i32
        %dma_start3A_115 = tpu.memref_slice %arg22[%mul3A_54, %dma_start3A_114] : memref<10000x128xf32, #tpu.memory_space<vmem_shared>> -> memref<640x128xf32, #tpu.memory_space<vmem_shared>>
        tpu.enqueue_dma source(%dma_start3A_115 : memref<640x128xf32, #tpu.memory_space<vmem_shared>>) target(%dma_start3A_113 : memref<640x128xf32, #tpu.memory_space<hbm>>) target_semaphore(%run_scoped3A : memref<!tpu.dma_semaphore, #tpu.memory_space<semaphore_mem>>)
        %dma_wait3A_116 = arith.constant 0 : i32
        %dma_wait3A_117 = tpu.memref_slice %arg6[%add3A_111, %dma_wait3A_116] : memref<20000x128xf32, #tpu.memory_space<hbm>> -> memref<640x128xf32, #tpu.memory_space<hbm>>
        %dma_wait3A_118 = arith.constant 0 : i32
        %dma_wait3A_119 = tpu.memref_slice %arg22[%mul3A_54, %dma_wait3A_118] : memref<10000x128xf32, #tpu.memory_space<vmem_shared>> -> memref<640x128xf32, #tpu.memory_space<vmem_shared>>
        tpu.wait_dma2 semaphore(%run_scoped3A : memref<!tpu.dma_semaphore, #tpu.memory_space<semaphore_mem>>) src(%dma_wait3A_119 : memref<640x128xf32, #tpu.memory_space<vmem_shared>>) dst(%dma_wait3A_117 : memref<640x128xf32, #tpu.memory_space<hbm>>)
        tpu.yield
      }) : () -> ()
    } else {
    }
    return
  }
}

module attributes {stable_mosaic.version = 14 : i64} {
  func.func @_dense_body(%arg0: memref<10000x128xf32, #tpu.memory_space<vmem>>, %arg1: memref<20000x128xf32, #tpu.memory_space<vmem>>, %arg2: memref<128x256xf32, #tpu.memory_space<vmem>>, %arg3: memref<256xf32, #tpu.memory_space<vmem>>, %arg4: memref<256xf32, #tpu.memory_space<vmem>>, %arg5: memref<256xf32, #tpu.memory_space<vmem>>, %arg6: memref<256x128xf32, #tpu.memory_space<vmem>>, %arg7: memref<128xf32, #tpu.memory_space<vmem>>, %arg8: memref<128xf32, #tpu.memory_space<vmem>>, %arg9: memref<128xf32, #tpu.memory_space<vmem>>, %arg10: memref<10000x128xf32, #tpu.memory_space<vmem>>) attributes {dimension_semantics = [], scalar_prefetch = 0 : i64, scratch_operands = 0 : i64, tpu.core_type = #tpu.core_type<tc>} {
    %get3A = arith.constant 0 : index
    %get3A_0 = arith.constant 0 : index
    %get3A_1 = vector.load %arg0[%get3A, %get3A_0] : memref<10000x128xf32, #tpu.memory_space<vmem>>, vector<10000x128xf32>
    %get3A_2 = arith.constant 0 : index
    %get3A_3 = arith.constant 0 : index
    %get3A_4 = vector.load %arg1[%get3A_2, %get3A_3] : memref<20000x128xf32, #tpu.memory_space<vmem>>, vector<10000x128xf32>
    %add3A = arith.addf %get3A_1, %get3A_4 : vector<10000x128xf32>
    %get3A_5 = arith.constant 10000 : index
    %get3A_6 = arith.constant 0 : index
    %get3A_7 = vector.load %arg1[%get3A_5, %get3A_6] : memref<20000x128xf32, #tpu.memory_space<vmem>>, vector<10000x128xf32>
    %add3A_8 = arith.addf %add3A, %get3A_7 : vector<10000x128xf32>
    %get3A_9 = arith.constant 0 : index
    %get3A_10 = arith.constant 0 : index
    %get3A_11 = vector.load %arg2[%get3A_9, %get3A_10] : memref<128x256xf32, #tpu.memory_space<vmem>>, vector<128x256xf32>
    %dot_general3A = arith.constant dense<0.000000e+00> : vector<10000x256xf32>
    %dot_general3A_12 = tpu.matmul %add3A_8, %get3A_11, %dot_general3A {dimension_numbers = #tpu.dot_dimension_numbers<[1], [0], [0], [1], [0, 0, 1, 1], [], []>, transpose_lhs_hint = false} : vector<10000x128xf32>, vector<128x256xf32>, vector<10000x256xf32> -> vector<10000x256xf32>
    %get3A_13 = arith.constant 0 : index
    %get3A_14 = vector.load %arg3[%get3A_13] : memref<256xf32, #tpu.memory_space<vmem>>, vector<256xf32>
    %broadcast_in_dim3A = vector.shape_cast %get3A_14 : vector<256xf32> to vector<1x256xf32>
    %add3A_15 = vector.broadcast %broadcast_in_dim3A : vector<1x256xf32> to vector<10000x256xf32>
    %add3A_16 = arith.addf %dot_general3A_12, %add3A_15 : vector<10000x256xf32>
    %get3A_17 = arith.constant 0 : index
    %get3A_18 = vector.load %arg4[%get3A_17] : memref<256xf32, #tpu.memory_space<vmem>>, vector<256xf32>
    %get3A_19 = arith.constant 0 : index
    %get3A_20 = vector.load %arg5[%get3A_19] : memref<256xf32, #tpu.memory_space<vmem>>, vector<256xf32>
    %reduce_sum3A = arith.constant dense<0.000000e+00> : vector<256xf32>
    %reduce_sum3A_21 = vector.multi_reduction <add>, %add3A_16, %reduce_sum3A [0] : vector<10000x256xf32> to vector<256xf32>
    %div3A = arith.constant 1.000000e+04 : f32
    %div3A_22 = vector.broadcast %div3A : f32 to vector<256xf32>
    %div3A_23 = arith.divf %reduce_sum3A_21, %div3A_22 : vector<256xf32>
    %jit3A = arith.constant 0 : i32
    %reduce_sum3A_24 = arith.constant dense<0.000000e+00> : vector<256xf32>
    %reduce_sum3A_25 = vector.multi_reduction <add>, %add3A_16, %reduce_sum3A_24 [0] : vector<10000x256xf32> to vector<256xf32>
    %broadcast_in_dim3A_26 = vector.shape_cast %reduce_sum3A_25 : vector<256xf32> to vector<1x256xf32>
    %div3A_27 = arith.constant 1.000000e+04 : f32
    %div3A_28 = vector.broadcast %div3A_27 : f32 to vector<1x256xf32>
    %div3A_29 = arith.divf %broadcast_in_dim3A_26, %div3A_28 : vector<1x256xf32>
    %sub3A = vector.broadcast %div3A_29 : vector<1x256xf32> to vector<10000x256xf32>
    %sub3A_30 = arith.subf %add3A_16, %sub3A : vector<10000x256xf32>
    %square3A = arith.mulf %sub3A_30, %sub3A_30 : vector<10000x256xf32>
    %convert_element_type3A = arith.sitofp %jit3A : i32 to f32
    %sub3A_31 = arith.constant 1.000000e+04 : f32
    %sub3A_32 = arith.subf %sub3A_31, %convert_element_type3A : f32
    %reduce_sum3A_33 = arith.constant dense<0.000000e+00> : vector<256xf32>
    %reduce_sum3A_34 = vector.multi_reduction <add>, %square3A, %reduce_sum3A_33 [0] : vector<10000x256xf32> to vector<256xf32>
    %div3A_35 = vector.broadcast %sub3A_32 : f32 to vector<256xf32>
    %div3A_36 = arith.divf %reduce_sum3A_34, %div3A_35 : vector<256xf32>
    %gt3A = arith.constant 0.000000e+00 : f32
    %gt3A_37 = arith.cmpf ogt, %sub3A_32, %gt3A : f32
    %jit3A_38 = arith.constant 0x7FC00000 : f32
    %broadcast_in_dim3A_39 = vector.broadcast %jit3A_38 : f32 to vector<256xf32>
    %select_n3A = arith.select %gt3A_37, %div3A_36, %broadcast_in_dim3A_39 : vector<256xf32>
    %broadcast_in_dim3A_40 = vector.shape_cast %div3A_23 : vector<256xf32> to vector<1x256xf32>
    %sub3A_41 = vector.broadcast %broadcast_in_dim3A_40 : vector<1x256xf32> to vector<10000x256xf32>
    %sub3A_42 = arith.subf %add3A_16, %sub3A_41 : vector<10000x256xf32>
    %add3A_43 = arith.constant 9.99999974E-6 : f32
    %add3A_44 = vector.broadcast %add3A_43 : f32 to vector<256xf32>
    %add3A_45 = arith.addf %select_n3A, %add3A_44 : vector<256xf32>
    %rsqrt3A = math.rsqrt %add3A_45 : vector<256xf32>
    %broadcast_in_dim3A_46 = vector.shape_cast %rsqrt3A : vector<256xf32> to vector<1x256xf32>
    %mul3A = vector.broadcast %broadcast_in_dim3A_46 : vector<1x256xf32> to vector<10000x256xf32>
    %mul3A_47 = arith.mulf %sub3A_42, %mul3A : vector<10000x256xf32>
    %broadcast_in_dim3A_48 = vector.shape_cast %get3A_18 : vector<256xf32> to vector<1x256xf32>
    %mul3A_49 = vector.broadcast %broadcast_in_dim3A_48 : vector<1x256xf32> to vector<10000x256xf32>
    %mul3A_50 = arith.mulf %mul3A_47, %mul3A_49 : vector<10000x256xf32>
    %broadcast_in_dim3A_51 = vector.shape_cast %get3A_20 : vector<256xf32> to vector<1x256xf32>
    %add3A_52 = vector.broadcast %broadcast_in_dim3A_51 : vector<1x256xf32> to vector<10000x256xf32>
    %add3A_53 = arith.addf %mul3A_50, %add3A_52 : vector<10000x256xf32>
    %max3A = arith.constant 0.000000e+00 : f32
    %max3A_54 = vector.broadcast %max3A : f32 to vector<10000x256xf32>
    %max3A_55 = arith.maximumf %add3A_53, %max3A_54 : vector<10000x256xf32>
    %get3A_56 = arith.constant 0 : index
    %get3A_57 = arith.constant 0 : index
    %get3A_58 = vector.load %arg6[%get3A_56, %get3A_57] : memref<256x128xf32, #tpu.memory_space<vmem>>, vector<256x128xf32>
    %dot_general3A_59 = arith.constant dense<0.000000e+00> : vector<10000x128xf32>
    %dot_general3A_60 = tpu.matmul %max3A_55, %get3A_58, %dot_general3A_59 {dimension_numbers = #tpu.dot_dimension_numbers<[1], [0], [0], [1], [0, 0, 1, 1], [], []>, transpose_lhs_hint = false} : vector<10000x256xf32>, vector<256x128xf32>, vector<10000x128xf32> -> vector<10000x128xf32>
    %get3A_61 = arith.constant 0 : index
    %get3A_62 = vector.load %arg7[%get3A_61] : memref<128xf32, #tpu.memory_space<vmem>>, vector<128xf32>
    %broadcast_in_dim3A_63 = vector.shape_cast %get3A_62 : vector<128xf32> to vector<1x128xf32>
    %add3A_64 = vector.broadcast %broadcast_in_dim3A_63 : vector<1x128xf32> to vector<10000x128xf32>
    %add3A_65 = arith.addf %dot_general3A_60, %add3A_64 : vector<10000x128xf32>
    %get3A_66 = arith.constant 0 : index
    %get3A_67 = vector.load %arg8[%get3A_66] : memref<128xf32, #tpu.memory_space<vmem>>, vector<128xf32>
    %get3A_68 = arith.constant 0 : index
    %get3A_69 = vector.load %arg9[%get3A_68] : memref<128xf32, #tpu.memory_space<vmem>>, vector<128xf32>
    %reduce_sum3A_70 = arith.constant dense<0.000000e+00> : vector<128xf32>
    %reduce_sum3A_71 = vector.multi_reduction <add>, %add3A_65, %reduce_sum3A_70 [0] : vector<10000x128xf32> to vector<128xf32>
    %div3A_72 = arith.constant 1.000000e+04 : f32
    %div3A_73 = vector.broadcast %div3A_72 : f32 to vector<128xf32>
    %div3A_74 = arith.divf %reduce_sum3A_71, %div3A_73 : vector<128xf32>
    %jit3A_75 = arith.constant 0 : i32
    %reduce_sum3A_76 = arith.constant dense<0.000000e+00> : vector<128xf32>
    %reduce_sum3A_77 = vector.multi_reduction <add>, %add3A_65, %reduce_sum3A_76 [0] : vector<10000x128xf32> to vector<128xf32>
    %broadcast_in_dim3A_78 = vector.shape_cast %reduce_sum3A_77 : vector<128xf32> to vector<1x128xf32>
    %div3A_79 = arith.constant 1.000000e+04 : f32
    %div3A_80 = vector.broadcast %div3A_79 : f32 to vector<1x128xf32>
    %div3A_81 = arith.divf %broadcast_in_dim3A_78, %div3A_80 : vector<1x128xf32>
    %sub3A_82 = vector.broadcast %div3A_81 : vector<1x128xf32> to vector<10000x128xf32>
    %sub3A_83 = arith.subf %add3A_65, %sub3A_82 : vector<10000x128xf32>
    %square3A_84 = arith.mulf %sub3A_83, %sub3A_83 : vector<10000x128xf32>
    %convert_element_type3A_85 = arith.sitofp %jit3A_75 : i32 to f32
    %sub3A_86 = arith.constant 1.000000e+04 : f32
    %sub3A_87 = arith.subf %sub3A_86, %convert_element_type3A_85 : f32
    %reduce_sum3A_88 = arith.constant dense<0.000000e+00> : vector<128xf32>
    %reduce_sum3A_89 = vector.multi_reduction <add>, %square3A_84, %reduce_sum3A_88 [0] : vector<10000x128xf32> to vector<128xf32>
    %div3A_90 = vector.broadcast %sub3A_87 : f32 to vector<128xf32>
    %div3A_91 = arith.divf %reduce_sum3A_89, %div3A_90 : vector<128xf32>
    %gt3A_92 = arith.constant 0.000000e+00 : f32
    %gt3A_93 = arith.cmpf ogt, %sub3A_87, %gt3A_92 : f32
    %jit3A_94 = arith.constant 0x7FC00000 : f32
    %broadcast_in_dim3A_95 = vector.broadcast %jit3A_94 : f32 to vector<128xf32>
    %select_n3A_96 = arith.select %gt3A_93, %div3A_91, %broadcast_in_dim3A_95 : vector<128xf32>
    %broadcast_in_dim3A_97 = vector.shape_cast %div3A_74 : vector<128xf32> to vector<1x128xf32>
    %sub3A_98 = vector.broadcast %broadcast_in_dim3A_97 : vector<1x128xf32> to vector<10000x128xf32>
    %sub3A_99 = arith.subf %add3A_65, %sub3A_98 : vector<10000x128xf32>
    %add3A_100 = arith.constant 9.99999974E-6 : f32
    %add3A_101 = vector.broadcast %add3A_100 : f32 to vector<128xf32>
    %add3A_102 = arith.addf %select_n3A_96, %add3A_101 : vector<128xf32>
    %rsqrt3A_103 = math.rsqrt %add3A_102 : vector<128xf32>
    %broadcast_in_dim3A_104 = vector.shape_cast %rsqrt3A_103 : vector<128xf32> to vector<1x128xf32>
    %mul3A_105 = vector.broadcast %broadcast_in_dim3A_104 : vector<1x128xf32> to vector<10000x128xf32>
    %mul3A_106 = arith.mulf %sub3A_99, %mul3A_105 : vector<10000x128xf32>
    %broadcast_in_dim3A_107 = vector.shape_cast %get3A_67 : vector<128xf32> to vector<1x128xf32>
    %mul3A_108 = vector.broadcast %broadcast_in_dim3A_107 : vector<1x128xf32> to vector<10000x128xf32>
    %mul3A_109 = arith.mulf %mul3A_106, %mul3A_108 : vector<10000x128xf32>
    %broadcast_in_dim3A_110 = vector.shape_cast %get3A_69 : vector<128xf32> to vector<1x128xf32>
    %add3A_111 = vector.broadcast %broadcast_in_dim3A_110 : vector<1x128xf32> to vector<10000x128xf32>
    %add3A_112 = arith.addf %mul3A_109, %add3A_111 : vector<10000x128xf32>
    %max3A_113 = arith.constant 0.000000e+00 : f32
    %max3A_114 = vector.broadcast %max3A_113 : f32 to vector<10000x128xf32>
    %max3A_115 = arith.maximumf %add3A_112, %max3A_114 : vector<10000x128xf32>
    %swap3A = arith.constant 0 : index
    %swap3A_116 = arith.constant 0 : index
    %swap3A_117 = vector.load %arg10[%swap3A, %swap3A_116] : memref<10000x128xf32, #tpu.memory_space<vmem>>, vector<10000x128xf32>
    tpu.vector_store %arg10[%swap3A, %swap3A_116], %max3A_115 {strides = array<i32>} : memref<10000x128xf32, #tpu.memory_space<vmem>>, vector<10000x128xf32>,
    return
  }
}

module attributes {stable_mosaic.version = 14 : i64} {
  func.func @_dense_body(%arg0: memref<10000x128xf32, #tpu.memory_space<vmem>>, %arg1: memref<20000x128xf32, #tpu.memory_space<vmem>>, %arg2: memref<128x256xf32, #tpu.memory_space<vmem>>, %arg3: memref<256xf32, #tpu.memory_space<vmem>>, %arg4: memref<256xf32, #tpu.memory_space<vmem>>, %arg5: memref<256xf32, #tpu.memory_space<vmem>>, %arg6: memref<256x128xf32, #tpu.memory_space<vmem>>, %arg7: memref<128xf32, #tpu.memory_space<vmem>>, %arg8: memref<128xf32, #tpu.memory_space<vmem>>, %arg9: memref<128xf32, #tpu.memory_space<vmem>>, %arg10: memref<10000x128xf32, #tpu.memory_space<vmem>>) attributes {dimension_semantics = [], scalar_prefetch = 0 : i64, scratch_operands = 0 : i64, tpu.core_type = #tpu.core_type<tc>} {
    %get3A = arith.constant 0 : index
    %get3A_0 = arith.constant 0 : index
    %get3A_1 = vector.load %arg0[%get3A, %get3A_0] : memref<10000x128xf32, #tpu.memory_space<vmem>>, vector<10000x128xf32>
    %get3A_2 = arith.constant 0 : index
    %get3A_3 = arith.constant 0 : index
    %get3A_4 = vector.load %arg1[%get3A_2, %get3A_3] : memref<20000x128xf32, #tpu.memory_space<vmem>>, vector<10000x128xf32>
    %add3A = arith.addf %get3A_1, %get3A_4 : vector<10000x128xf32>
    %get3A_5 = arith.constant 10000 : index
    %get3A_6 = arith.constant 0 : index
    %get3A_7 = vector.load %arg1[%get3A_5, %get3A_6] : memref<20000x128xf32, #tpu.memory_space<vmem>>, vector<10000x128xf32>
    %add3A_8 = arith.addf %add3A, %get3A_7 : vector<10000x128xf32>
    %get3A_9 = arith.constant 0 : index
    %get3A_10 = arith.constant 0 : index
    %get3A_11 = vector.load %arg2[%get3A_9, %get3A_10] : memref<128x256xf32, #tpu.memory_space<vmem>>, vector<128x256xf32>
    %dot_general3A = arith.constant dense<0.000000e+00> : vector<10000x256xf32>
    %dot_general3A_12 = tpu.matmul %add3A_8, %get3A_11, %dot_general3A {dimension_numbers = #tpu.dot_dimension_numbers<[1], [0], [0], [1], [0, 0, 1, 1], [], []>, transpose_lhs_hint = false} : vector<10000x128xf32>, vector<128x256xf32>, vector<10000x256xf32> -> vector<10000x256xf32>
    %get3A_13 = arith.constant 0 : index
    %get3A_14 = vector.load %arg3[%get3A_13] : memref<256xf32, #tpu.memory_space<vmem>>, vector<256xf32>
    %broadcast_in_dim3A = vector.shape_cast %get3A_14 : vector<256xf32> to vector<1x256xf32>
    %add3A_15 = vector.broadcast %broadcast_in_dim3A : vector<1x256xf32> to vector<10000x256xf32>
    %add3A_16 = arith.addf %dot_general3A_12, %add3A_15 : vector<10000x256xf32>
    %get3A_17 = arith.constant 0 : index
    %get3A_18 = vector.load %arg4[%get3A_17] : memref<256xf32, #tpu.memory_space<vmem>>, vector<256xf32>
    %get3A_19 = arith.constant 0 : index
    %get3A_20 = vector.load %arg5[%get3A_19] : memref<256xf32, #tpu.memory_space<vmem>>, vector<256xf32>
    %reduce_sum3A = arith.constant dense<0.000000e+00> : vector<256xf32>
    %reduce_sum3A_21 = vector.multi_reduction <add>, %add3A_16, %reduce_sum3A [0] : vector<10000x256xf32> to vector<256xf32>
    %div3A = arith.constant 1.000000e+04 : f32
    %div3A_22 = vector.broadcast %div3A : f32 to vector<256xf32>
    %div3A_23 = arith.divf %reduce_sum3A_21, %div3A_22 : vector<256xf32>
    %jit3A = arith.constant 0 : i32
    %reduce_sum3A_24 = arith.constant dense<0.000000e+00> : vector<256xf32>
    %reduce_sum3A_25 = vector.multi_reduction <add>, %add3A_16, %reduce_sum3A_24 [0] : vector<10000x256xf32> to vector<256xf32>
    %broadcast_in_dim3A_26 = vector.shape_cast %reduce_sum3A_25 : vector<256xf32> to vector<1x256xf32>
    %div3A_27 = arith.constant 1.000000e+04 : f32
    %div3A_28 = vector.broadcast %div3A_27 : f32 to vector<1x256xf32>
    %div3A_29 = arith.divf %broadcast_in_dim3A_26, %div3A_28 : vector<1x256xf32>
    %sub3A = vector.broadcast %div3A_29 : vector<1x256xf32> to vector<10000x256xf32>
    %sub3A_30 = arith.subf %add3A_16, %sub3A : vector<10000x256xf32>
    %square3A = arith.mulf %sub3A_30, %sub3A_30 : vector<10000x256xf32>
    %convert_element_type3A = arith.sitofp %jit3A : i32 to f32
    %sub3A_31 = arith.constant 1.000000e+04 : f32
    %sub3A_32 = arith.subf %sub3A_31, %convert_element_type3A : f32
    %reduce_sum3A_33 = arith.constant dense<0.000000e+00> : vector<256xf32>
    %reduce_sum3A_34 = vector.multi_reduction <add>, %square3A, %reduce_sum3A_33 [0] : vector<10000x256xf32> to vector<256xf32>
    %div3A_35 = vector.broadcast %sub3A_32 : f32 to vector<256xf32>
    %div3A_36 = arith.divf %reduce_sum3A_34, %div3A_35 : vector<256xf32>
    %gt3A = arith.constant 0.000000e+00 : f32
    %gt3A_37 = arith.cmpf ogt, %sub3A_32, %gt3A : f32
    %jit3A_38 = arith.constant 0x7FC00000 : f32
    %broadcast_in_dim3A_39 = vector.broadcast %jit3A_38 : f32 to vector<256xf32>
    %select_n3A = arith.select %gt3A_37, %div3A_36, %broadcast_in_dim3A_39 : vector<256xf32>
    %broadcast_in_dim3A_40 = vector.shape_cast %div3A_23 : vector<256xf32> to vector<1x256xf32>
    %sub3A_41 = vector.broadcast %broadcast_in_dim3A_40 : vector<1x256xf32> to vector<10000x256xf32>
    %sub3A_42 = arith.subf %add3A_16, %sub3A_41 : vector<10000x256xf32>
    %add3A_43 = arith.constant 9.99999974E-6 : f32
    %add3A_44 = vector.broadcast %add3A_43 : f32 to vector<256xf32>
    %add3A_45 = arith.addf %select_n3A, %add3A_44 : vector<256xf32>
    %rsqrt3A = math.rsqrt %add3A_45 : vector<256xf32>
    %broadcast_in_dim3A_46 = vector.shape_cast %rsqrt3A : vector<256xf32> to vector<1x256xf32>
    %mul3A = vector.broadcast %broadcast_in_dim3A_46 : vector<1x256xf32> to vector<10000x256xf32>
    %mul3A_47 = arith.mulf %sub3A_42, %mul3A : vector<10000x256xf32>
    %broadcast_in_dim3A_48 = vector.shape_cast %get3A_18 : vector<256xf32> to vector<1x256xf32>
    %mul3A_49 = vector.broadcast %broadcast_in_dim3A_48 : vector<1x256xf32> to vector<10000x256xf32>
    %mul3A_50 = arith.mulf %mul3A_47, %mul3A_49 : vector<10000x256xf32>
    %broadcast_in_dim3A_51 = vector.shape_cast %get3A_20 : vector<256xf32> to vector<1x256xf32>
    %add3A_52 = vector.broadcast %broadcast_in_dim3A_51 : vector<1x256xf32> to vector<10000x256xf32>
    %add3A_53 = arith.addf %mul3A_50, %add3A_52 : vector<10000x256xf32>
    %max3A = arith.constant 0.000000e+00 : f32
    %max3A_54 = vector.broadcast %max3A : f32 to vector<10000x256xf32>
    %max3A_55 = arith.maximumf %add3A_53, %max3A_54 : vector<10000x256xf32>
    %get3A_56 = arith.constant 0 : index
    %get3A_57 = arith.constant 0 : index
    %get3A_58 = vector.load %arg6[%get3A_56, %get3A_57] : memref<256x128xf32, #tpu.memory_space<vmem>>, vector<256x128xf32>
    %dot_general3A_59 = arith.constant dense<0.000000e+00> : vector<10000x128xf32>
    %dot_general3A_60 = tpu.matmul %max3A_55, %get3A_58, %dot_general3A_59 {dimension_numbers = #tpu.dot_dimension_numbers<[1], [0], [0], [1], [0, 0, 1, 1], [], []>, transpose_lhs_hint = false} : vector<10000x256xf32>, vector<256x128xf32>, vector<10000x128xf32> -> vector<10000x128xf32>
    %get3A_61 = arith.constant 0 : index
    %get3A_62 = vector.load %arg7[%get3A_61] : memref<128xf32, #tpu.memory_space<vmem>>, vector<128xf32>
    %broadcast_in_dim3A_63 = vector.shape_cast %get3A_62 : vector<128xf32> to vector<1x128xf32>
    %add3A_64 = vector.broadcast %broadcast_in_dim3A_63 : vector<1x128xf32> to vector<10000x128xf32>
    %add3A_65 = arith.addf %dot_general3A_60, %add3A_64 : vector<10000x128xf32>
    %get3A_66 = arith.constant 0 : index
    %get3A_67 = vector.load %arg8[%get3A_66] : memref<128xf32, #tpu.memory_space<vmem>>, vector<128xf32>
    %get3A_68 = arith.constant 0 : index
    %get3A_69 = vector.load %arg9[%get3A_68] : memref<128xf32, #tpu.memory_space<vmem>>, vector<128xf32>
    %reduce_sum3A_70 = arith.constant dense<0.000000e+00> : vector<128xf32>
    %reduce_sum3A_71 = vector.multi_reduction <add>, %add3A_65, %reduce_sum3A_70 [0] : vector<10000x128xf32> to vector<128xf32>
    %div3A_72 = arith.constant 1.000000e+04 : f32
    %div3A_73 = vector.broadcast %div3A_72 : f32 to vector<128xf32>
    %div3A_74 = arith.divf %reduce_sum3A_71, %div3A_73 : vector<128xf32>
    %jit3A_75 = arith.constant 0 : i32
    %reduce_sum3A_76 = arith.constant dense<0.000000e+00> : vector<128xf32>
    %reduce_sum3A_77 = vector.multi_reduction <add>, %add3A_65, %reduce_sum3A_76 [0] : vector<10000x128xf32> to vector<128xf32>
    %broadcast_in_dim3A_78 = vector.shape_cast %reduce_sum3A_77 : vector<128xf32> to vector<1x128xf32>
    %div3A_79 = arith.constant 1.000000e+04 : f32
    %div3A_80 = vector.broadcast %div3A_79 : f32 to vector<1x128xf32>
    %div3A_81 = arith.divf %broadcast_in_dim3A_78, %div3A_80 : vector<1x128xf32>
    %sub3A_82 = vector.broadcast %div3A_81 : vector<1x128xf32> to vector<10000x128xf32>
    %sub3A_83 = arith.subf %add3A_65, %sub3A_82 : vector<10000x128xf32>
    %square3A_84 = arith.mulf %sub3A_83, %sub3A_83 : vector<10000x128xf32>
    %convert_element_type3A_85 = arith.sitofp %jit3A_75 : i32 to f32
    %sub3A_86 = arith.constant 1.000000e+04 : f32
    %sub3A_87 = arith.subf %sub3A_86, %convert_element_type3A_85 : f32
    %reduce_sum3A_88 = arith.constant dense<0.000000e+00> : vector<128xf32>
    %reduce_sum3A_89 = vector.multi_reduction <add>, %square3A_84, %reduce_sum3A_88 [0] : vector<10000x128xf32> to vector<128xf32>
    %div3A_90 = vector.broadcast %sub3A_87 : f32 to vector<128xf32>
    %div3A_91 = arith.divf %reduce_sum3A_89, %div3A_90 : vector<128xf32>
    %gt3A_92 = arith.constant 0.000000e+00 : f32
    %gt3A_93 = arith.cmpf ogt, %sub3A_87, %gt3A_92 : f32
    %jit3A_94 = arith.constant 0x7FC00000 : f32
    %broadcast_in_dim3A_95 = vector.broadcast %jit3A_94 : f32 to vector<128xf32>
    %select_n3A_96 = arith.select %gt3A_93, %div3A_91, %broadcast_in_dim3A_95 : vector<128xf32>
    %broadcast_in_dim3A_97 = vector.shape_cast %div3A_74 : vector<128xf32> to vector<1x128xf32>
    %sub3A_98 = vector.broadcast %broadcast_in_dim3A_97 : vector<1x128xf32> to vector<10000x128xf32>
    %sub3A_99 = arith.subf %add3A_65, %sub3A_98 : vector<10000x128xf32>
    %add3A_100 = arith.constant 9.99999974E-6 : f32
    %add3A_101 = vector.broadcast %add3A_100 : f32 to vector<128xf32>
    %add3A_102 = arith.addf %select_n3A_96, %add3A_101 : vector<128xf32>
    %rsqrt3A_103 = math.rsqrt %add3A_102 : vector<128xf32>
    %broadcast_in_dim3A_104 = vector.shape_cast %rsqrt3A_103 : vector<128xf32> to vector<1x128xf32>
    %mul3A_105 = vector.broadcast %broadcast_in_dim3A_104 : vector<1x128xf32> to vector<10000x128xf32>
    %mul3A_106 = arith.mulf %sub3A_99, %mul3A_105 : vector<10000x128xf32>
    %broadcast_in_dim3A_107 = vector.shape_cast %get3A_67 : vector<128xf32> to vector<1x128xf32>
    %mul3A_108 = vector.broadcast %broadcast_in_dim3A_107 : vector<1x128xf32> to vector<10000x128xf32>
    %mul3A_109 = arith.mulf %mul3A_106, %mul3A_108 : vector<10000x128xf32>
    %broadcast_in_dim3A_110 = vector.shape_cast %get3A_69 : vector<128xf32> to vector<1x128xf32>
    %add3A_111 = vector.broadcast %broadcast_in_dim3A_110 : vector<1x128xf32> to vector<10000x128xf32>
    %add3A_112 = arith.addf %mul3A_109, %add3A_111 : vector<10000x128xf32>
    %swap3A = arith.constant 0 : index
    %swap3A_113 = arith.constant 0 : index
    %swap3A_114 = vector.load %arg10[%swap3A, %swap3A_113] : memref<10000x128xf32, #tpu.memory_space<vmem>>, vector<10000x128xf32>
    tpu.vector_store %arg10[%swap3A, %swap3A_113], %add3A_112 {strides = array<i32>} : memref<10000x128xf32, #tpu.memory_space<vmem>>, vector<10000x128xf32>,
    return
  }
}

</mosaic_0001>

<sc_bundles>
// kernel: kernel.11.cloned.1.call-start
scs
__scs_entry_jumppad:
0x0: {  	(pc) =	sbr.rel $0x88, $3  }
0x1: {  	(tag) =	ssettag $0x0;
	lr =	simm.s32 $0x1  }
0x2: {  	[smem:$0x3F87] =	sst lr;
	_ =	strace $0xD0000000  }
0x3: {  	_ = 	snop  }
0x4: {  	_ = 	snop  }
0x5: {  	_ = 	snop  }
0x6: {  	_ = 	snop  }
0x7: {  	_ = 	snop  }
__scs_overlays_trampoline_lowered:
0x8: {  	[smem:$0x3F96] =	sst s0  }
0x9: {  	[smem:$0x3F97] =	sst s1  }
0xa: {  	[smem:$0x3F98] =	sst s2  }
0xb: {  	[smem:$0x3F99] =	sst s3  }
0xc: {  	[smem:$0x3F9A] =	sst s4  }
0xd: {  	[smem:$0x3F9B] =	sst s5  }
0xe: {  	[smem:$0x3F9C] =	sst s6  }
0xf: {  	[smem:$0x3F9D] =	sst s7  }
0x10: {  	[smem:$0x3F9E] =	sst s8  }
0x11: {  	[smem:$0x3F9F] =	sst s9;
	s0 =	simm.s32 @!p0 $0x0  }
0x12: {  	s1 =	sld [smem:$0x3F85];
	s0 =	simm.s32 @p0 $0x1  }
0x13: {  	[smem:$0x3FA0] =	sst s0;
	s0 =	simm.s32 @!p1 $0x0  }
0x14: {  	s2 =	sld [smem:$0x3F84];
	s0 =	simm.s32 @p1 $0x1  }
0x15: {  	[smem:$0x3FA1] =	sst s0;
	s0 =	simm.s32 @!p2 $0x0  }
0x16: {  	s3 =	sld [smem:$0x3FDB];
	s0 =	simm.s32 @p2 $0x1  }
0x17: {  	s4 =	simm.s32 $0x1BF5;
	[smem:$0x3FA3] =	sst s0  }
0x18: {  	s0 =	sld [smem:$0x3F86];
	_ =	swait.ge [sflag:s4], $0x0  }
0x19: {  	s7 =	sld [smem:$0x3F87]  }
0x1a: {  	s8 =	sadd.s32 $0xFFFFE003, lr  }
0x1b: {  	s9 =	sadd.s32 $0xFFFFFEF7, lr;
	s5 =	simm.s32 $0xFFFFFFFF;
	p2 =	slt.u32 s8, $0xFFFFF086  }
0x1c: {  	p1 =	slt.u32 s9, $0xF7A;
	s5 =	simm.s32 @!p2 $0x0  }
0x1d: {  	s5 =	simm.s32 @p1 $0x1;
	p0 =	seq.s32 s7, s2  }
0x1e: {  	s7 =	smul.u32 @!p0 $0xF7A, s2;
	p2 =	seq.s32 @!p0 s5, $0x0  }
0x1f: {  	s9 =	smul.u32 $0xF7A, s1;
	s8 =	simm.s32 @!p0 $0x1BF5;
	p2 =	por !p2, p0  }
0x20: {  	[sflag:s8] =	ssyncset.s32 @!p0 $0xFFFFF086;
	s6 =	sadd.s32 @!p0 s3, s7;
	s7 =	simm.s32 @!p0 $0x108  }
0x21: {  	s3 =	sadd.s32 s3, s9;
	s6 =	sadd.s32 @!p0 $0x88, s6;
	s7 =	simm.s32 @p2 $0x1082  }
0x22: {  	[simem:s7], [sflag:s8] =	dma.local @!p0 [hbm:s6], $0xF7A  }
0x23: {  	s9 =	sor.u32 $0xD0000000, s2;
	s6 =	simm.s32 $0x108;
	_ =	swait.ge @!p0 [sflag:s8], $0x0  }
0x24: {  	s3 =	sadd.s32 $0x88, s3;
	s6 =	simm.s32 @!p1 $0x1082;
	[sflag:s4] =	ssyncset.s32 $0xFFFFF086  }
0x25: {  	[simem:s6], [sflag:s4] =	dma.local [hbm:s3], $0xF7A  }
0x26: {  	[smem:$0x3F87] =	sst s1;
	(tag) =	ssettag s2;
	_ =	strace s9  }
0x27: {  	s1 =	sld [smem:$0x3F97]  }
0x28: {  	s2 =	sld [smem:$0x3F98]  }
0x29: {  	s4 =	sld [smem:$0x3F9A]  }
0x2a: {  	p0 =	seq.s32 s5, $0x0;
	s5 =	sld [smem:$0x3F9B]  }
0x2b: {  	s6 =	sld [smem:$0x3F9C]  }
0x2c: {  	s7 =	sld [smem:$0x3F9D]  }
0x2d: {  	s3 =	simm.s32 $0x108;
	s8 =	sld [smem:$0x3F9E]  }
0x2e: {  	s3 =	simm.s32 @!p0 $0x1082;
	s9 =	sld [smem:$0x3F9F]  }
0x2f: {  	lr =	sadd.s32 s0, s3;
	s0 =	sld [smem:$0x3F96]  }
0x30: {  	s3 =	sld [smem:$0x3F99]  }
0x31: {  	[smem:$0x3FA2] =	sst s10  }
0x32: {  	s10 =	sld [smem:$0x3FA0];
	_ =	sdelay $0x3  }
0x33: {  	p0 =	seq.s32 s10, $0x1;
	s10 =	sld [smem:$0x3FA2];
	_ =	sdelay $0x3  }
0x34: {  	[smem:$0x3FA2] =	sst s10  }
0x35: {  	s10 =	sld [smem:$0x3FA1];
	_ =	sdelay $0x3  }
0x36: {  	p1 =	seq.s32 s10, $0x1;
	s10 =	sld [smem:$0x3FA2];
	_ =	sdelay $0x3  }
0x37: {  	[smem:$0x3FA2] =	sst s10  }
0x38: {  	s10 =	sld [smem:$0x3FA3]  }
0x39: {  	_ = 	snop;
	(pc) =	sbr.ind lr, $3  }
0x3a: {  	_ = 	snop  }
0x3b: {  	_ = 	snop  }
0x3c: {  	p2 =	seq.s32 s10, $0x1;
	s10 =	sld [smem:$0x3FA2]  }
0x3d: {  	_ =	shalt  }
0x3e: {  	_ =	shalt  }
0x3f: {  	_ =	shalt  }
0x40: {  	_ =	shalt  }
0x41: {  	_ =	shalt  }
0x42: {  	_ =	shalt  }
0x43: {  	_ =	shalt  }
0x44: {  	_ =	shalt  }
0x45: {  	_ =	shalt  }
0x46: {  	_ =	shalt  }
0x47: {  	_ =	shalt  }
0x48: {  	_ =	shalt  }
0x49: {  	_ =	shalt  }
0x4a: {  	_ =	shalt  }
0x4b: {  	_ =	shalt  }
0x4c: {  	_ =	shalt  }
0x4d: {  	_ =	shalt  }
0x4e: {  	_ =	shalt  }
0x4f: {  	_ =	shalt  }
0x50: {  	_ =	shalt  }
0x51: {  	_ =	shalt  }
0x52: {  	_ =	shalt  }
0x53: {  	_ =	shalt  }
0x54: {  	_ =	shalt  }
0x55: {  	_ =	shalt  }
0x56: {  	_ =	shalt  }
0x57: {  	_ =	shalt  }
0x58: {  	_ =	shalt  }
0x59: {  	_ =	shalt  }
0x5a: {  	_ =	shalt  }
0x5b: {  	_ =	shalt  }
0x5c: {  	_ =	shalt  }
0x5d: {  	_ =	shalt  }
0x5e: {  	_ =	shalt  }
0x5f: {  	_ =	shalt  }
0x60: {  	_ =	shalt  }
0x61: {  	_ =	shalt  }
0x62: {  	_ =	shalt  }
0x63: {  	_ =	shalt  }
0x64: {  	_ =	shalt  }
0x65: {  	_ =	shalt  }
0x66: {  	_ =	shalt  }
0x67: {  	_ =	shalt  }
0x68: {  	_ =	shalt  }
0x69: {  	_ =	shalt  }
0x6a: {  	_ =	shalt  }
0x6b: {  	_ =	shalt  }
0x6c: {  	_ =	shalt  }
0x6d: {  	_ =	shalt  }
0x6e: {  	_ =	shalt  }
0x6f: {  	_ =	shalt  }
0x70: {  	_ =	shalt  }
0x71: {  	_ =	shalt  }
0x72: {  	_ =	shalt  }
0x73: {  	_ =	shalt  }
0x74: {  	_ =	shalt  }
0x75: {  	_ =	shalt  }
0x76: {  	_ =	shalt  }
0x77: {  	_ =	shalt  }
0x78: {  	_ =	shalt  }
0x79: {  	_ =	shalt  }
0x7a: {  	_ =	shalt  }
0x7b: {  	_ =	shalt  }
0x7c: {  	_ =	shalt  }
0x7d: {  	_ =	shalt  }
0x7e: {  	_ =	shalt  }
0x7f: {  	_ =	shalt  }
0x80: {  	_ =	shalt  }
0x81: {  	_ =	shalt  }
0x82: {  	_ =	shalt  }
0x83: {  	_ =	shalt  }
0x84: {  	_ =	shalt  }
0x85: {  	_ =	shalt  }
0x86: {  	_ =	shalt  }
0x87: {  	_ =	shalt  }
.Lfunc_end0:
.L_simem_size_0:
called_computation.1_lowered:
.L_overlay_start_0:
0x88: {  	s2 =	sld [smem:$0x3FD9]  }
0x89: {  	s3 =	sld [smem:$0x3FFE];
	_ =	sdelay $0x1  }
0x8a: {  	s1 =	srdreg.scid  }
0x8b: {  	s0 =	sand.u32 $0x1, s1  }
0x8c: {  	s17 =	sshll.u32 s0, $0xA;
	s2 =	sadd.s32 s3, s2  }
0x8d: {  	s2 =	sadd.s32 s2, s17  }
0x8e: {  	[smem:$0x3FAE] =	sst s2  }
0x8f: {  	_ = 	snop  }
0x90: {  	s2 =	sld [smem:$0x3FD0];
	(tm) =	ssettm $0x1  }
0x91: {  	s18 =	sld [smem:$0x3FFB];
	_ =	sdelay $0x3  }
0x92: {  	_ =	strace s18  }
0x93: {  	s3 =	sld [smem:$0x3FFC];
	_ =	sdelay $0x3  }
0x94: {  	_ =	strace s3  }
0x95: {  	s3 =	sld [smem:$0x3FFD];
	_ =	sdelay $0x3  }
0x96: {  	_ =	strace s3  }
0x97: {  	_ =	strace $0x8FFFFFFF  }
0x98: {  	s19 =	sld [smem:$0x3FDB];
	_ =	sdelay $0x1  }
0x99: {  	s4 =	simm.s32 $_scs_section_size  }
0x9a: {  	s5 =	simm.s32 $_size__tile_overlayer_lowered;
	s6 =	simm.s32 $_tile_overlayer_lowered  }
0x9b: {  	s22 =	simm.s32 $0x1BFF;
	s21 =	sshll.u32 s6, $0x1;
	s3 =	sadd.s32 s4, s19  }
0x9c: {  	s7 =	simm.s32 $0x0;
	s20 =	sshll.u32 s5, $0x1;
	s5 =	sadd.s32 s21, s3  }
0x9d: {  	[timem:s7], [sflag:s22] =	dma.local [hbm:s5], s20  }
0x9e: {  	_ =	swait.ge [sflag:s22], s20  }
0x9f: {  	s4 =	ssub.s32 $0x0, s20;
	[sflag:s22] =	ssyncset.done $0x0  }
0xa0: {  	[sflag:s22] =	ssyncadd.s32 s4;
	_ =	sdelay $0x1  }
0xa1: {  	s23 =	simm.s32 $0x1B8B  }
0xa2: {  	_ =	swait.ge [sflag:s23], $0x1  }
0xa3: {  	[sflag:s23] =	ssyncset.done $0x0  }
0xa4: {  	s25 =	simm.s32 $0x1B8E;
	s24 =	sld [smem:$0x3FFE];
	[sflag:s23] =	ssyncadd.s32 $0xFFFFFFFF  }
0xa5: {  	s26 =	simm.s32 $execute0_lowered;
	[smem:$0x3FD2] =	sst s25  }
0xa6: {  	s5 =	sshll.u32 s26, $0x1;
	_ =	strace $0x80000049;
	[dreg:$0x1] =	wrdreg $0xFFFFFFFF  }
0xa7: {  	s28 =	simm.s32 $_size_execute0_lowered;
	s3 =	sadd.s32 s3, s5;
	[dreg:$0x0] =	wrdreg $0x0  }
0xa8: {  	s5 =	sshll.u32 s28, $0x1;
	[dreg:$0x2] =	wrdreg s3  }
0xa9: {  	[dreg:$0x3] =	wrdreg s5  }
0xaa: {  	[dreg:$0x4] =	wrdreg $0xC0  }
0xab: {  	_ =	task [dreg:s7], $0x5FFFF  }
0xac: {  	[dreg:$0x1] =	wrdreg $0xFFFFFFFF  }
0xad: {  	[dreg:$0x0] =	wrdreg $0x60  }
0xae: {  	[dreg:$0x2] =	wrdreg s24  }
0xaf: {  	[dreg:$0x3] =	wrdreg s2  }
0xb0: {  	[dreg:$0x4] =	wrdreg $0xC6000  }
0xb1: {  	[dreg:$0x5] =	wrdreg $0x9  }
0xb2: {  	_ =	task.clear_ibuf [dreg:s7], $0x6FFFF;
	_ =	strace $0x90000049  }
0xb3: {  	s29 =	simm.s32 $0x9;
	_ =	strace $0x8000004B  }
0xb4: {  	_ =	swait.ge [sflag:s29], $0x1  }
0xb5: {  	[sflag:s29] =	ssyncadd.s32 $0xFFFFFFFF  }
0xb6: {  	_ =	strace $0x9000004B  }
0xb7: {  	_ =	sfence  }
0xb8: {  	s30 =	sld [smem:$0x0];
	_ =	sdelay $0x2  }
0xb9: {  	s31 =	sshll.u32 s1, $0xD;
	s1 =	sshrl.u32 s1, $0x2  }
0xba: {  	s3 =	sand.u32 $0x4000, s31;
	s1 =	sadd.s32 s1, s30  }
0xbb: {  	s0 =	sor.u32 s3, s0;
	s1 =	sshll.u32 s1, $0x11  }
0xbc: {  	s0 =	sor.u32 s1, s0  }
0xbd: {  	s0 =	sadd.s32 $0x8F2B, s0  }
0xbe: {  	[sflag:s0] =	ssyncadd.remote.s32 $0x1  }
0xbf: {  	_ =	sfence.sel $0xFFFF  }
0xc0: {  	[dreg:$0x0] =	wrdreg $0xFFFFFFFF;
	(pc) =	sbr.abs _section_cstart, $3  }
0xc1: {  	[dreg:$0x1] =	wrdreg $0xFFFFFFFF  }
0xc2: {  	_ =	task.clear_ibuf [dreg:s7], $0x2FFFF;
	_ =	strace $0x9FFFFFFF  }
0xc3: {  	(tm) =	ssettm $0x7FFFFFFF  }
tec
execute0_lowered:
.L_overlay_start_1:
0x0: {  	(tag) =	ssettag $0x1  }
0x1: {  	s0 =	rddreg [dreg:$0x0]  }
0x2: {  	s3 =	rddreg [dreg:$0x1]  }
0x3: {  	s1 =	rddreg [dreg:$0x2];
	s2 =	simm.s32 $0x0;
	s4 =	srdreg.scid  }
0x4: {  	s17 =	stileid.u32;
	[smem:$0x7FF] =	sst s2;
	s6 =	sand.u32 $0x1, s4  }
0x5: {  	s5 =	sadd.s32 $0xE800, s0;
	s8 =	sadd.s32 $0x4A00, s0;
	s4 =	sshll.u32 s6, $0x4  }
0x6: {  	s10 =	sadd.s32 $0x3F800, s0;
	s14 =	smul.u32 $0x2700, s17;
	s4 =	sor.u32 s17, s4  }
0x7: {  	_ =	strace $0x8000004A;
	s7 =	ssub.s32 $0x2, s6;
	s13 =	ssub.s32 $0x964, s4  }
0x8: {  	s9 =	sshrl.u32 s7, $0x1;
	s29 =	ssub.s32 $0x944, s4;
	[dreg:$0x4] =	wrdreg s13  }
0x9: {  	s7 =	ssub.s32 s7, s9;
	s30 =	ssub.s32 $0x984, s4;
	[dreg:$0x5] =	wrdreg s29  }
0xa: {  	s9 =	sshll.u32 s4, $0x4;
	s31 =	ssub.s32 $0x924, s4;
	[dreg:$0x6] =	wrdreg s30  }
0xb: {  	p1 =	seq.s32 s17, $0xF;
	s11 =	sadd.s32 s5, s9;
	[dreg:$0x7] =	wrdreg s31  }
0xc: {  	s15 =	smul.u32 $0x27100, s6;
	s21 =	sadd.s32 s8, s9;
	[dreg:$0x8] =	wrdreg s11  }
0xd: {  	s16 =	smul.u32 $0x138800, s6;
	s30 =	smax.u32 s7, $0x1;
	[dreg:$0x9] =	wrdreg s21  }
0xe: {  	s22 =	sor.u32 $0x200, s9;
	s31 =	sadd.s32 $0x124800, s1;
	[dreg:$0x19] =	wrdreg s30  }
0xf: {  	s6 =	sshll.u32 s6, $0x8;
	s12 =	sadd.s32 s5, s22;
	[dreg:$0x1a] =	wrdreg s31  }
0x10: {  	s23 =	sor.u32 $0x400, s9;
	s11 =	sadd.s32 s8, s22;
	[dreg:$0xa] =	wrdreg s12  }
0x11: {  	s25 =	sor.u32 $0x600, s9;
	s24 =	sadd.s32 s5, s23;
	[dreg:$0xb] =	wrdreg s11  }
0x12: {  	s28 =	sor.u32 $0x800, s9;
	s26 =	sadd.s32 s5, s25;
	[dreg:$0xc] =	wrdreg s24  }
0x13: {  	s19 =	sadd.s32 s14, s15;
	s13 =	sadd.s32 s5, s28;
	[dreg:$0xe] =	wrdreg s26  }
0x14: {  	s9 =	sor.u32 $0xA00, s9;
	s18 =	sadd.s32 s8, s28;
	[dreg:$0x10] =	wrdreg s13  }
0x15: {  	s20 =	sshrl.u32 s16, $0x3;
	s21 =	sadd.s32 s5, s9;
	[dreg:$0x11] =	wrdreg s18  }
0x16: {  	s22 =	smul.u32 $0x4E000, s17;
	s9 =	sadd.s32 s8, s9;
	[dreg:$0x13] =	wrdreg s21  }
0x17: {  	s5 =	sadd.s32 s6, s5;
	s28 =	sadd.s32 $0x24900, s3;
	[dreg:$0x14] =	wrdreg s9  }
0x18: {  	s11 =	sadd.s32 s8, s23;
	s23 =	sshll.u32 s17, $0x4;
	[dreg:$0x17] =	wrdreg s28  }
0x19: {  	s26 =	sadd.s32 s3, s14;
	[dreg:$0xd] =	wrdreg s11;
	s11 =	sadd.s32 s8, s25  }
0x1a: {  	s8 =	sadd.s32 s6, s8;
	s24 =	sshrl.u32 s22, $0x2;
	[dreg:$0x16] =	wrdreg s26  }
0x1b: {  	[dreg:$0xf] =	wrdreg s11;
	s11 =	sadd.s32 s10, s19;
	s10 =	sadd.s32 s10, s20  }
0x1c: {  	s20 =	sadd.s32 $0x18600, s0;
	s25 =	sadd.s32 s24, s1;
	[dreg:$0x12] =	wrdreg s11  }
0x1d: {  	s0 =	simm.s32 @!p1 $0x0;
	[dreg:$0x15] =	wrdreg s25;
	s29 =	sadd.s32 $0x24900, s10  }
0x1e: {  	s18 =	sadd.s32 s23, s8;
	s0 =	simm.s32 @p1 $0x1;
	[dreg:$0x18] =	wrdreg s29  }
0x1f: {  	s19 =	sadd.s32 s23, s5;
	s5 =	simm.s32 $0x0;
	[smem:$0x7FD] =	sst s0  }
.LBB2_1:
0x20: {  	s0 =	rddreg [dreg:$0x8]  }
0x21: {  	s22 =	rddreg [dreg:$0x9]  }
0x22: {  	s23 =	rddreg [dreg:$0xa]  }
0x23: {  	s24 =	rddreg [dreg:$0xb]  }
0x24: {  	[tilespmem:s2], [sflag:$0x4] =	stream.linear.gather [hbm4b:s0+s2], $0x80, $0x38;
	[tilespmem:$0x1FE80] =	vst v63  }
0x25: {  	s6 =	simm.s32 $0x80;
	s25 =	rddreg [dreg:$0xc]  }
0x26: {  	[tilespmem:s6], [sflag:$0x4] =	stream.linear.gather [hbm4b:s22+s2], $0x80, $0x38;
	[tilespmem:$0x1FE80] =	vst v63  }
0x27: {  	s9 =	simm.s32 $0x4200;
	s26 =	rddreg [dreg:$0xd]  }
0x28: {  	[tilespmem:s9], [sflag:$0x5] =	stream.linear.gather [hbm4b:s23+s2], $0x80, $0x38;
	[tilespmem:$0x1FE80] =	vst v63  }
0x29: {  	s3 =	simm.s32 $0x4280;
	s8 =	rddreg [dreg:$0xf]  }
0x2a: {  	[tilespmem:s3], [sflag:$0x5] =	stream.linear.gather [hbm4b:s24+s2], $0x80, $0x38;
	[tilespmem:$0x1FE80] =	vst v63  }
0x2b: {  	s10 =	simm.s32 $0x8400;
	s12 =	rddreg [dreg:$0x10]  }
0x2c: {  	[tilespmem:s10], [sflag:$0x6] =	stream.linear.gather [hbm4b:s25+s2], $0x80, $0x38;
	[tilespmem:$0x1FE80] =	vst v63  }
0x2d: {  	s28 =	simm.s32 $0x8480;
	s14 =	rddreg [dreg:$0x11]  }
0x2e: {  	[tilespmem:s28], [sflag:$0x6] =	stream.linear.gather [hbm4b:s26+s2], $0x80, $0x38;
	[tilespmem:$0x1FE80] =	vst v63  }
0x2f: {  	s7 =	simm.s32 $0x100;
	s3 =	rddreg [dreg:$0xe]  }
0x30: {  	[tilespmem:s7], [sflag:$0x4] =	stream.linear.gather [hbm4b:s3+s2], $0x80, $0x38;
	[tilespmem:$0x1FE80] =	vst v63  }
0x31: {  	s11 =	simm.s32 $0x180;
	s16 =	rddreg [dreg:$0x13]  }
0x32: {  	[tilespmem:s11], [sflag:$0x4] =	stream.linear.gather [hbm4b:s8+s2], $0x80, $0x38;
	[tilespmem:$0x1FE80] =	vst v63  }
0x33: {  	s13 =	simm.s32 $0x4300;
	s21 =	rddreg [dreg:$0x14]  }
0x34: {  	[tilespmem:s13], [sflag:$0x5] =	stream.linear.gather [hbm4b:s12+s2], $0x80, $0x38;
	[tilespmem:$0x1FE80] =	vst v63  }
0x35: {  	s15 =	simm.s32 $0x4380;
	s0 =	rddreg [dreg:$0x1a]  }
0x36: {  	[tilespmem:s15], [sflag:$0x5] =	stream.linear.gather [hbm4b:s14+s2], $0x80, $0x38;
	[tilespmem:$0x1FE80] =	vst v63  }
0x37: {  	s17 =	simm.s32 $0x8500;
	s7 =	sshrl.u32 @p1 s0, $0x3;
	s3 =	rddreg [dreg:$0x17]  }
0x38: {  	[tilespmem:s17], [sflag:$0x6] =	stream.linear.gather [hbm4b:s16+s2], $0x80, $0x38;
	[tilespmem:$0x1FE80] =	vst v63  }
0x39: {  	s22 =	simm.s32 $0x8580;
	s0 =	simm.s32 @p1 $0x1FC7;
	[dreg:$0x1b] =	wrdreg s7  }
0x3a: {  	[tilespmem:s22], [sflag:$0x6] =	stream.linear.gather [hbm4b:s21+s2], $0x80, $0x38;
	[tilespmem:$0x1FE80] =	vst v63  }
0x3b: {  	[spmem:s7], [sflag:s0] =	dma.local @p1 [hbm:s3], $0x2800  }
0x3c: {  	s0 =	simm.s32 @p1 $0x7  }
0x3d: {  	_ =	swait.ge @p1 [sflag:s0], $0x2800  }
0x3e: {  	s3 =	stileid.u32;
	[sflag:s0] =	ssyncset.done @p1 $0x0  }
0x3f: {  	s3 =	sshll.u32 @!p1 s3, $0x6;
	[sflag:s0] =	ssyncadd.s32 @p1 $0xFFFFD800;
	s0 =	rddreg [dreg:$0x15]  }
0x40: {  	s7 =	sor.u32 @!p1 $0x1C07, s3;
	s8 =	sshrl.u32 @!p1 s0, $0x3;
	s0 =	rddreg [dreg:$0x16]  }
0x41: {  	[spmem:s8], [sflag:s7] =	dma.local @!p1 [hbm:s0], $0x2700  }
0x42: {  	s0 =	simm.s32 @!p1 $0x7  }
0x43: {  	_ =	swait.ge @!p1 [sflag:s0], $0x2700  }
0x44: {  	[sflag:s0] =	ssyncset.done @!p1 $0x0  }
0x45: {  	s23 =	simm.s32 $0x4;
	[sflag:s0] =	ssyncadd.s32 @!p1 $0xFFFFD900  }
0x46: {  	_ =	swait.ge [sflag:s23], $0x80  }
0x47: {  	[sflag:s23] =	ssyncset.done $0x0  }
0x48: {  	[sflag:s23] =	ssyncadd.s32 $0xFFFFFF80  }
0x49: {  	_ =	swait.ge [sflag:s23], $0x80  }
0x4a: {  	[sflag:s23] =	ssyncset.done $0x0  }
0x4b: {  	s24 =	simm.s32 $0x200;
	s25 =	simm.s32 $0x5;
	[sflag:s23] =	ssyncadd.s32 $0xFFFFFF80  }
0x4c: {  	[tilespmem:s24], [sflag:$0x1] =	stream.indirect.gather [hbm4b:s20+s6], $0x80, s2, s6, $0xb8;
	[tilespmem:$0x1FE80] =	vst v63  }
0x4d: {  	_ =	swait.ge [sflag:s25], $0x80  }
0x4e: {  	[sflag:s25] =	ssyncset.done $0x0  }
0x4f: {  	[sflag:s25] =	ssyncadd.s32 $0xFFFFFF80  }
0x50: {  	_ =	swait.ge [sflag:s25], $0x80  }
0x51: {  	[sflag:s25] =	ssyncset.done $0x0  }
0x52: {  	s26 =	simm.s32 $0x4400;
	s28 =	simm.s32 $0x6;
	[sflag:s25] =	ssyncadd.s32 $0xFFFFFF80  }
0x53: {  	[tilespmem:s26], [sflag:$0x2] =	stream.indirect.gather [hbm4b:s20+s6], $0x80, s9, s6, $0xb8;
	[tilespmem:$0x1FE80] =	vst v63  }
0x54: {  	_ =	swait.ge [sflag:s28], $0x80  }
0x55: {  	[sflag:s28] =	ssyncset.done $0x0  }
0x56: {  	[sflag:s28] =	ssyncadd.s32 $0xFFFFFF80  }
0x57: {  	_ =	swait.ge [sflag:s28], $0x80  }
0x58: {  	[sflag:s28] =	ssyncset.done $0x0  }
0x59: {  	s3 =	simm.s32 $0x8600;
	[sflag:s28] =	ssyncadd.s32 $0xFFFFFF80  }
0x5a: {  	[tilespmem:s3], [sflag:$0x3] =	stream.indirect.gather [hbm4b:s20+s6], $0x80, s10, s6, $0xb8;
	[tilespmem:$0x1FE80] =	vst v63  }
0x5b: {  	s6 =	sadd.s32 $0x0, s4  }
0x5c: {  	p1 =	sgt.u32 s6, $0x9C3  }
0x5d: {  	[bflag:$0x0] =	sbarrier.arrive $0xFFFF;
	s0 =	simm.s32 @!p1 $0x1  }
0x5e: {  	s17 =	sadd.s32 $0xC0, s6;
	s10 =	simm.s32 @!p1 $0x80;
	_ =	swait.ge @!p1 [sflag:s0], $0x4000  }
0x5f: {  	s11 =	simm.s32 @!p1 $0x200;
	p0 =	sgt.u32 s17, $0x9C3;
	[sflag:s0] =	ssyncset.done @!p1 $0x0  }
0x60: {  	s3 =	sadd.s32 @!p0 $0x0, s19;
	[sflag:s0] =	ssyncadd.s32 @!p1 $0xFFFFC000;
	s0 =	simm.s32 @!p1 $0x7  }
0x61: {  	[spmem:s1] =	stream.indirect.scatter.add.f32 @!p1 [tilespmem:s11], [sflag:$0x7], $0x80, s10, s10, $0xb8;
	[tilespmem:$0x1FE80] =	vst v63  }
0x62: {  	s3 =	sadd.s32 @!p0 $0xC00, s3;
	_ =	swait.ge @!p1 [sflag:s0], $0x4000  }
0x63: {  	s10 =	simm.s32 @!p0 $0x0;
	[sflag:s0] =	ssyncset.done @!p1 $0x0;
	s21 =	rddreg [dreg:$0x4]  }
0x64: {  	[sflag:s0] =	ssyncadd.s32 @!p1 $0xFFFFC000;
	s0 =	sadd.s32 @!p0 $0x0, s18;
	p3 =	sle.u32 s21, $0x0  }
0x65: {  	[tilespmem:s10], [sflag:$0x4] =	stream.linear.gather @!p0 [hbm4b:s3+s10], $0x80, $0x38;
	[tilespmem:$0x1FE80] =	vst v63  }
0x66: {  	s11 =	simm.s32 @!p0 $0x80;
	s0 =	sadd.s32 @!p0 $0xC00, s0;
	s3 =	simm.s32 @!p3 $0x4  }
0x67: {  	[tilespmem:s11], [sflag:$0x4] =	stream.linear.gather @!p0 [hbm4b:s0+s10], $0x80, $0x38;
	[tilespmem:$0x1FE80] =	vst v63  }
0x68: {  	_ =	swait.ge @!p3 [sflag:s3], $0x80  }
0x69: {  	[sflag:s3] =	ssyncset.done @!p3 $0x0  }
0x6a: {  	[sflag:s3] =	ssyncadd.s32 @!p3 $0xFFFFFF80  }
0x6b: {  	p2 =	sgt.u32 s6, $0x9A3;
	_ =	swait.ge @!p3 [sflag:s3], $0x80  }
0x6c: {  	s12 =	simm.s32 @!p3 $0x80;
	s13 =	simm.s32 @!p3 $0x200;
	[sflag:s3] =	ssyncset.done @!p3 $0x0  }
0x6d: {  	s0 =	simm.s32 @!p2 $0x2;
	[sflag:s3] =	ssyncadd.s32 @!p3 $0xFFFFFF80;
	s3 =	simm.s32 @!p3 $0x100  }
0x6e: {  	[tilespmem:s13], [sflag:$0x1] =	stream.indirect.gather @!p3 [hbm4b:s20+s12], $0x80, s3, s12, $0xb8;
	[tilespmem:$0x1FE80] =	vst v63  }
0x6f: {  	s22 =	sadd.s32 $0xE0, s6;
	s14 =	simm.s32 @!p2 $0x80;
	_ =	swait.ge @!p2 [sflag:s0], $0x4000  }
0x70: {  	s15 =	simm.s32 @!p2 $0x4280;
	s16 =	simm.s32 @!p2 $0x7;
	[sflag:s0] =	ssyncset.done @!p2 $0x0  }
0x71: {  	p1 =	sgt.u32 s22, $0x9C3;
	s3 =	simm.s32 @!p2 $0x4400;
	[sflag:s0] =	ssyncadd.s32 @!p2 $0xFFFFC000  }
0x72: {  	[spmem:s1] =	stream.indirect.scatter.add.f32 @!p2 [tilespmem:s3], [sflag:$0x7], $0x80, s15, s14, $0xb8;
	[tilespmem:$0x1FE80] =	vst v63  }
0x73: {  	s0 =	sadd.s32 @!p1 $0x0, s19;
	s3 =	sadd.s32 @!p1 $0x0, s18;
	_ =	swait.ge @!p2 [sflag:s16], $0x4000  }
0x74: {  	s0 =	sadd.s32 @!p1 $0xE00, s0;
	s14 =	simm.s32 @!p1 $0x4200;
	[sflag:s16] =	ssyncset.done @!p2 $0x0  }
0x75: {  	s23 =	rddreg [dreg:$0x5];
	[sflag:s16] =	ssyncadd.s32 @!p2 $0xFFFFC000;
	s16 =	simm.s32 @!p1 $0x0  }
0x76: {  	[tilespmem:s14], [sflag:$0x5] =	stream.linear.gather @!p1 [hbm4b:s0+s16], $0x80, $0x38;
	[tilespmem:$0x1FE80] =	vst v63  }
0x77: {  	p5 =	sle.u32 s23, $0x0;
	s0 =	sadd.s32 @!p1 $0xE00, s3;
	s3 =	simm.s32 @!p1 $0x4280  }
0x78: {  	[tilespmem:s3], [sflag:$0x5] =	stream.linear.gather @!p1 [hbm4b:s0+s16], $0x80, $0x38;
	[tilespmem:$0x1FE80] =	vst v63  }
0x79: {  	s0 =	simm.s32 @!p5 $0x5  }
0x7a: {  	_ =	swait.ge @!p5 [sflag:s0], $0x80  }
0x7b: {  	[sflag:s0] =	ssyncset.done @!p5 $0x0  }
0x7c: {  	[sflag:s0] =	ssyncadd.s32 @!p5 $0xFFFFFF80  }
0x7d: {  	s29 =	simm.s32 @!p5 $0x4400;
	_ =	swait.ge @!p5 [sflag:s0], $0x80  }
0x7e: {  	s21 =	simm.s32 @!p5 $0x80;
	[sflag:s0] =	ssyncset.done @!p5 $0x0;
	s24 =	rddreg [dreg:$0x6]  }
0x7f: {  	[sflag:s0] =	ssyncadd.s32 @!p5 $0xFFFFFF80;
	s0 =	simm.s32 @!p5 $0x4300;
	p4 =	sle.u32 s24, $0x0  }
0x80: {  	[tilespmem:s29], [sflag:$0x2] =	stream.indirect.gather @!p5 [hbm4b:s20+s21], $0x80, s0, s21, $0xb8;
	[tilespmem:$0x1FE80] =	vst v63  }
0x81: {  	s25 =	sadd.s32 $0x100, s6;
	s0 =	simm.s32 @!p4 $0x3  }
0x82: {  	p2 =	sgt.u32 s25, $0x9C3;
	_ =	swait.ge @!p4 [sflag:s0], $0x4000  }
0x83: {  	s15 =	simm.s32 @!p4 $0x7;
	s3 =	simm.s32 @!p4 $0x8480;
	[sflag:s0] =	ssyncset.done @!p4 $0x0  }
0x84: {  	s16 =	simm.s32 @!p4 $0x8600;
	[sflag:s0] =	ssyncadd.s32 @!p4 $0xFFFFC000;
	s0 =	simm.s32 @!p4 $0x80  }
0x85: {  	[spmem:s1] =	stream.indirect.scatter.add.f32 @!p4 [tilespmem:s16], [sflag:$0x7], $0x80, s3, s0, $0xb8;
	[tilespmem:$0x1FE80] =	vst v63  }
0x86: {  	s0 =	sadd.s32 @!p2 $0x0, s19;
	s16 =	simm.s32 @!p2 $0x8400;
	_ =	swait.ge @!p4 [sflag:s15], $0x4000  }
0x87: {  	s3 =	sadd.s32 @!p2 $0x0, s18;
	s0 =	sadd.s32 @!p2 $0x1000, s0;
	[sflag:s15] =	ssyncset.done @!p4 $0x0  }
0x88: {  	s17 =	rddreg [dreg:$0x7];
	[sflag:s15] =	ssyncadd.s32 @!p4 $0xFFFFC000;
	s15 =	simm.s32 @!p2 $0x0  }
0x89: {  	[tilespmem:s16], [sflag:$0x6] =	stream.linear.gather @!p2 [hbm4b:s0+s15], $0x80, $0x38;
	[tilespmem:$0x1FE80] =	vst v63  }
0x8a: {  	p6 =	sle.u32 s17, $0x0;
	s0 =	sadd.s32 @!p2 $0x1000, s3;
	s3 =	simm.s32 @!p2 $0x8480  }
0x8b: {  	[tilespmem:s3], [sflag:$0x6] =	stream.linear.gather @!p2 [hbm4b:s0+s15], $0x80, $0x38;
	[tilespmem:$0x1FE80] =	vst v63  }
0x8c: {  	s0 =	simm.s32 @!p6 $0x6  }
0x8d: {  	_ =	swait.ge @!p6 [sflag:s0], $0x80  }
0x8e: {  	[sflag:s0] =	ssyncset.done @!p6 $0x0  }
0x8f: {  	[sflag:s0] =	ssyncadd.s32 @!p6 $0xFFFFFF80  }
0x90: {  	_ =	swait.ge @!p6 [sflag:s0], $0x80  }
0x91: {  	s31 =	simm.s32 @!p6 $0x8600;
	s22 =	simm.s32 @!p6 $0x80;
	[sflag:s0] =	ssyncset.done @!p6 $0x0  }
0x92: {  	s3 =	simm.s32 @!p3 $0x1;
	s15 =	simm.s32 @!p6 $0x8500;
	[sflag:s0] =	ssyncadd.s32 @!p6 $0xFFFFFF80  }
0x93: {  	[tilespmem:s31], [sflag:$0x3] =	stream.indirect.gather @!p6 [hbm4b:s20+s22], $0x80, s15, s22, $0xb8;
	[tilespmem:$0x1FE80] =	vst v63  }
0x94: {  	s26 =	sadd.s32 $0x120, s6;
	_ =	swait.ge @!p3 [sflag:s3], $0x4000  }
0x95: {  	p4 =	sgt.u32 s26, $0x9C3;
	[sflag:s3] =	ssyncset.done @!p3 $0x0  }
0x96: {  	s0 =	simm.s32 @!p3 $0x180;
	s15 =	simm.s32 @!p3 $0x7;
	[sflag:s3] =	ssyncadd.s32 @!p3 $0xFFFFC000  }
0x97: {  	[spmem:s1] =	stream.indirect.scatter.add.f32 @!p3 [tilespmem:s13], [sflag:$0x7], $0x80, s0, s12, $0xb8;
	[tilespmem:$0x1FE80] =	vst v63  }
0x98: {  	s3 =	simm.s32 @!p4 $0x100;
	_ =	swait.ge @!p3 [sflag:s15], $0x4000  }
0x99: {  	s0 =	sadd.s32 @!p4 $0x0, s19;
	s12 =	sadd.s32 @!p4 $0x0, s18;
	[sflag:s15] =	ssyncset.done @!p3 $0x0  }
0x9a: {  	s13 =	simm.s32 @!p4 $0x0;
	s0 =	sadd.s32 @!p4 $0x1200, s0;
	[sflag:s15] =	ssyncadd.s32 @!p3 $0xFFFFC000  }
0x9b: {  	[tilespmem:s3], [sflag:$0x4] =	stream.linear.gather @!p4 [hbm4b:s0+s13], $0x80, $0x38;
	[tilespmem:$0x1FE80] =	vst v63  }
0x9c: {  	s0 =	sadd.s32 @!p4 $0x1200, s12;
	s3 =	simm.s32 @!p4 $0x180  }
0x9d: {  	[tilespmem:s3], [sflag:$0x4] =	stream.linear.gather @!p4 [hbm4b:s0+s13], $0x80, $0x38;
	[tilespmem:$0x1FE80] =	vst v63  }
0x9e: {  	s0 =	simm.s32 @!p0 $0x4  }
0x9f: {  	_ =	swait.ge @!p0 [sflag:s0], $0x80  }
0xa0: {  	[sflag:s0] =	ssyncset.done @!p0 $0x0  }
0xa1: {  	[sflag:s0] =	ssyncadd.s32 @!p0 $0xFFFFFF80  }
0xa2: {  	s28 =	sadd.s32 $0x140, s6;
	s9 =	sadd.s32 $0x160, s6;
	_ =	swait.ge @!p0 [sflag:s0], $0x80  }
0xa3: {  	s23 =	simm.s32 @!p5 $0x4380;
	s17 =	simm.s32 @!p5 $0x2;
	[sflag:s0] =	ssyncset.done @!p0 $0x0  }
0xa4: {  	s15 =	simm.s32 $0xC0;
	s12 =	simm.s32 @!p0 $0x200;
	[sflag:s0] =	ssyncadd.s32 @!p0 $0xFFFFFF80  }
0xa5: {  	[tilespmem:s12], [sflag:$0x1] =	stream.indirect.gather @!p0 [hbm4b:s20+s11], $0x80, s10, s11, $0xb8;
	[tilespmem:$0x1FE80] =	vst v63  }
0xa6: {  	p0 =	sgt.u32 s28, $0x9C3;
	s11 =	simm.s32 $0xC00;
	s10 =	simm.s32 $0x0  }
0xa7: {  	s0 =	sadd.s32 @!p0 $0x0, s19;
	s3 =	sadd.s32 @!p0 $0x0, s18;
	p3 =	por p0, p0  }
0xa8: {  	_ =	swait.ge @!p5 [sflag:s17], $0x4000;
	s13 =	sadd.s32 @!p0 $0x1400, s0;
	s12 =	sadd.s32 @!p0 $0x1400, s3  }
0xa9: {  	s30 =	simm.s32 @!p3 $0x4300;
	s3 =	simm.s32 @!p5 $0x7;
	s0 =	simm.s32 @!p3 $0x0  }
.LBB2_2:
0xaa: {  	[sflag:s17] =	ssyncset.done @!p5 $0x0  }
0xab: {  	[sflag:s17] =	ssyncadd.s32 @!p5 $0xFFFFC000  }
0xac: {  	[spmem:s1] =	stream.indirect.scatter.add.f32 @!p5 [tilespmem:s29], [sflag:$0x7], $0x80, s23, s21, $0xb8;
	[tilespmem:$0x1FE80] =	vst v63  }
0xad: {  	_ =	swait.ge @!p5 [sflag:s3], $0x4000  }
0xae: {  	[sflag:s3] =	ssyncset.done @!p5 $0x0  }
0xaf: {  	s28 =	sadd.s32 s15, s4;
	[sflag:s3] =	ssyncadd.s32 @!p5 $0xFFFFC000  }
0xb0: {  	[tilespmem:s30], [sflag:$0x5] =	stream.linear.gather @!p3 [hbm4b:s13+s0], $0x80, $0x38;
	[tilespmem:$0x1FE80] =	vst v63  }
0xb1: {  	s25 =	smov.u32 s11;
	s11 =	sadd.s32 $0xC00, s11;
	s29 =	simm.s32 @!p3 $0x4380  }
0xb2: {  	[tilespmem:s29], [sflag:$0x5] =	stream.linear.gather @!p3 [hbm4b:s12+s0], $0x80, $0x38;
	[tilespmem:$0x1FE80] =	vst v63  }
0xb3: {  	s6 =	sadd.s32 $0x140, s28;
	p3 =	sne.s32 s11, $0xA800  }
0xb4: {  	p0 =	sgt.u32 s6, $0x9C3;
	s3 =	simm.s32 @!p1 $0x5;
	s6 =	simm.s32 @!p3 $0x0  }
0xb5: {  	_ =	swait.ge @!p1 [sflag:s3], $0x80;
	s6 =	simm.s32 @p3 $0x1;
	p3 =	por p0, p0  }
0xb6: {  	[smem:$0x7FC] =	sst s6;
	s6 =	simm.s32 @!p3 $0x0  }
0xb7: {  	[sflag:s3] =	ssyncset.done @!p1 $0x0;
	s6 =	simm.s32 @p3 $0x1  }
0xb8: {  	[sflag:s3] =	ssyncadd.s32 @!p1 $0xFFFFFF80;
	[smem:$0x7FB] =	sst s6  }
0xb9: {  	s21 =	sadd.s32 @!p0 s25, s18;
	_ =	swait.ge @!p1 [sflag:s3], $0x80  }
0xba: {  	s0 =	simm.s32 @!p1 $0x80;
	s12 =	sadd.s32 @!p0 $0x1400, s21;
	[sflag:s3] =	ssyncset.done @!p1 $0x0  }
0xbb: {  	s21 =	simm.s32 @!p1 $0x4400;
	s29 =	simm.s32 @!p6 $0x3;
	[sflag:s3] =	ssyncadd.s32 @!p1 $0xFFFFFF80  }
0xbc: {  	[tilespmem:s21], [sflag:$0x2] =	stream.indirect.gather @!p1 [hbm4b:s20+s0], $0x80, s14, s0, $0xb8;
	[tilespmem:$0x1FE80] =	vst v63  }
0xbd: {  	s13 =	sadd.s32 @!p0 s25, s19;
	_ =	swait.ge @!p6 [sflag:s29], $0x4000  }
0xbe: {  	s13 =	sadd.s32 @!p0 $0x1400, s13;
	p0 =	sgt.u32 s9, $0x9C3;
	[sflag:s29] =	ssyncset.done @!p6 $0x0  }
0xbf: {  	s3 =	simm.s32 @!p6 $0x8580;
	s0 =	simm.s32 @!p6 $0x7;
	[sflag:s29] =	ssyncadd.s32 @!p6 $0xFFFFC000  }
0xc0: {  	[spmem:s1] =	stream.indirect.scatter.add.f32 @!p6 [tilespmem:s31], [sflag:$0x7], $0x80, s3, s22, $0xb8;
	[tilespmem:$0x1FE80] =	vst v63  }
0xc1: {  	s14 =	sadd.s32 @!p0 s10, s19;
	_ =	swait.ge @!p6 [sflag:s0], $0x4000  }
0xc2: {  	s21 =	simm.s32 @!p0 $0x8500;
	s10 =	sadd.s32 @!p0 s10, s18;
	[sflag:s0] =	ssyncset.done @!p6 $0x0  }
0xc3: {  	s3 =	sadd.s32 @!p0 $0x1600, s14;
	[sflag:s0] =	ssyncadd.s32 @!p6 $0xFFFFC000;
	s0 =	simm.s32 @!p0 $0x0  }
0xc4: {  	[tilespmem:s21], [sflag:$0x6] =	stream.linear.gather @!p0 [hbm4b:s3+s0], $0x80, $0x38;
	[tilespmem:$0x1FE80] =	vst v63  }
0xc5: {  	s29 =	simm.s32 @!p2 $0x6;
	s14 =	sadd.s32 @!p0 $0x1600, s10;
	s22 =	simm.s32 @!p0 $0x8580  }
0xc6: {  	[tilespmem:s22], [sflag:$0x6] =	stream.linear.gather @!p0 [hbm4b:s14+s0], $0x80, $0x38;
	[tilespmem:$0x1FE80] =	vst v63  }
0xc7: {  	_ =	swait.ge @!p2 [sflag:s29], $0x80  }
0xc8: {  	[sflag:s29] =	ssyncset.done @!p2 $0x0  }
0xc9: {  	s24 =	sadd.s32 $0xC0, s28;
	[sflag:s29] =	ssyncadd.s32 @!p2 $0xFFFFFF80  }
0xca: {  	s30 =	sadd.s32 $0x160, s28;
	p1 =	sgt.u32 s28, $0x9C3;
	_ =	swait.ge @!p2 [sflag:s29], $0x80  }
0xcb: {  	s10 =	smov.u32 s25;
	s25 =	simm.s32 @!p1 $0x1;
	[sflag:s29] =	ssyncset.done @!p2 $0x0  }
0xcc: {  	s14 =	simm.s32 @!p2 $0x8600;
	s22 =	simm.s32 @!p2 $0x80;
	[sflag:s29] =	ssyncadd.s32 @!p2 $0xFFFFFF80  }
0xcd: {  	[tilespmem:s14], [sflag:$0x3] =	stream.indirect.gather @!p2 [hbm4b:s20+s22], $0x80, s16, s22, $0xb8;
	[tilespmem:$0x1FE80] =	vst v63  }
0xce: {  	s9 =	smov.u32 s30;
	s3 =	simm.s32 @!p1 $0x200;
	_ =	swait.ge @!p1 [sflag:s25], $0x4000  }
0xcf: {  	s0 =	simm.s32 @!p1 $0x80;
	p0 =	sgt.u32 s24, $0x9C3;
	[sflag:s25] =	ssyncset.done @!p1 $0x0  }
0xd0: {  	s21 =	sadd.s32 @!p0 s10, s19;
	s14 =	simm.s32 @!p1 $0x7;
	[sflag:s25] =	ssyncadd.s32 @!p1 $0xFFFFC000  }
0xd1: {  	[spmem:s1] =	stream.indirect.scatter.add.f32 @!p1 [tilespmem:s3], [sflag:$0x7], $0x80, s0, s0, $0xb8;
	[tilespmem:$0x1FE80] =	vst v63  }
0xd2: {  	s24 =	sadd.s32 @!p0 s10, s18;
	s21 =	sadd.s32 @!p0 $0xC00, s21;
	_ =	swait.ge @!p1 [sflag:s14], $0x4000  }
0xd3: {  	s30 =	sadd.s32 @!p0 $0xC00, s24;
	[sflag:s14] =	ssyncset.done @!p1 $0x0;
	s3 =	rddreg [dreg:$0x4]  }
0xd4: {  	s24 =	simm.s32 @!p0 $0x0;
	[sflag:s14] =	ssyncadd.s32 @!p1 $0xFFFFC000;
	p3 =	sge.u32 s15, s3  }
0xd5: {  	[tilespmem:s24], [sflag:$0x4] =	stream.linear.gather @!p0 [hbm4b:s21+s24], $0x80, $0x38;
	[tilespmem:$0x1FE80] =	vst v63  }
0xd6: {  	s25 =	simm.s32 @!p0 $0x80;
	s0 =	simm.s32 @!p3 $0x4  }
0xd7: {  	[tilespmem:s25], [sflag:$0x4] =	stream.linear.gather @!p0 [hbm4b:s30+s24], $0x80, $0x38;
	[tilespmem:$0x1FE80] =	vst v63  }
0xd8: {  	_ =	swait.ge @!p3 [sflag:s0], $0x80  }
0xd9: {  	[sflag:s0] =	ssyncset.done @!p3 $0x0  }
0xda: {  	s26 =	sadd.s32 $0xE0, s28;
	s17 =	sadd.s32 $0x120, s28;
	[sflag:s0] =	ssyncadd.s32 @!p3 $0xFFFFFF80  }
0xdb: {  	s23 =	sadd.s32 $0x100, s28;
	p2 =	sgt.u32 s28, $0x9A3;
	_ =	swait.ge @!p3 [sflag:s0], $0x80  }
0xdc: {  	s3 =	simm.s32 @!p2 $0x2;
	s28 =	simm.s32 @!p3 $0x80;
	[sflag:s0] =	ssyncset.done @!p3 $0x0  }
0xdd: {  	s30 =	simm.s32 @!p3 $0x200;
	[sflag:s0] =	ssyncadd.s32 @!p3 $0xFFFFFF80;
	s0 =	simm.s32 @!p3 $0x100  }
0xde: {  	[tilespmem:s30], [sflag:$0x1] =	stream.indirect.gather @!p3 [hbm4b:s20+s28], $0x80, s0, s28, $0xb8;
	[tilespmem:$0x1FE80] =	vst v63  }
0xdf: {  	s16 =	simm.s32 @!p2 $0x80;
	_ =	swait.ge @!p2 [sflag:s3], $0x4000  }
0xe0: {  	s22 =	simm.s32 @!p2 $0x7;
	p1 =	sgt.u32 s26, $0x9C3;
	[sflag:s3] =	ssyncset.done @!p2 $0x0  }
0xe1: {  	s21 =	simm.s32 @!p2 $0x4280;
	s0 =	simm.s32 @!p2 $0x4400;
	[sflag:s3] =	ssyncadd.s32 @!p2 $0xFFFFC000  }
0xe2: {  	[spmem:s1] =	stream.indirect.scatter.add.f32 @!p2 [tilespmem:s0], [sflag:$0x7], $0x80, s21, s16, $0xb8;
	[tilespmem:$0x1FE80] =	vst v63  }
0xe3: {  	s14 =	sadd.s32 @!p1 s10, s19;
	s26 =	sadd.s32 @!p1 s10, s18;
	_ =	swait.ge @!p2 [sflag:s22], $0x4000  }
0xe4: {  	s3 =	sadd.s32 @!p1 $0xE00, s14;
	s14 =	simm.s32 @!p1 $0x4200;
	[sflag:s22] =	ssyncset.done @!p2 $0x0  }
0xe5: {  	s6 =	rddreg [dreg:$0x5];
	[sflag:s22] =	ssyncadd.s32 @!p2 $0xFFFFC000;
	s22 =	simm.s32 @!p1 $0x0  }
0xe6: {  	[tilespmem:s14], [sflag:$0x5] =	stream.linear.gather @!p1 [hbm4b:s3+s22], $0x80, $0x38;
	[tilespmem:$0x1FE80] =	vst v63  }
0xe7: {  	s0 =	sadd.s32 @!p1 $0xE00, s26;
	s16 =	simm.s32 @!p1 $0x4280;
	p5 =	sge.u32 s15, s6  }
0xe8: {  	[tilespmem:s16], [sflag:$0x5] =	stream.linear.gather @!p1 [hbm4b:s0+s22], $0x80, $0x38;
	[tilespmem:$0x1FE80] =	vst v63  }
0xe9: {  	s0 =	simm.s32 @!p5 $0x5  }
0xea: {  	_ =	swait.ge @!p5 [sflag:s0], $0x80  }
0xeb: {  	[sflag:s0] =	ssyncset.done @!p5 $0x0  }
0xec: {  	[sflag:s0] =	ssyncadd.s32 @!p5 $0xFFFFFF80  }
0xed: {  	s29 =	simm.s32 @!p5 $0x4400;
	_ =	swait.ge @!p5 [sflag:s0], $0x80  }
0xee: {  	s21 =	simm.s32 @!p5 $0x80;
	[sflag:s0] =	ssyncset.done @!p5 $0x0;
	s26 =	rddreg [dreg:$0x6]  }
0xef: {  	[sflag:s0] =	ssyncadd.s32 @!p5 $0xFFFFFF80;
	s0 =	simm.s32 @!p5 $0x4300;
	p6 =	sge.u32 s15, s26  }
0xf0: {  	[tilespmem:s29], [sflag:$0x2] =	stream.indirect.gather @!p5 [hbm4b:s20+s21], $0x80, s0, s21, $0xb8;
	[tilespmem:$0x1FE80] =	vst v63  }
0xf1: {  	s0 =	simm.s32 @!p6 $0x3  }
0xf2: {  	p2 =	sgt.u32 s23, $0x9C3;
	_ =	swait.ge @!p6 [sflag:s0], $0x4000  }
0xf3: {  	s3 =	simm.s32 @!p6 $0x7;
	s16 =	simm.s32 @!p6 $0x8480;
	[sflag:s0] =	ssyncset.done @!p6 $0x0  }
0xf4: {  	s22 =	simm.s32 @!p6 $0x8600;
	[sflag:s0] =	ssyncadd.s32 @!p6 $0xFFFFC000;
	s0 =	simm.s32 @!p6 $0x80  }
0xf5: {  	[spmem:s1] =	stream.indirect.scatter.add.f32 @!p6 [tilespmem:s22], [sflag:$0x7], $0x80, s16, s0, $0xb8;
	[tilespmem:$0x1FE80] =	vst v63  }
0xf6: {  	s23 =	sadd.s32 @!p2 s10, s19;
	s16 =	simm.s32 @!p2 $0x8400;
	_ =	swait.ge @!p6 [sflag:s3], $0x4000  }
0xf7: {  	s0 =	sadd.s32 @!p2 s10, s18;
	[sflag:s3] =	ssyncset.done @!p6 $0x0;
	s6 =	rddreg [dreg:$0x7]  }
0xf8: {  	[sflag:s3] =	ssyncadd.s32 @!p6 $0xFFFFC000;
	s3 =	sadd.s32 @!p2 $0x1000, s23;
	s23 =	simm.s32 @!p2 $0x0  }
0xf9: {  	[tilespmem:s16], [sflag:$0x6] =	stream.linear.gather @!p2 [hbm4b:s3+s23], $0x80, $0x38;
	[tilespmem:$0x1FE80] =	vst v63  }
0xfa: {  	s0 =	sadd.s32 @!p2 $0x1000, s0;
	p6 =	sge.u32 s15, s6;
	s3 =	simm.s32 @!p2 $0x8480  }
0xfb: {  	[tilespmem:s3], [sflag:$0x6] =	stream.linear.gather @!p2 [hbm4b:s0+s23], $0x80, $0x38;
	[tilespmem:$0x1FE80] =	vst v63  }
0xfc: {  	s0 =	simm.s32 @!p6 $0x6  }
0xfd: {  	_ =	swait.ge @!p6 [sflag:s0], $0x80  }
0xfe: {  	[sflag:s0] =	ssyncset.done @!p6 $0x0  }
0xff: {  	[sflag:s0] =	ssyncadd.s32 @!p6 $0xFFFFFF80  }
0x100: {  	_ =	swait.ge @!p6 [sflag:s0], $0x80  }
0x101: {  	s26 =	simm.s32 @!p3 $0x1;
	s31 =	simm.s32 @!p6 $0x8600;
	[sflag:s0] =	ssyncset.done @!p6 $0x0  }
0x102: {  	s22 =	simm.s32 @!p6 $0x80;
	s6 =	simm.s32 @!p6 $0x8500;
	[sflag:s0] =	ssyncadd.s32 @!p6 $0xFFFFFF80  }
0x103: {  	[tilespmem:s31], [sflag:$0x3] =	stream.indirect.gather @!p6 [hbm4b:s20+s22], $0x80, s6, s22, $0xb8;
	[tilespmem:$0x1FE80] =	vst v63  }
0x104: {  	p4 =	sgt.u32 s17, $0x9C3;
	_ =	swait.ge @!p3 [sflag:s26], $0x4000  }
0x105: {  	s17 =	simm.s32 @!p4 $0x180;
	[sflag:s26] =	ssyncset.done @!p3 $0x0  }
0x106: {  	s3 =	simm.s32 @!p3 $0x180;
	s23 =	simm.s32 @!p3 $0x7;
	[sflag:s26] =	ssyncadd.s32 @!p3 $0xFFFFC000  }
0x107: {  	[spmem:s1] =	stream.indirect.scatter.add.f32 @!p3 [tilespmem:s30], [sflag:$0x7], $0x80, s3, s28, $0xb8;
	[tilespmem:$0x1FE80] =	vst v63  }
0x108: {  	s0 =	sadd.s32 @!p4 s10, s19;
	s6 =	simm.s32 @!p4 $0x100;
	_ =	swait.ge @!p3 [sflag:s23], $0x4000  }
0x109: {  	s0 =	sadd.s32 @!p4 $0x1200, s0;
	[sflag:s23] =	ssyncset.done @!p3 $0x0;
	s26 =	sld [smem:$0x7FB]  }
0x10a: {  	s3 =	sadd.s32 @!p4 s10, s18;
	[sflag:s23] =	ssyncadd.s32 @!p3 $0xFFFFC000;
	s23 =	simm.s32 @!p4 $0x0  }
0x10b: {  	[tilespmem:s6], [sflag:$0x4] =	stream.linear.gather @!p4 [hbm4b:s0+s23], $0x80, $0x38;
	[tilespmem:$0x1FE80] =	vst v63  }
0x10c: {  	s3 =	sadd.s32 @!p4 $0x1200, s3;
	p3 =	seq.s32 s26, $0x1;
	s26 =	simm.s32 @!p0 $0x4  }
0x10d: {  	[tilespmem:s17], [sflag:$0x4] =	stream.linear.gather @!p4 [hbm4b:s3+s23], $0x80, $0x38;
	[tilespmem:$0x1FE80] =	vst v63  }
0x10e: {  	_ =	swait.ge @!p0 [sflag:s26], $0x80  }
0x10f: {  	[sflag:s26] =	ssyncset.done @!p0 $0x0  }
0x110: {  	[sflag:s26] =	ssyncadd.s32 @!p0 $0xFFFFFF80  }
0x111: {  	_ =	swait.ge @!p0 [sflag:s26], $0x80  }
0x112: {  	[sflag:s26] =	ssyncset.done @!p0 $0x0  }
0x113: {  	s0 =	simm.s32 @!p0 $0x200;
	s17 =	simm.s32 @!p5 $0x2;
	[sflag:s26] =	ssyncadd.s32 @!p0 $0xFFFFFF80  }
0x114: {  	[tilespmem:s0], [sflag:$0x1] =	stream.indirect.gather @!p0 [hbm4b:s20+s25], $0x80, s24, s25, $0xb8;
	[tilespmem:$0x1FE80] =	vst v63  }
0x115: {  	_ =	swait.ge @!p5 [sflag:s17], $0x4000  }
0x116: {  	s28 =	sld [smem:$0x7FC];
	_ =	sdelay $0x2  }
0x117: {  	p0 =	seq.s32 s28, $0x1  }
.Ltmp0:
0x118: {  	_ = 	snop;
	(pc) =	sbr.rel @p0 .LBB2_2-.Ltmp0, $3  }
0x119: {  	_ =	sdelay $0x1  }
0x11a: {  	s15 =	sadd.s32 $0xC0, s15;
	s23 =	simm.s32 @!p5 $0x4380  }
0x11b: {  	s30 =	simm.s32 @!p3 $0x4300;
	s3 =	simm.s32 @!p5 $0x7;
	s0 =	simm.s32 @!p3 $0x0  }
0x11c: {  	[sflag:s17] =	ssyncset.done @!p5 $0x0  }
0x11d: {  	[sflag:s17] =	ssyncadd.s32 @!p5 $0xFFFFC000  }
0x11e: {  	[spmem:s1] =	stream.indirect.scatter.add.f32 @!p5 [tilespmem:s29], [sflag:$0x7], $0x80, s23, s21, $0xb8;
	[tilespmem:$0x1FE80] =	vst v63  }
0x11f: {  	_ =	swait.ge @!p5 [sflag:s3], $0x4000  }
0x120: {  	[sflag:s3] =	ssyncset.done @!p5 $0x0  }
0x121: {  	[sflag:s3] =	ssyncadd.s32 @!p5 $0xFFFFC000  }
0x122: {  	[tilespmem:s30], [sflag:$0x5] =	stream.linear.gather @!p3 [hbm4b:s13+s0], $0x80, $0x38;
	[tilespmem:$0x1FE80] =	vst v63  }
0x123: {  	s6 =	simm.s32 @!p1 $0x5;
	s3 =	simm.s32 @!p3 $0x4380  }
0x124: {  	[tilespmem:s3], [sflag:$0x5] =	stream.linear.gather @!p3 [hbm4b:s12+s0], $0x80, $0x38;
	[tilespmem:$0x1FE80] =	vst v63  }
0x125: {  	_ =	swait.ge @!p1 [sflag:s6], $0x80  }
0x126: {  	[sflag:s6] =	ssyncset.done @!p1 $0x0  }
0x127: {  	[sflag:s6] =	ssyncadd.s32 @!p1 $0xFFFFFF80  }
0x128: {  	_ =	swait.ge @!p1 [sflag:s6], $0x80  }
0x129: {  	s11 =	simm.s32 @!p6 $0x3;
	[sflag:s6] =	ssyncset.done @!p1 $0x0  }
0x12a: {  	s0 =	simm.s32 @!p1 $0x80;
	s3 =	simm.s32 @!p1 $0x4400;
	[sflag:s6] =	ssyncadd.s32 @!p1 $0xFFFFFF80  }
0x12b: {  	[tilespmem:s3], [sflag:$0x2] =	stream.indirect.gather @!p1 [hbm4b:s20+s0], $0x80, s14, s0, $0xb8;
	[tilespmem:$0x1FE80] =	vst v63  }
0x12c: {  	_ =	swait.ge @!p6 [sflag:s11], $0x4000  }
0x12d: {  	p0 =	sgt.u32 s9, $0x9C3;
	[sflag:s11] =	ssyncset.done @!p6 $0x0  }
0x12e: {  	s0 =	simm.s32 @!p6 $0x8580;
	s3 =	simm.s32 @!p6 $0x7;
	[sflag:s11] =	ssyncadd.s32 @!p6 $0xFFFFC000  }
0x12f: {  	[spmem:s1] =	stream.indirect.scatter.add.f32 @!p6 [tilespmem:s31], [sflag:$0x7], $0x80, s0, s22, $0xb8;
	[tilespmem:$0x1FE80] =	vst v63  }
0x130: {  	s9 =	sadd.s32 @!p0 s10, s18;
	_ =	swait.ge @!p6 [sflag:s3], $0x4000  }
0x131: {  	s6 =	simm.s32 @!p0 $0x8500;
	s0 =	sadd.s32 @!p0 s10, s19;
	[sflag:s3] =	ssyncset.done @!p6 $0x0  }
0x132: {  	s0 =	sadd.s32 @!p0 $0x1600, s0;
	[sflag:s3] =	ssyncadd.s32 @!p6 $0xFFFFC000;
	s3 =	simm.s32 @!p0 $0x0  }
0x133: {  	[tilespmem:s6], [sflag:$0x6] =	stream.linear.gather @!p0 [hbm4b:s0+s3], $0x80, $0x38;
	[tilespmem:$0x1FE80] =	vst v63  }
0x134: {  	s0 =	sadd.s32 @!p0 $0x1600, s9;
	s6 =	simm.s32 @!p0 $0x8580;
	s9 =	simm.s32 @!p2 $0x6  }
0x135: {  	[tilespmem:s6], [sflag:$0x6] =	stream.linear.gather @!p0 [hbm4b:s0+s3], $0x80, $0x38;
	[tilespmem:$0x1FE80] =	vst v63  }
0x136: {  	_ =	swait.ge @!p2 [sflag:s9], $0x80  }
0x137: {  	[sflag:s9] =	ssyncset.done @!p2 $0x0  }
0x138: {  	[sflag:s9] =	ssyncadd.s32 @!p2 $0xFFFFFF80  }
0x139: {  	_ =	swait.ge @!p2 [sflag:s9], $0x80  }
0x13a: {  	[sflag:s9] =	ssyncset.done @!p2 $0x0  }
0x13b: {  	s0 =	simm.s32 @!p2 $0x8600;
	s3 =	simm.s32 @!p2 $0x80;
	[sflag:s9] =	ssyncadd.s32 @!p2 $0xFFFFFF80  }
0x13c: {  	[tilespmem:s0], [sflag:$0x3] =	stream.indirect.gather @!p2 [hbm4b:s20+s3], $0x80, s16, s3, $0xb8;
	[tilespmem:$0x1FE80] =	vst v63  }
0x13d: {  	[bflag:$0x0] =	sbarrier.arrive $0xFFFF  }
0x13e: {  	s30 =	sld [smem:$0x7FD];
	_ =	sdelay $0x2  }
0x13f: {  	s3 =	rddreg [dreg:$0x18];
	p1 =	seq.s32 s30, $0x1  }
0x140: {  	s6 =	rddreg [dreg:$0x1b];
	s0 =	simm.s32 @p1 $0x1FC7  }
0x141: {  	[hbm:s3], [sflag:s0] =	dma.local @p1 [spmem:s6], $0x2800  }
0x142: {  	s0 =	simm.s32 @p1 $0x7  }
0x143: {  	_ =	swait.ge @p1 [sflag:s0], $0x2800  }
0x144: {  	[sflag:s0] =	ssyncset.done @p1 $0x0  }
0x145: {  	[sflag:s0] =	ssyncadd.s32 @p1 $0xFFFFD800;
	s0 =	rddreg [dreg:$0x12]  }
0x146: {  	[hbm:s0], [sflag:s7] =	dma.local @!p1 [spmem:s8], $0x2700  }
0x147: {  	s0 =	simm.s32 @!p1 $0x7  }
0x148: {  	_ =	swait.ge @!p1 [sflag:s0], $0x2700  }
0x149: {  	s5 =	sadd.s32 $0x1, s5;
	s31 =	rddreg [dreg:$0x19]  }
0x14a: {  	p0 =	sne.s32 s5, s31  }
.Ltmp1:
0x14b: {  	_ = 	snop;
	(pc) =	sbr.rel @p0 .LBB2_1-.Ltmp1, $3  }
0x14c: {  	_ =	sdelay $0x1  }
0x14d: {  	[sflag:s0] =	ssyncset.done @!p1 $0x0  }
0x14e: {  	[sflag:s0] =	ssyncadd.s32 @!p1 $0xFFFFD900  }
0x14f: {  	_ =	sfence.sel $0x180000  }
0x150: {  	[bflag:$0x0] =	sbarrier.arrive $0xFFFF  }
0x151: {  	_ =	strace $0x9000004A  }
0x152: {  	s0 =	stileid.u32;
	[bflag:$0x2] =	sbarrier.arrive $0xFFFF  }
0x153: {  	p0 =	sne.s32 s0, $0x0;
	s0 =	rddreg [dreg:$0x3]  }
0x154: {  	s0 =	sadd.s32 @!p0 $0x100000, s0  }
0x155: {  	[sflag:s0] =	ssyncadd.tile.s32 @!p0 $0x1;
	_ =	shalt  }
.Lfunc_end2:
_tile_overlayer_lowered:
.L_overlay_start_2:
0x156: {  	(tag) =	ssettag $0x2  }
0x157: {  	s0 =	rddreg [dreg:$0x0];
	s2 =	stileid.u32  }
0x158: {  	s1 =	rddreg [dreg:$0x1];
	p0 =	sne.s32 s2, $0x0  }
0x159: {  	s3 =	rddreg [dreg:$0x2];
	[bflag:$0x3] =	sbarrier.arrive $0xFFFF;
	s2 =	simm.s32 @!p0 $0x1C07  }
0x15a: {  	[timem:s3], [sflag:s2] =	dma.local @!p0 [hbm:s0], s1  }
0x15b: {  	s0 =	simm.s32 @!p0 $0x7  }
0x15c: {  	_ =	swait.ge @!p0 [sflag:s0], s1  }
0x15d: {  	s1 =	ssub.s32 @!p0 $0x0, s1;
	[sflag:s0] =	ssyncset.done @!p0 $0x0  }
0x15e: {  	[sflag:s0] =	ssyncadd.s32 @!p0 s1  }
0x15f: {  	[bflag:$0x3] =	sbarrier.arrive $0xFFFF  }
0x160: {  	_ =	shalt  }

// kernel: kernel.14.cloned.1.call-start
scs
__scs_entry_jumppad:
0x0: {  	(pc) =	sbr.rel $0x88, $3  }
0x1: {  	(tag) =	ssettag $0x0;
	lr =	simm.s32 $0x1  }
0x2: {  	[smem:$0x3F87] =	sst lr;
	_ =	strace $0xD0000000  }
0x3: {  	_ = 	snop  }
0x4: {  	_ = 	snop  }
0x5: {  	_ = 	snop  }
0x6: {  	_ = 	snop  }
0x7: {  	_ = 	snop  }
__scs_overlays_trampoline_lowered:
0x8: {  	[smem:$0x3F96] =	sst s0  }
0x9: {  	[smem:$0x3F97] =	sst s1  }
0xa: {  	[smem:$0x3F98] =	sst s2  }
0xb: {  	[smem:$0x3F99] =	sst s3  }
0xc: {  	[smem:$0x3F9A] =	sst s4  }
0xd: {  	[smem:$0x3F9B] =	sst s5  }
0xe: {  	[smem:$0x3F9C] =	sst s6  }
0xf: {  	[smem:$0x3F9D] =	sst s7  }
0x10: {  	[smem:$0x3F9E] =	sst s8  }
0x11: {  	[smem:$0x3F9F] =	sst s9;
	s0 =	simm.s32 @!p0 $0x0  }
0x12: {  	s1 =	sld [smem:$0x3F85];
	s0 =	simm.s32 @p0 $0x1  }
0x13: {  	[smem:$0x3FA0] =	sst s0;
	s0 =	simm.s32 @!p1 $0x0  }
0x14: {  	s2 =	sld [smem:$0x3F84];
	s0 =	simm.s32 @p1 $0x1  }
0x15: {  	[smem:$0x3FA1] =	sst s0;
	s0 =	simm.s32 @!p2 $0x0  }
0x16: {  	s3 =	sld [smem:$0x3FDB];
	s0 =	simm.s32 @p2 $0x1  }
0x17: {  	s4 =	simm.s32 $0x1BF5;
	[smem:$0x3FA3] =	sst s0  }
0x18: {  	s0 =	sld [smem:$0x3F86];
	_ =	swait.ge [sflag:s4], $0x0  }
0x19: {  	s7 =	sld [smem:$0x3F87]  }
0x1a: {  	s8 =	sadd.s32 $0xFFFFE003, lr  }
0x1b: {  	s9 =	sadd.s32 $0xFFFFFEF7, lr;
	s5 =	simm.s32 $0xFFFFFFFF;
	p2 =	slt.u32 s8, $0xFFFFF086  }
0x1c: {  	p1 =	slt.u32 s9, $0xF7A;
	s5 =	simm.s32 @!p2 $0x0  }
0x1d: {  	s5 =	simm.s32 @p1 $0x1;
	p0 =	seq.s32 s7, s2  }
0x1e: {  	s7 =	smul.u32 @!p0 $0xF7A, s2;
	p2 =	seq.s32 @!p0 s5, $0x0  }
0x1f: {  	s9 =	smul.u32 $0xF7A, s1;
	s8 =	simm.s32 @!p0 $0x1BF5;
	p2 =	por !p2, p0  }
0x20: {  	[sflag:s8] =	ssyncset.s32 @!p0 $0xFFFFF086;
	s6 =	sadd.s32 @!p0 s3, s7;
	s7 =	simm.s32 @!p0 $0x108  }
0x21: {  	s3 =	sadd.s32 s3, s9;
	s6 =	sadd.s32 @!p0 $0x88, s6;
	s7 =	simm.s32 @p2 $0x1082  }
0x22: {  	[simem:s7], [sflag:s8] =	dma.local @!p0 [hbm:s6], $0xF7A  }
0x23: {  	s9 =	sor.u32 $0xD0000000, s2;
	s6 =	simm.s32 $0x108;
	_ =	swait.ge @!p0 [sflag:s8], $0x0  }
0x24: {  	s3 =	sadd.s32 $0x88, s3;
	s6 =	simm.s32 @!p1 $0x1082;
	[sflag:s4] =	ssyncset.s32 $0xFFFFF086  }
0x25: {  	[simem:s6], [sflag:s4] =	dma.local [hbm:s3], $0xF7A  }
0x26: {  	[smem:$0x3F87] =	sst s1;
	(tag) =	ssettag s2;
	_ =	strace s9  }
0x27: {  	s1 =	sld [smem:$0x3F97]  }
0x28: {  	s2 =	sld [smem:$0x3F98]  }
0x29: {  	s4 =	sld [smem:$0x3F9A]  }
0x2a: {  	p0 =	seq.s32 s5, $0x0;
	s5 =	sld [smem:$0x3F9B]  }
0x2b: {  	s6 =	sld [smem:$0x3F9C]  }
0x2c: {  	s7 =	sld [smem:$0x3F9D]  }
0x2d: {  	s3 =	simm.s32 $0x108;
	s8 =	sld [smem:$0x3F9E]  }
0x2e: {  	s3 =	simm.s32 @!p0 $0x1082;
	s9 =	sld [smem:$0x3F9F]  }
0x2f: {  	lr =	sadd.s32 s0, s3;
	s0 =	sld [smem:$0x3F96]  }
0x30: {  	s3 =	sld [smem:$0x3F99]  }
0x31: {  	[smem:$0x3FA2] =	sst s10  }
0x32: {  	s10 =	sld [smem:$0x3FA0];
	_ =	sdelay $0x3  }
0x33: {  	p0 =	seq.s32 s10, $0x1;
	s10 =	sld [smem:$0x3FA2];
	_ =	sdelay $0x3  }
0x34: {  	[smem:$0x3FA2] =	sst s10  }
0x35: {  	s10 =	sld [smem:$0x3FA1];
	_ =	sdelay $0x3  }
0x36: {  	p1 =	seq.s32 s10, $0x1;
	s10 =	sld [smem:$0x3FA2];
	_ =	sdelay $0x3  }
0x37: {  	[smem:$0x3FA2] =	sst s10  }
0x38: {  	s10 =	sld [smem:$0x3FA3]  }
0x39: {  	_ = 	snop;
	(pc) =	sbr.ind lr, $3  }
0x3a: {  	_ = 	snop  }
0x3b: {  	_ = 	snop  }
0x3c: {  	p2 =	seq.s32 s10, $0x1;
	s10 =	sld [smem:$0x3FA2]  }
0x3d: {  	_ =	shalt  }
0x3e: {  	_ =	shalt  }
0x3f: {  	_ =	shalt  }
0x40: {  	_ =	shalt  }
0x41: {  	_ =	shalt  }
0x42: {  	_ =	shalt  }
0x43: {  	_ =	shalt  }
0x44: {  	_ =	shalt  }
0x45: {  	_ =	shalt  }
0x46: {  	_ =	shalt  }
0x47: {  	_ =	shalt  }
0x48: {  	_ =	shalt  }
0x49: {  	_ =	shalt  }
0x4a: {  	_ =	shalt  }
0x4b: {  	_ =	shalt  }
0x4c: {  	_ =	shalt  }
0x4d: {  	_ =	shalt  }
0x4e: {  	_ =	shalt  }
0x4f: {  	_ =	shalt  }
0x50: {  	_ =	shalt  }
0x51: {  	_ =	shalt  }
0x52: {  	_ =	shalt  }
0x53: {  	_ =	shalt  }
0x54: {  	_ =	shalt  }
0x55: {  	_ =	shalt  }
0x56: {  	_ =	shalt  }
0x57: {  	_ =	shalt  }
0x58: {  	_ =	shalt  }
0x59: {  	_ =	shalt  }
0x5a: {  	_ =	shalt  }
0x5b: {  	_ =	shalt  }
0x5c: {  	_ =	shalt  }
0x5d: {  	_ =	shalt  }
0x5e: {  	_ =	shalt  }
0x5f: {  	_ =	shalt  }
0x60: {  	_ =	shalt  }
0x61: {  	_ =	shalt  }
0x62: {  	_ =	shalt  }
0x63: {  	_ =	shalt  }
0x64: {  	_ =	shalt  }
0x65: {  	_ =	shalt  }
0x66: {  	_ =	shalt  }
0x67: {  	_ =	shalt  }
0x68: {  	_ =	shalt  }
0x69: {  	_ =	shalt  }
0x6a: {  	_ =	shalt  }
0x6b: {  	_ =	shalt  }
0x6c: {  	_ =	shalt  }
0x6d: {  	_ =	shalt  }
0x6e: {  	_ =	shalt  }
0x6f: {  	_ =	shalt  }
0x70: {  	_ =	shalt  }
0x71: {  	_ =	shalt  }
0x72: {  	_ =	shalt  }
0x73: {  	_ =	shalt  }
0x74: {  	_ =	shalt  }
0x75: {  	_ =	shalt  }
0x76: {  	_ =	shalt  }
0x77: {  	_ =	shalt  }
0x78: {  	_ =	shalt  }
0x79: {  	_ =	shalt  }
0x7a: {  	_ =	shalt  }
0x7b: {  	_ =	shalt  }
0x7c: {  	_ =	shalt  }
0x7d: {  	_ =	shalt  }
0x7e: {  	_ =	shalt  }
0x7f: {  	_ =	shalt  }
0x80: {  	_ =	shalt  }
0x81: {  	_ =	shalt  }
0x82: {  	_ =	shalt  }
0x83: {  	_ =	shalt  }
0x84: {  	_ =	shalt  }
0x85: {  	_ =	shalt  }
0x86: {  	_ =	shalt  }
0x87: {  	_ =	shalt  }
.Lfunc_end0:
.L_simem_size_0:
called_computation.2_lowered:
.L_overlay_start_0:
0x88: {  	s2 =	sld [smem:$0x3FD9]  }
0x89: {  	s3 =	sld [smem:$0x3FFE];
	_ =	sdelay $0x1  }
0x8a: {  	s1 =	srdreg.scid  }
0x8b: {  	s0 =	sand.u32 $0x1, s1  }
0x8c: {  	s17 =	sshll.u32 s0, $0xA;
	s2 =	sadd.s32 s3, s2  }
0x8d: {  	s2 =	sadd.s32 s2, s17  }
0x8e: {  	[smem:$0x3FAE] =	sst s2  }
0x8f: {  	_ = 	snop  }
0x90: {  	s2 =	sld [smem:$0x3FD0];
	(tm) =	ssettm $0x1  }
0x91: {  	s18 =	sld [smem:$0x3FFB];
	_ =	sdelay $0x3  }
0x92: {  	_ =	strace s18  }
0x93: {  	s3 =	sld [smem:$0x3FFC];
	_ =	sdelay $0x3  }
0x94: {  	_ =	strace s3  }
0x95: {  	s3 =	sld [smem:$0x3FFD];
	_ =	sdelay $0x3  }
0x96: {  	_ =	strace s3  }
0x97: {  	_ =	strace $0x8FFFFFFF  }
0x98: {  	s19 =	sld [smem:$0x3FDB];
	_ =	sdelay $0x1  }
0x99: {  	s4 =	simm.s32 $_scs_section_size  }
0x9a: {  	s5 =	simm.s32 $_size__tile_overlayer_lowered;
	s6 =	simm.s32 $_tile_overlayer_lowered  }
0x9b: {  	s22 =	simm.s32 $0x1BFF;
	s21 =	sshll.u32 s6, $0x1;
	s3 =	sadd.s32 s4, s19  }
0x9c: {  	s7 =	simm.s32 $0x0;
	s20 =	sshll.u32 s5, $0x1;
	s5 =	sadd.s32 s21, s3  }
0x9d: {  	[timem:s7], [sflag:s22] =	dma.local [hbm:s5], s20  }
0x9e: {  	_ =	swait.ge [sflag:s22], s20  }
0x9f: {  	s4 =	ssub.s32 $0x0, s20;
	[sflag:s22] =	ssyncset.done $0x0  }
0xa0: {  	[sflag:s22] =	ssyncadd.s32 s4;
	_ =	sdelay $0x1  }
0xa1: {  	s23 =	simm.s32 $0x1B8B  }
0xa2: {  	_ =	swait.ge [sflag:s23], $0x1  }
0xa3: {  	[sflag:s23] =	ssyncset.done $0x0  }
0xa4: {  	s25 =	simm.s32 $0x1B8E;
	s24 =	sld [smem:$0x3FFE];
	[sflag:s23] =	ssyncadd.s32 $0xFFFFFFFF  }
0xa5: {  	s26 =	simm.s32 $execute0_lowered;
	[smem:$0x3FD2] =	sst s25  }
0xa6: {  	s5 =	sshll.u32 s26, $0x1;
	_ =	strace $0x8000004C;
	[dreg:$0x1] =	wrdreg $0xFFFFFFFF  }
0xa7: {  	s28 =	simm.s32 $_size_execute0_lowered;
	s3 =	sadd.s32 s3, s5;
	[dreg:$0x0] =	wrdreg $0x0  }
0xa8: {  	s5 =	sshll.u32 s28, $0x1;
	[dreg:$0x2] =	wrdreg s3  }
0xa9: {  	[dreg:$0x3] =	wrdreg s5  }
0xaa: {  	[dreg:$0x4] =	wrdreg $0xC0  }
0xab: {  	_ =	task [dreg:s7], $0x5FFFF  }
0xac: {  	[dreg:$0x1] =	wrdreg $0xFFFFFFFF  }
0xad: {  	[dreg:$0x0] =	wrdreg $0x60  }
0xae: {  	[dreg:$0x2] =	wrdreg s24  }
0xaf: {  	[dreg:$0x3] =	wrdreg s2  }
0xb0: {  	[dreg:$0x4] =	wrdreg $0xC6000  }
0xb1: {  	[dreg:$0x5] =	wrdreg $0x9  }
0xb2: {  	_ =	task.clear_ibuf [dreg:s7], $0x6FFFF;
	_ =	strace $0x9000004C  }
0xb3: {  	s29 =	simm.s32 $0x9;
	_ =	strace $0x8000004E  }
0xb4: {  	_ =	swait.ge [sflag:s29], $0x1  }
0xb5: {  	[sflag:s29] =	ssyncadd.s32 $0xFFFFFFFF  }
0xb6: {  	_ =	strace $0x9000004E  }
0xb7: {  	_ =	sfence  }
0xb8: {  	s30 =	sld [smem:$0x0];
	_ =	sdelay $0x2  }
0xb9: {  	s31 =	sshll.u32 s1, $0xD;
	s1 =	sshrl.u32 s1, $0x2  }
0xba: {  	s3 =	sand.u32 $0x4000, s31;
	s1 =	sadd.s32 s1, s30  }
0xbb: {  	s0 =	sor.u32 s3, s0;
	s1 =	sshll.u32 s1, $0x11  }
0xbc: {  	s0 =	sor.u32 s1, s0  }
0xbd: {  	s0 =	sadd.s32 $0x8F2B, s0  }
0xbe: {  	[sflag:s0] =	ssyncadd.remote.s32 $0x1  }
0xbf: {  	_ =	sfence.sel $0xFFFF  }
0xc0: {  	[dreg:$0x0] =	wrdreg $0xFFFFFFFF;
	(pc) =	sbr.abs _section_cstart, $3  }
0xc1: {  	[dreg:$0x1] =	wrdreg $0xFFFFFFFF  }
0xc2: {  	_ =	task.clear_ibuf [dreg:s7], $0x2FFFF;
	_ =	strace $0x9FFFFFFF  }
0xc3: {  	(tm) =	ssettm $0x7FFFFFFF  }
tec
execute0_lowered:
.L_overlay_start_1:
0x0: {  	(tag) =	ssettag $0x1  }
0x1: {  	s0 =	rddreg [dreg:$0x0]  }
0x2: {  	s3 =	rddreg [dreg:$0x1]  }
0x3: {  	s1 =	rddreg [dreg:$0x2];
	s2 =	simm.s32 $0x0;
	s4 =	srdreg.scid  }
0x4: {  	s17 =	stileid.u32;
	[smem:$0x7FF] =	sst s2;
	s6 =	sand.u32 $0x1, s4  }
0x5: {  	s5 =	sadd.s32 $0xE800, s0;
	s8 =	sadd.s32 $0x4A00, s0;
	s4 =	sshll.u32 s6, $0x4  }
0x6: {  	s10 =	sadd.s32 $0x3F800, s0;
	s14 =	smul.u32 $0x2700, s17;
	s4 =	sor.u32 s17, s4  }
0x7: {  	_ =	strace $0x8000004D;
	s7 =	ssub.s32 $0x2, s6;
	s13 =	ssub.s32 $0x964, s4  }
0x8: {  	s9 =	sshrl.u32 s7, $0x1;
	s29 =	ssub.s32 $0x944, s4;
	[dreg:$0x4] =	wrdreg s13  }
0x9: {  	s7 =	ssub.s32 s7, s9;
	s30 =	ssub.s32 $0x984, s4;
	[dreg:$0x5] =	wrdreg s29  }
0xa: {  	s9 =	sshll.u32 s4, $0x4;
	s31 =	ssub.s32 $0x924, s4;
	[dreg:$0x6] =	wrdreg s30  }
0xb: {  	p1 =	seq.s32 s17, $0xF;
	s11 =	sadd.s32 s5, s9;
	[dreg:$0x7] =	wrdreg s31  }
0xc: {  	s15 =	smul.u32 $0x27100, s6;
	s21 =	sadd.s32 s8, s9;
	[dreg:$0x8] =	wrdreg s11  }
0xd: {  	s16 =	smul.u32 $0x138800, s6;
	s30 =	smax.u32 s7, $0x1;
	[dreg:$0x9] =	wrdreg s21  }
0xe: {  	s22 =	sor.u32 $0x200, s9;
	s31 =	sadd.s32 $0x124800, s1;
	[dreg:$0x19] =	wrdreg s30  }
0xf: {  	s6 =	sshll.u32 s6, $0x8;
	s12 =	sadd.s32 s5, s22;
	[dreg:$0x1a] =	wrdreg s31  }
0x10: {  	s23 =	sor.u32 $0x400, s9;
	s11 =	sadd.s32 s8, s22;
	[dreg:$0xa] =	wrdreg s12  }
0x11: {  	s25 =	sor.u32 $0x600, s9;
	s24 =	sadd.s32 s5, s23;
	[dreg:$0xb] =	wrdreg s11  }
0x12: {  	s28 =	sor.u32 $0x800, s9;
	s26 =	sadd.s32 s5, s25;
	[dreg:$0xc] =	wrdreg s24  }
0x13: {  	s19 =	sadd.s32 s14, s15;
	s13 =	sadd.s32 s5, s28;
	[dreg:$0xe] =	wrdreg s26  }
0x14: {  	s9 =	sor.u32 $0xA00, s9;
	s18 =	sadd.s32 s8, s28;
	[dreg:$0x10] =	wrdreg s13  }
0x15: {  	s20 =	sshrl.u32 s16, $0x3;
	s21 =	sadd.s32 s5, s9;
	[dreg:$0x11] =	wrdreg s18  }
0x16: {  	s22 =	smul.u32 $0x4E000, s17;
	s9 =	sadd.s32 s8, s9;
	[dreg:$0x13] =	wrdreg s21  }
0x17: {  	s5 =	sadd.s32 s6, s5;
	s28 =	sadd.s32 $0x24900, s3;
	[dreg:$0x14] =	wrdreg s9  }
0x18: {  	s11 =	sadd.s32 s8, s23;
	s23 =	sshll.u32 s17, $0x4;
	[dreg:$0x17] =	wrdreg s28  }
0x19: {  	s26 =	sadd.s32 s3, s14;
	[dreg:$0xd] =	wrdreg s11;
	s11 =	sadd.s32 s8, s25  }
0x1a: {  	s8 =	sadd.s32 s6, s8;
	s24 =	sshrl.u32 s22, $0x2;
	[dreg:$0x16] =	wrdreg s26  }
0x1b: {  	[dreg:$0xf] =	wrdreg s11;
	s11 =	sadd.s32 s10, s19;
	s10 =	sadd.s32 s10, s20  }
0x1c: {  	s20 =	sadd.s32 $0x18600, s0;
	s25 =	sadd.s32 s24, s1;
	[dreg:$0x12] =	wrdreg s11  }
0x1d: {  	s0 =	simm.s32 @!p1 $0x0;
	[dreg:$0x15] =	wrdreg s25;
	s29 =	sadd.s32 $0x24900, s10  }
0x1e: {  	s18 =	sadd.s32 s23, s8;
	s0 =	simm.s32 @p1 $0x1;
	[dreg:$0x18] =	wrdreg s29  }
0x1f: {  	s19 =	sadd.s32 s23, s5;
	s5 =	simm.s32 $0x0;
	[smem:$0x7FD] =	sst s0  }
.LBB2_1:
0x20: {  	s0 =	rddreg [dreg:$0x8]  }
0x21: {  	s22 =	rddreg [dreg:$0x9]  }
0x22: {  	s23 =	rddreg [dreg:$0xa]  }
0x23: {  	s24 =	rddreg [dreg:$0xb]  }
0x24: {  	[tilespmem:s2], [sflag:$0x4] =	stream.linear.gather [hbm4b:s0+s2], $0x80, $0x38;
	[tilespmem:$0x1FE80] =	vst v63  }
0x25: {  	s6 =	simm.s32 $0x80;
	s25 =	rddreg [dreg:$0xc]  }
0x26: {  	[tilespmem:s6], [sflag:$0x4] =	stream.linear.gather [hbm4b:s22+s2], $0x80, $0x38;
	[tilespmem:$0x1FE80] =	vst v63  }
0x27: {  	s9 =	simm.s32 $0x4200;
	s26 =	rddreg [dreg:$0xd]  }
0x28: {  	[tilespmem:s9], [sflag:$0x5] =	stream.linear.gather [hbm4b:s23+s2], $0x80, $0x38;
	[tilespmem:$0x1FE80] =	vst v63  }
0x29: {  	s3 =	simm.s32 $0x4280;
	s8 =	rddreg [dreg:$0xf]  }
0x2a: {  	[tilespmem:s3], [sflag:$0x5] =	stream.linear.gather [hbm4b:s24+s2], $0x80, $0x38;
	[tilespmem:$0x1FE80] =	vst v63  }
0x2b: {  	s10 =	simm.s32 $0x8400;
	s12 =	rddreg [dreg:$0x10]  }
0x2c: {  	[tilespmem:s10], [sflag:$0x6] =	stream.linear.gather [hbm4b:s25+s2], $0x80, $0x38;
	[tilespmem:$0x1FE80] =	vst v63  }
0x2d: {  	s28 =	simm.s32 $0x8480;
	s14 =	rddreg [dreg:$0x11]  }
0x2e: {  	[tilespmem:s28], [sflag:$0x6] =	stream.linear.gather [hbm4b:s26+s2], $0x80, $0x38;
	[tilespmem:$0x1FE80] =	vst v63  }
0x2f: {  	s7 =	simm.s32 $0x100;
	s3 =	rddreg [dreg:$0xe]  }
0x30: {  	[tilespmem:s7], [sflag:$0x4] =	stream.linear.gather [hbm4b:s3+s2], $0x80, $0x38;
	[tilespmem:$0x1FE80] =	vst v63  }
0x31: {  	s11 =	simm.s32 $0x180;
	s16 =	rddreg [dreg:$0x13]  }
0x32: {  	[tilespmem:s11], [sflag:$0x4] =	stream.linear.gather [hbm4b:s8+s2], $0x80, $0x38;
	[tilespmem:$0x1FE80] =	vst v63  }
0x33: {  	s13 =	simm.s32 $0x4300;
	s21 =	rddreg [dreg:$0x14]  }
0x34: {  	[tilespmem:s13], [sflag:$0x5] =	stream.linear.gather [hbm4b:s12+s2], $0x80, $0x38;
	[tilespmem:$0x1FE80] =	vst v63  }
0x35: {  	s15 =	simm.s32 $0x4380;
	s0 =	rddreg [dreg:$0x1a]  }
0x36: {  	[tilespmem:s15], [sflag:$0x5] =	stream.linear.gather [hbm4b:s14+s2], $0x80, $0x38;
	[tilespmem:$0x1FE80] =	vst v63  }
0x37: {  	s17 =	simm.s32 $0x8500;
	s7 =	sshrl.u32 @p1 s0, $0x3;
	s3 =	rddreg [dreg:$0x17]  }
0x38: {  	[tilespmem:s17], [sflag:$0x6] =	stream.linear.gather [hbm4b:s16+s2], $0x80, $0x38;
	[tilespmem:$0x1FE80] =	vst v63  }
0x39: {  	s22 =	simm.s32 $0x8580;
	s0 =	simm.s32 @p1 $0x1FC7;
	[dreg:$0x1b] =	wrdreg s7  }
0x3a: {  	[tilespmem:s22], [sflag:$0x6] =	stream.linear.gather [hbm4b:s21+s2], $0x80, $0x38;
	[tilespmem:$0x1FE80] =	vst v63  }
0x3b: {  	[spmem:s7], [sflag:s0] =	dma.local @p1 [hbm:s3], $0x2800  }
0x3c: {  	s0 =	simm.s32 @p1 $0x7  }
0x3d: {  	_ =	swait.ge @p1 [sflag:s0], $0x2800  }
0x3e: {  	s3 =	stileid.u32;
	[sflag:s0] =	ssyncset.done @p1 $0x0  }
0x3f: {  	s3 =	sshll.u32 @!p1 s3, $0x6;
	[sflag:s0] =	ssyncadd.s32 @p1 $0xFFFFD800;
	s0 =	rddreg [dreg:$0x15]  }
0x40: {  	s7 =	sor.u32 @!p1 $0x1C07, s3;
	s8 =	sshrl.u32 @!p1 s0, $0x3;
	s0 =	rddreg [dreg:$0x16]  }
0x41: {  	[spmem:s8], [sflag:s7] =	dma.local @!p1 [hbm:s0], $0x2700  }
0x42: {  	s0 =	simm.s32 @!p1 $0x7  }
0x43: {  	_ =	swait.ge @!p1 [sflag:s0], $0x2700  }
0x44: {  	[sflag:s0] =	ssyncset.done @!p1 $0x0  }
0x45: {  	s23 =	simm.s32 $0x4;
	[sflag:s0] =	ssyncadd.s32 @!p1 $0xFFFFD900  }
0x46: {  	_ =	swait.ge [sflag:s23], $0x80  }
0x47: {  	[sflag:s23] =	ssyncset.done $0x0  }
0x48: {  	[sflag:s23] =	ssyncadd.s32 $0xFFFFFF80  }
0x49: {  	_ =	swait.ge [sflag:s23], $0x80  }
0x4a: {  	[sflag:s23] =	ssyncset.done $0x0  }
0x4b: {  	s24 =	simm.s32 $0x200;
	s25 =	simm.s32 $0x5;
	[sflag:s23] =	ssyncadd.s32 $0xFFFFFF80  }
0x4c: {  	[tilespmem:s24], [sflag:$0x1] =	stream.indirect.gather [hbm4b:s20+s6], $0x80, s2, s6, $0xb8;
	[tilespmem:$0x1FE80] =	vst v63  }
0x4d: {  	_ =	swait.ge [sflag:s25], $0x80  }
0x4e: {  	[sflag:s25] =	ssyncset.done $0x0  }
0x4f: {  	[sflag:s25] =	ssyncadd.s32 $0xFFFFFF80  }
0x50: {  	_ =	swait.ge [sflag:s25], $0x80  }
0x51: {  	[sflag:s25] =	ssyncset.done $0x0  }
0x52: {  	s26 =	simm.s32 $0x4400;
	s28 =	simm.s32 $0x6;
	[sflag:s25] =	ssyncadd.s32 $0xFFFFFF80  }
0x53: {  	[tilespmem:s26], [sflag:$0x2] =	stream.indirect.gather [hbm4b:s20+s6], $0x80, s9, s6, $0xb8;
	[tilespmem:$0x1FE80] =	vst v63  }
0x54: {  	_ =	swait.ge [sflag:s28], $0x80  }
0x55: {  	[sflag:s28] =	ssyncset.done $0x0  }
0x56: {  	[sflag:s28] =	ssyncadd.s32 $0xFFFFFF80  }
0x57: {  	_ =	swait.ge [sflag:s28], $0x80  }
0x58: {  	[sflag:s28] =	ssyncset.done $0x0  }
0x59: {  	s3 =	simm.s32 $0x8600;
	[sflag:s28] =	ssyncadd.s32 $0xFFFFFF80  }
0x5a: {  	[tilespmem:s3], [sflag:$0x3] =	stream.indirect.gather [hbm4b:s20+s6], $0x80, s10, s6, $0xb8;
	[tilespmem:$0x1FE80] =	vst v63  }
0x5b: {  	s6 =	sadd.s32 $0x0, s4  }
0x5c: {  	p1 =	sgt.u32 s6, $0x9C3  }
0x5d: {  	[bflag:$0x0] =	sbarrier.arrive $0xFFFF;
	s0 =	simm.s32 @!p1 $0x1  }
0x5e: {  	s17 =	sadd.s32 $0xC0, s6;
	s10 =	simm.s32 @!p1 $0x80;
	_ =	swait.ge @!p1 [sflag:s0], $0x4000  }
0x5f: {  	s11 =	simm.s32 @!p1 $0x200;
	p0 =	sgt.u32 s17, $0x9C3;
	[sflag:s0] =	ssyncset.done @!p1 $0x0  }
0x60: {  	s3 =	sadd.s32 @!p0 $0x0, s19;
	[sflag:s0] =	ssyncadd.s32 @!p1 $0xFFFFC000;
	s0 =	simm.s32 @!p1 $0x7  }
0x61: {  	[spmem:s1] =	stream.indirect.scatter.add.f32 @!p1 [tilespmem:s11], [sflag:$0x7], $0x80, s10, s10, $0xb8;
	[tilespmem:$0x1FE80] =	vst v63  }
0x62: {  	s3 =	sadd.s32 @!p0 $0xC00, s3;
	_ =	swait.ge @!p1 [sflag:s0], $0x4000  }
0x63: {  	s10 =	simm.s32 @!p0 $0x0;
	[sflag:s0] =	ssyncset.done @!p1 $0x0;
	s21 =	rddreg [dreg:$0x4]  }
0x64: {  	[sflag:s0] =	ssyncadd.s32 @!p1 $0xFFFFC000;
	s0 =	sadd.s32 @!p0 $0x0, s18;
	p3 =	sle.u32 s21, $0x0  }
0x65: {  	[tilespmem:s10], [sflag:$0x4] =	stream.linear.gather @!p0 [hbm4b:s3+s10], $0x80, $0x38;
	[tilespmem:$0x1FE80] =	vst v63  }
0x66: {  	s11 =	simm.s32 @!p0 $0x80;
	s0 =	sadd.s32 @!p0 $0xC00, s0;
	s3 =	simm.s32 @!p3 $0x4  }
0x67: {  	[tilespmem:s11], [sflag:$0x4] =	stream.linear.gather @!p0 [hbm4b:s0+s10], $0x80, $0x38;
	[tilespmem:$0x1FE80] =	vst v63  }
0x68: {  	_ =	swait.ge @!p3 [sflag:s3], $0x80  }
0x69: {  	[sflag:s3] =	ssyncset.done @!p3 $0x0  }
0x6a: {  	[sflag:s3] =	ssyncadd.s32 @!p3 $0xFFFFFF80  }
0x6b: {  	p2 =	sgt.u32 s6, $0x9A3;
	_ =	swait.ge @!p3 [sflag:s3], $0x80  }
0x6c: {  	s12 =	simm.s32 @!p3 $0x80;
	s13 =	simm.s32 @!p3 $0x200;
	[sflag:s3] =	ssyncset.done @!p3 $0x0  }
0x6d: {  	s0 =	simm.s32 @!p2 $0x2;
	[sflag:s3] =	ssyncadd.s32 @!p3 $0xFFFFFF80;
	s3 =	simm.s32 @!p3 $0x100  }
0x6e: {  	[tilespmem:s13], [sflag:$0x1] =	stream.indirect.gather @!p3 [hbm4b:s20+s12], $0x80, s3, s12, $0xb8;
	[tilespmem:$0x1FE80] =	vst v63  }
0x6f: {  	s22 =	sadd.s32 $0xE0, s6;
	s14 =	simm.s32 @!p2 $0x80;
	_ =	swait.ge @!p2 [sflag:s0], $0x4000  }
0x70: {  	s15 =	simm.s32 @!p2 $0x4280;
	s16 =	simm.s32 @!p2 $0x7;
	[sflag:s0] =	ssyncset.done @!p2 $0x0  }
0x71: {  	p1 =	sgt.u32 s22, $0x9C3;
	s3 =	simm.s32 @!p2 $0x4400;
	[sflag:s0] =	ssyncadd.s32 @!p2 $0xFFFFC000  }
0x72: {  	[spmem:s1] =	stream.indirect.scatter.add.f32 @!p2 [tilespmem:s3], [sflag:$0x7], $0x80, s15, s14, $0xb8;
	[tilespmem:$0x1FE80] =	vst v63  }
0x73: {  	s0 =	sadd.s32 @!p1 $0x0, s19;
	s3 =	sadd.s32 @!p1 $0x0, s18;
	_ =	swait.ge @!p2 [sflag:s16], $0x4000  }
0x74: {  	s0 =	sadd.s32 @!p1 $0xE00, s0;
	s14 =	simm.s32 @!p1 $0x4200;
	[sflag:s16] =	ssyncset.done @!p2 $0x0  }
0x75: {  	s23 =	rddreg [dreg:$0x5];
	[sflag:s16] =	ssyncadd.s32 @!p2 $0xFFFFC000;
	s16 =	simm.s32 @!p1 $0x0  }
0x76: {  	[tilespmem:s14], [sflag:$0x5] =	stream.linear.gather @!p1 [hbm4b:s0+s16], $0x80, $0x38;
	[tilespmem:$0x1FE80] =	vst v63  }
0x77: {  	p5 =	sle.u32 s23, $0x0;
	s0 =	sadd.s32 @!p1 $0xE00, s3;
	s3 =	simm.s32 @!p1 $0x4280  }
0x78: {  	[tilespmem:s3], [sflag:$0x5] =	stream.linear.gather @!p1 [hbm4b:s0+s16], $0x80, $0x38;
	[tilespmem:$0x1FE80] =	vst v63  }
0x79: {  	s0 =	simm.s32 @!p5 $0x5  }
0x7a: {  	_ =	swait.ge @!p5 [sflag:s0], $0x80  }
0x7b: {  	[sflag:s0] =	ssyncset.done @!p5 $0x0  }
0x7c: {  	[sflag:s0] =	ssyncadd.s32 @!p5 $0xFFFFFF80  }
0x7d: {  	s29 =	simm.s32 @!p5 $0x4400;
	_ =	swait.ge @!p5 [sflag:s0], $0x80  }
0x7e: {  	s21 =	simm.s32 @!p5 $0x80;
	[sflag:s0] =	ssyncset.done @!p5 $0x0;
	s24 =	rddreg [dreg:$0x6]  }
0x7f: {  	[sflag:s0] =	ssyncadd.s32 @!p5 $0xFFFFFF80;
	s0 =	simm.s32 @!p5 $0x4300;
	p4 =	sle.u32 s24, $0x0  }
0x80: {  	[tilespmem:s29], [sflag:$0x2] =	stream.indirect.gather @!p5 [hbm4b:s20+s21], $0x80, s0, s21, $0xb8;
	[tilespmem:$0x1FE80] =	vst v63  }
0x81: {  	s25 =	sadd.s32 $0x100, s6;
	s0 =	simm.s32 @!p4 $0x3  }
0x82: {  	p2 =	sgt.u32 s25, $0x9C3;
	_ =	swait.ge @!p4 [sflag:s0], $0x4000  }
0x83: {  	s15 =	simm.s32 @!p4 $0x7;
	s3 =	simm.s32 @!p4 $0x8480;
	[sflag:s0] =	ssyncset.done @!p4 $0x0  }
0x84: {  	s16 =	simm.s32 @!p4 $0x8600;
	[sflag:s0] =	ssyncadd.s32 @!p4 $0xFFFFC000;
	s0 =	simm.s32 @!p4 $0x80  }
0x85: {  	[spmem:s1] =	stream.indirect.scatter.add.f32 @!p4 [tilespmem:s16], [sflag:$0x7], $0x80, s3, s0, $0xb8;
	[tilespmem:$0x1FE80] =	vst v63  }
0x86: {  	s0 =	sadd.s32 @!p2 $0x0, s19;
	s16 =	simm.s32 @!p2 $0x8400;
	_ =	swait.ge @!p4 [sflag:s15], $0x4000  }
0x87: {  	s3 =	sadd.s32 @!p2 $0x0, s18;
	s0 =	sadd.s32 @!p2 $0x1000, s0;
	[sflag:s15] =	ssyncset.done @!p4 $0x0  }
0x88: {  	s17 =	rddreg [dreg:$0x7];
	[sflag:s15] =	ssyncadd.s32 @!p4 $0xFFFFC000;
	s15 =	simm.s32 @!p2 $0x0  }
0x89: {  	[tilespmem:s16], [sflag:$0x6] =	stream.linear.gather @!p2 [hbm4b:s0+s15], $0x80, $0x38;
	[tilespmem:$0x1FE80] =	vst v63  }
0x8a: {  	p6 =	sle.u32 s17, $0x0;
	s0 =	sadd.s32 @!p2 $0x1000, s3;
	s3 =	simm.s32 @!p2 $0x8480  }
0x8b: {  	[tilespmem:s3], [sflag:$0x6] =	stream.linear.gather @!p2 [hbm4b:s0+s15], $0x80, $0x38;
	[tilespmem:$0x1FE80] =	vst v63  }
0x8c: {  	s0 =	simm.s32 @!p6 $0x6  }
0x8d: {  	_ =	swait.ge @!p6 [sflag:s0], $0x80  }
0x8e: {  	[sflag:s0] =	ssyncset.done @!p6 $0x0  }
0x8f: {  	[sflag:s0] =	ssyncadd.s32 @!p6 $0xFFFFFF80  }
0x90: {  	_ =	swait.ge @!p6 [sflag:s0], $0x80  }
0x91: {  	s31 =	simm.s32 @!p6 $0x8600;
	s22 =	simm.s32 @!p6 $0x80;
	[sflag:s0] =	ssyncset.done @!p6 $0x0  }
0x92: {  	s3 =	simm.s32 @!p3 $0x1;
	s15 =	simm.s32 @!p6 $0x8500;
	[sflag:s0] =	ssyncadd.s32 @!p6 $0xFFFFFF80  }
0x93: {  	[tilespmem:s31], [sflag:$0x3] =	stream.indirect.gather @!p6 [hbm4b:s20+s22], $0x80, s15, s22, $0xb8;
	[tilespmem:$0x1FE80] =	vst v63  }
0x94: {  	s26 =	sadd.s32 $0x120, s6;
	_ =	swait.ge @!p3 [sflag:s3], $0x4000  }
0x95: {  	p4 =	sgt.u32 s26, $0x9C3;
	[sflag:s3] =	ssyncset.done @!p3 $0x0  }
0x96: {  	s0 =	simm.s32 @!p3 $0x180;
	s15 =	simm.s32 @!p3 $0x7;
	[sflag:s3] =	ssyncadd.s32 @!p3 $0xFFFFC000  }
0x97: {  	[spmem:s1] =	stream.indirect.scatter.add.f32 @!p3 [tilespmem:s13], [sflag:$0x7], $0x80, s0, s12, $0xb8;
	[tilespmem:$0x1FE80] =	vst v63  }
0x98: {  	s3 =	simm.s32 @!p4 $0x100;
	_ =	swait.ge @!p3 [sflag:s15], $0x4000  }
0x99: {  	s0 =	sadd.s32 @!p4 $0x0, s19;
	s12 =	sadd.s32 @!p4 $0x0, s18;
	[sflag:s15] =	ssyncset.done @!p3 $0x0  }
0x9a: {  	s13 =	simm.s32 @!p4 $0x0;
	s0 =	sadd.s32 @!p4 $0x1200, s0;
	[sflag:s15] =	ssyncadd.s32 @!p3 $0xFFFFC000  }
0x9b: {  	[tilespmem:s3], [sflag:$0x4] =	stream.linear.gather @!p4 [hbm4b:s0+s13], $0x80, $0x38;
	[tilespmem:$0x1FE80] =	vst v63  }
0x9c: {  	s0 =	sadd.s32 @!p4 $0x1200, s12;
	s3 =	simm.s32 @!p4 $0x180  }
0x9d: {  	[tilespmem:s3], [sflag:$0x4] =	stream.linear.gather @!p4 [hbm4b:s0+s13], $0x80, $0x38;
	[tilespmem:$0x1FE80] =	vst v63  }
0x9e: {  	s0 =	simm.s32 @!p0 $0x4  }
0x9f: {  	_ =	swait.ge @!p0 [sflag:s0], $0x80  }
0xa0: {  	[sflag:s0] =	ssyncset.done @!p0 $0x0  }
0xa1: {  	[sflag:s0] =	ssyncadd.s32 @!p0 $0xFFFFFF80  }
0xa2: {  	s28 =	sadd.s32 $0x140, s6;
	s9 =	sadd.s32 $0x160, s6;
	_ =	swait.ge @!p0 [sflag:s0], $0x80  }
0xa3: {  	s23 =	simm.s32 @!p5 $0x4380;
	s17 =	simm.s32 @!p5 $0x2;
	[sflag:s0] =	ssyncset.done @!p0 $0x0  }
0xa4: {  	s15 =	simm.s32 $0xC0;
	s12 =	simm.s32 @!p0 $0x200;
	[sflag:s0] =	ssyncadd.s32 @!p0 $0xFFFFFF80  }
0xa5: {  	[tilespmem:s12], [sflag:$0x1] =	stream.indirect.gather @!p0 [hbm4b:s20+s11], $0x80, s10, s11, $0xb8;
	[tilespmem:$0x1FE80] =	vst v63  }
0xa6: {  	p0 =	sgt.u32 s28, $0x9C3;
	s11 =	simm.s32 $0xC00;
	s10 =	simm.s32 $0x0  }
0xa7: {  	s0 =	sadd.s32 @!p0 $0x0, s19;
	s3 =	sadd.s32 @!p0 $0x0, s18;
	p3 =	por p0, p0  }
0xa8: {  	_ =	swait.ge @!p5 [sflag:s17], $0x4000;
	s13 =	sadd.s32 @!p0 $0x1400, s0;
	s12 =	sadd.s32 @!p0 $0x1400, s3  }
0xa9: {  	s30 =	simm.s32 @!p3 $0x4300;
	s3 =	simm.s32 @!p5 $0x7;
	s0 =	simm.s32 @!p3 $0x0  }
.LBB2_2:
0xaa: {  	[sflag:s17] =	ssyncset.done @!p5 $0x0  }
0xab: {  	[sflag:s17] =	ssyncadd.s32 @!p5 $0xFFFFC000  }
0xac: {  	[spmem:s1] =	stream.indirect.scatter.add.f32 @!p5 [tilespmem:s29], [sflag:$0x7], $0x80, s23, s21, $0xb8;
	[tilespmem:$0x1FE80] =	vst v63  }
0xad: {  	_ =	swait.ge @!p5 [sflag:s3], $0x4000  }
0xae: {  	[sflag:s3] =	ssyncset.done @!p5 $0x0  }
0xaf: {  	s28 =	sadd.s32 s15, s4;
	[sflag:s3] =	ssyncadd.s32 @!p5 $0xFFFFC000  }
0xb0: {  	[tilespmem:s30], [sflag:$0x5] =	stream.linear.gather @!p3 [hbm4b:s13+s0], $0x80, $0x38;
	[tilespmem:$0x1FE80] =	vst v63  }
0xb1: {  	s25 =	smov.u32 s11;
	s11 =	sadd.s32 $0xC00, s11;
	s29 =	simm.s32 @!p3 $0x4380  }
0xb2: {  	[tilespmem:s29], [sflag:$0x5] =	stream.linear.gather @!p3 [hbm4b:s12+s0], $0x80, $0x38;
	[tilespmem:$0x1FE80] =	vst v63  }
0xb3: {  	s6 =	sadd.s32 $0x140, s28;
	p3 =	sne.s32 s11, $0xA800  }
0xb4: {  	p0 =	sgt.u32 s6, $0x9C3;
	s3 =	simm.s32 @!p1 $0x5;
	s6 =	simm.s32 @!p3 $0x0  }
0xb5: {  	_ =	swait.ge @!p1 [sflag:s3], $0x80;
	s6 =	simm.s32 @p3 $0x1;
	p3 =	por p0, p0  }
0xb6: {  	[smem:$0x7FC] =	sst s6;
	s6 =	simm.s32 @!p3 $0x0  }
0xb7: {  	[sflag:s3] =	ssyncset.done @!p1 $0x0;
	s6 =	simm.s32 @p3 $0x1  }
0xb8: {  	[sflag:s3] =	ssyncadd.s32 @!p1 $0xFFFFFF80;
	[smem:$0x7FB] =	sst s6  }
0xb9: {  	s21 =	sadd.s32 @!p0 s25, s18;
	_ =	swait.ge @!p1 [sflag:s3], $0x80  }
0xba: {  	s0 =	simm.s32 @!p1 $0x80;
	s12 =	sadd.s32 @!p0 $0x1400, s21;
	[sflag:s3] =	ssyncset.done @!p1 $0x0  }
0xbb: {  	s21 =	simm.s32 @!p1 $0x4400;
	s29 =	simm.s32 @!p6 $0x3;
	[sflag:s3] =	ssyncadd.s32 @!p1 $0xFFFFFF80  }
0xbc: {  	[tilespmem:s21], [sflag:$0x2] =	stream.indirect.gather @!p1 [hbm4b:s20+s0], $0x80, s14, s0, $0xb8;
	[tilespmem:$0x1FE80] =	vst v63  }
0xbd: {  	s13 =	sadd.s32 @!p0 s25, s19;
	_ =	swait.ge @!p6 [sflag:s29], $0x4000  }
0xbe: {  	s13 =	sadd.s32 @!p0 $0x1400, s13;
	p0 =	sgt.u32 s9, $0x9C3;
	[sflag:s29] =	ssyncset.done @!p6 $0x0  }
0xbf: {  	s3 =	simm.s32 @!p6 $0x8580;
	s0 =	simm.s32 @!p6 $0x7;
	[sflag:s29] =	ssyncadd.s32 @!p6 $0xFFFFC000  }
0xc0: {  	[spmem:s1] =	stream.indirect.scatter.add.f32 @!p6 [tilespmem:s31], [sflag:$0x7], $0x80, s3, s22, $0xb8;
	[tilespmem:$0x1FE80] =	vst v63  }
0xc1: {  	s14 =	sadd.s32 @!p0 s10, s19;
	_ =	swait.ge @!p6 [sflag:s0], $0x4000  }
0xc2: {  	s21 =	simm.s32 @!p0 $0x8500;
	s10 =	sadd.s32 @!p0 s10, s18;
	[sflag:s0] =	ssyncset.done @!p6 $0x0  }
0xc3: {  	s3 =	sadd.s32 @!p0 $0x1600, s14;
	[sflag:s0] =	ssyncadd.s32 @!p6 $0xFFFFC000;
	s0 =	simm.s32 @!p0 $0x0  }
0xc4: {  	[tilespmem:s21], [sflag:$0x6] =	stream.linear.gather @!p0 [hbm4b:s3+s0], $0x80, $0x38;
	[tilespmem:$0x1FE80] =	vst v63  }
0xc5: {  	s29 =	simm.s32 @!p2 $0x6;
	s14 =	sadd.s32 @!p0 $0x1600, s10;
	s22 =	simm.s32 @!p0 $0x8580  }
0xc6: {  	[tilespmem:s22], [sflag:$0x6] =	stream.linear.gather @!p0 [hbm4b:s14+s0], $0x80, $0x38;
	[tilespmem:$0x1FE80] =	vst v63  }
0xc7: {  	_ =	swait.ge @!p2 [sflag:s29], $0x80  }
0xc8: {  	[sflag:s29] =	ssyncset.done @!p2 $0x0  }
0xc9: {  	s24 =	sadd.s32 $0xC0, s28;
	[sflag:s29] =	ssyncadd.s32 @!p2 $0xFFFFFF80  }
0xca: {  	s30 =	sadd.s32 $0x160, s28;
	p1 =	sgt.u32 s28, $0x9C3;
	_ =	swait.ge @!p2 [sflag:s29], $0x80  }
0xcb: {  	s10 =	smov.u32 s25;
	s25 =	simm.s32 @!p1 $0x1;
	[sflag:s29] =	ssyncset.done @!p2 $0x0  }
0xcc: {  	s14 =	simm.s32 @!p2 $0x8600;
	s22 =	simm.s32 @!p2 $0x80;
	[sflag:s29] =	ssyncadd.s32 @!p2 $0xFFFFFF80  }
0xcd: {  	[tilespmem:s14], [sflag:$0x3] =	stream.indirect.gather @!p2 [hbm4b:s20+s22], $0x80, s16, s22, $0xb8;
	[tilespmem:$0x1FE80] =	vst v63  }
0xce: {  	s9 =	smov.u32 s30;
	s3 =	simm.s32 @!p1 $0x200;
	_ =	swait.ge @!p1 [sflag:s25], $0x4000  }
0xcf: {  	s0 =	simm.s32 @!p1 $0x80;
	p0 =	sgt.u32 s24, $0x9C3;
	[sflag:s25] =	ssyncset.done @!p1 $0x0  }
0xd0: {  	s21 =	sadd.s32 @!p0 s10, s19;
	s14 =	simm.s32 @!p1 $0x7;
	[sflag:s25] =	ssyncadd.s32 @!p1 $0xFFFFC000  }
0xd1: {  	[spmem:s1] =	stream.indirect.scatter.add.f32 @!p1 [tilespmem:s3], [sflag:$0x7], $0x80, s0, s0, $0xb8;
	[tilespmem:$0x1FE80] =	vst v63  }
0xd2: {  	s24 =	sadd.s32 @!p0 s10, s18;
	s21 =	sadd.s32 @!p0 $0xC00, s21;
	_ =	swait.ge @!p1 [sflag:s14], $0x4000  }
0xd3: {  	s30 =	sadd.s32 @!p0 $0xC00, s24;
	[sflag:s14] =	ssyncset.done @!p1 $0x0;
	s3 =	rddreg [dreg:$0x4]  }
0xd4: {  	s24 =	simm.s32 @!p0 $0x0;
	[sflag:s14] =	ssyncadd.s32 @!p1 $0xFFFFC000;
	p3 =	sge.u32 s15, s3  }
0xd5: {  	[tilespmem:s24], [sflag:$0x4] =	stream.linear.gather @!p0 [hbm4b:s21+s24], $0x80, $0x38;
	[tilespmem:$0x1FE80] =	vst v63  }
0xd6: {  	s25 =	simm.s32 @!p0 $0x80;
	s0 =	simm.s32 @!p3 $0x4  }
0xd7: {  	[tilespmem:s25], [sflag:$0x4] =	stream.linear.gather @!p0 [hbm4b:s30+s24], $0x80, $0x38;
	[tilespmem:$0x1FE80] =	vst v63  }
0xd8: {  	_ =	swait.ge @!p3 [sflag:s0], $0x80  }
0xd9: {  	[sflag:s0] =	ssyncset.done @!p3 $0x0  }
0xda: {  	s26 =	sadd.s32 $0xE0, s28;
	s17 =	sadd.s32 $0x120, s28;
	[sflag:s0] =	ssyncadd.s32 @!p3 $0xFFFFFF80  }
0xdb: {  	s23 =	sadd.s32 $0x100, s28;
	p2 =	sgt.u32 s28, $0x9A3;
	_ =	swait.ge @!p3 [sflag:s0], $0x80  }
0xdc: {  	s3 =	simm.s32 @!p2 $0x2;
	s28 =	simm.s32 @!p3 $0x80;
	[sflag:s0] =	ssyncset.done @!p3 $0x0  }
0xdd: {  	s30 =	simm.s32 @!p3 $0x200;
	[sflag:s0] =	ssyncadd.s32 @!p3 $0xFFFFFF80;
	s0 =	simm.s32 @!p3 $0x100  }
0xde: {  	[tilespmem:s30], [sflag:$0x1] =	stream.indirect.gather @!p3 [hbm4b:s20+s28], $0x80, s0, s28, $0xb8;
	[tilespmem:$0x1FE80] =	vst v63  }
0xdf: {  	s16 =	simm.s32 @!p2 $0x80;
	_ =	swait.ge @!p2 [sflag:s3], $0x4000  }
0xe0: {  	s22 =	simm.s32 @!p2 $0x7;
	p1 =	sgt.u32 s26, $0x9C3;
	[sflag:s3] =	ssyncset.done @!p2 $0x0  }
0xe1: {  	s21 =	simm.s32 @!p2 $0x4280;
	s0 =	simm.s32 @!p2 $0x4400;
	[sflag:s3] =	ssyncadd.s32 @!p2 $0xFFFFC000  }
0xe2: {  	[spmem:s1] =	stream.indirect.scatter.add.f32 @!p2 [tilespmem:s0], [sflag:$0x7], $0x80, s21, s16, $0xb8;
	[tilespmem:$0x1FE80] =	vst v63  }
0xe3: {  	s14 =	sadd.s32 @!p1 s10, s19;
	s26 =	sadd.s32 @!p1 s10, s18;
	_ =	swait.ge @!p2 [sflag:s22], $0x4000  }
0xe4: {  	s3 =	sadd.s32 @!p1 $0xE00, s14;
	s14 =	simm.s32 @!p1 $0x4200;
	[sflag:s22] =	ssyncset.done @!p2 $0x0  }
0xe5: {  	s6 =	rddreg [dreg:$0x5];
	[sflag:s22] =	ssyncadd.s32 @!p2 $0xFFFFC000;
	s22 =	simm.s32 @!p1 $0x0  }
0xe6: {  	[tilespmem:s14], [sflag:$0x5] =	stream.linear.gather @!p1 [hbm4b:s3+s22], $0x80, $0x38;
	[tilespmem:$0x1FE80] =	vst v63  }
0xe7: {  	s0 =	sadd.s32 @!p1 $0xE00, s26;
	s16 =	simm.s32 @!p1 $0x4280;
	p5 =	sge.u32 s15, s6  }
0xe8: {  	[tilespmem:s16], [sflag:$0x5] =	stream.linear.gather @!p1 [hbm4b:s0+s22], $0x80, $0x38;
	[tilespmem:$0x1FE80] =	vst v63  }
0xe9: {  	s0 =	simm.s32 @!p5 $0x5  }
0xea: {  	_ =	swait.ge @!p5 [sflag:s0], $0x80  }
0xeb: {  	[sflag:s0] =	ssyncset.done @!p5 $0x0  }
0xec: {  	[sflag:s0] =	ssyncadd.s32 @!p5 $0xFFFFFF80  }
0xed: {  	s29 =	simm.s32 @!p5 $0x4400;
	_ =	swait.ge @!p5 [sflag:s0], $0x80  }
0xee: {  	s21 =	simm.s32 @!p5 $0x80;
	[sflag:s0] =	ssyncset.done @!p5 $0x0;
	s26 =	rddreg [dreg:$0x6]  }
0xef: {  	[sflag:s0] =	ssyncadd.s32 @!p5 $0xFFFFFF80;
	s0 =	simm.s32 @!p5 $0x4300;
	p6 =	sge.u32 s15, s26  }
0xf0: {  	[tilespmem:s29], [sflag:$0x2] =	stream.indirect.gather @!p5 [hbm4b:s20+s21], $0x80, s0, s21, $0xb8;
	[tilespmem:$0x1FE80] =	vst v63  }
0xf1: {  	s0 =	simm.s32 @!p6 $0x3  }
0xf2: {  	p2 =	sgt.u32 s23, $0x9C3;
	_ =	swait.ge @!p6 [sflag:s0], $0x4000  }
0xf3: {  	s3 =	simm.s32 @!p6 $0x7;
	s16 =	simm.s32 @!p6 $0x8480;
	[sflag:s0] =	ssyncset.done @!p6 $0x0  }
0xf4: {  	s22 =	simm.s32 @!p6 $0x8600;
	[sflag:s0] =	ssyncadd.s32 @!p6 $0xFFFFC000;
	s0 =	simm.s32 @!p6 $0x80  }
0xf5: {  	[spmem:s1] =	stream.indirect.scatter.add.f32 @!p6 [tilespmem:s22], [sflag:$0x7], $0x80, s16, s0, $0xb8;
	[tilespmem:$0x1FE80] =	vst v63  }
0xf6: {  	s23 =	sadd.s32 @!p2 s10, s19;
	s16 =	simm.s32 @!p2 $0x8400;
	_ =	swait.ge @!p6 [sflag:s3], $0x4000  }
0xf7: {  	s0 =	sadd.s32 @!p2 s10, s18;
	[sflag:s3] =	ssyncset.done @!p6 $0x0;
	s6 =	rddreg [dreg:$0x7]  }
0xf8: {  	[sflag:s3] =	ssyncadd.s32 @!p6 $0xFFFFC000;
	s3 =	sadd.s32 @!p2 $0x1000, s23;
	s23 =	simm.s32 @!p2 $0x0  }
0xf9: {  	[tilespmem:s16], [sflag:$0x6] =	stream.linear.gather @!p2 [hbm4b:s3+s23], $0x80, $0x38;
	[tilespmem:$0x1FE80] =	vst v63  }
0xfa: {  	s0 =	sadd.s32 @!p2 $0x1000, s0;
	p6 =	sge.u32 s15, s6;
	s3 =	simm.s32 @!p2 $0x8480  }
0xfb: {  	[tilespmem:s3], [sflag:$0x6] =	stream.linear.gather @!p2 [hbm4b:s0+s23], $0x80, $0x38;
	[tilespmem:$0x1FE80] =	vst v63  }
0xfc: {  	s0 =	simm.s32 @!p6 $0x6  }
0xfd: {  	_ =	swait.ge @!p6 [sflag:s0], $0x80  }
0xfe: {  	[sflag:s0] =	ssyncset.done @!p6 $0x0  }
0xff: {  	[sflag:s0] =	ssyncadd.s32 @!p6 $0xFFFFFF80  }
0x100: {  	_ =	swait.ge @!p6 [sflag:s0], $0x80  }
0x101: {  	s26 =	simm.s32 @!p3 $0x1;
	s31 =	simm.s32 @!p6 $0x8600;
	[sflag:s0] =	ssyncset.done @!p6 $0x0  }
0x102: {  	s22 =	simm.s32 @!p6 $0x80;
	s6 =	simm.s32 @!p6 $0x8500;
	[sflag:s0] =	ssyncadd.s32 @!p6 $0xFFFFFF80  }
0x103: {  	[tilespmem:s31], [sflag:$0x3] =	stream.indirect.gather @!p6 [hbm4b:s20+s22], $0x80, s6, s22, $0xb8;
	[tilespmem:$0x1FE80] =	vst v63  }
0x104: {  	p4 =	sgt.u32 s17, $0x9C3;
	_ =	swait.ge @!p3 [sflag:s26], $0x4000  }
0x105: {  	s17 =	simm.s32 @!p4 $0x180;
	[sflag:s26] =	ssyncset.done @!p3 $0x0  }
0x106: {  	s3 =	simm.s32 @!p3 $0x180;
	s23 =	simm.s32 @!p3 $0x7;
	[sflag:s26] =	ssyncadd.s32 @!p3 $0xFFFFC000  }
0x107: {  	[spmem:s1] =	stream.indirect.scatter.add.f32 @!p3 [tilespmem:s30], [sflag:$0x7], $0x80, s3, s28, $0xb8;
	[tilespmem:$0x1FE80] =	vst v63  }
0x108: {  	s0 =	sadd.s32 @!p4 s10, s19;
	s6 =	simm.s32 @!p4 $0x100;
	_ =	swait.ge @!p3 [sflag:s23], $0x4000  }
0x109: {  	s0 =	sadd.s32 @!p4 $0x1200, s0;
	[sflag:s23] =	ssyncset.done @!p3 $0x0;
	s26 =	sld [smem:$0x7FB]  }
0x10a: {  	s3 =	sadd.s32 @!p4 s10, s18;
	[sflag:s23] =	ssyncadd.s32 @!p3 $0xFFFFC000;
	s23 =	simm.s32 @!p4 $0x0  }
0x10b: {  	[tilespmem:s6], [sflag:$0x4] =	stream.linear.gather @!p4 [hbm4b:s0+s23], $0x80, $0x38;
	[tilespmem:$0x1FE80] =	vst v63  }
0x10c: {  	s3 =	sadd.s32 @!p4 $0x1200, s3;
	p3 =	seq.s32 s26, $0x1;
	s26 =	simm.s32 @!p0 $0x4  }
0x10d: {  	[tilespmem:s17], [sflag:$0x4] =	stream.linear.gather @!p4 [hbm4b:s3+s23], $0x80, $0x38;
	[tilespmem:$0x1FE80] =	vst v63  }
0x10e: {  	_ =	swait.ge @!p0 [sflag:s26], $0x80  }
0x10f: {  	[sflag:s26] =	ssyncset.done @!p0 $0x0  }
0x110: {  	[sflag:s26] =	ssyncadd.s32 @!p0 $0xFFFFFF80  }
0x111: {  	_ =	swait.ge @!p0 [sflag:s26], $0x80  }
0x112: {  	[sflag:s26] =	ssyncset.done @!p0 $0x0  }
0x113: {  	s0 =	simm.s32 @!p0 $0x200;
	s17 =	simm.s32 @!p5 $0x2;
	[sflag:s26] =	ssyncadd.s32 @!p0 $0xFFFFFF80  }
0x114: {  	[tilespmem:s0], [sflag:$0x1] =	stream.indirect.gather @!p0 [hbm4b:s20+s25], $0x80, s24, s25, $0xb8;
	[tilespmem:$0x1FE80] =	vst v63  }
0x115: {  	_ =	swait.ge @!p5 [sflag:s17], $0x4000  }
0x116: {  	s28 =	sld [smem:$0x7FC];
	_ =	sdelay $0x2  }
0x117: {  	p0 =	seq.s32 s28, $0x1  }
.Ltmp0:
0x118: {  	_ = 	snop;
	(pc) =	sbr.rel @p0 .LBB2_2-.Ltmp0, $3  }
0x119: {  	_ =	sdelay $0x1  }
0x11a: {  	s15 =	sadd.s32 $0xC0, s15;
	s23 =	simm.s32 @!p5 $0x4380  }
0x11b: {  	s30 =	simm.s32 @!p3 $0x4300;
	s3 =	simm.s32 @!p5 $0x7;
	s0 =	simm.s32 @!p3 $0x0  }
0x11c: {  	[sflag:s17] =	ssyncset.done @!p5 $0x0  }
0x11d: {  	[sflag:s17] =	ssyncadd.s32 @!p5 $0xFFFFC000  }
0x11e: {  	[spmem:s1] =	stream.indirect.scatter.add.f32 @!p5 [tilespmem:s29], [sflag:$0x7], $0x80, s23, s21, $0xb8;
	[tilespmem:$0x1FE80] =	vst v63  }
0x11f: {  	_ =	swait.ge @!p5 [sflag:s3], $0x4000  }
0x120: {  	[sflag:s3] =	ssyncset.done @!p5 $0x0  }
0x121: {  	[sflag:s3] =	ssyncadd.s32 @!p5 $0xFFFFC000  }
0x122: {  	[tilespmem:s30], [sflag:$0x5] =	stream.linear.gather @!p3 [hbm4b:s13+s0], $0x80, $0x38;
	[tilespmem:$0x1FE80] =	vst v63  }
0x123: {  	s6 =	simm.s32 @!p1 $0x5;
	s3 =	simm.s32 @!p3 $0x4380  }
0x124: {  	[tilespmem:s3], [sflag:$0x5] =	stream.linear.gather @!p3 [hbm4b:s12+s0], $0x80, $0x38;
	[tilespmem:$0x1FE80] =	vst v63  }
0x125: {  	_ =	swait.ge @!p1 [sflag:s6], $0x80  }
0x126: {  	[sflag:s6] =	ssyncset.done @!p1 $0x0  }
0x127: {  	[sflag:s6] =	ssyncadd.s32 @!p1 $0xFFFFFF80  }
0x128: {  	_ =	swait.ge @!p1 [sflag:s6], $0x80  }
0x129: {  	s11 =	simm.s32 @!p6 $0x3;
	[sflag:s6] =	ssyncset.done @!p1 $0x0  }
0x12a: {  	s0 =	simm.s32 @!p1 $0x80;
	s3 =	simm.s32 @!p1 $0x4400;
	[sflag:s6] =	ssyncadd.s32 @!p1 $0xFFFFFF80  }
0x12b: {  	[tilespmem:s3], [sflag:$0x2] =	stream.indirect.gather @!p1 [hbm4b:s20+s0], $0x80, s14, s0, $0xb8;
	[tilespmem:$0x1FE80] =	vst v63  }
0x12c: {  	_ =	swait.ge @!p6 [sflag:s11], $0x4000  }
0x12d: {  	p0 =	sgt.u32 s9, $0x9C3;
	[sflag:s11] =	ssyncset.done @!p6 $0x0  }
0x12e: {  	s0 =	simm.s32 @!p6 $0x8580;
	s3 =	simm.s32 @!p6 $0x7;
	[sflag:s11] =	ssyncadd.s32 @!p6 $0xFFFFC000  }
0x12f: {  	[spmem:s1] =	stream.indirect.scatter.add.f32 @!p6 [tilespmem:s31], [sflag:$0x7], $0x80, s0, s22, $0xb8;
	[tilespmem:$0x1FE80] =	vst v63  }
0x130: {  	s9 =	sadd.s32 @!p0 s10, s18;
	_ =	swait.ge @!p6 [sflag:s3], $0x4000  }
0x131: {  	s6 =	simm.s32 @!p0 $0x8500;
	s0 =	sadd.s32 @!p0 s10, s19;
	[sflag:s3] =	ssyncset.done @!p6 $0x0  }
0x132: {  	s0 =	sadd.s32 @!p0 $0x1600, s0;
	[sflag:s3] =	ssyncadd.s32 @!p6 $0xFFFFC000;
	s3 =	simm.s32 @!p0 $0x0  }
0x133: {  	[tilespmem:s6], [sflag:$0x6] =	stream.linear.gather @!p0 [hbm4b:s0+s3], $0x80, $0x38;
	[tilespmem:$0x1FE80] =	vst v63  }
0x134: {  	s0 =	sadd.s32 @!p0 $0x1600, s9;
	s6 =	simm.s32 @!p0 $0x8580;
	s9 =	simm.s32 @!p2 $0x6  }
0x135: {  	[tilespmem:s6], [sflag:$0x6] =	stream.linear.gather @!p0 [hbm4b:s0+s3], $0x80, $0x38;
	[tilespmem:$0x1FE80] =	vst v63  }
0x136: {  	_ =	swait.ge @!p2 [sflag:s9], $0x80  }
0x137: {  	[sflag:s9] =	ssyncset.done @!p2 $0x0  }
0x138: {  	[sflag:s9] =	ssyncadd.s32 @!p2 $0xFFFFFF80  }
0x139: {  	_ =	swait.ge @!p2 [sflag:s9], $0x80  }
0x13a: {  	[sflag:s9] =	ssyncset.done @!p2 $0x0  }
0x13b: {  	s0 =	simm.s32 @!p2 $0x8600;
	s3 =	simm.s32 @!p2 $0x80;
	[sflag:s9] =	ssyncadd.s32 @!p2 $0xFFFFFF80  }
0x13c: {  	[tilespmem:s0], [sflag:$0x3] =	stream.indirect.gather @!p2 [hbm4b:s20+s3], $0x80, s16, s3, $0xb8;
	[tilespmem:$0x1FE80] =	vst v63  }
0x13d: {  	[bflag:$0x0] =	sbarrier.arrive $0xFFFF  }
0x13e: {  	s30 =	sld [smem:$0x7FD];
	_ =	sdelay $0x2  }
0x13f: {  	s3 =	rddreg [dreg:$0x18];
	p1 =	seq.s32 s30, $0x1  }
0x140: {  	s6 =	rddreg [dreg:$0x1b];
	s0 =	simm.s32 @p1 $0x1FC7  }
0x141: {  	[hbm:s3], [sflag:s0] =	dma.local @p1 [spmem:s6], $0x2800  }
0x142: {  	s0 =	simm.s32 @p1 $0x7  }
0x143: {  	_ =	swait.ge @p1 [sflag:s0], $0x2800  }
0x144: {  	[sflag:s0] =	ssyncset.done @p1 $0x0  }
0x145: {  	[sflag:s0] =	ssyncadd.s32 @p1 $0xFFFFD800;
	s0 =	rddreg [dreg:$0x12]  }
0x146: {  	[hbm:s0], [sflag:s7] =	dma.local @!p1 [spmem:s8], $0x2700  }
0x147: {  	s0 =	simm.s32 @!p1 $0x7  }
0x148: {  	_ =	swait.ge @!p1 [sflag:s0], $0x2700  }
0x149: {  	s5 =	sadd.s32 $0x1, s5;
	s31 =	rddreg [dreg:$0x19]  }
0x14a: {  	p0 =	sne.s32 s5, s31  }
.Ltmp1:
0x14b: {  	_ = 	snop;
	(pc) =	sbr.rel @p0 .LBB2_1-.Ltmp1, $3  }
0x14c: {  	_ =	sdelay $0x1  }
0x14d: {  	[sflag:s0] =	ssyncset.done @!p1 $0x0  }
0x14e: {  	[sflag:s0] =	ssyncadd.s32 @!p1 $0xFFFFD900  }
0x14f: {  	_ =	sfence.sel $0x180000  }
0x150: {  	[bflag:$0x0] =	sbarrier.arrive $0xFFFF  }
0x151: {  	_ =	strace $0x9000004D  }
0x152: {  	s0 =	stileid.u32;
	[bflag:$0x2] =	sbarrier.arrive $0xFFFF  }
0x153: {  	p0 =	sne.s32 s0, $0x0;
	s0 =	rddreg [dreg:$0x3]  }
0x154: {  	s0 =	sadd.s32 @!p0 $0x100000, s0  }
0x155: {  	[sflag:s0] =	ssyncadd.tile.s32 @!p0 $0x1;
	_ =	shalt  }
.Lfunc_end2:
_tile_overlayer_lowered:
.L_overlay_start_2:
0x156: {  	(tag) =	ssettag $0x2  }
0x157: {  	s0 =	rddreg [dreg:$0x0];
	s2 =	stileid.u32  }
0x158: {  	s1 =	rddreg [dreg:$0x1];
	p0 =	sne.s32 s2, $0x0  }
0x159: {  	s3 =	rddreg [dreg:$0x2];
	[bflag:$0x3] =	sbarrier.arrive $0xFFFF;
	s2 =	simm.s32 @!p0 $0x1C07  }
0x15a: {  	[timem:s3], [sflag:s2] =	dma.local @!p0 [hbm:s0], s1  }
0x15b: {  	s0 =	simm.s32 @!p0 $0x7  }
0x15c: {  	_ =	swait.ge @!p0 [sflag:s0], s1  }
0x15d: {  	s1 =	ssub.s32 @!p0 $0x0, s1;
	[sflag:s0] =	ssyncset.done @!p0 $0x0  }
0x15e: {  	[sflag:s0] =	ssyncadd.s32 @!p0 s1  }
0x15f: {  	[bflag:$0x3] =	sbarrier.arrive $0xFFFF  }
0x160: {  	_ =	shalt  }

// kernel: kernel.8.cloned.1.call-start
scs
__scs_entry_jumppad:
0x0: {  	(pc) =	sbr.rel $0x88, $3  }
0x1: {  	(tag) =	ssettag $0x0;
	lr =	simm.s32 $0x1  }
0x2: {  	[smem:$0x3F87] =	sst lr;
	_ =	strace $0xD0000000  }
0x3: {  	_ = 	snop  }
0x4: {  	_ = 	snop  }
0x5: {  	_ = 	snop  }
0x6: {  	_ = 	snop  }
0x7: {  	_ = 	snop  }
__scs_overlays_trampoline_lowered:
0x8: {  	[smem:$0x3F96] =	sst s0  }
0x9: {  	[smem:$0x3F97] =	sst s1  }
0xa: {  	[smem:$0x3F98] =	sst s2  }
0xb: {  	[smem:$0x3F99] =	sst s3  }
0xc: {  	[smem:$0x3F9A] =	sst s4  }
0xd: {  	[smem:$0x3F9B] =	sst s5  }
0xe: {  	[smem:$0x3F9C] =	sst s6  }
0xf: {  	[smem:$0x3F9D] =	sst s7  }
0x10: {  	[smem:$0x3F9E] =	sst s8  }
0x11: {  	[smem:$0x3F9F] =	sst s9;
	s0 =	simm.s32 @!p0 $0x0  }
0x12: {  	s1 =	sld [smem:$0x3F85];
	s0 =	simm.s32 @p0 $0x1  }
0x13: {  	[smem:$0x3FA0] =	sst s0;
	s0 =	simm.s32 @!p1 $0x0  }
0x14: {  	s2 =	sld [smem:$0x3F84];
	s0 =	simm.s32 @p1 $0x1  }
0x15: {  	[smem:$0x3FA1] =	sst s0;
	s0 =	simm.s32 @!p2 $0x0  }
0x16: {  	s3 =	sld [smem:$0x3FDB];
	s0 =	simm.s32 @p2 $0x1  }
0x17: {  	s4 =	simm.s32 $0x1BF5;
	[smem:$0x3FA3] =	sst s0  }
0x18: {  	s0 =	sld [smem:$0x3F86];
	_ =	swait.ge [sflag:s4], $0x0  }
0x19: {  	s7 =	sld [smem:$0x3F87]  }
0x1a: {  	s8 =	sadd.s32 $0xFFFFE003, lr  }
0x1b: {  	s9 =	sadd.s32 $0xFFFFFEF7, lr;
	s5 =	simm.s32 $0xFFFFFFFF;
	p2 =	slt.u32 s8, $0xFFFFF086  }
0x1c: {  	p1 =	slt.u32 s9, $0xF7A;
	s5 =	simm.s32 @!p2 $0x0  }
0x1d: {  	s5 =	simm.s32 @p1 $0x1;
	p0 =	seq.s32 s7, s2  }
0x1e: {  	s7 =	smul.u32 @!p0 $0xF7A, s2;
	p2 =	seq.s32 @!p0 s5, $0x0  }
0x1f: {  	s9 =	smul.u32 $0xF7A, s1;
	s8 =	simm.s32 @!p0 $0x1BF5;
	p2 =	por !p2, p0  }
0x20: {  	[sflag:s8] =	ssyncset.s32 @!p0 $0xFFFFF086;
	s6 =	sadd.s32 @!p0 s3, s7;
	s7 =	simm.s32 @!p0 $0x108  }
0x21: {  	s3 =	sadd.s32 s3, s9;
	s6 =	sadd.s32 @!p0 $0x88, s6;
	s7 =	simm.s32 @p2 $0x1082  }
0x22: {  	[simem:s7], [sflag:s8] =	dma.local @!p0 [hbm:s6], $0xF7A  }
0x23: {  	s9 =	sor.u32 $0xD0000000, s2;
	s6 =	simm.s32 $0x108;
	_ =	swait.ge @!p0 [sflag:s8], $0x0  }
0x24: {  	s3 =	sadd.s32 $0x88, s3;
	s6 =	simm.s32 @!p1 $0x1082;
	[sflag:s4] =	ssyncset.s32 $0xFFFFF086  }
0x25: {  	[simem:s6], [sflag:s4] =	dma.local [hbm:s3], $0xF7A  }
0x26: {  	[smem:$0x3F87] =	sst s1;
	(tag) =	ssettag s2;
	_ =	strace s9  }
0x27: {  	s1 =	sld [smem:$0x3F97]  }
0x28: {  	s2 =	sld [smem:$0x3F98]  }
0x29: {  	s4 =	sld [smem:$0x3F9A]  }
0x2a: {  	p0 =	seq.s32 s5, $0x0;
	s5 =	sld [smem:$0x3F9B]  }
0x2b: {  	s6 =	sld [smem:$0x3F9C]  }
0x2c: {  	s7 =	sld [smem:$0x3F9D]  }
0x2d: {  	s3 =	simm.s32 $0x108;
	s8 =	sld [smem:$0x3F9E]  }
0x2e: {  	s3 =	simm.s32 @!p0 $0x1082;
	s9 =	sld [smem:$0x3F9F]  }
0x2f: {  	lr =	sadd.s32 s0, s3;
	s0 =	sld [smem:$0x3F96]  }
0x30: {  	s3 =	sld [smem:$0x3F99]  }
0x31: {  	[smem:$0x3FA2] =	sst s10  }
0x32: {  	s10 =	sld [smem:$0x3FA0];
	_ =	sdelay $0x3  }
0x33: {  	p0 =	seq.s32 s10, $0x1;
	s10 =	sld [smem:$0x3FA2];
	_ =	sdelay $0x3  }
0x34: {  	[smem:$0x3FA2] =	sst s10  }
0x35: {  	s10 =	sld [smem:$0x3FA1];
	_ =	sdelay $0x3  }
0x36: {  	p1 =	seq.s32 s10, $0x1;
	s10 =	sld [smem:$0x3FA2];
	_ =	sdelay $0x3  }
0x37: {  	[smem:$0x3FA2] =	sst s10  }
0x38: {  	s10 =	sld [smem:$0x3FA3]  }
0x39: {  	_ = 	snop;
	(pc) =	sbr.ind lr, $3  }
0x3a: {  	_ = 	snop  }
0x3b: {  	_ = 	snop  }
0x3c: {  	p2 =	seq.s32 s10, $0x1;
	s10 =	sld [smem:$0x3FA2]  }
0x3d: {  	_ =	shalt  }
0x3e: {  	_ =	shalt  }
0x3f: {  	_ =	shalt  }
0x40: {  	_ =	shalt  }
0x41: {  	_ =	shalt  }
0x42: {  	_ =	shalt  }
0x43: {  	_ =	shalt  }
0x44: {  	_ =	shalt  }
0x45: {  	_ =	shalt  }
0x46: {  	_ =	shalt  }
0x47: {  	_ =	shalt  }
0x48: {  	_ =	shalt  }
0x49: {  	_ =	shalt  }
0x4a: {  	_ =	shalt  }
0x4b: {  	_ =	shalt  }
0x4c: {  	_ =	shalt  }
0x4d: {  	_ =	shalt  }
0x4e: {  	_ =	shalt  }
0x4f: {  	_ =	shalt  }
0x50: {  	_ =	shalt  }
0x51: {  	_ =	shalt  }
0x52: {  	_ =	shalt  }
0x53: {  	_ =	shalt  }
0x54: {  	_ =	shalt  }
0x55: {  	_ =	shalt  }
0x56: {  	_ =	shalt  }
0x57: {  	_ =	shalt  }
0x58: {  	_ =	shalt  }
0x59: {  	_ =	shalt  }
0x5a: {  	_ =	shalt  }
0x5b: {  	_ =	shalt  }
0x5c: {  	_ =	shalt  }
0x5d: {  	_ =	shalt  }
0x5e: {  	_ =	shalt  }
0x5f: {  	_ =	shalt  }
0x60: {  	_ =	shalt  }
0x61: {  	_ =	shalt  }
0x62: {  	_ =	shalt  }
0x63: {  	_ =	shalt  }
0x64: {  	_ =	shalt  }
0x65: {  	_ =	shalt  }
0x66: {  	_ =	shalt  }
0x67: {  	_ =	shalt  }
0x68: {  	_ =	shalt  }
0x69: {  	_ =	shalt  }
0x6a: {  	_ =	shalt  }
0x6b: {  	_ =	shalt  }
0x6c: {  	_ =	shalt  }
0x6d: {  	_ =	shalt  }
0x6e: {  	_ =	shalt  }
0x6f: {  	_ =	shalt  }
0x70: {  	_ =	shalt  }
0x71: {  	_ =	shalt  }
0x72: {  	_ =	shalt  }
0x73: {  	_ =	shalt  }
0x74: {  	_ =	shalt  }
0x75: {  	_ =	shalt  }
0x76: {  	_ =	shalt  }
0x77: {  	_ =	shalt  }
0x78: {  	_ =	shalt  }
0x79: {  	_ =	shalt  }
0x7a: {  	_ =	shalt  }
0x7b: {  	_ =	shalt  }
0x7c: {  	_ =	shalt  }
0x7d: {  	_ =	shalt  }
0x7e: {  	_ =	shalt  }
0x7f: {  	_ =	shalt  }
0x80: {  	_ =	shalt  }
0x81: {  	_ =	shalt  }
0x82: {  	_ =	shalt  }
0x83: {  	_ =	shalt  }
0x84: {  	_ =	shalt  }
0x85: {  	_ =	shalt  }
0x86: {  	_ =	shalt  }
0x87: {  	_ =	shalt  }
.Lfunc_end0:
.L_simem_size_0:
called_computation_lowered:
.L_overlay_start_0:
0x88: {  	s2 =	sld [smem:$0x3FD9]  }
0x89: {  	s3 =	sld [smem:$0x3FFE];
	_ =	sdelay $0x1  }
0x8a: {  	s1 =	srdreg.scid  }
0x8b: {  	s0 =	sand.u32 $0x1, s1  }
0x8c: {  	s17 =	sshll.u32 s0, $0xA;
	s2 =	sadd.s32 s3, s2  }
0x8d: {  	s2 =	sadd.s32 s2, s17  }
0x8e: {  	[smem:$0x3FAE] =	sst s2  }
0x8f: {  	_ = 	snop  }
0x90: {  	s2 =	sld [smem:$0x3FC9]  }
0x91: {  	s18 =	sld [smem:$0x3FD0];
	(tm) =	ssettm $0x1  }
0x92: {  	s4 =	sld [smem:$0x3FFB];
	_ =	sdelay $0x3  }
0x93: {  	_ =	strace s4  }
0x94: {  	s4 =	sld [smem:$0x3FFC];
	_ =	sdelay $0x3  }
0x95: {  	_ =	strace s4  }
0x96: {  	s4 =	sld [smem:$0x3FFD];
	_ =	sdelay $0x3  }
0x97: {  	_ =	strace s4  }
0x98: {  	_ =	strace $0x8FFFFFFF  }
0x99: {  	s19 =	sld [smem:$0x3FDB];
	_ =	sdelay $0x1  }
0x9a: {  	s5 =	simm.s32 $_scs_section_size  }
0x9b: {  	s6 =	simm.s32 $_size__tile_overlayer_lowered;
	s7 =	simm.s32 $_tile_overlayer_lowered  }
0x9c: {  	s22 =	simm.s32 $0x1BFF;
	s21 =	sshll.u32 s7, $0x1;
	s4 =	sadd.s32 s5, s19  }
0x9d: {  	s8 =	simm.s32 $0x0;
	s20 =	sshll.u32 s6, $0x1;
	s6 =	sadd.s32 s21, s4  }
0x9e: {  	[timem:s8], [sflag:s22] =	dma.local [hbm:s6], s20  }
0x9f: {  	_ =	swait.ge [sflag:s22], s20  }
0xa0: {  	s5 =	ssub.s32 $0x0, s20;
	[sflag:s22] =	ssyncset.done $0x0  }
0xa1: {  	[sflag:s22] =	ssyncadd.s32 s5;
	_ =	sdelay $0x1  }
0xa2: {  	s23 =	simm.s32 $0x1B8B  }
0xa3: {  	_ =	swait.ge [sflag:s23], $0x1  }
0xa4: {  	[sflag:s23] =	ssyncset.done $0x0  }
0xa5: {  	s25 =	simm.s32 $0x1B8E;
	s24 =	sld [smem:$0x3FFE];
	[sflag:s23] =	ssyncadd.s32 $0xFFFFFFFF  }
0xa6: {  	s26 =	simm.s32 $execute0_lowered;
	[smem:$0x3FD2] =	sst s25  }
0xa7: {  	s6 =	sshll.u32 s26, $0x1;
	_ =	strace $0x80000046;
	[dreg:$0x1] =	wrdreg $0xFFFFFFFF  }
0xa8: {  	s28 =	simm.s32 $_size_execute0_lowered;
	s4 =	sadd.s32 s4, s6;
	[dreg:$0x0] =	wrdreg $0x0  }
0xa9: {  	s6 =	sshll.u32 s28, $0x1;
	[dreg:$0x2] =	wrdreg s4  }
0xaa: {  	[dreg:$0x3] =	wrdreg s6  }
0xab: {  	[dreg:$0x4] =	wrdreg $0xC0  }
0xac: {  	_ =	task [dreg:s8], $0x5FFFF  }
0xad: {  	[dreg:$0x1] =	wrdreg $0xFFFFFFFF  }
0xae: {  	[dreg:$0x0] =	wrdreg $0x60  }
0xaf: {  	[dreg:$0x2] =	wrdreg s2  }
0xb0: {  	[dreg:$0x3] =	wrdreg s24  }
0xb1: {  	[dreg:$0x4] =	wrdreg s18  }
0xb2: {  	[dreg:$0x5] =	wrdreg $0xC6000  }
0xb3: {  	[dreg:$0x6] =	wrdreg $0x9  }
0xb4: {  	_ =	task.clear_ibuf [dreg:s8], $0x7FFFF;
	_ =	strace $0x90000046  }
0xb5: {  	s29 =	simm.s32 $0x9;
	_ =	strace $0x80000048  }
0xb6: {  	_ =	swait.ge [sflag:s29], $0x1  }
0xb7: {  	[sflag:s29] =	ssyncadd.s32 $0xFFFFFFFF  }
0xb8: {  	_ =	strace $0x90000048  }
0xb9: {  	_ =	sfence  }
0xba: {  	s30 =	sld [smem:$0x0];
	_ =	sdelay $0x2  }
0xbb: {  	s31 =	sshll.u32 s1, $0xD;
	s1 =	sshrl.u32 s1, $0x2  }
0xbc: {  	s3 =	sand.u32 $0x4000, s31;
	s1 =	sadd.s32 s1, s30  }
0xbd: {  	s0 =	sor.u32 s3, s0;
	s1 =	sshll.u32 s1, $0x11  }
0xbe: {  	s0 =	sor.u32 s1, s0  }
0xbf: {  	s0 =	sadd.s32 $0x8F2B, s0  }
0xc0: {  	[sflag:s0] =	ssyncadd.remote.s32 $0x1  }
0xc1: {  	_ =	sfence.sel $0xFFFF  }
0xc2: {  	[dreg:$0x0] =	wrdreg $0xFFFFFFFF;
	(pc) =	sbr.abs _section_cstart, $3  }
0xc3: {  	[dreg:$0x1] =	wrdreg $0xFFFFFFFF  }
0xc4: {  	_ =	task.clear_ibuf [dreg:s8], $0x2FFFF;
	_ =	strace $0x9FFFFFFF  }
0xc5: {  	(tm) =	ssettm $0x7FFFFFFF  }
tec
execute0_lowered:
.L_overlay_start_1:
0x0: {  	(tag) =	ssettag $0x1  }
0x1: {  	s1 =	rddreg [dreg:$0x0]  }
0x2: {  	s0 =	rddreg [dreg:$0x1]  }
0x3: {  	s4 =	rddreg [dreg:$0x2]  }
0x4: {  	s2 =	rddreg [dreg:$0x3];
	s5 =	srdreg.scid  }
0x5: {  	s3 =	simm.s32 $0x0;
	s15 =	stileid.u32;
	s6 =	sand.u32 $0x1, s5  }
0x6: {  	[smem:$0x7FF] =	sst s3;
	s7 =	sadd.s32 $0xE800, s0;
	s5 =	sshll.u32 s6, $0x4  }
0x7: {  	s8 =	sadd.s32 $0x4A00, s0;
	s18 =	smul.u32 $0x2700, s15;
	s5 =	sor.u32 s15, s5  }
0x8: {  	s0 =	sadd.s32 $0x18600, s0;
	s23 =	smul.u32 $0x4E000, s15;
	s16 =	ssub.s32 $0x964, s5  }
0x9: {  	_ =	strace $0x80000047;
	s17 =	ssub.s32 $0x944, s5;
	[dreg:$0x5] =	wrdreg s16  }
0xa: {  	s9 =	ssub.s32 $0x2, s6;
	s20 =	ssub.s32 $0x984, s5;
	[dreg:$0x6] =	wrdreg s17  }
0xb: {  	s11 =	sshll.u32 s5, $0x4;
	s21 =	ssub.s32 $0x924, s5;
	[dreg:$0x7] =	wrdreg s20  }
0xc: {  	s10 =	sshrl.u32 s9, $0x1;
	s26 =	sadd.s32 s7, s11;
	[dreg:$0x8] =	wrdreg s21  }
0xd: {  	s28 =	sor.u32 $0x200, s11;
	s12 =	sadd.s32 s8, s11;
	[dreg:$0x9] =	wrdreg s26  }
0xe: {  	s9 =	ssub.s32 s9, s10;
	[dreg:$0xa] =	wrdreg s12;
	s29 =	sadd.s32 s7, s28  }
0xf: {  	s30 =	sor.u32 $0x400, s11;
	s10 =	sadd.s32 s8, s28;
	[dreg:$0xb] =	wrdreg s29  }
0x10: {  	p1 =	seq.s32 s15, $0xF;
	s31 =	sadd.s32 s7, s30;
	[dreg:$0xc] =	wrdreg s10  }
0x11: {  	s13 =	sor.u32 $0x600, s11;
	s12 =	sadd.s32 s8, s30;
	[dreg:$0xd] =	wrdreg s31  }
0x12: {  	s25 =	sshrl.u32 s23, $0x2;
	s14 =	sadd.s32 s7, s13;
	[dreg:$0xe] =	wrdreg s12  }
0x13: {  	s22 =	smul.u32 $0x138800, s6;
	s28 =	sadd.s32 s25, s2;
	[dreg:$0xf] =	wrdreg s14  }
0x14: {  	s26 =	sshll.u32 s15, $0x4;
	s30 =	smax.u32 s9, $0x1;
	[dreg:$0x16] =	wrdreg s28  }
0x15: {  	s10 =	sadd.s32 s8, s13;
	s13 =	smul.u32 $0x27100, s6;
	[dreg:$0x1a] =	wrdreg s30  }
0x16: {  	s14 =	sor.u32 $0x800, s11;
	s29 =	sadd.s32 s4, s18;
	[dreg:$0x10] =	wrdreg s10  }
0x17: {  	s11 =	sor.u32 $0xA00, s11;
	s4 =	sadd.s32 $0x24900, s4;
	[dreg:$0x17] =	wrdreg s29  }
0x18: {  	s6 =	sshll.u32 s6, $0x8;
	s31 =	sadd.s32 $0x124800, s2;
	[dreg:$0x18] =	wrdreg s4  }
0x19: {  	s16 =	sadd.s32 s7, s14;
	s14 =	sadd.s32 s8, s14;
	[dreg:$0x1b] =	wrdreg s31  }
0x1a: {  	s10 =	sshrl.u32 s22, $0x3;
	s24 =	sadd.s32 s7, s11;
	[dreg:$0x11] =	wrdreg s16  }
0x1b: {  	s11 =	sadd.s32 s8, s11;
	[dreg:$0x12] =	wrdreg s14;
	s13 =	sadd.s32 s18, s13  }
0x1c: {  	[dreg:$0x14] =	wrdreg s24;
	s13 =	sadd.s32 s0, s13;
	s0 =	sadd.s32 s0, s10  }
0x1d: {  	s8 =	sadd.s32 s6, s8;
	[dreg:$0x15] =	wrdreg s11;
	s0 =	sadd.s32 $0x24900, s0  }
0x1e: {  	s6 =	sadd.s32 s6, s7;
	[dreg:$0x19] =	wrdreg s0;
	s0 =	simm.s32 @!p1 $0x0  }
0x1f: {  	s19 =	sadd.s32 s26, s8;
	[dreg:$0x13] =	wrdreg s13;
	s0 =	simm.s32 @p1 $0x1  }
0x20: {  	s20 =	sadd.s32 s26, s6;
	s6 =	simm.s32 $0x0;
	[smem:$0x7FD] =	sst s0  }
.LBB2_1:
0x21: {  	s0 =	rddreg [dreg:$0x9]  }
0x22: {  	s22 =	rddreg [dreg:$0xa]  }
0x23: {  	s23 =	rddreg [dreg:$0xb]  }
0x24: {  	s24 =	rddreg [dreg:$0xc]  }
0x25: {  	[tilespmem:s3], [sflag:$0x4] =	stream.linear.gather [hbm4b:s0+s3], $0x80, $0x38;
	[tilespmem:$0x1FE80] =	vst v63  }
0x26: {  	s7 =	simm.s32 $0x80;
	s25 =	rddreg [dreg:$0xd]  }
0x27: {  	[tilespmem:s7], [sflag:$0x4] =	stream.linear.gather [hbm4b:s22+s3], $0x80, $0x38;
	[tilespmem:$0x1FE80] =	vst v63  }
0x28: {  	s10 =	simm.s32 $0x4200;
	s26 =	rddreg [dreg:$0xe]  }
0x29: {  	[tilespmem:s10], [sflag:$0x5] =	stream.linear.gather [hbm4b:s23+s3], $0x80, $0x38;
	[tilespmem:$0x1FE80] =	vst v63  }
0x2a: {  	s4 =	simm.s32 $0x4280;
	s9 =	rddreg [dreg:$0x10]  }
0x2b: {  	[tilespmem:s4], [sflag:$0x5] =	stream.linear.gather [hbm4b:s24+s3], $0x80, $0x38;
	[tilespmem:$0x1FE80] =	vst v63  }
0x2c: {  	s11 =	simm.s32 $0x8400;
	s13 =	rddreg [dreg:$0x11]  }
0x2d: {  	[tilespmem:s11], [sflag:$0x6] =	stream.linear.gather [hbm4b:s25+s3], $0x80, $0x38;
	[tilespmem:$0x1FE80] =	vst v63  }
0x2e: {  	s28 =	simm.s32 $0x8480;
	s15 =	rddreg [dreg:$0x12]  }
0x2f: {  	[tilespmem:s28], [sflag:$0x6] =	stream.linear.gather [hbm4b:s26+s3], $0x80, $0x38;
	[tilespmem:$0x1FE80] =	vst v63  }
0x30: {  	s8 =	simm.s32 $0x100;
	s4 =	rddreg [dreg:$0xf]  }
0x31: {  	[tilespmem:s8], [sflag:$0x4] =	stream.linear.gather [hbm4b:s4+s3], $0x80, $0x38;
	[tilespmem:$0x1FE80] =	vst v63  }
0x32: {  	s12 =	simm.s32 $0x180;
	s17 =	rddreg [dreg:$0x14]  }
0x33: {  	[tilespmem:s12], [sflag:$0x4] =	stream.linear.gather [hbm4b:s9+s3], $0x80, $0x38;
	[tilespmem:$0x1FE80] =	vst v63  }
0x34: {  	s14 =	simm.s32 $0x4300;
	s21 =	rddreg [dreg:$0x15]  }
0x35: {  	[tilespmem:s14], [sflag:$0x5] =	stream.linear.gather [hbm4b:s13+s3], $0x80, $0x38;
	[tilespmem:$0x1FE80] =	vst v63  }
0x36: {  	s16 =	simm.s32 $0x4380;
	s0 =	rddreg [dreg:$0x1b]  }
0x37: {  	[tilespmem:s16], [sflag:$0x5] =	stream.linear.gather [hbm4b:s15+s3], $0x80, $0x38;
	[tilespmem:$0x1FE80] =	vst v63  }
0x38: {  	s18 =	simm.s32 $0x8500;
	s8 =	sshrl.u32 @p1 s0, $0x3;
	s4 =	rddreg [dreg:$0x18]  }
0x39: {  	[tilespmem:s18], [sflag:$0x6] =	stream.linear.gather [hbm4b:s17+s3], $0x80, $0x38;
	[tilespmem:$0x1FE80] =	vst v63  }
0x3a: {  	s22 =	simm.s32 $0x8580;
	s0 =	simm.s32 @p1 $0x1FC7;
	[dreg:$0x1c] =	wrdreg s8  }
0x3b: {  	[tilespmem:s22], [sflag:$0x6] =	stream.linear.gather [hbm4b:s21+s3], $0x80, $0x38;
	[tilespmem:$0x1FE80] =	vst v63  }
0x3c: {  	[spmem:s8], [sflag:s0] =	dma.local @p1 [hbm:s4], $0x2800  }
0x3d: {  	s0 =	simm.s32 @p1 $0x7  }
0x3e: {  	_ =	swait.ge @p1 [sflag:s0], $0x2800  }
0x3f: {  	s4 =	stileid.u32;
	[sflag:s0] =	ssyncset.done @p1 $0x0  }
0x40: {  	s4 =	sshll.u32 @!p1 s4, $0x6;
	[sflag:s0] =	ssyncadd.s32 @p1 $0xFFFFD800;
	s0 =	rddreg [dreg:$0x16]  }
0x41: {  	s8 =	sor.u32 @!p1 $0x1C07, s4;
	s9 =	sshrl.u32 @!p1 s0, $0x3;
	s0 =	rddreg [dreg:$0x17]  }
0x42: {  	[spmem:s9], [sflag:s8] =	dma.local @!p1 [hbm:s0], $0x2700  }
0x43: {  	s0 =	simm.s32 @!p1 $0x7  }
0x44: {  	_ =	swait.ge @!p1 [sflag:s0], $0x2700  }
0x45: {  	[sflag:s0] =	ssyncset.done @!p1 $0x0  }
0x46: {  	s23 =	simm.s32 $0x4;
	[sflag:s0] =	ssyncadd.s32 @!p1 $0xFFFFD900  }
0x47: {  	_ =	swait.ge [sflag:s23], $0x80  }
0x48: {  	[sflag:s23] =	ssyncset.done $0x0  }
0x49: {  	[sflag:s23] =	ssyncadd.s32 $0xFFFFFF80  }
0x4a: {  	_ =	swait.ge [sflag:s23], $0x80  }
0x4b: {  	[sflag:s23] =	ssyncset.done $0x0  }
0x4c: {  	s24 =	simm.s32 $0x200;
	s25 =	simm.s32 $0x5;
	[sflag:s23] =	ssyncadd.s32 $0xFFFFFF80  }
0x4d: {  	[tilespmem:s24], [sflag:$0x1] =	stream.indirect.gather [hbm4b:s1+s7], $0x80, s3, s7, $0xb8;
	[tilespmem:$0x1FE80] =	vst v63  }
0x4e: {  	_ =	swait.ge [sflag:s25], $0x80  }
0x4f: {  	[sflag:s25] =	ssyncset.done $0x0  }
0x50: {  	[sflag:s25] =	ssyncadd.s32 $0xFFFFFF80  }
0x51: {  	_ =	swait.ge [sflag:s25], $0x80  }
0x52: {  	[sflag:s25] =	ssyncset.done $0x0  }
0x53: {  	s26 =	simm.s32 $0x4400;
	s28 =	simm.s32 $0x6;
	[sflag:s25] =	ssyncadd.s32 $0xFFFFFF80  }
0x54: {  	[tilespmem:s26], [sflag:$0x2] =	stream.indirect.gather [hbm4b:s1+s7], $0x80, s10, s7, $0xb8;
	[tilespmem:$0x1FE80] =	vst v63  }
0x55: {  	_ =	swait.ge [sflag:s28], $0x80  }
0x56: {  	[sflag:s28] =	ssyncset.done $0x0  }
0x57: {  	[sflag:s28] =	ssyncadd.s32 $0xFFFFFF80  }
0x58: {  	_ =	swait.ge [sflag:s28], $0x80  }
0x59: {  	[sflag:s28] =	ssyncset.done $0x0  }
0x5a: {  	s4 =	simm.s32 $0x8600;
	[sflag:s28] =	ssyncadd.s32 $0xFFFFFF80  }
0x5b: {  	[tilespmem:s4], [sflag:$0x3] =	stream.indirect.gather [hbm4b:s1+s7], $0x80, s11, s7, $0xb8;
	[tilespmem:$0x1FE80] =	vst v63  }
0x5c: {  	s7 =	sadd.s32 $0x0, s5  }
0x5d: {  	p1 =	sgt.u32 s7, $0x9C3  }
0x5e: {  	[bflag:$0x0] =	sbarrier.arrive $0xFFFF;
	s0 =	simm.s32 @!p1 $0x1  }
0x5f: {  	s18 =	sadd.s32 $0xC0, s7;
	s11 =	simm.s32 @!p1 $0x80;
	_ =	swait.ge @!p1 [sflag:s0], $0x4000  }
0x60: {  	s12 =	simm.s32 @!p1 $0x200;
	p0 =	sgt.u32 s18, $0x9C3;
	[sflag:s0] =	ssyncset.done @!p1 $0x0  }
0x61: {  	s4 =	sadd.s32 @!p0 $0x0, s20;
	[sflag:s0] =	ssyncadd.s32 @!p1 $0xFFFFC000;
	s0 =	simm.s32 @!p1 $0x7  }
0x62: {  	[spmem:s2] =	stream.indirect.scatter.add.f32 @!p1 [tilespmem:s12], [sflag:$0x7], $0x80, s11, s11, $0xb8;
	[tilespmem:$0x1FE80] =	vst v63  }
0x63: {  	s4 =	sadd.s32 @!p0 $0xC00, s4;
	_ =	swait.ge @!p1 [sflag:s0], $0x4000  }
0x64: {  	s11 =	simm.s32 @!p0 $0x0;
	[sflag:s0] =	ssyncset.done @!p1 $0x0;
	s21 =	rddreg [dreg:$0x5]  }
0x65: {  	[sflag:s0] =	ssyncadd.s32 @!p1 $0xFFFFC000;
	s0 =	sadd.s32 @!p0 $0x0, s19;
	p3 =	sle.u32 s21, $0x0  }
0x66: {  	[tilespmem:s11], [sflag:$0x4] =	stream.linear.gather @!p0 [hbm4b:s4+s11], $0x80, $0x38;
	[tilespmem:$0x1FE80] =	vst v63  }
0x67: {  	s12 =	simm.s32 @!p0 $0x80;
	s0 =	sadd.s32 @!p0 $0xC00, s0;
	s4 =	simm.s32 @!p3 $0x4  }
0x68: {  	[tilespmem:s12], [sflag:$0x4] =	stream.linear.gather @!p0 [hbm4b:s0+s11], $0x80, $0x38;
	[tilespmem:$0x1FE80] =	vst v63  }
0x69: {  	_ =	swait.ge @!p3 [sflag:s4], $0x80  }
0x6a: {  	[sflag:s4] =	ssyncset.done @!p3 $0x0  }
0x6b: {  	[sflag:s4] =	ssyncadd.s32 @!p3 $0xFFFFFF80  }
0x6c: {  	p2 =	sgt.u32 s7, $0x9A3;
	_ =	swait.ge @!p3 [sflag:s4], $0x80  }
0x6d: {  	s13 =	simm.s32 @!p3 $0x80;
	s14 =	simm.s32 @!p3 $0x200;
	[sflag:s4] =	ssyncset.done @!p3 $0x0  }
0x6e: {  	s0 =	simm.s32 @!p2 $0x2;
	[sflag:s4] =	ssyncadd.s32 @!p3 $0xFFFFFF80;
	s4 =	simm.s32 @!p3 $0x100  }
0x6f: {  	[tilespmem:s14], [sflag:$0x1] =	stream.indirect.gather @!p3 [hbm4b:s1+s13], $0x80, s4, s13, $0xb8;
	[tilespmem:$0x1FE80] =	vst v63  }
0x70: {  	s22 =	sadd.s32 $0xE0, s7;
	s15 =	simm.s32 @!p2 $0x80;
	_ =	swait.ge @!p2 [sflag:s0], $0x4000  }
0x71: {  	s16 =	simm.s32 @!p2 $0x4280;
	s17 =	simm.s32 @!p2 $0x7;
	[sflag:s0] =	ssyncset.done @!p2 $0x0  }
0x72: {  	p1 =	sgt.u32 s22, $0x9C3;
	s4 =	simm.s32 @!p2 $0x4400;
	[sflag:s0] =	ssyncadd.s32 @!p2 $0xFFFFC000  }
0x73: {  	[spmem:s2] =	stream.indirect.scatter.add.f32 @!p2 [tilespmem:s4], [sflag:$0x7], $0x80, s16, s15, $0xb8;
	[tilespmem:$0x1FE80] =	vst v63  }
0x74: {  	s0 =	sadd.s32 @!p1 $0x0, s20;
	s4 =	sadd.s32 @!p1 $0x0, s19;
	_ =	swait.ge @!p2 [sflag:s17], $0x4000  }
0x75: {  	s0 =	sadd.s32 @!p1 $0xE00, s0;
	s15 =	simm.s32 @!p1 $0x4200;
	[sflag:s17] =	ssyncset.done @!p2 $0x0  }
0x76: {  	s23 =	rddreg [dreg:$0x6];
	[sflag:s17] =	ssyncadd.s32 @!p2 $0xFFFFC000;
	s17 =	simm.s32 @!p1 $0x0  }
0x77: {  	[tilespmem:s15], [sflag:$0x5] =	stream.linear.gather @!p1 [hbm4b:s0+s17], $0x80, $0x38;
	[tilespmem:$0x1FE80] =	vst v63  }
0x78: {  	p5 =	sle.u32 s23, $0x0;
	s0 =	sadd.s32 @!p1 $0xE00, s4;
	s4 =	simm.s32 @!p1 $0x4280  }
0x79: {  	[tilespmem:s4], [sflag:$0x5] =	stream.linear.gather @!p1 [hbm4b:s0+s17], $0x80, $0x38;
	[tilespmem:$0x1FE80] =	vst v63  }
0x7a: {  	s0 =	simm.s32 @!p5 $0x5  }
0x7b: {  	_ =	swait.ge @!p5 [sflag:s0], $0x80  }
0x7c: {  	[sflag:s0] =	ssyncset.done @!p5 $0x0  }
0x7d: {  	[sflag:s0] =	ssyncadd.s32 @!p5 $0xFFFFFF80  }
0x7e: {  	s29 =	simm.s32 @!p5 $0x4400;
	_ =	swait.ge @!p5 [sflag:s0], $0x80  }
0x7f: {  	s21 =	simm.s32 @!p5 $0x80;
	[sflag:s0] =	ssyncset.done @!p5 $0x0;
	s24 =	rddreg [dreg:$0x7]  }
0x80: {  	[sflag:s0] =	ssyncadd.s32 @!p5 $0xFFFFFF80;
	s0 =	simm.s32 @!p5 $0x4300;
	p4 =	sle.u32 s24, $0x0  }
0x81: {  	[tilespmem:s29], [sflag:$0x2] =	stream.indirect.gather @!p5 [hbm4b:s1+s21], $0x80, s0, s21, $0xb8;
	[tilespmem:$0x1FE80] =	vst v63  }
0x82: {  	s25 =	sadd.s32 $0x100, s7;
	s0 =	simm.s32 @!p4 $0x3  }
0x83: {  	p2 =	sgt.u32 s25, $0x9C3;
	_ =	swait.ge @!p4 [sflag:s0], $0x4000  }
0x84: {  	s16 =	simm.s32 @!p4 $0x7;
	s4 =	simm.s32 @!p4 $0x8480;
	[sflag:s0] =	ssyncset.done @!p4 $0x0  }
0x85: {  	s17 =	simm.s32 @!p4 $0x8600;
	[sflag:s0] =	ssyncadd.s32 @!p4 $0xFFFFC000;
	s0 =	simm.s32 @!p4 $0x80  }
0x86: {  	[spmem:s2] =	stream.indirect.scatter.add.f32 @!p4 [tilespmem:s17], [sflag:$0x7], $0x80, s4, s0, $0xb8;
	[tilespmem:$0x1FE80] =	vst v63  }
0x87: {  	s0 =	sadd.s32 @!p2 $0x0, s20;
	s17 =	simm.s32 @!p2 $0x8400;
	_ =	swait.ge @!p4 [sflag:s16], $0x4000  }
0x88: {  	s4 =	sadd.s32 @!p2 $0x0, s19;
	s0 =	sadd.s32 @!p2 $0x1000, s0;
	[sflag:s16] =	ssyncset.done @!p4 $0x0  }
0x89: {  	s18 =	rddreg [dreg:$0x8];
	[sflag:s16] =	ssyncadd.s32 @!p4 $0xFFFFC000;
	s16 =	simm.s32 @!p2 $0x0  }
0x8a: {  	[tilespmem:s17], [sflag:$0x6] =	stream.linear.gather @!p2 [hbm4b:s0+s16], $0x80, $0x38;
	[tilespmem:$0x1FE80] =	vst v63  }
0x8b: {  	p6 =	sle.u32 s18, $0x0;
	s0 =	sadd.s32 @!p2 $0x1000, s4;
	s4 =	simm.s32 @!p2 $0x8480  }
0x8c: {  	[tilespmem:s4], [sflag:$0x6] =	stream.linear.gather @!p2 [hbm4b:s0+s16], $0x80, $0x38;
	[tilespmem:$0x1FE80] =	vst v63  }
0x8d: {  	s0 =	simm.s32 @!p6 $0x6  }
0x8e: {  	_ =	swait.ge @!p6 [sflag:s0], $0x80  }
0x8f: {  	[sflag:s0] =	ssyncset.done @!p6 $0x0  }
0x90: {  	[sflag:s0] =	ssyncadd.s32 @!p6 $0xFFFFFF80  }
0x91: {  	_ =	swait.ge @!p6 [sflag:s0], $0x80  }
0x92: {  	s31 =	simm.s32 @!p6 $0x8600;
	s22 =	simm.s32 @!p6 $0x80;
	[sflag:s0] =	ssyncset.done @!p6 $0x0  }
0x93: {  	s4 =	simm.s32 @!p3 $0x1;
	s16 =	simm.s32 @!p6 $0x8500;
	[sflag:s0] =	ssyncadd.s32 @!p6 $0xFFFFFF80  }
0x94: {  	[tilespmem:s31], [sflag:$0x3] =	stream.indirect.gather @!p6 [hbm4b:s1+s22], $0x80, s16, s22, $0xb8;
	[tilespmem:$0x1FE80] =	vst v63  }
0x95: {  	s26 =	sadd.s32 $0x120, s7;
	_ =	swait.ge @!p3 [sflag:s4], $0x4000  }
0x96: {  	p4 =	sgt.u32 s26, $0x9C3;
	[sflag:s4] =	ssyncset.done @!p3 $0x0  }
0x97: {  	s0 =	simm.s32 @!p3 $0x180;
	s16 =	simm.s32 @!p3 $0x7;
	[sflag:s4] =	ssyncadd.s32 @!p3 $0xFFFFC000  }
0x98: {  	[spmem:s2] =	stream.indirect.scatter.add.f32 @!p3 [tilespmem:s14], [sflag:$0x7], $0x80, s0, s13, $0xb8;
	[tilespmem:$0x1FE80] =	vst v63  }
0x99: {  	s4 =	simm.s32 @!p4 $0x100;
	_ =	swait.ge @!p3 [sflag:s16], $0x4000  }
0x9a: {  	s0 =	sadd.s32 @!p4 $0x0, s20;
	s13 =	sadd.s32 @!p4 $0x0, s19;
	[sflag:s16] =	ssyncset.done @!p3 $0x0  }
0x9b: {  	s14 =	simm.s32 @!p4 $0x0;
	s0 =	sadd.s32 @!p4 $0x1200, s0;
	[sflag:s16] =	ssyncadd.s32 @!p3 $0xFFFFC000  }
0x9c: {  	[tilespmem:s4], [sflag:$0x4] =	stream.linear.gather @!p4 [hbm4b:s0+s14], $0x80, $0x38;
	[tilespmem:$0x1FE80] =	vst v63  }
0x9d: {  	s0 =	sadd.s32 @!p4 $0x1200, s13;
	s4 =	simm.s32 @!p4 $0x180  }
0x9e: {  	[tilespmem:s4], [sflag:$0x4] =	stream.linear.gather @!p4 [hbm4b:s0+s14], $0x80, $0x38;
	[tilespmem:$0x1FE80] =	vst v63  }
0x9f: {  	s0 =	simm.s32 @!p0 $0x4  }
0xa0: {  	_ =	swait.ge @!p0 [sflag:s0], $0x80  }
0xa1: {  	[sflag:s0] =	ssyncset.done @!p0 $0x0  }
0xa2: {  	[sflag:s0] =	ssyncadd.s32 @!p0 $0xFFFFFF80  }
0xa3: {  	s28 =	sadd.s32 $0x140, s7;
	s10 =	sadd.s32 $0x160, s7;
	_ =	swait.ge @!p0 [sflag:s0], $0x80  }
0xa4: {  	s23 =	simm.s32 @!p5 $0x4380;
	s18 =	simm.s32 @!p5 $0x2;
	[sflag:s0] =	ssyncset.done @!p0 $0x0  }
0xa5: {  	s16 =	simm.s32 $0xC0;
	s13 =	simm.s32 @!p0 $0x200;
	[sflag:s0] =	ssyncadd.s32 @!p0 $0xFFFFFF80  }
0xa6: {  	[tilespmem:s13], [sflag:$0x1] =	stream.indirect.gather @!p0 [hbm4b:s1+s12], $0x80, s11, s12, $0xb8;
	[tilespmem:$0x1FE80] =	vst v63  }
0xa7: {  	p0 =	sgt.u32 s28, $0x9C3;
	s12 =	simm.s32 $0xC00;
	s11 =	simm.s32 $0x0  }
0xa8: {  	s0 =	sadd.s32 @!p0 $0x0, s20;
	s4 =	sadd.s32 @!p0 $0x0, s19;
	p3 =	por p0, p0  }
0xa9: {  	_ =	swait.ge @!p5 [sflag:s18], $0x4000;
	s14 =	sadd.s32 @!p0 $0x1400, s0;
	s13 =	sadd.s32 @!p0 $0x1400, s4  }
0xaa: {  	s30 =	simm.s32 @!p3 $0x4300;
	s4 =	simm.s32 @!p5 $0x7;
	s0 =	simm.s32 @!p3 $0x0  }
.LBB2_2:
0xab: {  	[sflag:s18] =	ssyncset.done @!p5 $0x0  }
0xac: {  	[sflag:s18] =	ssyncadd.s32 @!p5 $0xFFFFC000  }
0xad: {  	[spmem:s2] =	stream.indirect.scatter.add.f32 @!p5 [tilespmem:s29], [sflag:$0x7], $0x80, s23, s21, $0xb8;
	[tilespmem:$0x1FE80] =	vst v63  }
0xae: {  	_ =	swait.ge @!p5 [sflag:s4], $0x4000  }
0xaf: {  	[sflag:s4] =	ssyncset.done @!p5 $0x0  }
0xb0: {  	s28 =	sadd.s32 s16, s5;
	[sflag:s4] =	ssyncadd.s32 @!p5 $0xFFFFC000  }
0xb1: {  	[tilespmem:s30], [sflag:$0x5] =	stream.linear.gather @!p3 [hbm4b:s14+s0], $0x80, $0x38;
	[tilespmem:$0x1FE80] =	vst v63  }
0xb2: {  	s25 =	smov.u32 s12;
	s12 =	sadd.s32 $0xC00, s12;
	s29 =	simm.s32 @!p3 $0x4380  }
0xb3: {  	[tilespmem:s29], [sflag:$0x5] =	stream.linear.gather @!p3 [hbm4b:s13+s0], $0x80, $0x38;
	[tilespmem:$0x1FE80] =	vst v63  }
0xb4: {  	s7 =	sadd.s32 $0x140, s28;
	p3 =	sne.s32 s12, $0xA800  }
0xb5: {  	p0 =	sgt.u32 s7, $0x9C3;
	s4 =	simm.s32 @!p1 $0x5;
	s7 =	simm.s32 @!p3 $0x0  }
0xb6: {  	_ =	swait.ge @!p1 [sflag:s4], $0x80;
	s7 =	simm.s32 @p3 $0x1;
	p3 =	por p0, p0  }
0xb7: {  	[smem:$0x7FC] =	sst s7;
	s7 =	simm.s32 @!p3 $0x0  }
0xb8: {  	[sflag:s4] =	ssyncset.done @!p1 $0x0;
	s7 =	simm.s32 @p3 $0x1  }
0xb9: {  	[sflag:s4] =	ssyncadd.s32 @!p1 $0xFFFFFF80;
	[smem:$0x7FB] =	sst s7  }
0xba: {  	s21 =	sadd.s32 @!p0 s25, s19;
	_ =	swait.ge @!p1 [sflag:s4], $0x80  }
0xbb: {  	s0 =	simm.s32 @!p1 $0x80;
	s13 =	sadd.s32 @!p0 $0x1400, s21;
	[sflag:s4] =	ssyncset.done @!p1 $0x0  }
0xbc: {  	s21 =	simm.s32 @!p1 $0x4400;
	s29 =	simm.s32 @!p6 $0x3;
	[sflag:s4] =	ssyncadd.s32 @!p1 $0xFFFFFF80  }
0xbd: {  	[tilespmem:s21], [sflag:$0x2] =	stream.indirect.gather @!p1 [hbm4b:s1+s0], $0x80, s15, s0, $0xb8;
	[tilespmem:$0x1FE80] =	vst v63  }
0xbe: {  	s14 =	sadd.s32 @!p0 s25, s20;
	_ =	swait.ge @!p6 [sflag:s29], $0x4000  }
0xbf: {  	s14 =	sadd.s32 @!p0 $0x1400, s14;
	p0 =	sgt.u32 s10, $0x9C3;
	[sflag:s29] =	ssyncset.done @!p6 $0x0  }
0xc0: {  	s4 =	simm.s32 @!p6 $0x8580;
	s0 =	simm.s32 @!p6 $0x7;
	[sflag:s29] =	ssyncadd.s32 @!p6 $0xFFFFC000  }
0xc1: {  	[spmem:s2] =	stream.indirect.scatter.add.f32 @!p6 [tilespmem:s31], [sflag:$0x7], $0x80, s4, s22, $0xb8;
	[tilespmem:$0x1FE80] =	vst v63  }
0xc2: {  	s15 =	sadd.s32 @!p0 s11, s20;
	_ =	swait.ge @!p6 [sflag:s0], $0x4000  }
0xc3: {  	s21 =	simm.s32 @!p0 $0x8500;
	s11 =	sadd.s32 @!p0 s11, s19;
	[sflag:s0] =	ssyncset.done @!p6 $0x0  }
0xc4: {  	s4 =	sadd.s32 @!p0 $0x1600, s15;
	[sflag:s0] =	ssyncadd.s32 @!p6 $0xFFFFC000;
	s0 =	simm.s32 @!p0 $0x0  }
0xc5: {  	[tilespmem:s21], [sflag:$0x6] =	stream.linear.gather @!p0 [hbm4b:s4+s0], $0x80, $0x38;
	[tilespmem:$0x1FE80] =	vst v63  }
0xc6: {  	s29 =	simm.s32 @!p2 $0x6;
	s15 =	sadd.s32 @!p0 $0x1600, s11;
	s22 =	simm.s32 @!p0 $0x8580  }
0xc7: {  	[tilespmem:s22], [sflag:$0x6] =	stream.linear.gather @!p0 [hbm4b:s15+s0], $0x80, $0x38;
	[tilespmem:$0x1FE80] =	vst v63  }
0xc8: {  	_ =	swait.ge @!p2 [sflag:s29], $0x80  }
0xc9: {  	[sflag:s29] =	ssyncset.done @!p2 $0x0  }
0xca: {  	s24 =	sadd.s32 $0xC0, s28;
	[sflag:s29] =	ssyncadd.s32 @!p2 $0xFFFFFF80  }
0xcb: {  	s30 =	sadd.s32 $0x160, s28;
	p1 =	sgt.u32 s28, $0x9C3;
	_ =	swait.ge @!p2 [sflag:s29], $0x80  }
0xcc: {  	s11 =	smov.u32 s25;
	s25 =	simm.s32 @!p1 $0x1;
	[sflag:s29] =	ssyncset.done @!p2 $0x0  }
0xcd: {  	s15 =	simm.s32 @!p2 $0x8600;
	s22 =	simm.s32 @!p2 $0x80;
	[sflag:s29] =	ssyncadd.s32 @!p2 $0xFFFFFF80  }
0xce: {  	[tilespmem:s15], [sflag:$0x3] =	stream.indirect.gather @!p2 [hbm4b:s1+s22], $0x80, s17, s22, $0xb8;
	[tilespmem:$0x1FE80] =	vst v63  }
0xcf: {  	s10 =	smov.u32 s30;
	s4 =	simm.s32 @!p1 $0x200;
	_ =	swait.ge @!p1 [sflag:s25], $0x4000  }
0xd0: {  	s0 =	simm.s32 @!p1 $0x80;
	p0 =	sgt.u32 s24, $0x9C3;
	[sflag:s25] =	ssyncset.done @!p1 $0x0  }
0xd1: {  	s21 =	sadd.s32 @!p0 s11, s20;
	s15 =	simm.s32 @!p1 $0x7;
	[sflag:s25] =	ssyncadd.s32 @!p1 $0xFFFFC000  }
0xd2: {  	[spmem:s2] =	stream.indirect.scatter.add.f32 @!p1 [tilespmem:s4], [sflag:$0x7], $0x80, s0, s0, $0xb8;
	[tilespmem:$0x1FE80] =	vst v63  }
0xd3: {  	s24 =	sadd.s32 @!p0 s11, s19;
	s21 =	sadd.s32 @!p0 $0xC00, s21;
	_ =	swait.ge @!p1 [sflag:s15], $0x4000  }
0xd4: {  	s30 =	sadd.s32 @!p0 $0xC00, s24;
	[sflag:s15] =	ssyncset.done @!p1 $0x0;
	s4 =	rddreg [dreg:$0x5]  }
0xd5: {  	s24 =	simm.s32 @!p0 $0x0;
	[sflag:s15] =	ssyncadd.s32 @!p1 $0xFFFFC000;
	p3 =	sge.u32 s16, s4  }
0xd6: {  	[tilespmem:s24], [sflag:$0x4] =	stream.linear.gather @!p0 [hbm4b:s21+s24], $0x80, $0x38;
	[tilespmem:$0x1FE80] =	vst v63  }
0xd7: {  	s25 =	simm.s32 @!p0 $0x80;
	s0 =	simm.s32 @!p3 $0x4  }
0xd8: {  	[tilespmem:s25], [sflag:$0x4] =	stream.linear.gather @!p0 [hbm4b:s30+s24], $0x80, $0x38;
	[tilespmem:$0x1FE80] =	vst v63  }
0xd9: {  	_ =	swait.ge @!p3 [sflag:s0], $0x80  }
0xda: {  	[sflag:s0] =	ssyncset.done @!p3 $0x0  }
0xdb: {  	s26 =	sadd.s32 $0xE0, s28;
	s18 =	sadd.s32 $0x120, s28;
	[sflag:s0] =	ssyncadd.s32 @!p3 $0xFFFFFF80  }
0xdc: {  	s23 =	sadd.s32 $0x100, s28;
	p2 =	sgt.u32 s28, $0x9A3;
	_ =	swait.ge @!p3 [sflag:s0], $0x80  }
0xdd: {  	s4 =	simm.s32 @!p2 $0x2;
	s28 =	simm.s32 @!p3 $0x80;
	[sflag:s0] =	ssyncset.done @!p3 $0x0  }
0xde: {  	s30 =	simm.s32 @!p3 $0x200;
	[sflag:s0] =	ssyncadd.s32 @!p3 $0xFFFFFF80;
	s0 =	simm.s32 @!p3 $0x100  }
0xdf: {  	[tilespmem:s30], [sflag:$0x1] =	stream.indirect.gather @!p3 [hbm4b:s1+s28], $0x80, s0, s28, $0xb8;
	[tilespmem:$0x1FE80] =	vst v63  }
0xe0: {  	s17 =	simm.s32 @!p2 $0x80;
	_ =	swait.ge @!p2 [sflag:s4], $0x4000  }
0xe1: {  	s22 =	simm.s32 @!p2 $0x7;
	p1 =	sgt.u32 s26, $0x9C3;
	[sflag:s4] =	ssyncset.done @!p2 $0x0  }
0xe2: {  	s21 =	simm.s32 @!p2 $0x4280;
	s0 =	simm.s32 @!p2 $0x4400;
	[sflag:s4] =	ssyncadd.s32 @!p2 $0xFFFFC000  }
0xe3: {  	[spmem:s2] =	stream.indirect.scatter.add.f32 @!p2 [tilespmem:s0], [sflag:$0x7], $0x80, s21, s17, $0xb8;
	[tilespmem:$0x1FE80] =	vst v63  }
0xe4: {  	s15 =	sadd.s32 @!p1 s11, s20;
	s26 =	sadd.s32 @!p1 s11, s19;
	_ =	swait.ge @!p2 [sflag:s22], $0x4000  }
0xe5: {  	s4 =	sadd.s32 @!p1 $0xE00, s15;
	s15 =	simm.s32 @!p1 $0x4200;
	[sflag:s22] =	ssyncset.done @!p2 $0x0  }
0xe6: {  	s7 =	rddreg [dreg:$0x6];
	[sflag:s22] =	ssyncadd.s32 @!p2 $0xFFFFC000;
	s22 =	simm.s32 @!p1 $0x0  }
0xe7: {  	[tilespmem:s15], [sflag:$0x5] =	stream.linear.gather @!p1 [hbm4b:s4+s22], $0x80, $0x38;
	[tilespmem:$0x1FE80] =	vst v63  }
0xe8: {  	s0 =	sadd.s32 @!p1 $0xE00, s26;
	s17 =	simm.s32 @!p1 $0x4280;
	p5 =	sge.u32 s16, s7  }
0xe9: {  	[tilespmem:s17], [sflag:$0x5] =	stream.linear.gather @!p1 [hbm4b:s0+s22], $0x80, $0x38;
	[tilespmem:$0x1FE80] =	vst v63  }
0xea: {  	s0 =	simm.s32 @!p5 $0x5  }
0xeb: {  	_ =	swait.ge @!p5 [sflag:s0], $0x80  }
0xec: {  	[sflag:s0] =	ssyncset.done @!p5 $0x0  }
0xed: {  	[sflag:s0] =	ssyncadd.s32 @!p5 $0xFFFFFF80  }
0xee: {  	s29 =	simm.s32 @!p5 $0x4400;
	_ =	swait.ge @!p5 [sflag:s0], $0x80  }
0xef: {  	s21 =	simm.s32 @!p5 $0x80;
	[sflag:s0] =	ssyncset.done @!p5 $0x0;
	s26 =	rddreg [dreg:$0x7]  }
0xf0: {  	[sflag:s0] =	ssyncadd.s32 @!p5 $0xFFFFFF80;
	s0 =	simm.s32 @!p5 $0x4300;
	p6 =	sge.u32 s16, s26  }
0xf1: {  	[tilespmem:s29], [sflag:$0x2] =	stream.indirect.gather @!p5 [hbm4b:s1+s21], $0x80, s0, s21, $0xb8;
	[tilespmem:$0x1FE80] =	vst v63  }
0xf2: {  	s0 =	simm.s32 @!p6 $0x3  }
0xf3: {  	p2 =	sgt.u32 s23, $0x9C3;
	_ =	swait.ge @!p6 [sflag:s0], $0x4000  }
0xf4: {  	s4 =	simm.s32 @!p6 $0x7;
	s17 =	simm.s32 @!p6 $0x8480;
	[sflag:s0] =	ssyncset.done @!p6 $0x0  }
0xf5: {  	s22 =	simm.s32 @!p6 $0x8600;
	[sflag:s0] =	ssyncadd.s32 @!p6 $0xFFFFC000;
	s0 =	simm.s32 @!p6 $0x80  }
0xf6: {  	[spmem:s2] =	stream.indirect.scatter.add.f32 @!p6 [tilespmem:s22], [sflag:$0x7], $0x80, s17, s0, $0xb8;
	[tilespmem:$0x1FE80] =	vst v63  }
0xf7: {  	s23 =	sadd.s32 @!p2 s11, s20;
	s17 =	simm.s32 @!p2 $0x8400;
	_ =	swait.ge @!p6 [sflag:s4], $0x4000  }
0xf8: {  	s0 =	sadd.s32 @!p2 s11, s19;
	[sflag:s4] =	ssyncset.done @!p6 $0x0;
	s7 =	rddreg [dreg:$0x8]  }
0xf9: {  	[sflag:s4] =	ssyncadd.s32 @!p6 $0xFFFFC000;
	s4 =	sadd.s32 @!p2 $0x1000, s23;
	s23 =	simm.s32 @!p2 $0x0  }
0xfa: {  	[tilespmem:s17], [sflag:$0x6] =	stream.linear.gather @!p2 [hbm4b:s4+s23], $0x80, $0x38;
	[tilespmem:$0x1FE80] =	vst v63  }
0xfb: {  	s0 =	sadd.s32 @!p2 $0x1000, s0;
	p6 =	sge.u32 s16, s7;
	s4 =	simm.s32 @!p2 $0x8480  }
0xfc: {  	[tilespmem:s4], [sflag:$0x6] =	stream.linear.gather @!p2 [hbm4b:s0+s23], $0x80, $0x38;
	[tilespmem:$0x1FE80] =	vst v63  }
0xfd: {  	s0 =	simm.s32 @!p6 $0x6  }
0xfe: {  	_ =	swait.ge @!p6 [sflag:s0], $0x80  }
0xff: {  	[sflag:s0] =	ssyncset.done @!p6 $0x0  }
0x100: {  	[sflag:s0] =	ssyncadd.s32 @!p6 $0xFFFFFF80  }
0x101: {  	_ =	swait.ge @!p6 [sflag:s0], $0x80  }
0x102: {  	s26 =	simm.s32 @!p3 $0x1;
	s31 =	simm.s32 @!p6 $0x8600;
	[sflag:s0] =	ssyncset.done @!p6 $0x0  }
0x103: {  	s22 =	simm.s32 @!p6 $0x80;
	s7 =	simm.s32 @!p6 $0x8500;
	[sflag:s0] =	ssyncadd.s32 @!p6 $0xFFFFFF80  }
0x104: {  	[tilespmem:s31], [sflag:$0x3] =	stream.indirect.gather @!p6 [hbm4b:s1+s22], $0x80, s7, s22, $0xb8;
	[tilespmem:$0x1FE80] =	vst v63  }
0x105: {  	p4 =	sgt.u32 s18, $0x9C3;
	_ =	swait.ge @!p3 [sflag:s26], $0x4000  }
0x106: {  	s18 =	simm.s32 @!p4 $0x180;
	[sflag:s26] =	ssyncset.done @!p3 $0x0  }
0x107: {  	s4 =	simm.s32 @!p3 $0x180;
	s23 =	simm.s32 @!p3 $0x7;
	[sflag:s26] =	ssyncadd.s32 @!p3 $0xFFFFC000  }
0x108: {  	[spmem:s2] =	stream.indirect.scatter.add.f32 @!p3 [tilespmem:s30], [sflag:$0x7], $0x80, s4, s28, $0xb8;
	[tilespmem:$0x1FE80] =	vst v63  }
0x109: {  	s0 =	sadd.s32 @!p4 s11, s20;
	s7 =	simm.s32 @!p4 $0x100;
	_ =	swait.ge @!p3 [sflag:s23], $0x4000  }
0x10a: {  	s0 =	sadd.s32 @!p4 $0x1200, s0;
	[sflag:s23] =	ssyncset.done @!p3 $0x0;
	s26 =	sld [smem:$0x7FB]  }
0x10b: {  	s4 =	sadd.s32 @!p4 s11, s19;
	[sflag:s23] =	ssyncadd.s32 @!p3 $0xFFFFC000;
	s23 =	simm.s32 @!p4 $0x0  }
0x10c: {  	[tilespmem:s7], [sflag:$0x4] =	stream.linear.gather @!p4 [hbm4b:s0+s23], $0x80, $0x38;
	[tilespmem:$0x1FE80] =	vst v63  }
0x10d: {  	s4 =	sadd.s32 @!p4 $0x1200, s4;
	p3 =	seq.s32 s26, $0x1;
	s26 =	simm.s32 @!p0 $0x4  }
0x10e: {  	[tilespmem:s18], [sflag:$0x4] =	stream.linear.gather @!p4 [hbm4b:s4+s23], $0x80, $0x38;
	[tilespmem:$0x1FE80] =	vst v63  }
0x10f: {  	_ =	swait.ge @!p0 [sflag:s26], $0x80  }
0x110: {  	[sflag:s26] =	ssyncset.done @!p0 $0x0  }
0x111: {  	[sflag:s26] =	ssyncadd.s32 @!p0 $0xFFFFFF80  }
0x112: {  	_ =	swait.ge @!p0 [sflag:s26], $0x80  }
0x113: {  	[sflag:s26] =	ssyncset.done @!p0 $0x0  }
0x114: {  	s0 =	simm.s32 @!p0 $0x200;
	s18 =	simm.s32 @!p5 $0x2;
	[sflag:s26] =	ssyncadd.s32 @!p0 $0xFFFFFF80  }
0x115: {  	[tilespmem:s0], [sflag:$0x1] =	stream.indirect.gather @!p0 [hbm4b:s1+s25], $0x80, s24, s25, $0xb8;
	[tilespmem:$0x1FE80] =	vst v63  }
0x116: {  	_ =	swait.ge @!p5 [sflag:s18], $0x4000  }
0x117: {  	s28 =	sld [smem:$0x7FC];
	_ =	sdelay $0x2  }
0x118: {  	p0 =	seq.s32 s28, $0x1  }
.Ltmp0:
0x119: {  	_ = 	snop;
	(pc) =	sbr.rel @p0 .LBB2_2-.Ltmp0, $3  }
0x11a: {  	_ =	sdelay $0x1  }
0x11b: {  	s16 =	sadd.s32 $0xC0, s16;
	s23 =	simm.s32 @!p5 $0x4380  }
0x11c: {  	s30 =	simm.s32 @!p3 $0x4300;
	s4 =	simm.s32 @!p5 $0x7;
	s0 =	simm.s32 @!p3 $0x0  }
0x11d: {  	[sflag:s18] =	ssyncset.done @!p5 $0x0  }
0x11e: {  	[sflag:s18] =	ssyncadd.s32 @!p5 $0xFFFFC000  }
0x11f: {  	[spmem:s2] =	stream.indirect.scatter.add.f32 @!p5 [tilespmem:s29], [sflag:$0x7], $0x80, s23, s21, $0xb8;
	[tilespmem:$0x1FE80] =	vst v63  }
0x120: {  	_ =	swait.ge @!p5 [sflag:s4], $0x4000  }
0x121: {  	[sflag:s4] =	ssyncset.done @!p5 $0x0  }
0x122: {  	[sflag:s4] =	ssyncadd.s32 @!p5 $0xFFFFC000  }
0x123: {  	[tilespmem:s30], [sflag:$0x5] =	stream.linear.gather @!p3 [hbm4b:s14+s0], $0x80, $0x38;
	[tilespmem:$0x1FE80] =	vst v63  }
0x124: {  	s7 =	simm.s32 @!p1 $0x5;
	s4 =	simm.s32 @!p3 $0x4380  }
0x125: {  	[tilespmem:s4], [sflag:$0x5] =	stream.linear.gather @!p3 [hbm4b:s13+s0], $0x80, $0x38;
	[tilespmem:$0x1FE80] =	vst v63  }
0x126: {  	_ =	swait.ge @!p1 [sflag:s7], $0x80  }
0x127: {  	[sflag:s7] =	ssyncset.done @!p1 $0x0  }
0x128: {  	[sflag:s7] =	ssyncadd.s32 @!p1 $0xFFFFFF80  }
0x129: {  	_ =	swait.ge @!p1 [sflag:s7], $0x80  }
0x12a: {  	s12 =	simm.s32 @!p6 $0x3;
	[sflag:s7] =	ssyncset.done @!p1 $0x0  }
0x12b: {  	s0 =	simm.s32 @!p1 $0x80;
	s4 =	simm.s32 @!p1 $0x4400;
	[sflag:s7] =	ssyncadd.s32 @!p1 $0xFFFFFF80  }
0x12c: {  	[tilespmem:s4], [sflag:$0x2] =	stream.indirect.gather @!p1 [hbm4b:s1+s0], $0x80, s15, s0, $0xb8;
	[tilespmem:$0x1FE80] =	vst v63  }
0x12d: {  	_ =	swait.ge @!p6 [sflag:s12], $0x4000  }
0x12e: {  	p0 =	sgt.u32 s10, $0x9C3;
	[sflag:s12] =	ssyncset.done @!p6 $0x0  }
0x12f: {  	s0 =	simm.s32 @!p6 $0x8580;
	s4 =	simm.s32 @!p6 $0x7;
	[sflag:s12] =	ssyncadd.s32 @!p6 $0xFFFFC000  }
0x130: {  	[spmem:s2] =	stream.indirect.scatter.add.f32 @!p6 [tilespmem:s31], [sflag:$0x7], $0x80, s0, s22, $0xb8;
	[tilespmem:$0x1FE80] =	vst v63  }
0x131: {  	s10 =	sadd.s32 @!p0 s11, s19;
	_ =	swait.ge @!p6 [sflag:s4], $0x4000  }
0x132: {  	s7 =	simm.s32 @!p0 $0x8500;
	s0 =	sadd.s32 @!p0 s11, s20;
	[sflag:s4] =	ssyncset.done @!p6 $0x0  }
0x133: {  	s0 =	sadd.s32 @!p0 $0x1600, s0;
	[sflag:s4] =	ssyncadd.s32 @!p6 $0xFFFFC000;
	s4 =	simm.s32 @!p0 $0x0  }
0x134: {  	[tilespmem:s7], [sflag:$0x6] =	stream.linear.gather @!p0 [hbm4b:s0+s4], $0x80, $0x38;
	[tilespmem:$0x1FE80] =	vst v63  }
0x135: {  	s0 =	sadd.s32 @!p0 $0x1600, s10;
	s7 =	simm.s32 @!p0 $0x8580;
	s10 =	simm.s32 @!p2 $0x6  }
0x136: {  	[tilespmem:s7], [sflag:$0x6] =	stream.linear.gather @!p0 [hbm4b:s0+s4], $0x80, $0x38;
	[tilespmem:$0x1FE80] =	vst v63  }
0x137: {  	_ =	swait.ge @!p2 [sflag:s10], $0x80  }
0x138: {  	[sflag:s10] =	ssyncset.done @!p2 $0x0  }
0x139: {  	[sflag:s10] =	ssyncadd.s32 @!p2 $0xFFFFFF80  }
0x13a: {  	_ =	swait.ge @!p2 [sflag:s10], $0x80  }
0x13b: {  	[sflag:s10] =	ssyncset.done @!p2 $0x0  }
0x13c: {  	s0 =	simm.s32 @!p2 $0x8600;
	s4 =	simm.s32 @!p2 $0x80;
	[sflag:s10] =	ssyncadd.s32 @!p2 $0xFFFFFF80  }
0x13d: {  	[tilespmem:s0], [sflag:$0x3] =	stream.indirect.gather @!p2 [hbm4b:s1+s4], $0x80, s17, s4, $0xb8;
	[tilespmem:$0x1FE80] =	vst v63  }
0x13e: {  	[bflag:$0x0] =	sbarrier.arrive $0xFFFF  }
0x13f: {  	s30 =	sld [smem:$0x7FD];
	_ =	sdelay $0x2  }
0x140: {  	s4 =	rddreg [dreg:$0x19];
	p1 =	seq.s32 s30, $0x1  }
0x141: {  	s7 =	rddreg [dreg:$0x1c];
	s0 =	simm.s32 @p1 $0x1FC7  }
0x142: {  	[hbm:s4], [sflag:s0] =	dma.local @p1 [spmem:s7], $0x2800  }
0x143: {  	s0 =	simm.s32 @p1 $0x7  }
0x144: {  	_ =	swait.ge @p1 [sflag:s0], $0x2800  }
0x145: {  	[sflag:s0] =	ssyncset.done @p1 $0x0  }
0x146: {  	[sflag:s0] =	ssyncadd.s32 @p1 $0xFFFFD800;
	s0 =	rddreg [dreg:$0x13]  }
0x147: {  	[hbm:s0], [sflag:s8] =	dma.local @!p1 [spmem:s9], $0x2700  }
0x148: {  	s0 =	simm.s32 @!p1 $0x7  }
0x149: {  	_ =	swait.ge @!p1 [sflag:s0], $0x2700  }
0x14a: {  	s6 =	sadd.s32 $0x1, s6;
	s31 =	rddreg [dreg:$0x1a]  }
0x14b: {  	p0 =	sne.s32 s6, s31  }
.Ltmp1:
0x14c: {  	_ = 	snop;
	(pc) =	sbr.rel @p0 .LBB2_1-.Ltmp1, $3  }
0x14d: {  	_ =	sdelay $0x1  }
0x14e: {  	[sflag:s0] =	ssyncset.done @!p1 $0x0  }
0x14f: {  	[sflag:s0] =	ssyncadd.s32 @!p1 $0xFFFFD900  }
0x150: {  	_ =	sfence.sel $0x180000  }
0x151: {  	[bflag:$0x0] =	sbarrier.arrive $0xFFFF  }
0x152: {  	_ =	strace $0x90000047  }
0x153: {  	s0 =	stileid.u32;
	[bflag:$0x2] =	sbarrier.arrive $0xFFFF  }
0x154: {  	p0 =	sne.s32 s0, $0x0;
	s0 =	rddreg [dreg:$0x4]  }
0x155: {  	s0 =	sadd.s32 @!p0 $0x100000, s0  }
0x156: {  	[sflag:s0] =	ssyncadd.tile.s32 @!p0 $0x1;
	_ =	shalt  }
.Lfunc_end2:
_tile_overlayer_lowered:
.L_overlay_start_2:
0x157: {  	(tag) =	ssettag $0x2  }
0x158: {  	s0 =	rddreg [dreg:$0x0];
	s2 =	stileid.u32  }
0x159: {  	s1 =	rddreg [dreg:$0x1];
	p0 =	sne.s32 s2, $0x0  }
0x15a: {  	s3 =	rddreg [dreg:$0x2];
	[bflag:$0x3] =	sbarrier.arrive $0xFFFF;
	s2 =	simm.s32 @!p0 $0x1C07  }
0x15b: {  	[timem:s3], [sflag:s2] =	dma.local @!p0 [hbm:s0], s1  }
0x15c: {  	s0 =	simm.s32 @!p0 $0x7  }
0x15d: {  	_ =	swait.ge @!p0 [sflag:s0], s1  }
0x15e: {  	s1 =	ssub.s32 @!p0 $0x0, s1;
	[sflag:s0] =	ssyncset.done @!p0 $0x0  }
0x15f: {  	[sflag:s0] =	ssyncadd.s32 @!p0 s1  }
0x160: {  	[bflag:$0x3] =	sbarrier.arrive $0xFFFF  }
0x161: {  	_ =	shalt  }

</sc_bundles>
